<compile_context>
chip_gen: v7x
topology: tpu7x:2x2x1
jax: 0.10.2.dev20260603
libtpu: 0.0.44.dev20260713+nightly
codegen_flags: <defaults>
</compile_context>

<pallas_src>
import functools

import jax
import jax.numpy as jnp
from jax import lax
from jax.experimental import pallas as pl
from jax.experimental.pallas import tpu as pltpu
from jax.experimental.pallas import tpu_sc as plsc

_B, _N, _M = 4, 8192, 2048
_C1, _C2 = 64, 128
_COUT = 128
_TN = 512
_NB = _N // _TN
_TN2 = 1024
_NB2 = _N // _TN2

_HI = jax.lax.Precision.HIGHEST

_NW = 32
_PPW = _N // _NW
_CH = 128
_NCH = _PPW // _CH


def _nn3w(kc_ref, uc_ref, kf_ref, w0_ref, w_ref, i_ref, gt_ref):
    nb = pl.program_id(0)

    @pl.when(nb == 0)
    def _():
        kf = kf_ref[...].astype(jnp.bfloat16)
        w0a = w0_ref[:, :_C2].astype(jnp.bfloat16)
        gt_ref[...] = jax.lax.dot_general(
            kf, w0a, (((0,), (1,)), ((), ())),
            preferred_element_type=jnp.float32)

    kc = kc_ref[...]
    uc = uc_ref[...]
    inner = jnp.dot(kc.astype(jnp.bfloat16), uc.astype(jnp.bfloat16),
                    preferred_element_type=jnp.float32)
    k2 = kc[:, 0:1] * kc[:, 0:1] + kc[:, 1:2] * kc[:, 1:2] + kc[:, 2:3] * kc[:, 2:3]
    u2 = uc[0:1, :] * uc[0:1, :] + uc[1:2, :] * uc[1:2, :] + uc[2:3, :] * uc[2:3, :]
    d2 = jnp.maximum(u2 + k2 - 2.0 * inner, 0.0)

    iota = jax.lax.broadcasted_iota(jnp.int32, (_M, _TN), 0)

    kbits = jax.lax.bitcast_convert_type(d2, jnp.int32)
    ikey = (kbits & jnp.int32(~2047)) | iota
    maxk = jnp.int32(0x7FFFFFFF)
    k1 = jnp.min(ikey, axis=0, keepdims=True)
    ikey2 = jnp.where(ikey == k1, maxk, ikey)
    k2 = jnp.min(ikey2, axis=0, keepdims=True)
    ikey3 = jnp.where(ikey2 == k2, maxk, ikey2)
    k3 = jnp.min(ikey3, axis=0, keepdims=True)

    lowm = jnp.int32(2047)
    i1 = k1 & lowm
    i2 = k2 & lowm
    i3 = k3 & lowm
    m1 = jax.lax.bitcast_convert_type(k1 & ~lowm, jnp.float32)
    m2 = jax.lax.bitcast_convert_type(k2 & ~lowm, jnp.float32)
    m3 = jax.lax.bitcast_convert_type(k3 & ~lowm, jnp.float32)

    r1 = 1.0 / (m1 + 1e-8)
    r2 = 1.0 / (m2 + 1e-8)
    r3 = 1.0 / (m3 + 1e-8)
    norm = r1 + r2 + r3

    w_ref[0:1, :] = r1 / norm
    w_ref[1:2, :] = r2 / norm
    w_ref[2:3, :] = r3 / norm
    w_ref[3:8, :] = jnp.zeros((5, _TN), jnp.float32)
    i_ref[0:1, :] = i1
    i_ref[1:2, :] = i2
    i_ref[2:3, :] = i3
    i_ref[3:8, :] = jnp.zeros((5, _TN), jnp.int32)


def _interp_sc(gt_hbm, idx_hbm, wgt_hbm, y_hbm, idx_v, w_v0, w_v1, rows_v,
               y_v, sem0, sem1):
    wid = lax.axis_index("s") * 2 + lax.axis_index("c")
    sems = (sem0, sem1)
    wvs = (w_v0, w_v1)

    def fire(ch):
        par = ch % 2
        base = wid * _PPW + ch * _CH
        pltpu.sync_copy(wgt_hbm.at[pl.ds(base * 3, _CH * 3)],
                        wvs[par].at[pl.ds(0, _CH * 3)])
        for j in range(3):
            pltpu.sync_copy(idx_hbm.at[pl.ds(j * _N + base, _CH)],
                            idx_v.at[par, pl.ds(j * _CH, _CH)])
            pltpu.async_copy(
                gt_hbm.at[idx_v.at[par, pl.ds(j * _CH, _CH)]],
                rows_v.at[par, pl.ds(j * _CH, _CH)], sems[par])

    def drain(ch):
        par = ch % 2
        for j in range(3):
            pltpu.make_async_copy(
                gt_hbm.at[idx_v.at[par, pl.ds(j * _CH, _CH)]],
                rows_v.at[par, pl.ds(j * _CH, _CH)], sems[par]).wait()

    fire(0)
    for ch in range(_NCH):
        par = ch % 2
        if ch + 1 < _NCH:
            fire(ch + 1)
        drain(ch)
        base = wid * _PPW + ch * _CH

        def body(p, _):
            wv = wvs[par][pl.ds(3 * p, 16)]
            w0 = wv[0]
            w1 = wv[1]
            w2 = wv[2]
            for c in range(_COUT // 16):
                sl = pl.ds(c * 16, 16)
                y_v[p, sl] = (rows_v[par, p, sl] * w0
                              + rows_v[par, _CH + p, sl] * w1
                              + rows_v[par, 2 * _CH + p, sl] * w2)
            return _

        lax.fori_loop(0, _CH, body, 0)
        pltpu.sync_copy(y_v, y_hbm.at[pl.ds(base, _CH)])


def _mlp_from_y(y_ref, uf_ref, w0_ref, x_ref, sums_ref):
    b = pl.program_id(0)
    nb = pl.program_id(1)

    @pl.when(jnp.logical_and(b == 0, nb == 0))
    def _():
        sums_ref[...] = jnp.zeros_like(sums_ref)

    x = jnp.swapaxes(y_ref[0], 0, 1)
    x = x + jnp.dot(w0_ref[:, _C2:].astype(jnp.bfloat16),
                    uf_ref[0].astype(jnp.bfloat16),
                    preferred_element_type=jnp.float32)
    x_ref[0] = x
    sums_ref[:, 0:1] += jnp.sum(x, axis=1, keepdims=True)
    sums_ref[:, 1:2] += jnp.sum(x * x, axis=1, keepdims=True)


def _fp_norm(x_ref, sums_ref, gm_ref, bt_ref, o_ref):
    cnt = jnp.float32(_B * _N)
    mean = sums_ref[:, 0:1] / cnt
    var = sums_ref[:, 1:2] / cnt - mean * mean
    inv = jax.lax.rsqrt(var + 1e-5)
    scale = gm_ref[...] * inv
    shift = bt_ref[...] - mean * scale
    o_ref[0] = jnp.maximum(x_ref[0] * scale + shift, 0.0)


def kernel(unknown, known, unknow_feats, known_feats, W0, gamma0, beta0):
    uc = jnp.concatenate(
        [jnp.swapaxes(unknown, 1, 2),
         jnp.zeros((_B, 5, _N), jnp.float32)], axis=1)
    kc = jnp.concatenate(
        [known, jnp.zeros((_B, _M, 5), jnp.float32)], axis=2)

    nn3w = pl.pallas_call(
        _nn3w,
        grid=(_NB,),
        in_specs=[
            pl.BlockSpec((_M, 8), lambda n: (0, 0)),
            pl.BlockSpec((8, _TN), lambda n: (0, n)),
            pl.BlockSpec((_C2, _M), lambda n: (0, 0)),
            pl.BlockSpec((_COUT, _C1 + _C2), lambda n: (0, 0)),
        ],
        out_specs=[
            pl.BlockSpec((8, _TN), lambda n: (0, n)),
            pl.BlockSpec((8, _TN), lambda n: (0, n)),
            pl.BlockSpec((_M, _COUT), lambda n: (0, 0)),
        ],
        out_shape=[
            jax.ShapeDtypeStruct((8, _N), jnp.float32),
            jax.ShapeDtypeStruct((8, _N), jnp.int32),
            jax.ShapeDtypeStruct((_M, _COUT), jnp.float32),
        ],
        compiler_params=pltpu.CompilerParams(
            dimension_semantics=("arbitrary",)),
    )

    sc_interp = functools.partial(
        pl.kernel,
        out_type=jax.ShapeDtypeStruct((_N, _COUT), jnp.float32),
        mesh=plsc.VectorSubcoreMesh(core_axis_name="c", subcore_axis_name="s"),
        scratch_types=[
            pltpu.VMEM((2, _CH * 3), jnp.int32),
            pltpu.VMEM((_CH * 3 + 16,), jnp.float32),
            pltpu.VMEM((_CH * 3 + 16,), jnp.float32),
            pltpu.VMEM((2, _CH * 3, _COUT), jnp.float32),
            pltpu.VMEM((_CH, _COUT), jnp.float32),
            pltpu.SemaphoreType.DMA,
            pltpu.SemaphoreType.DMA,
        ],
    )(_interp_sc)

    ys = []
    for b in range(_B):
        wgt, idx, gt = nn3w(kc[b], uc[b], known_feats[b], W0)
        idx_flat = idx[:3, :].reshape(3 * _N)
        wgt_flat = jnp.swapaxes(wgt[:3, :], 0, 1).reshape(_N * 3)
        ys.append(sc_interp(gt, idx_flat, wgt_flat))

    y = jnp.stack(ys, axis=0)

    x_pre, sums = pl.pallas_call(
        _mlp_from_y,
        grid=(_B, _NB),
        in_specs=[
            pl.BlockSpec((1, _TN, _COUT), lambda b, n: (b, n, 0)),
            pl.BlockSpec((1, _C1, _TN), lambda b, n: (b, 0, n)),
            pl.BlockSpec((_COUT, _C1 + _C2), lambda b, n: (0, 0)),
        ],
        out_specs=[
            pl.BlockSpec((1, _COUT, _TN), lambda b, n: (b, 0, n)),
            pl.BlockSpec((_COUT, 8), lambda b, n: (0, 0)),
        ],
        out_shape=[
            jax.ShapeDtypeStruct((_B, _COUT, _N), jnp.float32),
            jax.ShapeDtypeStruct((_COUT, 8), jnp.float32),
        ],
        compiler_params=pltpu.CompilerParams(
            dimension_semantics=("arbitrary", "arbitrary")),
    )(y, unknow_feats, W0)

    out = pl.pallas_call(
        _fp_norm,
        grid=(_B, _NB2),
        in_specs=[
            pl.BlockSpec((1, _COUT, _TN2), lambda b, n: (b, 0, n)),
            pl.BlockSpec((_COUT, 8), lambda b, n: (0, 0)),
            pl.BlockSpec((_COUT, 1), lambda b, n: (0, 0)),
            pl.BlockSpec((_COUT, 1), lambda b, n: (0, 0)),
        ],
        out_specs=pl.BlockSpec((1, _COUT, _TN2), lambda b, n: (b, 0, n)),
        out_shape=jax.ShapeDtypeStruct((_B, _COUT, _N), jnp.float32),
        compiler_params=pltpu.CompilerParams(
            dimension_semantics=("arbitrary", "arbitrary")),
    )(x_pre, sums, gamma0.reshape(_COUT, 1), beta0.reshape(_COUT, 1))

    return out

# --- scband reference (transcript-rebuilt; emitter-appended) ---
"""Pipeline reference for scband-pointnet-fpmodule-17841294147729 (READ-ONLY COPY).

The authoritative reference and input builder live on the scoring server;
editing this copy changes nothing except your own understanding.
"""

import jax, jax.numpy as jnp
import numpy as np

B, N, M = 4, 8192, 2048
C1, C2 = 64, 128
C_IN, C_OUT = C2 + C1, 128


def setup_inputs(seed: int = 0) -> dict:
    key = jax.random.key(seed)
    k1, k2, k3, k4, k5 = jax.random.split(key, 5)
    unknown = jax.random.uniform(k1, (B, N, 3), dtype=jnp.float32)
    known = jax.random.uniform(k2, (B, M, 3), dtype=jnp.float32)
    unknow_feats = jax.random.normal(k3, (B, C1, N), dtype=jnp.float32)
    known_feats = jax.random.normal(k4, (B, C2, M), dtype=jnp.float32)
    # Conv2d 1x1 weight, kaiming_normal_ (fan_in mode): std = sqrt(2 / fan_in)
    W0 = jax.random.normal(k5, (C_OUT, C_IN), dtype=jnp.float32) * np.sqrt(2.0 / C_IN)
    gamma0 = jnp.ones((C_OUT,), dtype=jnp.float32)
    beta0 = jnp.zeros((C_OUT,), dtype=jnp.float32)
    return {
        'unknown': unknown,
        'known': known,
        'unknow_feats': unknow_feats,
        'known_feats': known_feats,
        'W0': W0,
        'gamma0': gamma0,
        'beta0': beta0,
    }


def _three_nn(unknown, known):
    # squared euclidean distances, [B, n, m], computed without materializing the diff tensor
    u2 = jnp.sum(unknown * unknown, axis=-1)  # [B, n]
    k2 = jnp.sum(known * known, axis=-1)      # [B, m]
    d2 = u2[:, :, None] + k2[:, None, :] - 2.0 * jnp.einsum('bnd,bmd->bnm', unknown, known)
    d2 = jnp.maximum(d2, 0.0)
    neg_vals, idx = jax.lax.top_k(-d2, 3)
    dist = -neg_vals  # [B, n, 3]
    return dist, idx


def reference(unknown, known, unknow_feats, known_feats, W0, gamma0, beta0):
    dist, idx = _three_nn(unknown, known)
    dist_recip = 1.0 / (dist + 1e-08)
    norm = jnp.sum(dist_recip, axis=2, keepdims=True)
    weight = dist_recip / norm  # [B, n, 3]
    # three_interpolate: gather known_feats [B, C2, m] at idx [B, n, 3]
    gathered = jnp.take_along_axis(known_feats[:, :, None, :], idx[:, None, :, :], axis=3)  # [B, C2, n, 3]
    interpolated_feats = jnp.sum(gathered * weight[:, None, :, :], axis=3)  # [B, C2, n]
    new_features = jnp.concatenate([interpolated_feats, unknow_feats], axis=1)  # [B, C_IN, n]
    # SharedMLP layer0: Conv2d 1x1 (no bias, bn=True) -> BatchNorm2d (training-mode batch stats) -> ReLU
    x = jnp.einsum('oc,bcn->bon', W0, new_features)  # [B, C_OUT, n]
    mean = jnp.mean(x, axis=(0, 2), keepdims=True)
    var = jnp.var(x, axis=(0, 2), keepdims=True)
    x = (x - mean) / jnp.sqrt(var + 1e-5)
    x = x * gamma0[None, :, None] + beta0[None, :, None]
    x = jnp.maximum(x, 0.0)
    return x

if __name__ == "__main__":
    import jax
    _d = setup_inputs()
    print(jax.jit(kernel)(*tuple(_d.values())))

</pallas_src>

<mosaic_0001>
#map = affine_map<(d0, d1) -> (0, 0)>
#map1 = affine_map<(d0, d1) -> (0)>
module attributes {stable_mosaic.version = 14 : i64} {
  func.func @_interp_sc(%arg0: i32, %arg1: i32, %arg2: memref<2048x128xf32, #tpu.memory_space<hbm>>, %arg3: memref<24576xi32, #tpu.memory_space<hbm>>, %arg4: memref<24576xf32, #tpu.memory_space<hbm>>, %arg5: memref<8192x128xf32, #tpu.memory_space<hbm>>, %arg6: memref<2x384xi32, #tpu.memory_space<vmem>>, %arg7: memref<400xf32, #tpu.memory_space<vmem>>, %arg8: memref<400xf32, #tpu.memory_space<vmem>>, %arg9: memref<2x384x128xf32, #tpu.memory_space<vmem>>, %arg10: memref<128x128xf32, #tpu.memory_space<vmem>>, %arg11: memref<!tpu.dma_semaphore, #tpu.memory_space<semaphore_mem>>, %arg12: memref<!tpu.dma_semaphore, #tpu.memory_space<semaphore_mem>>) attributes {dimension_semantics = [#tpu.dimension_semantics<core_parallel>, #tpu.dimension_semantics<subcore_parallel>], iteration_bounds = array<i64: 2, 16>, scalar_prefetch = 0 : i64, scratch_operands = 7 : i64, tpu.core_type = #tpu.core_type<sc_vector_subcore>, window_params = [{transform_indices = #map}, {transform_indices = #map1}, {transform_indices = #map1}, {transform_indices = #map}]} {
    %mul3A = arith.constant 2 : i32
    %mul3A_0 = arith.muli %arg1, %mul3A : i32
    %add3A = arith.addi %mul3A_0, %arg0 : i32
    %mul3A_1 = arith.constant 256 : i32
    %mul3A_2 = arith.muli %add3A, %mul3A_1 : i32
    %add3A_3 = arith.constant 0 : i32
    %add3A_4 = arith.addi %mul3A_2, %add3A_3 : i32
    %mul3A_5 = arith.constant 3 : i32
    %mul3A_6 = arith.muli %add3A_4, %mul3A_5 : i32
    "tpu.region"() ({
      %run_scoped3A_191 = tpu.sem_alloc : memref<!tpu.dma_semaphore, #tpu.memory_space<semaphore_mem>>
      %dma_start3A_192 = arith.constant 0 : i32
      %dma_start3A_193 = tpu.memref_slice %arg7[%dma_start3A_192] : memref<400xf32, #tpu.memory_space<vmem>> -> memref<384xf32, #tpu.memory_space<vmem>>
      %dma_start3A_194 = tpu.memref_slice %arg4[%mul3A_6] : memref<24576xf32, #tpu.memory_space<hbm>> -> memref<384xf32, #tpu.memory_space<hbm>>
      %dma_start3A_195 = arith.constant 0 : i32
      %dma_start3A_196 = tpu.memref_slice %arg7[%dma_start3A_195] : memref<400xf32, #tpu.memory_space<vmem>> -> memref<384xf32, #tpu.memory_space<vmem>>
      %dma_start3A_197 = tpu.memref_slice %arg4[%mul3A_6] : memref<24576xf32, #tpu.memory_space<hbm>> -> memref<384xf32, #tpu.memory_space<hbm>>
      tpu.enqueue_dma source(%dma_start3A_197 : memref<384xf32, #tpu.memory_space<hbm>>) target(%dma_start3A_196 : memref<384xf32, #tpu.memory_space<vmem>>) target_semaphore(%run_scoped3A_191 : memref<!tpu.dma_semaphore, #tpu.memory_space<semaphore_mem>>)
      %dma_wait3A_198 = arith.constant 0 : i32
      %dma_wait3A_199 = tpu.memref_slice %arg7[%dma_wait3A_198] : memref<400xf32, #tpu.memory_space<vmem>> -> memref<384xf32, #tpu.memory_space<vmem>>
      %dma_wait3A_200 = tpu.memref_slice %arg4[%mul3A_6] : memref<24576xf32, #tpu.memory_space<hbm>> -> memref<384xf32, #tpu.memory_space<hbm>>
      %dma_wait3A_201 = arith.constant 0 : i32
      %dma_wait3A_202 = tpu.memref_slice %arg7[%dma_wait3A_201] : memref<400xf32, #tpu.memory_space<vmem>> -> memref<384xf32, #tpu.memory_space<vmem>>
      %dma_wait3A_203 = tpu.memref_slice %arg4[%mul3A_6] : memref<24576xf32, #tpu.memory_space<hbm>> -> memref<384xf32, #tpu.memory_space<hbm>>
      tpu.wait_dma2 semaphore(%run_scoped3A_191 : memref<!tpu.dma_semaphore, #tpu.memory_space<semaphore_mem>>) src(%dma_wait3A_203 : memref<384xf32, #tpu.memory_space<hbm>>) dst(%dma_wait3A_202 : memref<384xf32, #tpu.memory_space<vmem>>)
      tpu.yield
    }) : () -> ()
    %add3A_7 = arith.constant 0 : i32
    %add3A_8 = arith.addi %add3A_7, %add3A_4 : i32
    %run_scoped3A = arith.constant 0 : i32
    "tpu.region"() ({
      %run_scoped3A_191 = tpu.sem_alloc : memref<!tpu.dma_semaphore, #tpu.memory_space<semaphore_mem>>
      %dma_start3A_192 = arith.constant 0 : i32
      %dma_start3A_193 = tpu.memref_slice %arg6[%run_scoped3A, %dma_start3A_192] : memref<2x384xi32, #tpu.memory_space<vmem>> -> memref<1x128xi32, #tpu.memory_space<vmem>>
      %dma_start3A_194 = tpu.memref_squeeze %dma_start3A_193 : memref<1x128xi32, #tpu.memory_space<vmem>> -> memref<128xi32, #tpu.memory_space<vmem>>
      %dma_start3A_195 = tpu.memref_slice %arg3[%add3A_8] : memref<24576xi32, #tpu.memory_space<hbm>> -> memref<128xi32, #tpu.memory_space<hbm>>
      %dma_start3A_196 = arith.constant 0 : i32
      %dma_start3A_197 = tpu.memref_slice %arg6[%run_scoped3A, %dma_start3A_196] : memref<2x384xi32, #tpu.memory_space<vmem>> -> memref<1x128xi32, #tpu.memory_space<vmem>>
      %dma_start3A_198 = tpu.memref_squeeze %dma_start3A_197 : memref<1x128xi32, #tpu.memory_space<vmem>> -> memref<128xi32, #tpu.memory_space<vmem>>
      %dma_start3A_199 = tpu.memref_slice %arg3[%add3A_8] : memref<24576xi32, #tpu.memory_space<hbm>> -> memref<128xi32, #tpu.memory_space<hbm>>
      tpu.enqueue_dma source(%dma_start3A_199 : memref<128xi32, #tpu.memory_space<hbm>>) target(%dma_start3A_198 : memref<128xi32, #tpu.memory_space<vmem>>) target_semaphore(%run_scoped3A_191 : memref<!tpu.dma_semaphore, #tpu.memory_space<semaphore_mem>>)
      %dma_wait3A_200 = arith.constant 0 : i32
      %dma_wait3A_201 = tpu.memref_slice %arg6[%run_scoped3A, %dma_wait3A_200] : memref<2x384xi32, #tpu.memory_space<vmem>> -> memref<1x128xi32, #tpu.memory_space<vmem>>
      %dma_wait3A_202 = tpu.memref_squeeze %dma_wait3A_201 : memref<1x128xi32, #tpu.memory_space<vmem>> -> memref<128xi32, #tpu.memory_space<vmem>>
      %dma_wait3A_203 = tpu.memref_slice %arg3[%add3A_8] : memref<24576xi32, #tpu.memory_space<hbm>> -> memref<128xi32, #tpu.memory_space<hbm>>
      %dma_wait3A_204 = arith.constant 0 : i32
      %dma_wait3A_205 = tpu.memref_slice %arg6[%run_scoped3A, %dma_wait3A_204] : memref<2x384xi32, #tpu.memory_space<vmem>> -> memref<1x128xi32, #tpu.memory_space<vmem>>
      %dma_wait3A_206 = tpu.memref_squeeze %dma_wait3A_205 : memref<1x128xi32, #tpu.memory_space<vmem>> -> memref<128xi32, #tpu.memory_space<vmem>>
      %dma_wait3A_207 = tpu.memref_slice %arg3[%add3A_8] : memref<24576xi32, #tpu.memory_space<hbm>> -> memref<128xi32, #tpu.memory_space<hbm>>
      tpu.wait_dma2 semaphore(%run_scoped3A_191 : memref<!tpu.dma_semaphore, #tpu.memory_space<semaphore_mem>>) src(%dma_wait3A_207 : memref<128xi32, #tpu.memory_space<hbm>>) dst(%dma_wait3A_206 : memref<128xi32, #tpu.memory_space<vmem>>)
      tpu.yield
    }) : () -> ()
    %dma_start3A = arith.constant 0 : i32
    %dma_start3A_9 = arith.constant 0 : i32
    %dma_start3A_10 = arith.constant 0 : i32
    %dma_start3A_11 = arith.constant 0 : i32
    %dma_start3A_12 = tpu.memref_slice %arg9[%dma_start3A_9, %dma_start3A_10, %dma_start3A_11] : memref<2x384x128xf32, #tpu.memory_space<vmem>> -> memref<1x128x128xf32, #tpu.memory_space<vmem>>
    %dma_start3A_13 = tpu.memref_squeeze %dma_start3A_12 : memref<1x128x128xf32, #tpu.memory_space<vmem>> -> memref<128x128xf32, #tpu.memory_space<vmem>>
    %dma_start3A_14 = arith.constant 0 : i32
    %dma_start3A_15 = tpu.memref_slice %arg6[%dma_start3A, %dma_start3A_14] : memref<2x384xi32, #tpu.memory_space<vmem>> -> memref<1x128xi32, #tpu.memory_space<vmem>>
    %dma_start3A_16 = tpu.memref_squeeze %dma_start3A_15 : memref<1x128xi32, #tpu.memory_space<vmem>> -> memref<128xi32, #tpu.memory_space<vmem>>
    %dma_start3A_17 = arith.constant 0 : i32
    %dma_start3A_18 = arith.constant 0 : i32
    %dma_start3A_19 = tpu.memref_slice %arg2[%dma_start3A_17, %dma_start3A_18] : memref<2048x128xf32, #tpu.memory_space<hbm>> -> memref<2048x128xf32, #tpu.memory_space<hbm>>
    tpu.enqueue_indirect_dma source(%dma_start3A_19 : memref<2048x128xf32, #tpu.memory_space<hbm>>) target(%dma_start3A_13 : memref<128x128xf32, #tpu.memory_space<vmem>>) offsets(%dma_start3A_16 : memref<128xi32, #tpu.memory_space<vmem>>) semaphore(%arg11 : memref<!tpu.dma_semaphore, #tpu.memory_space<semaphore_mem>>)
    %add3A_20 = arith.constant 8192 : i32
    %add3A_21 = arith.addi %add3A_20, %add3A_4 : i32
    %run_scoped3A_22 = arith.constant 0 : i32
    "tpu.region"() ({
      %run_scoped3A_191 = tpu.sem_alloc : memref<!tpu.dma_semaphore, #tpu.memory_space<semaphore_mem>>
      %dma_start3A_192 = arith.constant 128 : i32
      %dma_start3A_193 = tpu.memref_slice %arg6[%run_scoped3A_22, %dma_start3A_192] : memref<2x384xi32, #tpu.memory_space<vmem>> -> memref<1x128xi32, #tpu.memory_space<vmem>>
      %dma_start3A_194 = tpu.memref_squeeze %dma_start3A_193 : memref<1x128xi32, #tpu.memory_space<vmem>> -> memref<128xi32, #tpu.memory_space<vmem>>
      %dma_start3A_195 = tpu.memref_slice %arg3[%add3A_21] : memref<24576xi32, #tpu.memory_space<hbm>> -> memref<128xi32, #tpu.memory_space<hbm>>
      %dma_start3A_196 = arith.constant 128 : i32
      %dma_start3A_197 = tpu.memref_slice %arg6[%run_scoped3A_22, %dma_start3A_196] : memref<2x384xi32, #tpu.memory_space<vmem>> -> memref<1x128xi32, #tpu.memory_space<vmem>>
      %dma_start3A_198 = tpu.memref_squeeze %dma_start3A_197 : memref<1x128xi32, #tpu.memory_space<vmem>> -> memref<128xi32, #tpu.memory_space<vmem>>
      %dma_start3A_199 = tpu.memref_slice %arg3[%add3A_21] : memref<24576xi32, #tpu.memory_space<hbm>> -> memref<128xi32, #tpu.memory_space<hbm>>
      tpu.enqueue_dma source(%dma_start3A_199 : memref<128xi32, #tpu.memory_space<hbm>>) target(%dma_start3A_198 : memref<128xi32, #tpu.memory_space<vmem>>) target_semaphore(%run_scoped3A_191 : memref<!tpu.dma_semaphore, #tpu.memory_space<semaphore_mem>>)
      %dma_wait3A_200 = arith.constant 128 : i32
      %dma_wait3A_201 = tpu.memref_slice %arg6[%run_scoped3A_22, %dma_wait3A_200] : memref<2x384xi32, #tpu.memory_space<vmem>> -> memref<1x128xi32, #tpu.memory_space<vmem>>
      %dma_wait3A_202 = tpu.memref_squeeze %dma_wait3A_201 : memref<1x128xi32, #tpu.memory_space<vmem>> -> memref<128xi32, #tpu.memory_space<vmem>>
      %dma_wait3A_203 = tpu.memref_slice %arg3[%add3A_21] : memref<24576xi32, #tpu.memory_space<hbm>> -> memref<128xi32, #tpu.memory_space<hbm>>
      %dma_wait3A_204 = arith.constant 128 : i32
      %dma_wait3A_205 = tpu.memref_slice %arg6[%run_scoped3A_22, %dma_wait3A_204] : memref<2x384xi32, #tpu.memory_space<vmem>> -> memref<1x128xi32, #tpu.memory_space<vmem>>
      %dma_wait3A_206 = tpu.memref_squeeze %dma_wait3A_205 : memref<1x128xi32, #tpu.memory_space<vmem>> -> memref<128xi32, #tpu.memory_space<vmem>>
      %dma_wait3A_207 = tpu.memref_slice %arg3[%add3A_21] : memref<24576xi32, #tpu.memory_space<hbm>> -> memref<128xi32, #tpu.memory_space<hbm>>
      tpu.wait_dma2 semaphore(%run_scoped3A_191 : memref<!tpu.dma_semaphore, #tpu.memory_space<semaphore_mem>>) src(%dma_wait3A_207 : memref<128xi32, #tpu.memory_space<hbm>>) dst(%dma_wait3A_206 : memref<128xi32, #tpu.memory_space<vmem>>)
      tpu.yield
    }) : () -> ()
    %dma_start3A_23 = arith.constant 0 : i32
    %dma_start3A_24 = arith.constant 0 : i32
    %dma_start3A_25 = arith.constant 128 : i32
    %dma_start3A_26 = arith.constant 0 : i32
    %dma_start3A_27 = tpu.memref_slice %arg9[%dma_start3A_24, %dma_start3A_25, %dma_start3A_26] : memref<2x384x128xf32, #tpu.memory_space<vmem>> -> memref<1x128x128xf32, #tpu.memory_space<vmem>>
    %dma_start3A_28 = tpu.memref_squeeze %dma_start3A_27 : memref<1x128x128xf32, #tpu.memory_space<vmem>> -> memref<128x128xf32, #tpu.memory_space<vmem>>
    %dma_start3A_29 = arith.constant 128 : i32
    %dma_start3A_30 = tpu.memref_slice %arg6[%dma_start3A_23, %dma_start3A_29] : memref<2x384xi32, #tpu.memory_space<vmem>> -> memref<1x128xi32, #tpu.memory_space<vmem>>
    %dma_start3A_31 = tpu.memref_squeeze %dma_start3A_30 : memref<1x128xi32, #tpu.memory_space<vmem>> -> memref<128xi32, #tpu.memory_space<vmem>>
    %dma_start3A_32 = arith.constant 0 : i32
    %dma_start3A_33 = arith.constant 0 : i32
    %dma_start3A_34 = tpu.memref_slice %arg2[%dma_start3A_32, %dma_start3A_33] : memref<2048x128xf32, #tpu.memory_space<hbm>> -> memref<2048x128xf32, #tpu.memory_space<hbm>>
    tpu.enqueue_indirect_dma source(%dma_start3A_34 : memref<2048x128xf32, #tpu.memory_space<hbm>>) target(%dma_start3A_28 : memref<128x128xf32, #tpu.memory_space<vmem>>) offsets(%dma_start3A_31 : memref<128xi32, #tpu.memory_space<vmem>>) semaphore(%arg11 : memref<!tpu.dma_semaphore, #tpu.memory_space<semaphore_mem>>)
    %add3A_35 = arith.constant 16384 : i32
    %add3A_36 = arith.addi %add3A_35, %add3A_4 : i32
    %run_scoped3A_37 = arith.constant 0 : i32
    "tpu.region"() ({
      %run_scoped3A_191 = tpu.sem_alloc : memref<!tpu.dma_semaphore, #tpu.memory_space<semaphore_mem>>
      %dma_start3A_192 = arith.constant 256 : i32
      %dma_start3A_193 = tpu.memref_slice %arg6[%run_scoped3A_37, %dma_start3A_192] : memref<2x384xi32, #tpu.memory_space<vmem>> -> memref<1x128xi32, #tpu.memory_space<vmem>>
      %dma_start3A_194 = tpu.memref_squeeze %dma_start3A_193 : memref<1x128xi32, #tpu.memory_space<vmem>> -> memref<128xi32, #tpu.memory_space<vmem>>
      %dma_start3A_195 = tpu.memref_slice %arg3[%add3A_36] : memref<24576xi32, #tpu.memory_space<hbm>> -> memref<128xi32, #tpu.memory_space<hbm>>
      %dma_start3A_196 = arith.constant 256 : i32
      %dma_start3A_197 = tpu.memref_slice %arg6[%run_scoped3A_37, %dma_start3A_196] : memref<2x384xi32, #tpu.memory_space<vmem>> -> memref<1x128xi32, #tpu.memory_space<vmem>>
      %dma_start3A_198 = tpu.memref_squeeze %dma_start3A_197 : memref<1x128xi32, #tpu.memory_space<vmem>> -> memref<128xi32, #tpu.memory_space<vmem>>
      %dma_start3A_199 = tpu.memref_slice %arg3[%add3A_36] : memref<24576xi32, #tpu.memory_space<hbm>> -> memref<128xi32, #tpu.memory_space<hbm>>
      tpu.enqueue_dma source(%dma_start3A_199 : memref<128xi32, #tpu.memory_space<hbm>>) target(%dma_start3A_198 : memref<128xi32, #tpu.memory_space<vmem>>) target_semaphore(%run_scoped3A_191 : memref<!tpu.dma_semaphore, #tpu.memory_space<semaphore_mem>>)
      %dma_wait3A_200 = arith.constant 256 : i32
      %dma_wait3A_201 = tpu.memref_slice %arg6[%run_scoped3A_37, %dma_wait3A_200] : memref<2x384xi32, #tpu.memory_space<vmem>> -> memref<1x128xi32, #tpu.memory_space<vmem>>
      %dma_wait3A_202 = tpu.memref_squeeze %dma_wait3A_201 : memref<1x128xi32, #tpu.memory_space<vmem>> -> memref<128xi32, #tpu.memory_space<vmem>>
      %dma_wait3A_203 = tpu.memref_slice %arg3[%add3A_36] : memref<24576xi32, #tpu.memory_space<hbm>> -> memref<128xi32, #tpu.memory_space<hbm>>
      %dma_wait3A_204 = arith.constant 256 : i32
      %dma_wait3A_205 = tpu.memref_slice %arg6[%run_scoped3A_37, %dma_wait3A_204] : memref<2x384xi32, #tpu.memory_space<vmem>> -> memref<1x128xi32, #tpu.memory_space<vmem>>
      %dma_wait3A_206 = tpu.memref_squeeze %dma_wait3A_205 : memref<1x128xi32, #tpu.memory_space<vmem>> -> memref<128xi32, #tpu.memory_space<vmem>>
      %dma_wait3A_207 = tpu.memref_slice %arg3[%add3A_36] : memref<24576xi32, #tpu.memory_space<hbm>> -> memref<128xi32, #tpu.memory_space<hbm>>
      tpu.wait_dma2 semaphore(%run_scoped3A_191 : memref<!tpu.dma_semaphore, #tpu.memory_space<semaphore_mem>>) src(%dma_wait3A_207 : memref<128xi32, #tpu.memory_space<hbm>>) dst(%dma_wait3A_206 : memref<128xi32, #tpu.memory_space<vmem>>)
      tpu.yield
    }) : () -> ()
    %dma_start3A_38 = arith.constant 0 : i32
    %dma_start3A_39 = arith.constant 0 : i32
    %dma_start3A_40 = arith.constant 256 : i32
    %dma_start3A_41 = arith.constant 0 : i32
    %dma_start3A_42 = tpu.memref_slice %arg9[%dma_start3A_39, %dma_start3A_40, %dma_start3A_41] : memref<2x384x128xf32, #tpu.memory_space<vmem>> -> memref<1x128x128xf32, #tpu.memory_space<vmem>>
    %dma_start3A_43 = tpu.memref_squeeze %dma_start3A_42 : memref<1x128x128xf32, #tpu.memory_space<vmem>> -> memref<128x128xf32, #tpu.memory_space<vmem>>
    %dma_start3A_44 = arith.constant 256 : i32
    %dma_start3A_45 = tpu.memref_slice %arg6[%dma_start3A_38, %dma_start3A_44] : memref<2x384xi32, #tpu.memory_space<vmem>> -> memref<1x128xi32, #tpu.memory_space<vmem>>
    %dma_start3A_46 = tpu.memref_squeeze %dma_start3A_45 : memref<1x128xi32, #tpu.memory_space<vmem>> -> memref<128xi32, #tpu.memory_space<vmem>>
    %dma_start3A_47 = arith.constant 0 : i32
    %dma_start3A_48 = arith.constant 0 : i32
    %dma_start3A_49 = tpu.memref_slice %arg2[%dma_start3A_47, %dma_start3A_48] : memref<2048x128xf32, #tpu.memory_space<hbm>> -> memref<2048x128xf32, #tpu.memory_space<hbm>>
    tpu.enqueue_indirect_dma source(%dma_start3A_49 : memref<2048x128xf32, #tpu.memory_space<hbm>>) target(%dma_start3A_43 : memref<128x128xf32, #tpu.memory_space<vmem>>) offsets(%dma_start3A_46 : memref<128xi32, #tpu.memory_space<vmem>>) semaphore(%arg11 : memref<!tpu.dma_semaphore, #tpu.memory_space<semaphore_mem>>)
    %mul3A_50 = arith.constant 256 : i32
    %mul3A_51 = arith.muli %add3A, %mul3A_50 : i32
    %add3A_52 = arith.constant 128 : i32
    %add3A_53 = arith.addi %mul3A_51, %add3A_52 : i32
    %mul3A_54 = arith.constant 3 : i32
    %mul3A_55 = arith.muli %add3A_53, %mul3A_54 : i32
    "tpu.region"() ({
      %run_scoped3A_191 = tpu.sem_alloc : memref<!tpu.dma_semaphore, #tpu.memory_space<semaphore_mem>>
      %dma_start3A_192 = arith.constant 0 : i32
      %dma_start3A_193 = tpu.memref_slice %arg8[%dma_start3A_192] : memref<400xf32, #tpu.memory_space<vmem>> -> memref<384xf32, #tpu.memory_space<vmem>>
      %dma_start3A_194 = tpu.memref_slice %arg4[%mul3A_55] : memref<24576xf32, #tpu.memory_space<hbm>> -> memref<384xf32, #tpu.memory_space<hbm>>
      %dma_start3A_195 = arith.constant 0 : i32
      %dma_start3A_196 = tpu.memref_slice %arg8[%dma_start3A_195] : memref<400xf32, #tpu.memory_space<vmem>> -> memref<384xf32, #tpu.memory_space<vmem>>
      %dma_start3A_197 = tpu.memref_slice %arg4[%mul3A_55] : memref<24576xf32, #tpu.memory_space<hbm>> -> memref<384xf32, #tpu.memory_space<hbm>>
      tpu.enqueue_dma source(%dma_start3A_197 : memref<384xf32, #tpu.memory_space<hbm>>) target(%dma_start3A_196 : memref<384xf32, #tpu.memory_space<vmem>>) target_semaphore(%run_scoped3A_191 : memref<!tpu.dma_semaphore, #tpu.memory_space<semaphore_mem>>)
      %dma_wait3A_198 = arith.constant 0 : i32
      %dma_wait3A_199 = tpu.memref_slice %arg8[%dma_wait3A_198] : memref<400xf32, #tpu.memory_space<vmem>> -> memref<384xf32, #tpu.memory_space<vmem>>
      %dma_wait3A_200 = tpu.memref_slice %arg4[%mul3A_55] : memref<24576xf32, #tpu.memory_space<hbm>> -> memref<384xf32, #tpu.memory_space<hbm>>
      %dma_wait3A_201 = arith.constant 0 : i32
      %dma_wait3A_202 = tpu.memref_slice %arg8[%dma_wait3A_201] : memref<400xf32, #tpu.memory_space<vmem>> -> memref<384xf32, #tpu.memory_space<vmem>>
      %dma_wait3A_203 = tpu.memref_slice %arg4[%mul3A_55] : memref<24576xf32, #tpu.memory_space<hbm>> -> memref<384xf32, #tpu.memory_space<hbm>>
      tpu.wait_dma2 semaphore(%run_scoped3A_191 : memref<!tpu.dma_semaphore, #tpu.memory_space<semaphore_mem>>) src(%dma_wait3A_203 : memref<384xf32, #tpu.memory_space<hbm>>) dst(%dma_wait3A_202 : memref<384xf32, #tpu.memory_space<vmem>>)
      tpu.yield
    }) : () -> ()
    %add3A_56 = arith.constant 0 : i32
    %add3A_57 = arith.addi %add3A_56, %add3A_53 : i32
    %run_scoped3A_58 = arith.constant 1 : i32
    "tpu.region"() ({
      %run_scoped3A_191 = tpu.sem_alloc : memref<!tpu.dma_semaphore, #tpu.memory_space<semaphore_mem>>
      %dma_start3A_192 = arith.constant 0 : i32
      %dma_start3A_193 = tpu.memref_slice %arg6[%run_scoped3A_58, %dma_start3A_192] : memref<2x384xi32, #tpu.memory_space<vmem>> -> memref<1x128xi32, #tpu.memory_space<vmem>>
      %dma_start3A_194 = tpu.memref_squeeze %dma_start3A_193 : memref<1x128xi32, #tpu.memory_space<vmem>> -> memref<128xi32, #tpu.memory_space<vmem>>
      %dma_start3A_195 = tpu.memref_slice %arg3[%add3A_57] : memref<24576xi32, #tpu.memory_space<hbm>> -> memref<128xi32, #tpu.memory_space<hbm>>
      %dma_start3A_196 = arith.constant 0 : i32
      %dma_start3A_197 = tpu.memref_slice %arg6[%run_scoped3A_58, %dma_start3A_196] : memref<2x384xi32, #tpu.memory_space<vmem>> -> memref<1x128xi32, #tpu.memory_space<vmem>>
      %dma_start3A_198 = tpu.memref_squeeze %dma_start3A_197 : memref<1x128xi32, #tpu.memory_space<vmem>> -> memref<128xi32, #tpu.memory_space<vmem>>
      %dma_start3A_199 = tpu.memref_slice %arg3[%add3A_57] : memref<24576xi32, #tpu.memory_space<hbm>> -> memref<128xi32, #tpu.memory_space<hbm>>
      tpu.enqueue_dma source(%dma_start3A_199 : memref<128xi32, #tpu.memory_space<hbm>>) target(%dma_start3A_198 : memref<128xi32, #tpu.memory_space<vmem>>) target_semaphore(%run_scoped3A_191 : memref<!tpu.dma_semaphore, #tpu.memory_space<semaphore_mem>>)
      %dma_wait3A_200 = arith.constant 0 : i32
      %dma_wait3A_201 = tpu.memref_slice %arg6[%run_scoped3A_58, %dma_wait3A_200] : memref<2x384xi32, #tpu.memory_space<vmem>> -> memref<1x128xi32, #tpu.memory_space<vmem>>
      %dma_wait3A_202 = tpu.memref_squeeze %dma_wait3A_201 : memref<1x128xi32, #tpu.memory_space<vmem>> -> memref<128xi32, #tpu.memory_space<vmem>>
      %dma_wait3A_203 = tpu.memref_slice %arg3[%add3A_57] : memref<24576xi32, #tpu.memory_space<hbm>> -> memref<128xi32, #tpu.memory_space<hbm>>
      %dma_wait3A_204 = arith.constant 0 : i32
      %dma_wait3A_205 = tpu.memref_slice %arg6[%run_scoped3A_58, %dma_wait3A_204] : memref<2x384xi32, #tpu.memory_space<vmem>> -> memref<1x128xi32, #tpu.memory_space<vmem>>
      %dma_wait3A_206 = tpu.memref_squeeze %dma_wait3A_205 : memref<1x128xi32, #tpu.memory_space<vmem>> -> memref<128xi32, #tpu.memory_space<vmem>>
      %dma_wait3A_207 = tpu.memref_slice %arg3[%add3A_57] : memref<24576xi32, #tpu.memory_space<hbm>> -> memref<128xi32, #tpu.memory_space<hbm>>
      tpu.wait_dma2 semaphore(%run_scoped3A_191 : memref<!tpu.dma_semaphore, #tpu.memory_space<semaphore_mem>>) src(%dma_wait3A_207 : memref<128xi32, #tpu.memory_space<hbm>>) dst(%dma_wait3A_206 : memref<128xi32, #tpu.memory_space<vmem>>)
      tpu.yield
    }) : () -> ()
    %dma_start3A_59 = arith.constant 1 : i32
    %dma_start3A_60 = arith.constant 1 : i32
    %dma_start3A_61 = arith.constant 0 : i32
    %dma_start3A_62 = arith.constant 0 : i32
    %dma_start3A_63 = tpu.memref_slice %arg9[%dma_start3A_60, %dma_start3A_61, %dma_start3A_62] : memref<2x384x128xf32, #tpu.memory_space<vmem>> -> memref<1x128x128xf32, #tpu.memory_space<vmem>>
    %dma_start3A_64 = tpu.memref_squeeze %dma_start3A_63 : memref<1x128x128xf32, #tpu.memory_space<vmem>> -> memref<128x128xf32, #tpu.memory_space<vmem>>
    %dma_start3A_65 = arith.constant 0 : i32
    %dma_start3A_66 = tpu.memref_slice %arg6[%dma_start3A_59, %dma_start3A_65] : memref<2x384xi32, #tpu.memory_space<vmem>> -> memref<1x128xi32, #tpu.memory_space<vmem>>
    %dma_start3A_67 = tpu.memref_squeeze %dma_start3A_66 : memref<1x128xi32, #tpu.memory_space<vmem>> -> memref<128xi32, #tpu.memory_space<vmem>>
    %dma_start3A_68 = arith.constant 0 : i32
    %dma_start3A_69 = arith.constant 0 : i32
    %dma_start3A_70 = tpu.memref_slice %arg2[%dma_start3A_68, %dma_start3A_69] : memref<2048x128xf32, #tpu.memory_space<hbm>> -> memref<2048x128xf32, #tpu.memory_space<hbm>>
    tpu.enqueue_indirect_dma source(%dma_start3A_70 : memref<2048x128xf32, #tpu.memory_space<hbm>>) target(%dma_start3A_64 : memref<128x128xf32, #tpu.memory_space<vmem>>) offsets(%dma_start3A_67 : memref<128xi32, #tpu.memory_space<vmem>>) semaphore(%arg12 : memref<!tpu.dma_semaphore, #tpu.memory_space<semaphore_mem>>)
    %add3A_71 = arith.constant 8192 : i32
    %add3A_72 = arith.addi %add3A_71, %add3A_53 : i32
    %run_scoped3A_73 = arith.constant 1 : i32
    "tpu.region"() ({
      %run_scoped3A_191 = tpu.sem_alloc : memref<!tpu.dma_semaphore, #tpu.memory_space<semaphore_mem>>
      %dma_start3A_192 = arith.constant 128 : i32
      %dma_start3A_193 = tpu.memref_slice %arg6[%run_scoped3A_73, %dma_start3A_192] : memref<2x384xi32, #tpu.memory_space<vmem>> -> memref<1x128xi32, #tpu.memory_space<vmem>>
      %dma_start3A_194 = tpu.memref_squeeze %dma_start3A_193 : memref<1x128xi32, #tpu.memory_space<vmem>> -> memref<128xi32, #tpu.memory_space<vmem>>
      %dma_start3A_195 = tpu.memref_slice %arg3[%add3A_72] : memref<24576xi32, #tpu.memory_space<hbm>> -> memref<128xi32, #tpu.memory_space<hbm>>
      %dma_start3A_196 = arith.constant 128 : i32
      %dma_start3A_197 = tpu.memref_slice %arg6[%run_scoped3A_73, %dma_start3A_196] : memref<2x384xi32, #tpu.memory_space<vmem>> -> memref<1x128xi32, #tpu.memory_space<vmem>>
      %dma_start3A_198 = tpu.memref_squeeze %dma_start3A_197 : memref<1x128xi32, #tpu.memory_space<vmem>> -> memref<128xi32, #tpu.memory_space<vmem>>
      %dma_start3A_199 = tpu.memref_slice %arg3[%add3A_72] : memref<24576xi32, #tpu.memory_space<hbm>> -> memref<128xi32, #tpu.memory_space<hbm>>
      tpu.enqueue_dma source(%dma_start3A_199 : memref<128xi32, #tpu.memory_space<hbm>>) target(%dma_start3A_198 : memref<128xi32, #tpu.memory_space<vmem>>) target_semaphore(%run_scoped3A_191 : memref<!tpu.dma_semaphore, #tpu.memory_space<semaphore_mem>>)
      %dma_wait3A_200 = arith.constant 128 : i32
      %dma_wait3A_201 = tpu.memref_slice %arg6[%run_scoped3A_73, %dma_wait3A_200] : memref<2x384xi32, #tpu.memory_space<vmem>> -> memref<1x128xi32, #tpu.memory_space<vmem>>
      %dma_wait3A_202 = tpu.memref_squeeze %dma_wait3A_201 : memref<1x128xi32, #tpu.memory_space<vmem>> -> memref<128xi32, #tpu.memory_space<vmem>>
      %dma_wait3A_203 = tpu.memref_slice %arg3[%add3A_72] : memref<24576xi32, #tpu.memory_space<hbm>> -> memref<128xi32, #tpu.memory_space<hbm>>
      %dma_wait3A_204 = arith.constant 128 : i32
      %dma_wait3A_205 = tpu.memref_slice %arg6[%run_scoped3A_73, %dma_wait3A_204] : memref<2x384xi32, #tpu.memory_space<vmem>> -> memref<1x128xi32, #tpu.memory_space<vmem>>
      %dma_wait3A_206 = tpu.memref_squeeze %dma_wait3A_205 : memref<1x128xi32, #tpu.memory_space<vmem>> -> memref<128xi32, #tpu.memory_space<vmem>>
      %dma_wait3A_207 = tpu.memref_slice %arg3[%add3A_72] : memref<24576xi32, #tpu.memory_space<hbm>> -> memref<128xi32, #tpu.memory_space<hbm>>
      tpu.wait_dma2 semaphore(%run_scoped3A_191 : memref<!tpu.dma_semaphore, #tpu.memory_space<semaphore_mem>>) src(%dma_wait3A_207 : memref<128xi32, #tpu.memory_space<hbm>>) dst(%dma_wait3A_206 : memref<128xi32, #tpu.memory_space<vmem>>)
      tpu.yield
    }) : () -> ()
    %dma_start3A_74 = arith.constant 1 : i32
    %dma_start3A_75 = arith.constant 1 : i32
    %dma_start3A_76 = arith.constant 128 : i32
    %dma_start3A_77 = arith.constant 0 : i32
    %dma_start3A_78 = tpu.memref_slice %arg9[%dma_start3A_75, %dma_start3A_76, %dma_start3A_77] : memref<2x384x128xf32, #tpu.memory_space<vmem>> -> memref<1x128x128xf32, #tpu.memory_space<vmem>>
    %dma_start3A_79 = tpu.memref_squeeze %dma_start3A_78 : memref<1x128x128xf32, #tpu.memory_space<vmem>> -> memref<128x128xf32, #tpu.memory_space<vmem>>
    %dma_start3A_80 = arith.constant 128 : i32
    %dma_start3A_81 = tpu.memref_slice %arg6[%dma_start3A_74, %dma_start3A_80] : memref<2x384xi32, #tpu.memory_space<vmem>> -> memref<1x128xi32, #tpu.memory_space<vmem>>
    %dma_start3A_82 = tpu.memref_squeeze %dma_start3A_81 : memref<1x128xi32, #tpu.memory_space<vmem>> -> memref<128xi32, #tpu.memory_space<vmem>>
    %dma_start3A_83 = arith.constant 0 : i32
    %dma_start3A_84 = arith.constant 0 : i32
    %dma_start3A_85 = tpu.memref_slice %arg2[%dma_start3A_83, %dma_start3A_84] : memref<2048x128xf32, #tpu.memory_space<hbm>> -> memref<2048x128xf32, #tpu.memory_space<hbm>>
    tpu.enqueue_indirect_dma source(%dma_start3A_85 : memref<2048x128xf32, #tpu.memory_space<hbm>>) target(%dma_start3A_79 : memref<128x128xf32, #tpu.memory_space<vmem>>) offsets(%dma_start3A_82 : memref<128xi32, #tpu.memory_space<vmem>>) semaphore(%arg12 : memref<!tpu.dma_semaphore, #tpu.memory_space<semaphore_mem>>)
    %add3A_86 = arith.constant 16384 : i32
    %add3A_87 = arith.addi %add3A_86, %add3A_53 : i32
    %run_scoped3A_88 = arith.constant 1 : i32
    "tpu.region"() ({
      %run_scoped3A_191 = tpu.sem_alloc : memref<!tpu.dma_semaphore, #tpu.memory_space<semaphore_mem>>
      %dma_start3A_192 = arith.constant 256 : i32
      %dma_start3A_193 = tpu.memref_slice %arg6[%run_scoped3A_88, %dma_start3A_192] : memref<2x384xi32, #tpu.memory_space<vmem>> -> memref<1x128xi32, #tpu.memory_space<vmem>>
      %dma_start3A_194 = tpu.memref_squeeze %dma_start3A_193 : memref<1x128xi32, #tpu.memory_space<vmem>> -> memref<128xi32, #tpu.memory_space<vmem>>
      %dma_start3A_195 = tpu.memref_slice %arg3[%add3A_87] : memref<24576xi32, #tpu.memory_space<hbm>> -> memref<128xi32, #tpu.memory_space<hbm>>
      %dma_start3A_196 = arith.constant 256 : i32
      %dma_start3A_197 = tpu.memref_slice %arg6[%run_scoped3A_88, %dma_start3A_196] : memref<2x384xi32, #tpu.memory_space<vmem>> -> memref<1x128xi32, #tpu.memory_space<vmem>>
      %dma_start3A_198 = tpu.memref_squeeze %dma_start3A_197 : memref<1x128xi32, #tpu.memory_space<vmem>> -> memref<128xi32, #tpu.memory_space<vmem>>
      %dma_start3A_199 = tpu.memref_slice %arg3[%add3A_87] : memref<24576xi32, #tpu.memory_space<hbm>> -> memref<128xi32, #tpu.memory_space<hbm>>
      tpu.enqueue_dma source(%dma_start3A_199 : memref<128xi32, #tpu.memory_space<hbm>>) target(%dma_start3A_198 : memref<128xi32, #tpu.memory_space<vmem>>) target_semaphore(%run_scoped3A_191 : memref<!tpu.dma_semaphore, #tpu.memory_space<semaphore_mem>>)
      %dma_wait3A_200 = arith.constant 256 : i32
      %dma_wait3A_201 = tpu.memref_slice %arg6[%run_scoped3A_88, %dma_wait3A_200] : memref<2x384xi32, #tpu.memory_space<vmem>> -> memref<1x128xi32, #tpu.memory_space<vmem>>
      %dma_wait3A_202 = tpu.memref_squeeze %dma_wait3A_201 : memref<1x128xi32, #tpu.memory_space<vmem>> -> memref<128xi32, #tpu.memory_space<vmem>>
      %dma_wait3A_203 = tpu.memref_slice %arg3[%add3A_87] : memref<24576xi32, #tpu.memory_space<hbm>> -> memref<128xi32, #tpu.memory_space<hbm>>
      %dma_wait3A_204 = arith.constant 256 : i32
      %dma_wait3A_205 = tpu.memref_slice %arg6[%run_scoped3A_88, %dma_wait3A_204] : memref<2x384xi32, #tpu.memory_space<vmem>> -> memref<1x128xi32, #tpu.memory_space<vmem>>
      %dma_wait3A_206 = tpu.memref_squeeze %dma_wait3A_205 : memref<1x128xi32, #tpu.memory_space<vmem>> -> memref<128xi32, #tpu.memory_space<vmem>>
      %dma_wait3A_207 = tpu.memref_slice %arg3[%add3A_87] : memref<24576xi32, #tpu.memory_space<hbm>> -> memref<128xi32, #tpu.memory_space<hbm>>
      tpu.wait_dma2 semaphore(%run_scoped3A_191 : memref<!tpu.dma_semaphore, #tpu.memory_space<semaphore_mem>>) src(%dma_wait3A_207 : memref<128xi32, #tpu.memory_space<hbm>>) dst(%dma_wait3A_206 : memref<128xi32, #tpu.memory_space<vmem>>)
      tpu.yield
    }) : () -> ()
    %dma_start3A_89 = arith.constant 1 : i32
    %dma_start3A_90 = arith.constant 1 : i32
    %dma_start3A_91 = arith.constant 256 : i32
    %dma_start3A_92 = arith.constant 0 : i32
    %dma_start3A_93 = tpu.memref_slice %arg9[%dma_start3A_90, %dma_start3A_91, %dma_start3A_92] : memref<2x384x128xf32, #tpu.memory_space<vmem>> -> memref<1x128x128xf32, #tpu.memory_space<vmem>>
    %dma_start3A_94 = tpu.memref_squeeze %dma_start3A_93 : memref<1x128x128xf32, #tpu.memory_space<vmem>> -> memref<128x128xf32, #tpu.memory_space<vmem>>
    %dma_start3A_95 = arith.constant 256 : i32
    %dma_start3A_96 = tpu.memref_slice %arg6[%dma_start3A_89, %dma_start3A_95] : memref<2x384xi32, #tpu.memory_space<vmem>> -> memref<1x128xi32, #tpu.memory_space<vmem>>
    %dma_start3A_97 = tpu.memref_squeeze %dma_start3A_96 : memref<1x128xi32, #tpu.memory_space<vmem>> -> memref<128xi32, #tpu.memory_space<vmem>>
    %dma_start3A_98 = arith.constant 0 : i32
    %dma_start3A_99 = arith.constant 0 : i32
    %dma_start3A_100 = tpu.memref_slice %arg2[%dma_start3A_98, %dma_start3A_99] : memref<2048x128xf32, #tpu.memory_space<hbm>> -> memref<2048x128xf32, #tpu.memory_space<hbm>>
    tpu.enqueue_indirect_dma source(%dma_start3A_100 : memref<2048x128xf32, #tpu.memory_space<hbm>>) target(%dma_start3A_94 : memref<128x128xf32, #tpu.memory_space<vmem>>) offsets(%dma_start3A_97 : memref<128xi32, #tpu.memory_space<vmem>>) semaphore(%arg12 : memref<!tpu.dma_semaphore, #tpu.memory_space<semaphore_mem>>)
    %dma_wait3A = arith.constant 0 : i32
    %dma_wait3A_101 = arith.constant 0 : i32
    %dma_wait3A_102 = arith.constant 0 : i32
    %dma_wait3A_103 = arith.constant 0 : i32
    %dma_wait3A_104 = tpu.memref_slice %arg9[%dma_wait3A_101, %dma_wait3A_102, %dma_wait3A_103] : memref<2x384x128xf32, #tpu.memory_space<vmem>> -> memref<1x128x128xf32, #tpu.memory_space<vmem>>
    %dma_wait3A_105 = tpu.memref_squeeze %dma_wait3A_104 : memref<1x128x128xf32, #tpu.memory_space<vmem>> -> memref<128x128xf32, #tpu.memory_space<vmem>>
    %dma_wait3A_106 = arith.constant 0 : i32
    %dma_wait3A_107 = tpu.memref_slice %arg6[%dma_wait3A, %dma_wait3A_106] : memref<2x384xi32, #tpu.memory_space<vmem>> -> memref<1x128xi32, #tpu.memory_space<vmem>>
    %dma_wait3A_108 = tpu.memref_squeeze %dma_wait3A_107 : memref<1x128xi32, #tpu.memory_space<vmem>> -> memref<128xi32, #tpu.memory_space<vmem>>
    %dma_wait3A_109 = arith.constant 0 : i32
    %dma_wait3A_110 = arith.constant 0 : i32
    %dma_wait3A_111 = tpu.memref_slice %arg2[%dma_wait3A_109, %dma_wait3A_110] : memref<2048x128xf32, #tpu.memory_space<hbm>> -> memref<2048x128xf32, #tpu.memory_space<hbm>>
    tpu.wait_indirect_dma semaphore(%arg11 : memref<!tpu.dma_semaphore, #tpu.memory_space<semaphore_mem>>) src(%dma_wait3A_111 : memref<2048x128xf32, #tpu.memory_space<hbm>>) dst(%dma_wait3A_105 : memref<128x128xf32, #tpu.memory_space<vmem>>)
    %dma_wait3A_112 = arith.constant 0 : i32
    %dma_wait3A_113 = arith.constant 0 : i32
    %dma_wait3A_114 = arith.constant 128 : i32
    %dma_wait3A_115 = arith.constant 0 : i32
    %dma_wait3A_116 = tpu.memref_slice %arg9[%dma_wait3A_113, %dma_wait3A_114, %dma_wait3A_115] : memref<2x384x128xf32, #tpu.memory_space<vmem>> -> memref<1x128x128xf32, #tpu.memory_space<vmem>>
    %dma_wait3A_117 = tpu.memref_squeeze %dma_wait3A_116 : memref<1x128x128xf32, #tpu.memory_space<vmem>> -> memref<128x128xf32, #tpu.memory_space<vmem>>
    %dma_wait3A_118 = arith.constant 128 : i32
    %dma_wait3A_119 = tpu.memref_slice %arg6[%dma_wait3A_112, %dma_wait3A_118] : memref<2x384xi32, #tpu.memory_space<vmem>> -> memref<1x128xi32, #tpu.memory_space<vmem>>
    %dma_wait3A_120 = tpu.memref_squeeze %dma_wait3A_119 : memref<1x128xi32, #tpu.memory_space<vmem>> -> memref<128xi32, #tpu.memory_space<vmem>>
    %dma_wait3A_121 = arith.constant 0 : i32
    %dma_wait3A_122 = arith.constant 0 : i32
    %dma_wait3A_123 = tpu.memref_slice %arg2[%dma_wait3A_121, %dma_wait3A_122] : memref<2048x128xf32, #tpu.memory_space<hbm>> -> memref<2048x128xf32, #tpu.memory_space<hbm>>
    tpu.wait_indirect_dma semaphore(%arg11 : memref<!tpu.dma_semaphore, #tpu.memory_space<semaphore_mem>>) src(%dma_wait3A_123 : memref<2048x128xf32, #tpu.memory_space<hbm>>) dst(%dma_wait3A_117 : memref<128x128xf32, #tpu.memory_space<vmem>>)
    %dma_wait3A_124 = arith.constant 0 : i32
    %dma_wait3A_125 = arith.constant 0 : i32
    %dma_wait3A_126 = arith.constant 256 : i32
    %dma_wait3A_127 = arith.constant 0 : i32
    %dma_wait3A_128 = tpu.memref_slice %arg9[%dma_wait3A_125, %dma_wait3A_126, %dma_wait3A_127] : memref<2x384x128xf32, #tpu.memory_space<vmem>> -> memref<1x128x128xf32, #tpu.memory_space<vmem>>
    %dma_wait3A_129 = tpu.memref_squeeze %dma_wait3A_128 : memref<1x128x128xf32, #tpu.memory_space<vmem>> -> memref<128x128xf32, #tpu.memory_space<vmem>>
    %dma_wait3A_130 = arith.constant 256 : i32
    %dma_wait3A_131 = tpu.memref_slice %arg6[%dma_wait3A_124, %dma_wait3A_130] : memref<2x384xi32, #tpu.memory_space<vmem>> -> memref<1x128xi32, #tpu.memory_space<vmem>>
    %dma_wait3A_132 = tpu.memref_squeeze %dma_wait3A_131 : memref<1x128xi32, #tpu.memory_space<vmem>> -> memref<128xi32, #tpu.memory_space<vmem>>
    %dma_wait3A_133 = arith.constant 0 : i32
    %dma_wait3A_134 = arith.constant 0 : i32
    %dma_wait3A_135 = tpu.memref_slice %arg2[%dma_wait3A_133, %dma_wait3A_134] : memref<2048x128xf32, #tpu.memory_space<hbm>> -> memref<2048x128xf32, #tpu.memory_space<hbm>>
    tpu.wait_indirect_dma semaphore(%arg11 : memref<!tpu.dma_semaphore, #tpu.memory_space<semaphore_mem>>) src(%dma_wait3A_135 : memref<2048x128xf32, #tpu.memory_space<hbm>>) dst(%dma_wait3A_129 : memref<128x128xf32, #tpu.memory_space<vmem>>)
    %mul3A_136 = arith.constant 256 : i32
    %mul3A_137 = arith.muli %add3A, %mul3A_136 : i32
    %add3A_138 = arith.constant 0 : i32
    %add3A_139 = arith.addi %mul3A_137, %add3A_138 : i32
    %scan3A = arith.constant 0 : i32
    %scan3A_140 = arith.constant 0 : i32
    %scan3A_141 = arith.constant 128 : i32
    %scan3A_142 = arith.addi %scan3A_140, %scan3A_141 : i32
    %scan3A_143 = arith.constant 1 : i32
    scf.for %scan3A_191 = %scan3A_140 to %scan3A_142 step %scan3A_143  : i32 {
      %mul3A_192 = arith.constant 3 : i32
      %mul3A_193 = arith.muli %mul3A_192, %scan3A_191 : i32
      %get3A = arith.index_cast %mul3A_193 : i32 to index
      %get3A_194 = tpu.vector_load %arg7[%get3A] {strides = array<i32>} : memref<400xf32, #tpu.memory_space<vmem>>, vector<16xf32>,
      %get3A_195 = vector.shape_cast %get3A_194 : vector<16xf32> to vector<16xf32>
      %slice3A = vector.extract_strided_slice %get3A_195 {offsets = [0], sizes = [1], strides = [1]} : vector<16xf32> to vector<1xf32>
      %squeeze3A = vector.extract %slice3A[0] : f32 from vector<1xf32>
      %slice3A_196 = vector.extract_strided_slice %get3A_195 {offsets = [1], sizes = [1], strides = [1]} : vector<16xf32> to vector<1xf32>
      %squeeze3A_197 = vector.extract %slice3A_196[0] : f32 from vector<1xf32>
      %slice3A_198 = vector.extract_strided_slice %get3A_195 {offsets = [2], sizes = [1], strides = [1]} : vector<16xf32> to vector<1xf32>
      %squeeze3A_199 = vector.extract %slice3A_198[0] : f32 from vector<1xf32>
      %get3A_200 = arith.constant 0 : i32
      %get3A_201 = arith.index_cast %get3A_200 : i32 to index
      %get3A_202 = arith.index_cast %scan3A_191 : i32 to index
      %get3A_203 = arith.constant 0 : index
      %get3A_204 = tpu.vector_load %arg9[%get3A_201, %get3A_202, %get3A_203] {strides = array<i32>} : memref<2x384x128xf32, #tpu.memory_space<vmem>>, vector<1x1x16xf32>,
      %get3A_205 = vector.shape_cast %get3A_204 : vector<1x1x16xf32> to vector<16xf32>
      %mul3A_206 = vector.broadcast %squeeze3A : f32 to vector<16xf32>
      %mul3A_207 = arith.mulf %get3A_205, %mul3A_206 : vector<16xf32>
      %add3A_208 = arith.constant 128 : i32
      %add3A_209 = arith.addi %add3A_208, %scan3A_191 : i32
      %get3A_210 = arith.constant 0 : i32
      %get3A_211 = arith.index_cast %get3A_210 : i32 to index
      %get3A_212 = arith.index_cast %add3A_209 : i32 to index
      %get3A_213 = arith.constant 0 : index
      %get3A_214 = tpu.vector_load %arg9[%get3A_211, %get3A_212, %get3A_213] {strides = array<i32>} : memref<2x384x128xf32, #tpu.memory_space<vmem>>, vector<1x1x16xf32>,
      %get3A_215 = vector.shape_cast %get3A_214 : vector<1x1x16xf32> to vector<16xf32>
      %mul3A_216 = vector.broadcast %squeeze3A_197 : f32 to vector<16xf32>
      %mul3A_217 = arith.mulf %get3A_215, %mul3A_216 : vector<16xf32>
      %add3A_218 = arith.addf %mul3A_207, %mul3A_217 : vector<16xf32>
      %add3A_219 = arith.constant 256 : i32
      %add3A_220 = arith.addi %add3A_219, %scan3A_191 : i32
      %get3A_221 = arith.constant 0 : i32
      %get3A_222 = arith.index_cast %get3A_221 : i32 to index
      %get3A_223 = arith.index_cast %add3A_220 : i32 to index
      %get3A_224 = arith.constant 0 : index
      %get3A_225 = tpu.vector_load %arg9[%get3A_222, %get3A_223, %get3A_224] {strides = array<i32>} : memref<2x384x128xf32, #tpu.memory_space<vmem>>, vector<1x1x16xf32>,
      %get3A_226 = vector.shape_cast %get3A_225 : vector<1x1x16xf32> to vector<16xf32>
      %mul3A_227 = vector.broadcast %squeeze3A_199 : f32 to vector<16xf32>
      %mul3A_228 = arith.mulf %get3A_226, %mul3A_227 : vector<16xf32>
      %add3A_229 = arith.addf %add3A_218, %mul3A_228 : vector<16xf32>
      %swap3A = arith.index_cast %scan3A_191 : i32 to index
      %swap3A_230 = arith.constant 0 : index
      %swap3A_231 = tpu.vector_load %arg10[%swap3A, %swap3A_230] {strides = array<i32>} : memref<128x128xf32, #tpu.memory_space<vmem>>, vector<1x16xf32>,
      %swap3A_232 = vector.shape_cast %swap3A_231 : vector<1x16xf32> to vector<16xf32>
      %swap3A_233 = vector.shape_cast %add3A_229 : vector<16xf32> to vector<1x16xf32>
      tpu.vector_store %arg10[%swap3A, %swap3A_230], %swap3A_233 {strides = array<i32>} : memref<128x128xf32, #tpu.memory_space<vmem>>, vector<1x16xf32>,
      %get3A_234 = arith.constant 0 : i32
      %get3A_235 = arith.index_cast %get3A_234 : i32 to index
      %get3A_236 = arith.index_cast %scan3A_191 : i32 to index
      %get3A_237 = arith.constant 16 : index
      %get3A_238 = tpu.vector_load %arg9[%get3A_235, %get3A_236, %get3A_237] {strides = array<i32>} : memref<2x384x128xf32, #tpu.memory_space<vmem>>, vector<1x1x16xf32>,
      %get3A_239 = vector.shape_cast %get3A_238 : vector<1x1x16xf32> to vector<16xf32>
      %mul3A_240 = vector.broadcast %squeeze3A : f32 to vector<16xf32>
      %mul3A_241 = arith.mulf %get3A_239, %mul3A_240 : vector<16xf32>
      %add3A_242 = arith.constant 128 : i32
      %add3A_243 = arith.addi %add3A_242, %scan3A_191 : i32
      %get3A_244 = arith.constant 0 : i32
      %get3A_245 = arith.index_cast %get3A_244 : i32 to index
      %get3A_246 = arith.index_cast %add3A_243 : i32 to index
      %get3A_247 = arith.constant 16 : index
      %get3A_248 = tpu.vector_load %arg9[%get3A_245, %get3A_246, %get3A_247] {strides = array<i32>} : memref<2x384x128xf32, #tpu.memory_space<vmem>>, vector<1x1x16xf32>,
      %get3A_249 = vector.shape_cast %get3A_248 : vector<1x1x16xf32> to vector<16xf32>
      %mul3A_250 = vector.broadcast %squeeze3A_197 : f32 to vector<16xf32>
      %mul3A_251 = arith.mulf %get3A_249, %mul3A_250 : vector<16xf32>
      %add3A_252 = arith.addf %mul3A_241, %mul3A_251 : vector<16xf32>
      %add3A_253 = arith.constant 256 : i32
      %add3A_254 = arith.addi %add3A_253, %scan3A_191 : i32
      %get3A_255 = arith.constant 0 : i32
      %get3A_256 = arith.index_cast %get3A_255 : i32 to index
      %get3A_257 = arith.index_cast %add3A_254 : i32 to index
      %get3A_258 = arith.constant 16 : index
      %get3A_259 = tpu.vector_load %arg9[%get3A_256, %get3A_257, %get3A_258] {strides = array<i32>} : memref<2x384x128xf32, #tpu.memory_space<vmem>>, vector<1x1x16xf32>,
      %get3A_260 = vector.shape_cast %get3A_259 : vector<1x1x16xf32> to vector<16xf32>
      %mul3A_261 = vector.broadcast %squeeze3A_199 : f32 to vector<16xf32>
      %mul3A_262 = arith.mulf %get3A_260, %mul3A_261 : vector<16xf32>
      %add3A_263 = arith.addf %add3A_252, %mul3A_262 : vector<16xf32>
      %swap3A_264 = arith.index_cast %scan3A_191 : i32 to index
      %swap3A_265 = arith.constant 16 : index
      %swap3A_266 = tpu.vector_load %arg10[%swap3A_264, %swap3A_265] {strides = array<i32>} : memref<128x128xf32, #tpu.memory_space<vmem>>, vector<1x16xf32>,
      %swap3A_267 = vector.shape_cast %swap3A_266 : vector<1x16xf32> to vector<16xf32>
      %swap3A_268 = vector.shape_cast %add3A_263 : vector<16xf32> to vector<1x16xf32>
      tpu.vector_store %arg10[%swap3A_264, %swap3A_265], %swap3A_268 {strides = array<i32>} : memref<128x128xf32, #tpu.memory_space<vmem>>, vector<1x16xf32>,
      %get3A_269 = arith.constant 0 : i32
      %get3A_270 = arith.index_cast %get3A_269 : i32 to index
      %get3A_271 = arith.index_cast %scan3A_191 : i32 to index
      %get3A_272 = arith.constant 32 : index
      %get3A_273 = tpu.vector_load %arg9[%get3A_270, %get3A_271, %get3A_272] {strides = array<i32>} : memref<2x384x128xf32, #tpu.memory_space<vmem>>, vector<1x1x16xf32>,
      %get3A_274 = vector.shape_cast %get3A_273 : vector<1x1x16xf32> to vector<16xf32>
      %mul3A_275 = vector.broadcast %squeeze3A : f32 to vector<16xf32>
      %mul3A_276 = arith.mulf %get3A_274, %mul3A_275 : vector<16xf32>
      %add3A_277 = arith.constant 128 : i32
      %add3A_278 = arith.addi %add3A_277, %scan3A_191 : i32
      %get3A_279 = arith.constant 0 : i32
      %get3A_280 = arith.index_cast %get3A_279 : i32 to index
      %get3A_281 = arith.index_cast %add3A_278 : i32 to index
      %get3A_282 = arith.constant 32 : index
      %get3A_283 = tpu.vector_load %arg9[%get3A_280, %get3A_281, %get3A_282] {strides = array<i32>} : memref<2x384x128xf32, #tpu.memory_space<vmem>>, vector<1x1x16xf32>,
      %get3A_284 = vector.shape_cast %get3A_283 : vector<1x1x16xf32> to vector<16xf32>
      %mul3A_285 = vector.broadcast %squeeze3A_197 : f32 to vector<16xf32>
      %mul3A_286 = arith.mulf %get3A_284, %mul3A_285 : vector<16xf32>
      %add3A_287 = arith.addf %mul3A_276, %mul3A_286 : vector<16xf32>
      %add3A_288 = arith.constant 256 : i32
      %add3A_289 = arith.addi %add3A_288, %scan3A_191 : i32
      %get3A_290 = arith.constant 0 : i32
      %get3A_291 = arith.index_cast %get3A_290 : i32 to index
      %get3A_292 = arith.index_cast %add3A_289 : i32 to index
      %get3A_293 = arith.constant 32 : index
      %get3A_294 = tpu.vector_load %arg9[%get3A_291, %get3A_292, %get3A_293] {strides = array<i32>} : memref<2x384x128xf32, #tpu.memory_space<vmem>>, vector<1x1x16xf32>,
      %get3A_295 = vector.shape_cast %get3A_294 : vector<1x1x16xf32> to vector<16xf32>
      %mul3A_296 = vector.broadcast %squeeze3A_199 : f32 to vector<16xf32>
      %mul3A_297 = arith.mulf %get3A_295, %mul3A_296 : vector<16xf32>
      %add3A_298 = arith.addf %add3A_287, %mul3A_297 : vector<16xf32>
      %swap3A_299 = arith.index_cast %scan3A_191 : i32 to index
      %swap3A_300 = arith.constant 32 : index
      %swap3A_301 = tpu.vector_load %arg10[%swap3A_299, %swap3A_300] {strides = array<i32>} : memref<128x128xf32, #tpu.memory_space<vmem>>, vector<1x16xf32>,
      %swap3A_302 = vector.shape_cast %swap3A_301 : vector<1x16xf32> to vector<16xf32>
      %swap3A_303 = vector.shape_cast %add3A_298 : vector<16xf32> to vector<1x16xf32>
      tpu.vector_store %arg10[%swap3A_299, %swap3A_300], %swap3A_303 {strides = array<i32>} : memref<128x128xf32, #tpu.memory_space<vmem>>, vector<1x16xf32>,
      %get3A_304 = arith.constant 0 : i32
      %get3A_305 = arith.index_cast %get3A_304 : i32 to index
      %get3A_306 = arith.index_cast %scan3A_191 : i32 to index
      %get3A_307 = arith.constant 48 : index
      %get3A_308 = tpu.vector_load %arg9[%get3A_305, %get3A_306, %get3A_307] {strides = array<i32>} : memref<2x384x128xf32, #tpu.memory_space<vmem>>, vector<1x1x16xf32>,
      %get3A_309 = vector.shape_cast %get3A_308 : vector<1x1x16xf32> to vector<16xf32>
      %mul3A_310 = vector.broadcast %squeeze3A : f32 to vector<16xf32>
      %mul3A_311 = arith.mulf %get3A_309, %mul3A_310 : vector<16xf32>
      %add3A_312 = arith.constant 128 : i32
      %add3A_313 = arith.addi %add3A_312, %scan3A_191 : i32
      %get3A_314 = arith.constant 0 : i32
      %get3A_315 = arith.index_cast %get3A_314 : i32 to index
      %get3A_316 = arith.index_cast %add3A_313 : i32 to index
      %get3A_317 = arith.constant 48 : index
      %get3A_318 = tpu.vector_load %arg9[%get3A_315, %get3A_316, %get3A_317] {strides = array<i32>} : memref<2x384x128xf32, #tpu.memory_space<vmem>>, vector<1x1x16xf32>,
      %get3A_319 = vector.shape_cast %get3A_318 : vector<1x1x16xf32> to vector<16xf32>
      %mul3A_320 = vector.broadcast %squeeze3A_197 : f32 to vector<16xf32>
      %mul3A_321 = arith.mulf %get3A_319, %mul3A_320 : vector<16xf32>
      %add3A_322 = arith.addf %mul3A_311, %mul3A_321 : vector<16xf32>
      %add3A_323 = arith.constant 256 : i32
      %add3A_324 = arith.addi %add3A_323, %scan3A_191 : i32
      %get3A_325 = arith.constant 0 : i32
      %get3A_326 = arith.index_cast %get3A_325 : i32 to index
      %get3A_327 = arith.index_cast %add3A_324 : i32 to index
      %get3A_328 = arith.constant 48 : index
      %get3A_329 = tpu.vector_load %arg9[%get3A_326, %get3A_327, %get3A_328] {strides = array<i32>} : memref<2x384x128xf32, #tpu.memory_space<vmem>>, vector<1x1x16xf32>,
      %get3A_330 = vector.shape_cast %get3A_329 : vector<1x1x16xf32> to vector<16xf32>
      %mul3A_331 = vector.broadcast %squeeze3A_199 : f32 to vector<16xf32>
      %mul3A_332 = arith.mulf %get3A_330, %mul3A_331 : vector<16xf32>
      %add3A_333 = arith.addf %add3A_322, %mul3A_332 : vector<16xf32>
      %swap3A_334 = arith.index_cast %scan3A_191 : i32 to index
      %swap3A_335 = arith.constant 48 : index
      %swap3A_336 = tpu.vector_load %arg10[%swap3A_334, %swap3A_335] {strides = array<i32>} : memref<128x128xf32, #tpu.memory_space<vmem>>, vector<1x16xf32>,
      %swap3A_337 = vector.shape_cast %swap3A_336 : vector<1x16xf32> to vector<16xf32>
      %swap3A_338 = vector.shape_cast %add3A_333 : vector<16xf32> to vector<1x16xf32>
      tpu.vector_store %arg10[%swap3A_334, %swap3A_335], %swap3A_338 {strides = array<i32>} : memref<128x128xf32, #tpu.memory_space<vmem>>, vector<1x16xf32>,
      %get3A_339 = arith.constant 0 : i32
      %get3A_340 = arith.index_cast %get3A_339 : i32 to index
      %get3A_341 = arith.index_cast %scan3A_191 : i32 to index
      %get3A_342 = arith.constant 64 : index
      %get3A_343 = tpu.vector_load %arg9[%get3A_340, %get3A_341, %get3A_342] {strides = array<i32>} : memref<2x384x128xf32, #tpu.memory_space<vmem>>, vector<1x1x16xf32>,
      %get3A_344 = vector.shape_cast %get3A_343 : vector<1x1x16xf32> to vector<16xf32>
      %mul3A_345 = vector.broadcast %squeeze3A : f32 to vector<16xf32>
      %mul3A_346 = arith.mulf %get3A_344, %mul3A_345 : vector<16xf32>
      %add3A_347 = arith.constant 128 : i32
      %add3A_348 = arith.addi %add3A_347, %scan3A_191 : i32
      %get3A_349 = arith.constant 0 : i32
      %get3A_350 = arith.index_cast %get3A_349 : i32 to index
      %get3A_351 = arith.index_cast %add3A_348 : i32 to index
      %get3A_352 = arith.constant 64 : index
      %get3A_353 = tpu.vector_load %arg9[%get3A_350, %get3A_351, %get3A_352] {strides = array<i32>} : memref<2x384x128xf32, #tpu.memory_space<vmem>>, vector<1x1x16xf32>,
      %get3A_354 = vector.shape_cast %get3A_353 : vector<1x1x16xf32> to vector<16xf32>
      %mul3A_355 = vector.broadcast %squeeze3A_197 : f32 to vector<16xf32>
      %mul3A_356 = arith.mulf %get3A_354, %mul3A_355 : vector<16xf32>
      %add3A_357 = arith.addf %mul3A_346, %mul3A_356 : vector<16xf32>
      %add3A_358 = arith.constant 256 : i32
      %add3A_359 = arith.addi %add3A_358, %scan3A_191 : i32
      %get3A_360 = arith.constant 0 : i32
      %get3A_361 = arith.index_cast %get3A_360 : i32 to index
      %get3A_362 = arith.index_cast %add3A_359 : i32 to index
      %get3A_363 = arith.constant 64 : index
      %get3A_364 = tpu.vector_load %arg9[%get3A_361, %get3A_362, %get3A_363] {strides = array<i32>} : memref<2x384x128xf32, #tpu.memory_space<vmem>>, vector<1x1x16xf32>,
      %get3A_365 = vector.shape_cast %get3A_364 : vector<1x1x16xf32> to vector<16xf32>
      %mul3A_366 = vector.broadcast %squeeze3A_199 : f32 to vector<16xf32>
      %mul3A_367 = arith.mulf %get3A_365, %mul3A_366 : vector<16xf32>
      %add3A_368 = arith.addf %add3A_357, %mul3A_367 : vector<16xf32>
      %swap3A_369 = arith.index_cast %scan3A_191 : i32 to index
      %swap3A_370 = arith.constant 64 : index
      %swap3A_371 = tpu.vector_load %arg10[%swap3A_369, %swap3A_370] {strides = array<i32>} : memref<128x128xf32, #tpu.memory_space<vmem>>, vector<1x16xf32>,
      %swap3A_372 = vector.shape_cast %swap3A_371 : vector<1x16xf32> to vector<16xf32>
      %swap3A_373 = vector.shape_cast %add3A_368 : vector<16xf32> to vector<1x16xf32>
      tpu.vector_store %arg10[%swap3A_369, %swap3A_370], %swap3A_373 {strides = array<i32>} : memref<128x128xf32, #tpu.memory_space<vmem>>, vector<1x16xf32>,
      %get3A_374 = arith.constant 0 : i32
      %get3A_375 = arith.index_cast %get3A_374 : i32 to index
      %get3A_376 = arith.index_cast %scan3A_191 : i32 to index
      %get3A_377 = arith.constant 80 : index
      %get3A_378 = tpu.vector_load %arg9[%get3A_375, %get3A_376, %get3A_377] {strides = array<i32>} : memref<2x384x128xf32, #tpu.memory_space<vmem>>, vector<1x1x16xf32>,
      %get3A_379 = vector.shape_cast %get3A_378 : vector<1x1x16xf32> to vector<16xf32>
      %mul3A_380 = vector.broadcast %squeeze3A : f32 to vector<16xf32>
      %mul3A_381 = arith.mulf %get3A_379, %mul3A_380 : vector<16xf32>
      %add3A_382 = arith.constant 128 : i32
      %add3A_383 = arith.addi %add3A_382, %scan3A_191 : i32
      %get3A_384 = arith.constant 0 : i32
      %get3A_385 = arith.index_cast %get3A_384 : i32 to index
      %get3A_386 = arith.index_cast %add3A_383 : i32 to index
      %get3A_387 = arith.constant 80 : index
      %get3A_388 = tpu.vector_load %arg9[%get3A_385, %get3A_386, %get3A_387] {strides = array<i32>} : memref<2x384x128xf32, #tpu.memory_space<vmem>>, vector<1x1x16xf32>,
      %get3A_389 = vector.shape_cast %get3A_388 : vector<1x1x16xf32> to vector<16xf32>
      %mul3A_390 = vector.broadcast %squeeze3A_197 : f32 to vector<16xf32>
      %mul3A_391 = arith.mulf %get3A_389, %mul3A_390 : vector<16xf32>
      %add3A_392 = arith.addf %mul3A_381, %mul3A_391 : vector<16xf32>
      %add3A_393 = arith.constant 256 : i32
      %add3A_394 = arith.addi %add3A_393, %scan3A_191 : i32
      %get3A_395 = arith.constant 0 : i32
      %get3A_396 = arith.index_cast %get3A_395 : i32 to index
      %get3A_397 = arith.index_cast %add3A_394 : i32 to index
      %get3A_398 = arith.constant 80 : index
      %get3A_399 = tpu.vector_load %arg9[%get3A_396, %get3A_397, %get3A_398] {strides = array<i32>} : memref<2x384x128xf32, #tpu.memory_space<vmem>>, vector<1x1x16xf32>,
      %get3A_400 = vector.shape_cast %get3A_399 : vector<1x1x16xf32> to vector<16xf32>
      %mul3A_401 = vector.broadcast %squeeze3A_199 : f32 to vector<16xf32>
      %mul3A_402 = arith.mulf %get3A_400, %mul3A_401 : vector<16xf32>
      %add3A_403 = arith.addf %add3A_392, %mul3A_402 : vector<16xf32>
      %swap3A_404 = arith.index_cast %scan3A_191 : i32 to index
      %swap3A_405 = arith.constant 80 : index
      %swap3A_406 = tpu.vector_load %arg10[%swap3A_404, %swap3A_405] {strides = array<i32>} : memref<128x128xf32, #tpu.memory_space<vmem>>, vector<1x16xf32>,
      %swap3A_407 = vector.shape_cast %swap3A_406 : vector<1x16xf32> to vector<16xf32>
      %swap3A_408 = vector.shape_cast %add3A_403 : vector<16xf32> to vector<1x16xf32>
      tpu.vector_store %arg10[%swap3A_404, %swap3A_405], %swap3A_408 {strides = array<i32>} : memref<128x128xf32, #tpu.memory_space<vmem>>, vector<1x16xf32>,
      %get3A_409 = arith.constant 0 : i32
      %get3A_410 = arith.index_cast %get3A_409 : i32 to index
      %get3A_411 = arith.index_cast %scan3A_191 : i32 to index
      %get3A_412 = arith.constant 96 : index
      %get3A_413 = tpu.vector_load %arg9[%get3A_410, %get3A_411, %get3A_412] {strides = array<i32>} : memref<2x384x128xf32, #tpu.memory_space<vmem>>, vector<1x1x16xf32>,
      %get3A_414 = vector.shape_cast %get3A_413 : vector<1x1x16xf32> to vector<16xf32>
      %mul3A_415 = vector.broadcast %squeeze3A : f32 to vector<16xf32>
      %mul3A_416 = arith.mulf %get3A_414, %mul3A_415 : vector<16xf32>
      %add3A_417 = arith.constant 128 : i32
      %add3A_418 = arith.addi %add3A_417, %scan3A_191 : i32
      %get3A_419 = arith.constant 0 : i32
      %get3A_420 = arith.index_cast %get3A_419 : i32 to index
      %get3A_421 = arith.index_cast %add3A_418 : i32 to index
      %get3A_422 = arith.constant 96 : index
      %get3A_423 = tpu.vector_load %arg9[%get3A_420, %get3A_421, %get3A_422] {strides = array<i32>} : memref<2x384x128xf32, #tpu.memory_space<vmem>>, vector<1x1x16xf32>,
      %get3A_424 = vector.shape_cast %get3A_423 : vector<1x1x16xf32> to vector<16xf32>
      %mul3A_425 = vector.broadcast %squeeze3A_197 : f32 to vector<16xf32>
      %mul3A_426 = arith.mulf %get3A_424, %mul3A_425 : vector<16xf32>
      %add3A_427 = arith.addf %mul3A_416, %mul3A_426 : vector<16xf32>
      %add3A_428 = arith.constant 256 : i32
      %add3A_429 = arith.addi %add3A_428, %scan3A_191 : i32
      %get3A_430 = arith.constant 0 : i32
      %get3A_431 = arith.index_cast %get3A_430 : i32 to index
      %get3A_432 = arith.index_cast %add3A_429 : i32 to index
      %get3A_433 = arith.constant 96 : index
      %get3A_434 = tpu.vector_load %arg9[%get3A_431, %get3A_432, %get3A_433] {strides = array<i32>} : memref<2x384x128xf32, #tpu.memory_space<vmem>>, vector<1x1x16xf32>,
      %get3A_435 = vector.shape_cast %get3A_434 : vector<1x1x16xf32> to vector<16xf32>
      %mul3A_436 = vector.broadcast %squeeze3A_199 : f32 to vector<16xf32>
      %mul3A_437 = arith.mulf %get3A_435, %mul3A_436 : vector<16xf32>
      %add3A_438 = arith.addf %add3A_427, %mul3A_437 : vector<16xf32>
      %swap3A_439 = arith.index_cast %scan3A_191 : i32 to index
      %swap3A_440 = arith.constant 96 : index
      %swap3A_441 = tpu.vector_load %arg10[%swap3A_439, %swap3A_440] {strides = array<i32>} : memref<128x128xf32, #tpu.memory_space<vmem>>, vector<1x16xf32>,
      %swap3A_442 = vector.shape_cast %swap3A_441 : vector<1x16xf32> to vector<16xf32>
      %swap3A_443 = vector.shape_cast %add3A_438 : vector<16xf32> to vector<1x16xf32>
      tpu.vector_store %arg10[%swap3A_439, %swap3A_440], %swap3A_443 {strides = array<i32>} : memref<128x128xf32, #tpu.memory_space<vmem>>, vector<1x16xf32>,
      %get3A_444 = arith.constant 0 : i32
      %get3A_445 = arith.index_cast %get3A_444 : i32 to index
      %get3A_446 = arith.index_cast %scan3A_191 : i32 to index
      %get3A_447 = arith.constant 112 : index
      %get3A_448 = tpu.vector_load %arg9[%get3A_445, %get3A_446, %get3A_447] {strides = array<i32>} : memref<2x384x128xf32, #tpu.memory_space<vmem>>, vector<1x1x16xf32>,
      %get3A_449 = vector.shape_cast %get3A_448 : vector<1x1x16xf32> to vector<16xf32>
      %mul3A_450 = vector.broadcast %squeeze3A : f32 to vector<16xf32>
      %mul3A_451 = arith.mulf %get3A_449, %mul3A_450 : vector<16xf32>
      %add3A_452 = arith.constant 128 : i32
      %add3A_453 = arith.addi %add3A_452, %scan3A_191 : i32
      %get3A_454 = arith.constant 0 : i32
      %get3A_455 = arith.index_cast %get3A_454 : i32 to index
      %get3A_456 = arith.index_cast %add3A_453 : i32 to index
      %get3A_457 = arith.constant 112 : index
      %get3A_458 = tpu.vector_load %arg9[%get3A_455, %get3A_456, %get3A_457] {strides = array<i32>} : memref<2x384x128xf32, #tpu.memory_space<vmem>>, vector<1x1x16xf32>,
      %get3A_459 = vector.shape_cast %get3A_458 : vector<1x1x16xf32> to vector<16xf32>
      %mul3A_460 = vector.broadcast %squeeze3A_197 : f32 to vector<16xf32>
      %mul3A_461 = arith.mulf %get3A_459, %mul3A_460 : vector<16xf32>
      %add3A_462 = arith.addf %mul3A_451, %mul3A_461 : vector<16xf32>
      %add3A_463 = arith.constant 256 : i32
      %add3A_464 = arith.addi %add3A_463, %scan3A_191 : i32
      %get3A_465 = arith.constant 0 : i32
      %get3A_466 = arith.index_cast %get3A_465 : i32 to index
      %get3A_467 = arith.index_cast %add3A_464 : i32 to index
      %get3A_468 = arith.constant 112 : index
      %get3A_469 = tpu.vector_load %arg9[%get3A_466, %get3A_467, %get3A_468] {strides = array<i32>} : memref<2x384x128xf32, #tpu.memory_space<vmem>>, vector<1x1x16xf32>,
      %get3A_470 = vector.shape_cast %get3A_469 : vector<1x1x16xf32> to vector<16xf32>
      %mul3A_471 = vector.broadcast %squeeze3A_199 : f32 to vector<16xf32>
      %mul3A_472 = arith.mulf %get3A_470, %mul3A_471 : vector<16xf32>
      %add3A_473 = arith.addf %add3A_462, %mul3A_472 : vector<16xf32>
      %swap3A_474 = arith.index_cast %scan3A_191 : i32 to index
      %swap3A_475 = arith.constant 112 : index
      %swap3A_476 = tpu.vector_load %arg10[%swap3A_474, %swap3A_475] {strides = array<i32>} : memref<128x128xf32, #tpu.memory_space<vmem>>, vector<1x16xf32>,
      %swap3A_477 = vector.shape_cast %swap3A_476 : vector<1x16xf32> to vector<16xf32>
      %swap3A_478 = vector.shape_cast %add3A_473 : vector<16xf32> to vector<1x16xf32>
      tpu.vector_store %arg10[%swap3A_474, %swap3A_475], %swap3A_478 {strides = array<i32>} : memref<128x128xf32, #tpu.memory_space<vmem>>, vector<1x16xf32>,
    }
    %scan3A_144 = arith.constant 128 : i32
    "tpu.region"() ({
      %run_scoped3A_191 = tpu.sem_alloc : memref<!tpu.dma_semaphore, #tpu.memory_space<semaphore_mem>>
      %dma_start3A_192 = arith.constant 0 : i32
      %dma_start3A_193 = tpu.memref_slice %arg5[%add3A_139, %dma_start3A_192] : memref<8192x128xf32, #tpu.memory_space<hbm>> -> memref<128x128xf32, #tpu.memory_space<hbm>>
      %dma_start3A_194 = arith.constant 0 : i32
      %dma_start3A_195 = tpu.memref_slice %arg5[%add3A_139, %dma_start3A_194] : memref<8192x128xf32, #tpu.memory_space<hbm>> -> memref<128x128xf32, #tpu.memory_space<hbm>>
      tpu.enqueue_dma source(%arg10 : memref<128x128xf32, #tpu.memory_space<vmem>>) target(%dma_start3A_195 : memref<128x128xf32, #tpu.memory_space<hbm>>) target_semaphore(%run_scoped3A_191 : memref<!tpu.dma_semaphore, #tpu.memory_space<semaphore_mem>>)
      %dma_wait3A_196 = arith.constant 0 : i32
      %dma_wait3A_197 = tpu.memref_slice %arg5[%add3A_139, %dma_wait3A_196] : memref<8192x128xf32, #tpu.memory_space<hbm>> -> memref<128x128xf32, #tpu.memory_space<hbm>>
      %dma_wait3A_198 = arith.constant 0 : i32
      %dma_wait3A_199 = tpu.memref_slice %arg5[%add3A_139, %dma_wait3A_198] : memref<8192x128xf32, #tpu.memory_space<hbm>> -> memref<128x128xf32, #tpu.memory_space<hbm>>
      tpu.wait_dma2 semaphore(%run_scoped3A_191 : memref<!tpu.dma_semaphore, #tpu.memory_space<semaphore_mem>>) src(%arg10 : memref<128x128xf32, #tpu.memory_space<vmem>>) dst(%dma_wait3A_199 : memref<128x128xf32, #tpu.memory_space<hbm>>)
      tpu.yield
    }) : () -> ()
    %dma_wait3A_145 = arith.constant 1 : i32
    %dma_wait3A_146 = arith.constant 1 : i32
    %dma_wait3A_147 = arith.constant 0 : i32
    %dma_wait3A_148 = arith.constant 0 : i32
    %dma_wait3A_149 = tpu.memref_slice %arg9[%dma_wait3A_146, %dma_wait3A_147, %dma_wait3A_148] : memref<2x384x128xf32, #tpu.memory_space<vmem>> -> memref<1x128x128xf32, #tpu.memory_space<vmem>>
    %dma_wait3A_150 = tpu.memref_squeeze %dma_wait3A_149 : memref<1x128x128xf32, #tpu.memory_space<vmem>> -> memref<128x128xf32, #tpu.memory_space<vmem>>
    %dma_wait3A_151 = arith.constant 0 : i32
    %dma_wait3A_152 = tpu.memref_slice %arg6[%dma_wait3A_145, %dma_wait3A_151] : memref<2x384xi32, #tpu.memory_space<vmem>> -> memref<1x128xi32, #tpu.memory_space<vmem>>
    %dma_wait3A_153 = tpu.memref_squeeze %dma_wait3A_152 : memref<1x128xi32, #tpu.memory_space<vmem>> -> memref<128xi32, #tpu.memory_space<vmem>>
    %dma_wait3A_154 = arith.constant 0 : i32
    %dma_wait3A_155 = arith.constant 0 : i32
    %dma_wait3A_156 = tpu.memref_slice %arg2[%dma_wait3A_154, %dma_wait3A_155] : memref<2048x128xf32, #tpu.memory_space<hbm>> -> memref<2048x128xf32, #tpu.memory_space<hbm>>
    tpu.wait_indirect_dma semaphore(%arg12 : memref<!tpu.dma_semaphore, #tpu.memory_space<semaphore_mem>>) src(%dma_wait3A_156 : memref<2048x128xf32, #tpu.memory_space<hbm>>) dst(%dma_wait3A_150 : memref<128x128xf32, #tpu.memory_space<vmem>>)
    %dma_wait3A_157 = arith.constant 1 : i32
    %dma_wait3A_158 = arith.constant 1 : i32
    %dma_wait3A_159 = arith.constant 128 : i32
    %dma_wait3A_160 = arith.constant 0 : i32
    %dma_wait3A_161 = tpu.memref_slice %arg9[%dma_wait3A_158, %dma_wait3A_159, %dma_wait3A_160] : memref<2x384x128xf32, #tpu.memory_space<vmem>> -> memref<1x128x128xf32, #tpu.memory_space<vmem>>
    %dma_wait3A_162 = tpu.memref_squeeze %dma_wait3A_161 : memref<1x128x128xf32, #tpu.memory_space<vmem>> -> memref<128x128xf32, #tpu.memory_space<vmem>>
    %dma_wait3A_163 = arith.constant 128 : i32
    %dma_wait3A_164 = tpu.memref_slice %arg6[%dma_wait3A_157, %dma_wait3A_163] : memref<2x384xi32, #tpu.memory_space<vmem>> -> memref<1x128xi32, #tpu.memory_space<vmem>>
    %dma_wait3A_165 = tpu.memref_squeeze %dma_wait3A_164 : memref<1x128xi32, #tpu.memory_space<vmem>> -> memref<128xi32, #tpu.memory_space<vmem>>
    %dma_wait3A_166 = arith.constant 0 : i32
    %dma_wait3A_167 = arith.constant 0 : i32
    %dma_wait3A_168 = tpu.memref_slice %arg2[%dma_wait3A_166, %dma_wait3A_167] : memref<2048x128xf32, #tpu.memory_space<hbm>> -> memref<2048x128xf32, #tpu.memory_space<hbm>>
    tpu.wait_indirect_dma semaphore(%arg12 : memref<!tpu.dma_semaphore, #tpu.memory_space<semaphore_mem>>) src(%dma_wait3A_168 : memref<2048x128xf32, #tpu.memory_space<hbm>>) dst(%dma_wait3A_162 : memref<128x128xf32, #tpu.memory_space<vmem>>)
    %dma_wait3A_169 = arith.constant 1 : i32
    %dma_wait3A_170 = arith.constant 1 : i32
    %dma_wait3A_171 = arith.constant 256 : i32
    %dma_wait3A_172 = arith.constant 0 : i32
    %dma_wait3A_173 = tpu.memref_slice %arg9[%dma_wait3A_170, %dma_wait3A_171, %dma_wait3A_172] : memref<2x384x128xf32, #tpu.memory_space<vmem>> -> memref<1x128x128xf32, #tpu.memory_space<vmem>>
    %dma_wait3A_174 = tpu.memref_squeeze %dma_wait3A_173 : memref<1x128x128xf32, #tpu.memory_space<vmem>> -> memref<128x128xf32, #tpu.memory_space<vmem>>
    %dma_wait3A_175 = arith.constant 256 : i32
    %dma_wait3A_176 = tpu.memref_slice %arg6[%dma_wait3A_169, %dma_wait3A_175] : memref<2x384xi32, #tpu.memory_space<vmem>> -> memref<1x128xi32, #tpu.memory_space<vmem>>
    %dma_wait3A_177 = tpu.memref_squeeze %dma_wait3A_176 : memref<1x128xi32, #tpu.memory_space<vmem>> -> memref<128xi32, #tpu.memory_space<vmem>>
    %dma_wait3A_178 = arith.constant 0 : i32
    %dma_wait3A_179 = arith.constant 0 : i32
    %dma_wait3A_180 = tpu.memref_slice %arg2[%dma_wait3A_178, %dma_wait3A_179] : memref<2048x128xf32, #tpu.memory_space<hbm>> -> memref<2048x128xf32, #tpu.memory_space<hbm>>
    tpu.wait_indirect_dma semaphore(%arg12 : memref<!tpu.dma_semaphore, #tpu.memory_space<semaphore_mem>>) src(%dma_wait3A_180 : memref<2048x128xf32, #tpu.memory_space<hbm>>) dst(%dma_wait3A_174 : memref<128x128xf32, #tpu.memory_space<vmem>>)
    %mul3A_181 = arith.constant 256 : i32
    %mul3A_182 = arith.muli %add3A, %mul3A_181 : i32
    %add3A_183 = arith.constant 128 : i32
    %add3A_184 = arith.addi %mul3A_182, %add3A_183 : i32
    %scan3A_185 = arith.constant 0 : i32
    %scan3A_186 = arith.constant 0 : i32
    %scan3A_187 = arith.constant 128 : i32
    %scan3A_188 = arith.addi %scan3A_186, %scan3A_187 : i32
    %scan3A_189 = arith.constant 1 : i32
    scf.for %scan3A_191 = %scan3A_186 to %scan3A_188 step %scan3A_189  : i32 {
      %mul3A_192 = arith.constant 3 : i32
      %mul3A_193 = arith.muli %mul3A_192, %scan3A_191 : i32
      %get3A = arith.index_cast %mul3A_193 : i32 to index
      %get3A_194 = tpu.vector_load %arg8[%get3A] {strides = array<i32>} : memref<400xf32, #tpu.memory_space<vmem>>, vector<16xf32>,
      %get3A_195 = vector.shape_cast %get3A_194 : vector<16xf32> to vector<16xf32>
      %slice3A = vector.extract_strided_slice %get3A_195 {offsets = [0], sizes = [1], strides = [1]} : vector<16xf32> to vector<1xf32>
      %squeeze3A = vector.extract %slice3A[0] : f32 from vector<1xf32>
      %slice3A_196 = vector.extract_strided_slice %get3A_195 {offsets = [1], sizes = [1], strides = [1]} : vector<16xf32> to vector<1xf32>
      %squeeze3A_197 = vector.extract %slice3A_196[0] : f32 from vector<1xf32>
      %slice3A_198 = vector.extract_strided_slice %get3A_195 {offsets = [2], sizes = [1], strides = [1]} : vector<16xf32> to vector<1xf32>
      %squeeze3A_199 = vector.extract %slice3A_198[0] : f32 from vector<1xf32>
      %get3A_200 = arith.constant 1 : i32
      %get3A_201 = arith.index_cast %get3A_200 : i32 to index
      %get3A_202 = arith.index_cast %scan3A_191 : i32 to index
      %get3A_203 = arith.constant 0 : index
      %get3A_204 = tpu.vector_load %arg9[%get3A_201, %get3A_202, %get3A_203] {strides = array<i32>} : memref<2x384x128xf32, #tpu.memory_space<vmem>>, vector<1x1x16xf32>,
      %get3A_205 = vector.shape_cast %get3A_204 : vector<1x1x16xf32> to vector<16xf32>
      %mul3A_206 = vector.broadcast %squeeze3A : f32 to vector<16xf32>
      %mul3A_207 = arith.mulf %get3A_205, %mul3A_206 : vector<16xf32>
      %add3A_208 = arith.constant 128 : i32
      %add3A_209 = arith.addi %add3A_208, %scan3A_191 : i32
      %get3A_210 = arith.constant 1 : i32
      %get3A_211 = arith.index_cast %get3A_210 : i32 to index
      %get3A_212 = arith.index_cast %add3A_209 : i32 to index
      %get3A_213 = arith.constant 0 : index
      %get3A_214 = tpu.vector_load %arg9[%get3A_211, %get3A_212, %get3A_213] {strides = array<i32>} : memref<2x384x128xf32, #tpu.memory_space<vmem>>, vector<1x1x16xf32>,
      %get3A_215 = vector.shape_cast %get3A_214 : vector<1x1x16xf32> to vector<16xf32>
      %mul3A_216 = vector.broadcast %squeeze3A_197 : f32 to vector<16xf32>
      %mul3A_217 = arith.mulf %get3A_215, %mul3A_216 : vector<16xf32>
      %add3A_218 = arith.addf %mul3A_207, %mul3A_217 : vector<16xf32>
      %add3A_219 = arith.constant 256 : i32
      %add3A_220 = arith.addi %add3A_219, %scan3A_191 : i32
      %get3A_221 = arith.constant 1 : i32
      %get3A_222 = arith.index_cast %get3A_221 : i32 to index
      %get3A_223 = arith.index_cast %add3A_220 : i32 to index
      %get3A_224 = arith.constant 0 : index
      %get3A_225 = tpu.vector_load %arg9[%get3A_222, %get3A_223, %get3A_224] {strides = array<i32>} : memref<2x384x128xf32, #tpu.memory_space<vmem>>, vector<1x1x16xf32>,
      %get3A_226 = vector.shape_cast %get3A_225 : vector<1x1x16xf32> to vector<16xf32>
      %mul3A_227 = vector.broadcast %squeeze3A_199 : f32 to vector<16xf32>
      %mul3A_228 = arith.mulf %get3A_226, %mul3A_227 : vector<16xf32>
      %add3A_229 = arith.addf %add3A_218, %mul3A_228 : vector<16xf32>
      %swap3A = arith.index_cast %scan3A_191 : i32 to index
      %swap3A_230 = arith.constant 0 : index
      %swap3A_231 = tpu.vector_load %arg10[%swap3A, %swap3A_230] {strides = array<i32>} : memref<128x128xf32, #tpu.memory_space<vmem>>, vector<1x16xf32>,
      %swap3A_232 = vector.shape_cast %swap3A_231 : vector<1x16xf32> to vector<16xf32>
      %swap3A_233 = vector.shape_cast %add3A_229 : vector<16xf32> to vector<1x16xf32>
      tpu.vector_store %arg10[%swap3A, %swap3A_230], %swap3A_233 {strides = array<i32>} : memref<128x128xf32, #tpu.memory_space<vmem>>, vector<1x16xf32>,
      %get3A_234 = arith.constant 1 : i32
      %get3A_235 = arith.index_cast %get3A_234 : i32 to index
      %get3A_236 = arith.index_cast %scan3A_191 : i32 to index
      %get3A_237 = arith.constant 16 : index
      %get3A_238 = tpu.vector_load %arg9[%get3A_235, %get3A_236, %get3A_237] {strides = array<i32>} : memref<2x384x128xf32, #tpu.memory_space<vmem>>, vector<1x1x16xf32>,
      %get3A_239 = vector.shape_cast %get3A_238 : vector<1x1x16xf32> to vector<16xf32>
      %mul3A_240 = vector.broadcast %squeeze3A : f32 to vector<16xf32>
      %mul3A_241 = arith.mulf %get3A_239, %mul3A_240 : vector<16xf32>
      %add3A_242 = arith.constant 128 : i32
      %add3A_243 = arith.addi %add3A_242, %scan3A_191 : i32
      %get3A_244 = arith.constant 1 : i32
      %get3A_245 = arith.index_cast %get3A_244 : i32 to index
      %get3A_246 = arith.index_cast %add3A_243 : i32 to index
      %get3A_247 = arith.constant 16 : index
      %get3A_248 = tpu.vector_load %arg9[%get3A_245, %get3A_246, %get3A_247] {strides = array<i32>} : memref<2x384x128xf32, #tpu.memory_space<vmem>>, vector<1x1x16xf32>,
      %get3A_249 = vector.shape_cast %get3A_248 : vector<1x1x16xf32> to vector<16xf32>
      %mul3A_250 = vector.broadcast %squeeze3A_197 : f32 to vector<16xf32>
      %mul3A_251 = arith.mulf %get3A_249, %mul3A_250 : vector<16xf32>
      %add3A_252 = arith.addf %mul3A_241, %mul3A_251 : vector<16xf32>
      %add3A_253 = arith.constant 256 : i32
      %add3A_254 = arith.addi %add3A_253, %scan3A_191 : i32
      %get3A_255 = arith.constant 1 : i32
      %get3A_256 = arith.index_cast %get3A_255 : i32 to index
      %get3A_257 = arith.index_cast %add3A_254 : i32 to index
      %get3A_258 = arith.constant 16 : index
      %get3A_259 = tpu.vector_load %arg9[%get3A_256, %get3A_257, %get3A_258] {strides = array<i32>} : memref<2x384x128xf32, #tpu.memory_space<vmem>>, vector<1x1x16xf32>,
      %get3A_260 = vector.shape_cast %get3A_259 : vector<1x1x16xf32> to vector<16xf32>
      %mul3A_261 = vector.broadcast %squeeze3A_199 : f32 to vector<16xf32>
      %mul3A_262 = arith.mulf %get3A_260, %mul3A_261 : vector<16xf32>
      %add3A_263 = arith.addf %add3A_252, %mul3A_262 : vector<16xf32>
      %swap3A_264 = arith.index_cast %scan3A_191 : i32 to index
      %swap3A_265 = arith.constant 16 : index
      %swap3A_266 = tpu.vector_load %arg10[%swap3A_264, %swap3A_265] {strides = array<i32>} : memref<128x128xf32, #tpu.memory_space<vmem>>, vector<1x16xf32>,
      %swap3A_267 = vector.shape_cast %swap3A_266 : vector<1x16xf32> to vector<16xf32>
      %swap3A_268 = vector.shape_cast %add3A_263 : vector<16xf32> to vector<1x16xf32>
      tpu.vector_store %arg10[%swap3A_264, %swap3A_265], %swap3A_268 {strides = array<i32>} : memref<128x128xf32, #tpu.memory_space<vmem>>, vector<1x16xf32>,
      %get3A_269 = arith.constant 1 : i32
      %get3A_270 = arith.index_cast %get3A_269 : i32 to index
      %get3A_271 = arith.index_cast %scan3A_191 : i32 to index
      %get3A_272 = arith.constant 32 : index
      %get3A_273 = tpu.vector_load %arg9[%get3A_270, %get3A_271, %get3A_272] {strides = array<i32>} : memref<2x384x128xf32, #tpu.memory_space<vmem>>, vector<1x1x16xf32>,
      %get3A_274 = vector.shape_cast %get3A_273 : vector<1x1x16xf32> to vector<16xf32>
      %mul3A_275 = vector.broadcast %squeeze3A : f32 to vector<16xf32>
      %mul3A_276 = arith.mulf %get3A_274, %mul3A_275 : vector<16xf32>
      %add3A_277 = arith.constant 128 : i32
      %add3A_278 = arith.addi %add3A_277, %scan3A_191 : i32
      %get3A_279 = arith.constant 1 : i32
      %get3A_280 = arith.index_cast %get3A_279 : i32 to index
      %get3A_281 = arith.index_cast %add3A_278 : i32 to index
      %get3A_282 = arith.constant 32 : index
      %get3A_283 = tpu.vector_load %arg9[%get3A_280, %get3A_281, %get3A_282] {strides = array<i32>} : memref<2x384x128xf32, #tpu.memory_space<vmem>>, vector<1x1x16xf32>,
      %get3A_284 = vector.shape_cast %get3A_283 : vector<1x1x16xf32> to vector<16xf32>
      %mul3A_285 = vector.broadcast %squeeze3A_197 : f32 to vector<16xf32>
      %mul3A_286 = arith.mulf %get3A_284, %mul3A_285 : vector<16xf32>
      %add3A_287 = arith.addf %mul3A_276, %mul3A_286 : vector<16xf32>
      %add3A_288 = arith.constant 256 : i32
      %add3A_289 = arith.addi %add3A_288, %scan3A_191 : i32
      %get3A_290 = arith.constant 1 : i32
      %get3A_291 = arith.index_cast %get3A_290 : i32 to index
      %get3A_292 = arith.index_cast %add3A_289 : i32 to index
      %get3A_293 = arith.constant 32 : index
      %get3A_294 = tpu.vector_load %arg9[%get3A_291, %get3A_292, %get3A_293] {strides = array<i32>} : memref<2x384x128xf32, #tpu.memory_space<vmem>>, vector<1x1x16xf32>,
      %get3A_295 = vector.shape_cast %get3A_294 : vector<1x1x16xf32> to vector<16xf32>
      %mul3A_296 = vector.broadcast %squeeze3A_199 : f32 to vector<16xf32>
      %mul3A_297 = arith.mulf %get3A_295, %mul3A_296 : vector<16xf32>
      %add3A_298 = arith.addf %add3A_287, %mul3A_297 : vector<16xf32>
      %swap3A_299 = arith.index_cast %scan3A_191 : i32 to index
      %swap3A_300 = arith.constant 32 : index
      %swap3A_301 = tpu.vector_load %arg10[%swap3A_299, %swap3A_300] {strides = array<i32>} : memref<128x128xf32, #tpu.memory_space<vmem>>, vector<1x16xf32>,
      %swap3A_302 = vector.shape_cast %swap3A_301 : vector<1x16xf32> to vector<16xf32>
      %swap3A_303 = vector.shape_cast %add3A_298 : vector<16xf32> to vector<1x16xf32>
      tpu.vector_store %arg10[%swap3A_299, %swap3A_300], %swap3A_303 {strides = array<i32>} : memref<128x128xf32, #tpu.memory_space<vmem>>, vector<1x16xf32>,
      %get3A_304 = arith.constant 1 : i32
      %get3A_305 = arith.index_cast %get3A_304 : i32 to index
      %get3A_306 = arith.index_cast %scan3A_191 : i32 to index
      %get3A_307 = arith.constant 48 : index
      %get3A_308 = tpu.vector_load %arg9[%get3A_305, %get3A_306, %get3A_307] {strides = array<i32>} : memref<2x384x128xf32, #tpu.memory_space<vmem>>, vector<1x1x16xf32>,
      %get3A_309 = vector.shape_cast %get3A_308 : vector<1x1x16xf32> to vector<16xf32>
      %mul3A_310 = vector.broadcast %squeeze3A : f32 to vector<16xf32>
      %mul3A_311 = arith.mulf %get3A_309, %mul3A_310 : vector<16xf32>
      %add3A_312 = arith.constant 128 : i32
      %add3A_313 = arith.addi %add3A_312, %scan3A_191 : i32
      %get3A_314 = arith.constant 1 : i32
      %get3A_315 = arith.index_cast %get3A_314 : i32 to index
      %get3A_316 = arith.index_cast %add3A_313 : i32 to index
      %get3A_317 = arith.constant 48 : index
      %get3A_318 = tpu.vector_load %arg9[%get3A_315, %get3A_316, %get3A_317] {strides = array<i32>} : memref<2x384x128xf32, #tpu.memory_space<vmem>>, vector<1x1x16xf32>,
      %get3A_319 = vector.shape_cast %get3A_318 : vector<1x1x16xf32> to vector<16xf32>
      %mul3A_320 = vector.broadcast %squeeze3A_197 : f32 to vector<16xf32>
      %mul3A_321 = arith.mulf %get3A_319, %mul3A_320 : vector<16xf32>
      %add3A_322 = arith.addf %mul3A_311, %mul3A_321 : vector<16xf32>
      %add3A_323 = arith.constant 256 : i32
      %add3A_324 = arith.addi %add3A_323, %scan3A_191 : i32
      %get3A_325 = arith.constant 1 : i32
      %get3A_326 = arith.index_cast %get3A_325 : i32 to index
      %get3A_327 = arith.index_cast %add3A_324 : i32 to index
      %get3A_328 = arith.constant 48 : index
      %get3A_329 = tpu.vector_load %arg9[%get3A_326, %get3A_327, %get3A_328] {strides = array<i32>} : memref<2x384x128xf32, #tpu.memory_space<vmem>>, vector<1x1x16xf32>,
      %get3A_330 = vector.shape_cast %get3A_329 : vector<1x1x16xf32> to vector<16xf32>
      %mul3A_331 = vector.broadcast %squeeze3A_199 : f32 to vector<16xf32>
      %mul3A_332 = arith.mulf %get3A_330, %mul3A_331 : vector<16xf32>
      %add3A_333 = arith.addf %add3A_322, %mul3A_332 : vector<16xf32>
      %swap3A_334 = arith.index_cast %scan3A_191 : i32 to index
      %swap3A_335 = arith.constant 48 : index
      %swap3A_336 = tpu.vector_load %arg10[%swap3A_334, %swap3A_335] {strides = array<i32>} : memref<128x128xf32, #tpu.memory_space<vmem>>, vector<1x16xf32>,
      %swap3A_337 = vector.shape_cast %swap3A_336 : vector<1x16xf32> to vector<16xf32>
      %swap3A_338 = vector.shape_cast %add3A_333 : vector<16xf32> to vector<1x16xf32>
      tpu.vector_store %arg10[%swap3A_334, %swap3A_335], %swap3A_338 {strides = array<i32>} : memref<128x128xf32, #tpu.memory_space<vmem>>, vector<1x16xf32>,
      %get3A_339 = arith.constant 1 : i32
      %get3A_340 = arith.index_cast %get3A_339 : i32 to index
      %get3A_341 = arith.index_cast %scan3A_191 : i32 to index
      %get3A_342 = arith.constant 64 : index
      %get3A_343 = tpu.vector_load %arg9[%get3A_340, %get3A_341, %get3A_342] {strides = array<i32>} : memref<2x384x128xf32, #tpu.memory_space<vmem>>, vector<1x1x16xf32>,
      %get3A_344 = vector.shape_cast %get3A_343 : vector<1x1x16xf32> to vector<16xf32>
      %mul3A_345 = vector.broadcast %squeeze3A : f32 to vector<16xf32>
      %mul3A_346 = arith.mulf %get3A_344, %mul3A_345 : vector<16xf32>
      %add3A_347 = arith.constant 128 : i32
      %add3A_348 = arith.addi %add3A_347, %scan3A_191 : i32
      %get3A_349 = arith.constant 1 : i32
      %get3A_350 = arith.index_cast %get3A_349 : i32 to index
      %get3A_351 = arith.index_cast %add3A_348 : i32 to index
      %get3A_352 = arith.constant 64 : index
      %get3A_353 = tpu.vector_load %arg9[%get3A_350, %get3A_351, %get3A_352] {strides = array<i32>} : memref<2x384x128xf32, #tpu.memory_space<vmem>>, vector<1x1x16xf32>,
      %get3A_354 = vector.shape_cast %get3A_353 : vector<1x1x16xf32> to vector<16xf32>
      %mul3A_355 = vector.broadcast %squeeze3A_197 : f32 to vector<16xf32>
      %mul3A_356 = arith.mulf %get3A_354, %mul3A_355 : vector<16xf32>
      %add3A_357 = arith.addf %mul3A_346, %mul3A_356 : vector<16xf32>
      %add3A_358 = arith.constant 256 : i32
      %add3A_359 = arith.addi %add3A_358, %scan3A_191 : i32
      %get3A_360 = arith.constant 1 : i32
      %get3A_361 = arith.index_cast %get3A_360 : i32 to index
      %get3A_362 = arith.index_cast %add3A_359 : i32 to index
      %get3A_363 = arith.constant 64 : index
      %get3A_364 = tpu.vector_load %arg9[%get3A_361, %get3A_362, %get3A_363] {strides = array<i32>} : memref<2x384x128xf32, #tpu.memory_space<vmem>>, vector<1x1x16xf32>,
      %get3A_365 = vector.shape_cast %get3A_364 : vector<1x1x16xf32> to vector<16xf32>
      %mul3A_366 = vector.broadcast %squeeze3A_199 : f32 to vector<16xf32>
      %mul3A_367 = arith.mulf %get3A_365, %mul3A_366 : vector<16xf32>
      %add3A_368 = arith.addf %add3A_357, %mul3A_367 : vector<16xf32>
      %swap3A_369 = arith.index_cast %scan3A_191 : i32 to index
      %swap3A_370 = arith.constant 64 : index
      %swap3A_371 = tpu.vector_load %arg10[%swap3A_369, %swap3A_370] {strides = array<i32>} : memref<128x128xf32, #tpu.memory_space<vmem>>, vector<1x16xf32>,
      %swap3A_372 = vector.shape_cast %swap3A_371 : vector<1x16xf32> to vector<16xf32>
      %swap3A_373 = vector.shape_cast %add3A_368 : vector<16xf32> to vector<1x16xf32>
      tpu.vector_store %arg10[%swap3A_369, %swap3A_370], %swap3A_373 {strides = array<i32>} : memref<128x128xf32, #tpu.memory_space<vmem>>, vector<1x16xf32>,
      %get3A_374 = arith.constant 1 : i32
      %get3A_375 = arith.index_cast %get3A_374 : i32 to index
      %get3A_376 = arith.index_cast %scan3A_191 : i32 to index
      %get3A_377 = arith.constant 80 : index
      %get3A_378 = tpu.vector_load %arg9[%get3A_375, %get3A_376, %get3A_377] {strides = array<i32>} : memref<2x384x128xf32, #tpu.memory_space<vmem>>, vector<1x1x16xf32>,
      %get3A_379 = vector.shape_cast %get3A_378 : vector<1x1x16xf32> to vector<16xf32>
      %mul3A_380 = vector.broadcast %squeeze3A : f32 to vector<16xf32>
      %mul3A_381 = arith.mulf %get3A_379, %mul3A_380 : vector<16xf32>
      %add3A_382 = arith.constant 128 : i32
      %add3A_383 = arith.addi %add3A_382, %scan3A_191 : i32
      %get3A_384 = arith.constant 1 : i32
      %get3A_385 = arith.index_cast %get3A_384 : i32 to index
      %get3A_386 = arith.index_cast %add3A_383 : i32 to index
      %get3A_387 = arith.constant 80 : index
      %get3A_388 = tpu.vector_load %arg9[%get3A_385, %get3A_386, %get3A_387] {strides = array<i32>} : memref<2x384x128xf32, #tpu.memory_space<vmem>>, vector<1x1x16xf32>,
      %get3A_389 = vector.shape_cast %get3A_388 : vector<1x1x16xf32> to vector<16xf32>
      %mul3A_390 = vector.broadcast %squeeze3A_197 : f32 to vector<16xf32>
      %mul3A_391 = arith.mulf %get3A_389, %mul3A_390 : vector<16xf32>
      %add3A_392 = arith.addf %mul3A_381, %mul3A_391 : vector<16xf32>
      %add3A_393 = arith.constant 256 : i32
      %add3A_394 = arith.addi %add3A_393, %scan3A_191 : i32
      %get3A_395 = arith.constant 1 : i32
      %get3A_396 = arith.index_cast %get3A_395 : i32 to index
      %get3A_397 = arith.index_cast %add3A_394 : i32 to index
      %get3A_398 = arith.constant 80 : index
      %get3A_399 = tpu.vector_load %arg9[%get3A_396, %get3A_397, %get3A_398] {strides = array<i32>} : memref<2x384x128xf32, #tpu.memory_space<vmem>>, vector<1x1x16xf32>,
      %get3A_400 = vector.shape_cast %get3A_399 : vector<1x1x16xf32> to vector<16xf32>
      %mul3A_401 = vector.broadcast %squeeze3A_199 : f32 to vector<16xf32>
      %mul3A_402 = arith.mulf %get3A_400, %mul3A_401 : vector<16xf32>
      %add3A_403 = arith.addf %add3A_392, %mul3A_402 : vector<16xf32>
      %swap3A_404 = arith.index_cast %scan3A_191 : i32 to index
      %swap3A_405 = arith.constant 80 : index
      %swap3A_406 = tpu.vector_load %arg10[%swap3A_404, %swap3A_405] {strides = array<i32>} : memref<128x128xf32, #tpu.memory_space<vmem>>, vector<1x16xf32>,
      %swap3A_407 = vector.shape_cast %swap3A_406 : vector<1x16xf32> to vector<16xf32>
      %swap3A_408 = vector.shape_cast %add3A_403 : vector<16xf32> to vector<1x16xf32>
      tpu.vector_store %arg10[%swap3A_404, %swap3A_405], %swap3A_408 {strides = array<i32>} : memref<128x128xf32, #tpu.memory_space<vmem>>, vector<1x16xf32>,
      %get3A_409 = arith.constant 1 : i32
      %get3A_410 = arith.index_cast %get3A_409 : i32 to index
      %get3A_411 = arith.index_cast %scan3A_191 : i32 to index
      %get3A_412 = arith.constant 96 : index
      %get3A_413 = tpu.vector_load %arg9[%get3A_410, %get3A_411, %get3A_412] {strides = array<i32>} : memref<2x384x128xf32, #tpu.memory_space<vmem>>, vector<1x1x16xf32>,
      %get3A_414 = vector.shape_cast %get3A_413 : vector<1x1x16xf32> to vector<16xf32>
      %mul3A_415 = vector.broadcast %squeeze3A : f32 to vector<16xf32>
      %mul3A_416 = arith.mulf %get3A_414, %mul3A_415 : vector<16xf32>
      %add3A_417 = arith.constant 128 : i32
      %add3A_418 = arith.addi %add3A_417, %scan3A_191 : i32
      %get3A_419 = arith.constant 1 : i32
      %get3A_420 = arith.index_cast %get3A_419 : i32 to index
      %get3A_421 = arith.index_cast %add3A_418 : i32 to index
      %get3A_422 = arith.constant 96 : index
      %get3A_423 = tpu.vector_load %arg9[%get3A_420, %get3A_421, %get3A_422] {strides = array<i32>} : memref<2x384x128xf32, #tpu.memory_space<vmem>>, vector<1x1x16xf32>,
      %get3A_424 = vector.shape_cast %get3A_423 : vector<1x1x16xf32> to vector<16xf32>
      %mul3A_425 = vector.broadcast %squeeze3A_197 : f32 to vector<16xf32>
      %mul3A_426 = arith.mulf %get3A_424, %mul3A_425 : vector<16xf32>
      %add3A_427 = arith.addf %mul3A_416, %mul3A_426 : vector<16xf32>
      %add3A_428 = arith.constant 256 : i32
      %add3A_429 = arith.addi %add3A_428, %scan3A_191 : i32
      %get3A_430 = arith.constant 1 : i32
      %get3A_431 = arith.index_cast %get3A_430 : i32 to index
      %get3A_432 = arith.index_cast %add3A_429 : i32 to index
      %get3A_433 = arith.constant 96 : index
      %get3A_434 = tpu.vector_load %arg9[%get3A_431, %get3A_432, %get3A_433] {strides = array<i32>} : memref<2x384x128xf32, #tpu.memory_space<vmem>>, vector<1x1x16xf32>,
      %get3A_435 = vector.shape_cast %get3A_434 : vector<1x1x16xf32> to vector<16xf32>
      %mul3A_436 = vector.broadcast %squeeze3A_199 : f32 to vector<16xf32>
      %mul3A_437 = arith.mulf %get3A_435, %mul3A_436 : vector<16xf32>
      %add3A_438 = arith.addf %add3A_427, %mul3A_437 : vector<16xf32>
      %swap3A_439 = arith.index_cast %scan3A_191 : i32 to index
      %swap3A_440 = arith.constant 96 : index
      %swap3A_441 = tpu.vector_load %arg10[%swap3A_439, %swap3A_440] {strides = array<i32>} : memref<128x128xf32, #tpu.memory_space<vmem>>, vector<1x16xf32>,
      %swap3A_442 = vector.shape_cast %swap3A_441 : vector<1x16xf32> to vector<16xf32>
      %swap3A_443 = vector.shape_cast %add3A_438 : vector<16xf32> to vector<1x16xf32>
      tpu.vector_store %arg10[%swap3A_439, %swap3A_440], %swap3A_443 {strides = array<i32>} : memref<128x128xf32, #tpu.memory_space<vmem>>, vector<1x16xf32>,
      %get3A_444 = arith.constant 1 : i32
      %get3A_445 = arith.index_cast %get3A_444 : i32 to index
      %get3A_446 = arith.index_cast %scan3A_191 : i32 to index
      %get3A_447 = arith.constant 112 : index
      %get3A_448 = tpu.vector_load %arg9[%get3A_445, %get3A_446, %get3A_447] {strides = array<i32>} : memref<2x384x128xf32, #tpu.memory_space<vmem>>, vector<1x1x16xf32>,
      %get3A_449 = vector.shape_cast %get3A_448 : vector<1x1x16xf32> to vector<16xf32>
      %mul3A_450 = vector.broadcast %squeeze3A : f32 to vector<16xf32>
      %mul3A_451 = arith.mulf %get3A_449, %mul3A_450 : vector<16xf32>
      %add3A_452 = arith.constant 128 : i32
      %add3A_453 = arith.addi %add3A_452, %scan3A_191 : i32
      %get3A_454 = arith.constant 1 : i32
      %get3A_455 = arith.index_cast %get3A_454 : i32 to index
      %get3A_456 = arith.index_cast %add3A_453 : i32 to index
      %get3A_457 = arith.constant 112 : index
      %get3A_458 = tpu.vector_load %arg9[%get3A_455, %get3A_456, %get3A_457] {strides = array<i32>} : memref<2x384x128xf32, #tpu.memory_space<vmem>>, vector<1x1x16xf32>,
      %get3A_459 = vector.shape_cast %get3A_458 : vector<1x1x16xf32> to vector<16xf32>
      %mul3A_460 = vector.broadcast %squeeze3A_197 : f32 to vector<16xf32>
      %mul3A_461 = arith.mulf %get3A_459, %mul3A_460 : vector<16xf32>
      %add3A_462 = arith.addf %mul3A_451, %mul3A_461 : vector<16xf32>
      %add3A_463 = arith.constant 256 : i32
      %add3A_464 = arith.addi %add3A_463, %scan3A_191 : i32
      %get3A_465 = arith.constant 1 : i32
      %get3A_466 = arith.index_cast %get3A_465 : i32 to index
      %get3A_467 = arith.index_cast %add3A_464 : i32 to index
      %get3A_468 = arith.constant 112 : index
      %get3A_469 = tpu.vector_load %arg9[%get3A_466, %get3A_467, %get3A_468] {strides = array<i32>} : memref<2x384x128xf32, #tpu.memory_space<vmem>>, vector<1x1x16xf32>,
      %get3A_470 = vector.shape_cast %get3A_469 : vector<1x1x16xf32> to vector<16xf32>
      %mul3A_471 = vector.broadcast %squeeze3A_199 : f32 to vector<16xf32>
      %mul3A_472 = arith.mulf %get3A_470, %mul3A_471 : vector<16xf32>
      %add3A_473 = arith.addf %add3A_462, %mul3A_472 : vector<16xf32>
      %swap3A_474 = arith.index_cast %scan3A_191 : i32 to index
      %swap3A_475 = arith.constant 112 : index
      %swap3A_476 = tpu.vector_load %arg10[%swap3A_474, %swap3A_475] {strides = array<i32>} : memref<128x128xf32, #tpu.memory_space<vmem>>, vector<1x16xf32>,
      %swap3A_477 = vector.shape_cast %swap3A_476 : vector<1x16xf32> to vector<16xf32>
      %swap3A_478 = vector.shape_cast %add3A_473 : vector<16xf32> to vector<1x16xf32>
      tpu.vector_store %arg10[%swap3A_474, %swap3A_475], %swap3A_478 {strides = array<i32>} : memref<128x128xf32, #tpu.memory_space<vmem>>, vector<1x16xf32>,
    }
    %scan3A_190 = arith.constant 128 : i32
    "tpu.region"() ({
      %run_scoped3A_191 = tpu.sem_alloc : memref<!tpu.dma_semaphore, #tpu.memory_space<semaphore_mem>>
      %dma_start3A_192 = arith.constant 0 : i32
      %dma_start3A_193 = tpu.memref_slice %arg5[%add3A_184, %dma_start3A_192] : memref<8192x128xf32, #tpu.memory_space<hbm>> -> memref<128x128xf32, #tpu.memory_space<hbm>>
      %dma_start3A_194 = arith.constant 0 : i32
      %dma_start3A_195 = tpu.memref_slice %arg5[%add3A_184, %dma_start3A_194] : memref<8192x128xf32, #tpu.memory_space<hbm>> -> memref<128x128xf32, #tpu.memory_space<hbm>>
      tpu.enqueue_dma source(%arg10 : memref<128x128xf32, #tpu.memory_space<vmem>>) target(%dma_start3A_195 : memref<128x128xf32, #tpu.memory_space<hbm>>) target_semaphore(%run_scoped3A_191 : memref<!tpu.dma_semaphore, #tpu.memory_space<semaphore_mem>>)
      %dma_wait3A_196 = arith.constant 0 : i32
      %dma_wait3A_197 = tpu.memref_slice %arg5[%add3A_184, %dma_wait3A_196] : memref<8192x128xf32, #tpu.memory_space<hbm>> -> memref<128x128xf32, #tpu.memory_space<hbm>>
      %dma_wait3A_198 = arith.constant 0 : i32
      %dma_wait3A_199 = tpu.memref_slice %arg5[%add3A_184, %dma_wait3A_198] : memref<8192x128xf32, #tpu.memory_space<hbm>> -> memref<128x128xf32, #tpu.memory_space<hbm>>
      tpu.wait_dma2 semaphore(%run_scoped3A_191 : memref<!tpu.dma_semaphore, #tpu.memory_space<semaphore_mem>>) src(%arg10 : memref<128x128xf32, #tpu.memory_space<vmem>>) dst(%dma_wait3A_199 : memref<128x128xf32, #tpu.memory_space<hbm>>)
      tpu.yield
    }) : () -> ()
    return
  }
}

#map = affine_map<(d0, d1) -> (0, 0)>
#map1 = affine_map<(d0, d1) -> (0)>
module attributes {stable_mosaic.version = 14 : i64} {
  func.func @_interp_sc(%arg0: i32, %arg1: i32, %arg2: memref<2048x128xf32, #tpu.memory_space<hbm>>, %arg3: memref<24576xi32, #tpu.memory_space<hbm>>, %arg4: memref<24576xf32, #tpu.memory_space<hbm>>, %arg5: memref<8192x128xf32, #tpu.memory_space<hbm>>, %arg6: memref<2x384xi32, #tpu.memory_space<vmem>>, %arg7: memref<400xf32, #tpu.memory_space<vmem>>, %arg8: memref<400xf32, #tpu.memory_space<vmem>>, %arg9: memref<2x384x128xf32, #tpu.memory_space<vmem>>, %arg10: memref<128x128xf32, #tpu.memory_space<vmem>>, %arg11: memref<!tpu.dma_semaphore, #tpu.memory_space<semaphore_mem>>, %arg12: memref<!tpu.dma_semaphore, #tpu.memory_space<semaphore_mem>>) attributes {dimension_semantics = [#tpu.dimension_semantics<core_parallel>, #tpu.dimension_semantics<subcore_parallel>], iteration_bounds = array<i64: 2, 16>, scalar_prefetch = 0 : i64, scratch_operands = 7 : i64, tpu.core_type = #tpu.core_type<sc_vector_subcore>, window_params = [{transform_indices = #map}, {transform_indices = #map1}, {transform_indices = #map1}, {transform_indices = #map}]} {
    %mul3A = arith.constant 2 : i32
    %mul3A_0 = arith.muli %arg1, %mul3A : i32
    %add3A = arith.addi %mul3A_0, %arg0 : i32
    %mul3A_1 = arith.constant 256 : i32
    %mul3A_2 = arith.muli %add3A, %mul3A_1 : i32
    %add3A_3 = arith.constant 0 : i32
    %add3A_4 = arith.addi %mul3A_2, %add3A_3 : i32
    %mul3A_5 = arith.constant 3 : i32
    %mul3A_6 = arith.muli %add3A_4, %mul3A_5 : i32
    "tpu.region"() ({
      %run_scoped3A_191 = tpu.sem_alloc : memref<!tpu.dma_semaphore, #tpu.memory_space<semaphore_mem>>
      %dma_start3A_192 = arith.constant 0 : i32
      %dma_start3A_193 = tpu.memref_slice %arg7[%dma_start3A_192] : memref<400xf32, #tpu.memory_space<vmem>> -> memref<384xf32, #tpu.memory_space<vmem>>
      %dma_start3A_194 = tpu.memref_slice %arg4[%mul3A_6] : memref<24576xf32, #tpu.memory_space<hbm>> -> memref<384xf32, #tpu.memory_space<hbm>>
      %dma_start3A_195 = arith.constant 0 : i32
      %dma_start3A_196 = tpu.memref_slice %arg7[%dma_start3A_195] : memref<400xf32, #tpu.memory_space<vmem>> -> memref<384xf32, #tpu.memory_space<vmem>>
      %dma_start3A_197 = tpu.memref_slice %arg4[%mul3A_6] : memref<24576xf32, #tpu.memory_space<hbm>> -> memref<384xf32, #tpu.memory_space<hbm>>
      tpu.enqueue_dma source(%dma_start3A_197 : memref<384xf32, #tpu.memory_space<hbm>>) target(%dma_start3A_196 : memref<384xf32, #tpu.memory_space<vmem>>) target_semaphore(%run_scoped3A_191 : memref<!tpu.dma_semaphore, #tpu.memory_space<semaphore_mem>>)
      %dma_wait3A_198 = arith.constant 0 : i32
      %dma_wait3A_199 = tpu.memref_slice %arg7[%dma_wait3A_198] : memref<400xf32, #tpu.memory_space<vmem>> -> memref<384xf32, #tpu.memory_space<vmem>>
      %dma_wait3A_200 = tpu.memref_slice %arg4[%mul3A_6] : memref<24576xf32, #tpu.memory_space<hbm>> -> memref<384xf32, #tpu.memory_space<hbm>>
      %dma_wait3A_201 = arith.constant 0 : i32
      %dma_wait3A_202 = tpu.memref_slice %arg7[%dma_wait3A_201] : memref<400xf32, #tpu.memory_space<vmem>> -> memref<384xf32, #tpu.memory_space<vmem>>
      %dma_wait3A_203 = tpu.memref_slice %arg4[%mul3A_6] : memref<24576xf32, #tpu.memory_space<hbm>> -> memref<384xf32, #tpu.memory_space<hbm>>
      tpu.wait_dma2 semaphore(%run_scoped3A_191 : memref<!tpu.dma_semaphore, #tpu.memory_space<semaphore_mem>>) src(%dma_wait3A_203 : memref<384xf32, #tpu.memory_space<hbm>>) dst(%dma_wait3A_202 : memref<384xf32, #tpu.memory_space<vmem>>)
      tpu.yield
    }) : () -> ()
    %add3A_7 = arith.constant 0 : i32
    %add3A_8 = arith.addi %add3A_7, %add3A_4 : i32
    %run_scoped3A = arith.constant 0 : i32
    "tpu.region"() ({
      %run_scoped3A_191 = tpu.sem_alloc : memref<!tpu.dma_semaphore, #tpu.memory_space<semaphore_mem>>
      %dma_start3A_192 = arith.constant 0 : i32
      %dma_start3A_193 = tpu.memref_slice %arg6[%run_scoped3A, %dma_start3A_192] : memref<2x384xi32, #tpu.memory_space<vmem>> -> memref<1x128xi32, #tpu.memory_space<vmem>>
      %dma_start3A_194 = tpu.memref_squeeze %dma_start3A_193 : memref<1x128xi32, #tpu.memory_space<vmem>> -> memref<128xi32, #tpu.memory_space<vmem>>
      %dma_start3A_195 = tpu.memref_slice %arg3[%add3A_8] : memref<24576xi32, #tpu.memory_space<hbm>> -> memref<128xi32, #tpu.memory_space<hbm>>
      %dma_start3A_196 = arith.constant 0 : i32
      %dma_start3A_197 = tpu.memref_slice %arg6[%run_scoped3A, %dma_start3A_196] : memref<2x384xi32, #tpu.memory_space<vmem>> -> memref<1x128xi32, #tpu.memory_space<vmem>>
      %dma_start3A_198 = tpu.memref_squeeze %dma_start3A_197 : memref<1x128xi32, #tpu.memory_space<vmem>> -> memref<128xi32, #tpu.memory_space<vmem>>
      %dma_start3A_199 = tpu.memref_slice %arg3[%add3A_8] : memref<24576xi32, #tpu.memory_space<hbm>> -> memref<128xi32, #tpu.memory_space<hbm>>
      tpu.enqueue_dma source(%dma_start3A_199 : memref<128xi32, #tpu.memory_space<hbm>>) target(%dma_start3A_198 : memref<128xi32, #tpu.memory_space<vmem>>) target_semaphore(%run_scoped3A_191 : memref<!tpu.dma_semaphore, #tpu.memory_space<semaphore_mem>>)
      %dma_wait3A_200 = arith.constant 0 : i32
      %dma_wait3A_201 = tpu.memref_slice %arg6[%run_scoped3A, %dma_wait3A_200] : memref<2x384xi32, #tpu.memory_space<vmem>> -> memref<1x128xi32, #tpu.memory_space<vmem>>
      %dma_wait3A_202 = tpu.memref_squeeze %dma_wait3A_201 : memref<1x128xi32, #tpu.memory_space<vmem>> -> memref<128xi32, #tpu.memory_space<vmem>>
      %dma_wait3A_203 = tpu.memref_slice %arg3[%add3A_8] : memref<24576xi32, #tpu.memory_space<hbm>> -> memref<128xi32, #tpu.memory_space<hbm>>
      %dma_wait3A_204 = arith.constant 0 : i32
      %dma_wait3A_205 = tpu.memref_slice %arg6[%run_scoped3A, %dma_wait3A_204] : memref<2x384xi32, #tpu.memory_space<vmem>> -> memref<1x128xi32, #tpu.memory_space<vmem>>
      %dma_wait3A_206 = tpu.memref_squeeze %dma_wait3A_205 : memref<1x128xi32, #tpu.memory_space<vmem>> -> memref<128xi32, #tpu.memory_space<vmem>>
      %dma_wait3A_207 = tpu.memref_slice %arg3[%add3A_8] : memref<24576xi32, #tpu.memory_space<hbm>> -> memref<128xi32, #tpu.memory_space<hbm>>
      tpu.wait_dma2 semaphore(%run_scoped3A_191 : memref<!tpu.dma_semaphore, #tpu.memory_space<semaphore_mem>>) src(%dma_wait3A_207 : memref<128xi32, #tpu.memory_space<hbm>>) dst(%dma_wait3A_206 : memref<128xi32, #tpu.memory_space<vmem>>)
      tpu.yield
    }) : () -> ()
    %dma_start3A = arith.constant 0 : i32
    %dma_start3A_9 = arith.constant 0 : i32
    %dma_start3A_10 = arith.constant 0 : i32
    %dma_start3A_11 = arith.constant 0 : i32
    %dma_start3A_12 = tpu.memref_slice %arg9[%dma_start3A_9, %dma_start3A_10, %dma_start3A_11] : memref<2x384x128xf32, #tpu.memory_space<vmem>> -> memref<1x128x128xf32, #tpu.memory_space<vmem>>
    %dma_start3A_13 = tpu.memref_squeeze %dma_start3A_12 : memref<1x128x128xf32, #tpu.memory_space<vmem>> -> memref<128x128xf32, #tpu.memory_space<vmem>>
    %dma_start3A_14 = arith.constant 0 : i32
    %dma_start3A_15 = tpu.memref_slice %arg6[%dma_start3A, %dma_start3A_14] : memref<2x384xi32, #tpu.memory_space<vmem>> -> memref<1x128xi32, #tpu.memory_space<vmem>>
    %dma_start3A_16 = tpu.memref_squeeze %dma_start3A_15 : memref<1x128xi32, #tpu.memory_space<vmem>> -> memref<128xi32, #tpu.memory_space<vmem>>
    %dma_start3A_17 = arith.constant 0 : i32
    %dma_start3A_18 = arith.constant 0 : i32
    %dma_start3A_19 = tpu.memref_slice %arg2[%dma_start3A_17, %dma_start3A_18] : memref<2048x128xf32, #tpu.memory_space<hbm>> -> memref<2048x128xf32, #tpu.memory_space<hbm>>
    tpu.enqueue_indirect_dma source(%dma_start3A_19 : memref<2048x128xf32, #tpu.memory_space<hbm>>) target(%dma_start3A_13 : memref<128x128xf32, #tpu.memory_space<vmem>>) offsets(%dma_start3A_16 : memref<128xi32, #tpu.memory_space<vmem>>) semaphore(%arg11 : memref<!tpu.dma_semaphore, #tpu.memory_space<semaphore_mem>>)
    %add3A_20 = arith.constant 8192 : i32
    %add3A_21 = arith.addi %add3A_20, %add3A_4 : i32
    %run_scoped3A_22 = arith.constant 0 : i32
    "tpu.region"() ({
      %run_scoped3A_191 = tpu.sem_alloc : memref<!tpu.dma_semaphore, #tpu.memory_space<semaphore_mem>>
      %dma_start3A_192 = arith.constant 128 : i32
      %dma_start3A_193 = tpu.memref_slice %arg6[%run_scoped3A_22, %dma_start3A_192] : memref<2x384xi32, #tpu.memory_space<vmem>> -> memref<1x128xi32, #tpu.memory_space<vmem>>
      %dma_start3A_194 = tpu.memref_squeeze %dma_start3A_193 : memref<1x128xi32, #tpu.memory_space<vmem>> -> memref<128xi32, #tpu.memory_space<vmem>>
      %dma_start3A_195 = tpu.memref_slice %arg3[%add3A_21] : memref<24576xi32, #tpu.memory_space<hbm>> -> memref<128xi32, #tpu.memory_space<hbm>>
      %dma_start3A_196 = arith.constant 128 : i32
      %dma_start3A_197 = tpu.memref_slice %arg6[%run_scoped3A_22, %dma_start3A_196] : memref<2x384xi32, #tpu.memory_space<vmem>> -> memref<1x128xi32, #tpu.memory_space<vmem>>
      %dma_start3A_198 = tpu.memref_squeeze %dma_start3A_197 : memref<1x128xi32, #tpu.memory_space<vmem>> -> memref<128xi32, #tpu.memory_space<vmem>>
      %dma_start3A_199 = tpu.memref_slice %arg3[%add3A_21] : memref<24576xi32, #tpu.memory_space<hbm>> -> memref<128xi32, #tpu.memory_space<hbm>>
      tpu.enqueue_dma source(%dma_start3A_199 : memref<128xi32, #tpu.memory_space<hbm>>) target(%dma_start3A_198 : memref<128xi32, #tpu.memory_space<vmem>>) target_semaphore(%run_scoped3A_191 : memref<!tpu.dma_semaphore, #tpu.memory_space<semaphore_mem>>)
      %dma_wait3A_200 = arith.constant 128 : i32
      %dma_wait3A_201 = tpu.memref_slice %arg6[%run_scoped3A_22, %dma_wait3A_200] : memref<2x384xi32, #tpu.memory_space<vmem>> -> memref<1x128xi32, #tpu.memory_space<vmem>>
      %dma_wait3A_202 = tpu.memref_squeeze %dma_wait3A_201 : memref<1x128xi32, #tpu.memory_space<vmem>> -> memref<128xi32, #tpu.memory_space<vmem>>
      %dma_wait3A_203 = tpu.memref_slice %arg3[%add3A_21] : memref<24576xi32, #tpu.memory_space<hbm>> -> memref<128xi32, #tpu.memory_space<hbm>>
      %dma_wait3A_204 = arith.constant 128 : i32
      %dma_wait3A_205 = tpu.memref_slice %arg6[%run_scoped3A_22, %dma_wait3A_204] : memref<2x384xi32, #tpu.memory_space<vmem>> -> memref<1x128xi32, #tpu.memory_space<vmem>>
      %dma_wait3A_206 = tpu.memref_squeeze %dma_wait3A_205 : memref<1x128xi32, #tpu.memory_space<vmem>> -> memref<128xi32, #tpu.memory_space<vmem>>
      %dma_wait3A_207 = tpu.memref_slice %arg3[%add3A_21] : memref<24576xi32, #tpu.memory_space<hbm>> -> memref<128xi32, #tpu.memory_space<hbm>>
      tpu.wait_dma2 semaphore(%run_scoped3A_191 : memref<!tpu.dma_semaphore, #tpu.memory_space<semaphore_mem>>) src(%dma_wait3A_207 : memref<128xi32, #tpu.memory_space<hbm>>) dst(%dma_wait3A_206 : memref<128xi32, #tpu.memory_space<vmem>>)
      tpu.yield
    }) : () -> ()
    %dma_start3A_23 = arith.constant 0 : i32
    %dma_start3A_24 = arith.constant 0 : i32
    %dma_start3A_25 = arith.constant 128 : i32
    %dma_start3A_26 = arith.constant 0 : i32
    %dma_start3A_27 = tpu.memref_slice %arg9[%dma_start3A_24, %dma_start3A_25, %dma_start3A_26] : memref<2x384x128xf32, #tpu.memory_space<vmem>> -> memref<1x128x128xf32, #tpu.memory_space<vmem>>
    %dma_start3A_28 = tpu.memref_squeeze %dma_start3A_27 : memref<1x128x128xf32, #tpu.memory_space<vmem>> -> memref<128x128xf32, #tpu.memory_space<vmem>>
    %dma_start3A_29 = arith.constant 128 : i32
    %dma_start3A_30 = tpu.memref_slice %arg6[%dma_start3A_23, %dma_start3A_29] : memref<2x384xi32, #tpu.memory_space<vmem>> -> memref<1x128xi32, #tpu.memory_space<vmem>>
    %dma_start3A_31 = tpu.memref_squeeze %dma_start3A_30 : memref<1x128xi32, #tpu.memory_space<vmem>> -> memref<128xi32, #tpu.memory_space<vmem>>
    %dma_start3A_32 = arith.constant 0 : i32
    %dma_start3A_33 = arith.constant 0 : i32
    %dma_start3A_34 = tpu.memref_slice %arg2[%dma_start3A_32, %dma_start3A_33] : memref<2048x128xf32, #tpu.memory_space<hbm>> -> memref<2048x128xf32, #tpu.memory_space<hbm>>
    tpu.enqueue_indirect_dma source(%dma_start3A_34 : memref<2048x128xf32, #tpu.memory_space<hbm>>) target(%dma_start3A_28 : memref<128x128xf32, #tpu.memory_space<vmem>>) offsets(%dma_start3A_31 : memref<128xi32, #tpu.memory_space<vmem>>) semaphore(%arg11 : memref<!tpu.dma_semaphore, #tpu.memory_space<semaphore_mem>>)
    %add3A_35 = arith.constant 16384 : i32
    %add3A_36 = arith.addi %add3A_35, %add3A_4 : i32
    %run_scoped3A_37 = arith.constant 0 : i32
    "tpu.region"() ({
      %run_scoped3A_191 = tpu.sem_alloc : memref<!tpu.dma_semaphore, #tpu.memory_space<semaphore_mem>>
      %dma_start3A_192 = arith.constant 256 : i32
      %dma_start3A_193 = tpu.memref_slice %arg6[%run_scoped3A_37, %dma_start3A_192] : memref<2x384xi32, #tpu.memory_space<vmem>> -> memref<1x128xi32, #tpu.memory_space<vmem>>
      %dma_start3A_194 = tpu.memref_squeeze %dma_start3A_193 : memref<1x128xi32, #tpu.memory_space<vmem>> -> memref<128xi32, #tpu.memory_space<vmem>>
      %dma_start3A_195 = tpu.memref_slice %arg3[%add3A_36] : memref<24576xi32, #tpu.memory_space<hbm>> -> memref<128xi32, #tpu.memory_space<hbm>>
      %dma_start3A_196 = arith.constant 256 : i32
      %dma_start3A_197 = tpu.memref_slice %arg6[%run_scoped3A_37, %dma_start3A_196] : memref<2x384xi32, #tpu.memory_space<vmem>> -> memref<1x128xi32, #tpu.memory_space<vmem>>
      %dma_start3A_198 = tpu.memref_squeeze %dma_start3A_197 : memref<1x128xi32, #tpu.memory_space<vmem>> -> memref<128xi32, #tpu.memory_space<vmem>>
      %dma_start3A_199 = tpu.memref_slice %arg3[%add3A_36] : memref<24576xi32, #tpu.memory_space<hbm>> -> memref<128xi32, #tpu.memory_space<hbm>>
      tpu.enqueue_dma source(%dma_start3A_199 : memref<128xi32, #tpu.memory_space<hbm>>) target(%dma_start3A_198 : memref<128xi32, #tpu.memory_space<vmem>>) target_semaphore(%run_scoped3A_191 : memref<!tpu.dma_semaphore, #tpu.memory_space<semaphore_mem>>)
      %dma_wait3A_200 = arith.constant 256 : i32
      %dma_wait3A_201 = tpu.memref_slice %arg6[%run_scoped3A_37, %dma_wait3A_200] : memref<2x384xi32, #tpu.memory_space<vmem>> -> memref<1x128xi32, #tpu.memory_space<vmem>>
      %dma_wait3A_202 = tpu.memref_squeeze %dma_wait3A_201 : memref<1x128xi32, #tpu.memory_space<vmem>> -> memref<128xi32, #tpu.memory_space<vmem>>
      %dma_wait3A_203 = tpu.memref_slice %arg3[%add3A_36] : memref<24576xi32, #tpu.memory_space<hbm>> -> memref<128xi32, #tpu.memory_space<hbm>>
      %dma_wait3A_204 = arith.constant 256 : i32
      %dma_wait3A_205 = tpu.memref_slice %arg6[%run_scoped3A_37, %dma_wait3A_204] : memref<2x384xi32, #tpu.memory_space<vmem>> -> memref<1x128xi32, #tpu.memory_space<vmem>>
      %dma_wait3A_206 = tpu.memref_squeeze %dma_wait3A_205 : memref<1x128xi32, #tpu.memory_space<vmem>> -> memref<128xi32, #tpu.memory_space<vmem>>
      %dma_wait3A_207 = tpu.memref_slice %arg3[%add3A_36] : memref<24576xi32, #tpu.memory_space<hbm>> -> memref<128xi32, #tpu.memory_space<hbm>>
      tpu.wait_dma2 semaphore(%run_scoped3A_191 : memref<!tpu.dma_semaphore, #tpu.memory_space<semaphore_mem>>) src(%dma_wait3A_207 : memref<128xi32, #tpu.memory_space<hbm>>) dst(%dma_wait3A_206 : memref<128xi32, #tpu.memory_space<vmem>>)
      tpu.yield
    }) : () -> ()
    %dma_start3A_38 = arith.constant 0 : i32
    %dma_start3A_39 = arith.constant 0 : i32
    %dma_start3A_40 = arith.constant 256 : i32
    %dma_start3A_41 = arith.constant 0 : i32
    %dma_start3A_42 = tpu.memref_slice %arg9[%dma_start3A_39, %dma_start3A_40, %dma_start3A_41] : memref<2x384x128xf32, #tpu.memory_space<vmem>> -> memref<1x128x128xf32, #tpu.memory_space<vmem>>
    %dma_start3A_43 = tpu.memref_squeeze %dma_start3A_42 : memref<1x128x128xf32, #tpu.memory_space<vmem>> -> memref<128x128xf32, #tpu.memory_space<vmem>>
    %dma_start3A_44 = arith.constant 256 : i32
    %dma_start3A_45 = tpu.memref_slice %arg6[%dma_start3A_38, %dma_start3A_44] : memref<2x384xi32, #tpu.memory_space<vmem>> -> memref<1x128xi32, #tpu.memory_space<vmem>>
    %dma_start3A_46 = tpu.memref_squeeze %dma_start3A_45 : memref<1x128xi32, #tpu.memory_space<vmem>> -> memref<128xi32, #tpu.memory_space<vmem>>
    %dma_start3A_47 = arith.constant 0 : i32
    %dma_start3A_48 = arith.constant 0 : i32
    %dma_start3A_49 = tpu.memref_slice %arg2[%dma_start3A_47, %dma_start3A_48] : memref<2048x128xf32, #tpu.memory_space<hbm>> -> memref<2048x128xf32, #tpu.memory_space<hbm>>
    tpu.enqueue_indirect_dma source(%dma_start3A_49 : memref<2048x128xf32, #tpu.memory_space<hbm>>) target(%dma_start3A_43 : memref<128x128xf32, #tpu.memory_space<vmem>>) offsets(%dma_start3A_46 : memref<128xi32, #tpu.memory_space<vmem>>) semaphore(%arg11 : memref<!tpu.dma_semaphore, #tpu.memory_space<semaphore_mem>>)
    %mul3A_50 = arith.constant 256 : i32
    %mul3A_51 = arith.muli %add3A, %mul3A_50 : i32
    %add3A_52 = arith.constant 128 : i32
    %add3A_53 = arith.addi %mul3A_51, %add3A_52 : i32
    %mul3A_54 = arith.constant 3 : i32
    %mul3A_55 = arith.muli %add3A_53, %mul3A_54 : i32
    "tpu.region"() ({
      %run_scoped3A_191 = tpu.sem_alloc : memref<!tpu.dma_semaphore, #tpu.memory_space<semaphore_mem>>
      %dma_start3A_192 = arith.constant 0 : i32
      %dma_start3A_193 = tpu.memref_slice %arg8[%dma_start3A_192] : memref<400xf32, #tpu.memory_space<vmem>> -> memref<384xf32, #tpu.memory_space<vmem>>
      %dma_start3A_194 = tpu.memref_slice %arg4[%mul3A_55] : memref<24576xf32, #tpu.memory_space<hbm>> -> memref<384xf32, #tpu.memory_space<hbm>>
      %dma_start3A_195 = arith.constant 0 : i32
      %dma_start3A_196 = tpu.memref_slice %arg8[%dma_start3A_195] : memref<400xf32, #tpu.memory_space<vmem>> -> memref<384xf32, #tpu.memory_space<vmem>>
      %dma_start3A_197 = tpu.memref_slice %arg4[%mul3A_55] : memref<24576xf32, #tpu.memory_space<hbm>> -> memref<384xf32, #tpu.memory_space<hbm>>
      tpu.enqueue_dma source(%dma_start3A_197 : memref<384xf32, #tpu.memory_space<hbm>>) target(%dma_start3A_196 : memref<384xf32, #tpu.memory_space<vmem>>) target_semaphore(%run_scoped3A_191 : memref<!tpu.dma_semaphore, #tpu.memory_space<semaphore_mem>>)
      %dma_wait3A_198 = arith.constant 0 : i32
      %dma_wait3A_199 = tpu.memref_slice %arg8[%dma_wait3A_198] : memref<400xf32, #tpu.memory_space<vmem>> -> memref<384xf32, #tpu.memory_space<vmem>>
      %dma_wait3A_200 = tpu.memref_slice %arg4[%mul3A_55] : memref<24576xf32, #tpu.memory_space<hbm>> -> memref<384xf32, #tpu.memory_space<hbm>>
      %dma_wait3A_201 = arith.constant 0 : i32
      %dma_wait3A_202 = tpu.memref_slice %arg8[%dma_wait3A_201] : memref<400xf32, #tpu.memory_space<vmem>> -> memref<384xf32, #tpu.memory_space<vmem>>
      %dma_wait3A_203 = tpu.memref_slice %arg4[%mul3A_55] : memref<24576xf32, #tpu.memory_space<hbm>> -> memref<384xf32, #tpu.memory_space<hbm>>
      tpu.wait_dma2 semaphore(%run_scoped3A_191 : memref<!tpu.dma_semaphore, #tpu.memory_space<semaphore_mem>>) src(%dma_wait3A_203 : memref<384xf32, #tpu.memory_space<hbm>>) dst(%dma_wait3A_202 : memref<384xf32, #tpu.memory_space<vmem>>)
      tpu.yield
    }) : () -> ()
    %add3A_56 = arith.constant 0 : i32
    %add3A_57 = arith.addi %add3A_56, %add3A_53 : i32
    %run_scoped3A_58 = arith.constant 1 : i32
    "tpu.region"() ({
      %run_scoped3A_191 = tpu.sem_alloc : memref<!tpu.dma_semaphore, #tpu.memory_space<semaphore_mem>>
      %dma_start3A_192 = arith.constant 0 : i32
      %dma_start3A_193 = tpu.memref_slice %arg6[%run_scoped3A_58, %dma_start3A_192] : memref<2x384xi32, #tpu.memory_space<vmem>> -> memref<1x128xi32, #tpu.memory_space<vmem>>
      %dma_start3A_194 = tpu.memref_squeeze %dma_start3A_193 : memref<1x128xi32, #tpu.memory_space<vmem>> -> memref<128xi32, #tpu.memory_space<vmem>>
      %dma_start3A_195 = tpu.memref_slice %arg3[%add3A_57] : memref<24576xi32, #tpu.memory_space<hbm>> -> memref<128xi32, #tpu.memory_space<hbm>>
      %dma_start3A_196 = arith.constant 0 : i32
      %dma_start3A_197 = tpu.memref_slice %arg6[%run_scoped3A_58, %dma_start3A_196] : memref<2x384xi32, #tpu.memory_space<vmem>> -> memref<1x128xi32, #tpu.memory_space<vmem>>
      %dma_start3A_198 = tpu.memref_squeeze %dma_start3A_197 : memref<1x128xi32, #tpu.memory_space<vmem>> -> memref<128xi32, #tpu.memory_space<vmem>>
      %dma_start3A_199 = tpu.memref_slice %arg3[%add3A_57] : memref<24576xi32, #tpu.memory_space<hbm>> -> memref<128xi32, #tpu.memory_space<hbm>>
      tpu.enqueue_dma source(%dma_start3A_199 : memref<128xi32, #tpu.memory_space<hbm>>) target(%dma_start3A_198 : memref<128xi32, #tpu.memory_space<vmem>>) target_semaphore(%run_scoped3A_191 : memref<!tpu.dma_semaphore, #tpu.memory_space<semaphore_mem>>)
      %dma_wait3A_200 = arith.constant 0 : i32
      %dma_wait3A_201 = tpu.memref_slice %arg6[%run_scoped3A_58, %dma_wait3A_200] : memref<2x384xi32, #tpu.memory_space<vmem>> -> memref<1x128xi32, #tpu.memory_space<vmem>>
      %dma_wait3A_202 = tpu.memref_squeeze %dma_wait3A_201 : memref<1x128xi32, #tpu.memory_space<vmem>> -> memref<128xi32, #tpu.memory_space<vmem>>
      %dma_wait3A_203 = tpu.memref_slice %arg3[%add3A_57] : memref<24576xi32, #tpu.memory_space<hbm>> -> memref<128xi32, #tpu.memory_space<hbm>>
      %dma_wait3A_204 = arith.constant 0 : i32
      %dma_wait3A_205 = tpu.memref_slice %arg6[%run_scoped3A_58, %dma_wait3A_204] : memref<2x384xi32, #tpu.memory_space<vmem>> -> memref<1x128xi32, #tpu.memory_space<vmem>>
      %dma_wait3A_206 = tpu.memref_squeeze %dma_wait3A_205 : memref<1x128xi32, #tpu.memory_space<vmem>> -> memref<128xi32, #tpu.memory_space<vmem>>
      %dma_wait3A_207 = tpu.memref_slice %arg3[%add3A_57] : memref<24576xi32, #tpu.memory_space<hbm>> -> memref<128xi32, #tpu.memory_space<hbm>>
      tpu.wait_dma2 semaphore(%run_scoped3A_191 : memref<!tpu.dma_semaphore, #tpu.memory_space<semaphore_mem>>) src(%dma_wait3A_207 : memref<128xi32, #tpu.memory_space<hbm>>) dst(%dma_wait3A_206 : memref<128xi32, #tpu.memory_space<vmem>>)
      tpu.yield
    }) : () -> ()
    %dma_start3A_59 = arith.constant 1 : i32
    %dma_start3A_60 = arith.constant 1 : i32
    %dma_start3A_61 = arith.constant 0 : i32
    %dma_start3A_62 = arith.constant 0 : i32
    %dma_start3A_63 = tpu.memref_slice %arg9[%dma_start3A_60, %dma_start3A_61, %dma_start3A_62] : memref<2x384x128xf32, #tpu.memory_space<vmem>> -> memref<1x128x128xf32, #tpu.memory_space<vmem>>
    %dma_start3A_64 = tpu.memref_squeeze %dma_start3A_63 : memref<1x128x128xf32, #tpu.memory_space<vmem>> -> memref<128x128xf32, #tpu.memory_space<vmem>>
    %dma_start3A_65 = arith.constant 0 : i32
    %dma_start3A_66 = tpu.memref_slice %arg6[%dma_start3A_59, %dma_start3A_65] : memref<2x384xi32, #tpu.memory_space<vmem>> -> memref<1x128xi32, #tpu.memory_space<vmem>>
    %dma_start3A_67 = tpu.memref_squeeze %dma_start3A_66 : memref<1x128xi32, #tpu.memory_space<vmem>> -> memref<128xi32, #tpu.memory_space<vmem>>
    %dma_start3A_68 = arith.constant 0 : i32
    %dma_start3A_69 = arith.constant 0 : i32
    %dma_start3A_70 = tpu.memref_slice %arg2[%dma_start3A_68, %dma_start3A_69] : memref<2048x128xf32, #tpu.memory_space<hbm>> -> memref<2048x128xf32, #tpu.memory_space<hbm>>
    tpu.enqueue_indirect_dma source(%dma_start3A_70 : memref<2048x128xf32, #tpu.memory_space<hbm>>) target(%dma_start3A_64 : memref<128x128xf32, #tpu.memory_space<vmem>>) offsets(%dma_start3A_67 : memref<128xi32, #tpu.memory_space<vmem>>) semaphore(%arg12 : memref<!tpu.dma_semaphore, #tpu.memory_space<semaphore_mem>>)
    %add3A_71 = arith.constant 8192 : i32
    %add3A_72 = arith.addi %add3A_71, %add3A_53 : i32
    %run_scoped3A_73 = arith.constant 1 : i32
    "tpu.region"() ({
      %run_scoped3A_191 = tpu.sem_alloc : memref<!tpu.dma_semaphore, #tpu.memory_space<semaphore_mem>>
      %dma_start3A_192 = arith.constant 128 : i32
      %dma_start3A_193 = tpu.memref_slice %arg6[%run_scoped3A_73, %dma_start3A_192] : memref<2x384xi32, #tpu.memory_space<vmem>> -> memref<1x128xi32, #tpu.memory_space<vmem>>
      %dma_start3A_194 = tpu.memref_squeeze %dma_start3A_193 : memref<1x128xi32, #tpu.memory_space<vmem>> -> memref<128xi32, #tpu.memory_space<vmem>>
      %dma_start3A_195 = tpu.memref_slice %arg3[%add3A_72] : memref<24576xi32, #tpu.memory_space<hbm>> -> memref<128xi32, #tpu.memory_space<hbm>>
      %dma_start3A_196 = arith.constant 128 : i32
      %dma_start3A_197 = tpu.memref_slice %arg6[%run_scoped3A_73, %dma_start3A_196] : memref<2x384xi32, #tpu.memory_space<vmem>> -> memref<1x128xi32, #tpu.memory_space<vmem>>
      %dma_start3A_198 = tpu.memref_squeeze %dma_start3A_197 : memref<1x128xi32, #tpu.memory_space<vmem>> -> memref<128xi32, #tpu.memory_space<vmem>>
      %dma_start3A_199 = tpu.memref_slice %arg3[%add3A_72] : memref<24576xi32, #tpu.memory_space<hbm>> -> memref<128xi32, #tpu.memory_space<hbm>>
      tpu.enqueue_dma source(%dma_start3A_199 : memref<128xi32, #tpu.memory_space<hbm>>) target(%dma_start3A_198 : memref<128xi32, #tpu.memory_space<vmem>>) target_semaphore(%run_scoped3A_191 : memref<!tpu.dma_semaphore, #tpu.memory_space<semaphore_mem>>)
      %dma_wait3A_200 = arith.constant 128 : i32
      %dma_wait3A_201 = tpu.memref_slice %arg6[%run_scoped3A_73, %dma_wait3A_200] : memref<2x384xi32, #tpu.memory_space<vmem>> -> memref<1x128xi32, #tpu.memory_space<vmem>>
      %dma_wait3A_202 = tpu.memref_squeeze %dma_wait3A_201 : memref<1x128xi32, #tpu.memory_space<vmem>> -> memref<128xi32, #tpu.memory_space<vmem>>
      %dma_wait3A_203 = tpu.memref_slice %arg3[%add3A_72] : memref<24576xi32, #tpu.memory_space<hbm>> -> memref<128xi32, #tpu.memory_space<hbm>>
      %dma_wait3A_204 = arith.constant 128 : i32
      %dma_wait3A_205 = tpu.memref_slice %arg6[%run_scoped3A_73, %dma_wait3A_204] : memref<2x384xi32, #tpu.memory_space<vmem>> -> memref<1x128xi32, #tpu.memory_space<vmem>>
      %dma_wait3A_206 = tpu.memref_squeeze %dma_wait3A_205 : memref<1x128xi32, #tpu.memory_space<vmem>> -> memref<128xi32, #tpu.memory_space<vmem>>
      %dma_wait3A_207 = tpu.memref_slice %arg3[%add3A_72] : memref<24576xi32, #tpu.memory_space<hbm>> -> memref<128xi32, #tpu.memory_space<hbm>>
      tpu.wait_dma2 semaphore(%run_scoped3A_191 : memref<!tpu.dma_semaphore, #tpu.memory_space<semaphore_mem>>) src(%dma_wait3A_207 : memref<128xi32, #tpu.memory_space<hbm>>) dst(%dma_wait3A_206 : memref<128xi32, #tpu.memory_space<vmem>>)
      tpu.yield
    }) : () -> ()
    %dma_start3A_74 = arith.constant 1 : i32
    %dma_start3A_75 = arith.constant 1 : i32
    %dma_start3A_76 = arith.constant 128 : i32
    %dma_start3A_77 = arith.constant 0 : i32
    %dma_start3A_78 = tpu.memref_slice %arg9[%dma_start3A_75, %dma_start3A_76, %dma_start3A_77] : memref<2x384x128xf32, #tpu.memory_space<vmem>> -> memref<1x128x128xf32, #tpu.memory_space<vmem>>
    %dma_start3A_79 = tpu.memref_squeeze %dma_start3A_78 : memref<1x128x128xf32, #tpu.memory_space<vmem>> -> memref<128x128xf32, #tpu.memory_space<vmem>>
    %dma_start3A_80 = arith.constant 128 : i32
    %dma_start3A_81 = tpu.memref_slice %arg6[%dma_start3A_74, %dma_start3A_80] : memref<2x384xi32, #tpu.memory_space<vmem>> -> memref<1x128xi32, #tpu.memory_space<vmem>>
    %dma_start3A_82 = tpu.memref_squeeze %dma_start3A_81 : memref<1x128xi32, #tpu.memory_space<vmem>> -> memref<128xi32, #tpu.memory_space<vmem>>
    %dma_start3A_83 = arith.constant 0 : i32
    %dma_start3A_84 = arith.constant 0 : i32
    %dma_start3A_85 = tpu.memref_slice %arg2[%dma_start3A_83, %dma_start3A_84] : memref<2048x128xf32, #tpu.memory_space<hbm>> -> memref<2048x128xf32, #tpu.memory_space<hbm>>
    tpu.enqueue_indirect_dma source(%dma_start3A_85 : memref<2048x128xf32, #tpu.memory_space<hbm>>) target(%dma_start3A_79 : memref<128x128xf32, #tpu.memory_space<vmem>>) offsets(%dma_start3A_82 : memref<128xi32, #tpu.memory_space<vmem>>) semaphore(%arg12 : memref<!tpu.dma_semaphore, #tpu.memory_space<semaphore_mem>>)
    %add3A_86 = arith.constant 16384 : i32
    %add3A_87 = arith.addi %add3A_86, %add3A_53 : i32
    %run_scoped3A_88 = arith.constant 1 : i32
    "tpu.region"() ({
      %run_scoped3A_191 = tpu.sem_alloc : memref<!tpu.dma_semaphore, #tpu.memory_space<semaphore_mem>>
      %dma_start3A_192 = arith.constant 256 : i32
      %dma_start3A_193 = tpu.memref_slice %arg6[%run_scoped3A_88, %dma_start3A_192] : memref<2x384xi32, #tpu.memory_space<vmem>> -> memref<1x128xi32, #tpu.memory_space<vmem>>
      %dma_start3A_194 = tpu.memref_squeeze %dma_start3A_193 : memref<1x128xi32, #tpu.memory_space<vmem>> -> memref<128xi32, #tpu.memory_space<vmem>>
      %dma_start3A_195 = tpu.memref_slice %arg3[%add3A_87] : memref<24576xi32, #tpu.memory_space<hbm>> -> memref<128xi32, #tpu.memory_space<hbm>>
      %dma_start3A_196 = arith.constant 256 : i32
      %dma_start3A_197 = tpu.memref_slice %arg6[%run_scoped3A_88, %dma_start3A_196] : memref<2x384xi32, #tpu.memory_space<vmem>> -> memref<1x128xi32, #tpu.memory_space<vmem>>
      %dma_start3A_198 = tpu.memref_squeeze %dma_start3A_197 : memref<1x128xi32, #tpu.memory_space<vmem>> -> memref<128xi32, #tpu.memory_space<vmem>>
      %dma_start3A_199 = tpu.memref_slice %arg3[%add3A_87] : memref<24576xi32, #tpu.memory_space<hbm>> -> memref<128xi32, #tpu.memory_space<hbm>>
      tpu.enqueue_dma source(%dma_start3A_199 : memref<128xi32, #tpu.memory_space<hbm>>) target(%dma_start3A_198 : memref<128xi32, #tpu.memory_space<vmem>>) target_semaphore(%run_scoped3A_191 : memref<!tpu.dma_semaphore, #tpu.memory_space<semaphore_mem>>)
      %dma_wait3A_200 = arith.constant 256 : i32
      %dma_wait3A_201 = tpu.memref_slice %arg6[%run_scoped3A_88, %dma_wait3A_200] : memref<2x384xi32, #tpu.memory_space<vmem>> -> memref<1x128xi32, #tpu.memory_space<vmem>>
      %dma_wait3A_202 = tpu.memref_squeeze %dma_wait3A_201 : memref<1x128xi32, #tpu.memory_space<vmem>> -> memref<128xi32, #tpu.memory_space<vmem>>
      %dma_wait3A_203 = tpu.memref_slice %arg3[%add3A_87] : memref<24576xi32, #tpu.memory_space<hbm>> -> memref<128xi32, #tpu.memory_space<hbm>>
      %dma_wait3A_204 = arith.constant 256 : i32
      %dma_wait3A_205 = tpu.memref_slice %arg6[%run_scoped3A_88, %dma_wait3A_204] : memref<2x384xi32, #tpu.memory_space<vmem>> -> memref<1x128xi32, #tpu.memory_space<vmem>>
      %dma_wait3A_206 = tpu.memref_squeeze %dma_wait3A_205 : memref<1x128xi32, #tpu.memory_space<vmem>> -> memref<128xi32, #tpu.memory_space<vmem>>
      %dma_wait3A_207 = tpu.memref_slice %arg3[%add3A_87] : memref<24576xi32, #tpu.memory_space<hbm>> -> memref<128xi32, #tpu.memory_space<hbm>>
      tpu.wait_dma2 semaphore(%run_scoped3A_191 : memref<!tpu.dma_semaphore, #tpu.memory_space<semaphore_mem>>) src(%dma_wait3A_207 : memref<128xi32, #tpu.memory_space<hbm>>) dst(%dma_wait3A_206 : memref<128xi32, #tpu.memory_space<vmem>>)
      tpu.yield
    }) : () -> ()
    %dma_start3A_89 = arith.constant 1 : i32
    %dma_start3A_90 = arith.constant 1 : i32
    %dma_start3A_91 = arith.constant 256 : i32
    %dma_start3A_92 = arith.constant 0 : i32
    %dma_start3A_93 = tpu.memref_slice %arg9[%dma_start3A_90, %dma_start3A_91, %dma_start3A_92] : memref<2x384x128xf32, #tpu.memory_space<vmem>> -> memref<1x128x128xf32, #tpu.memory_space<vmem>>
    %dma_start3A_94 = tpu.memref_squeeze %dma_start3A_93 : memref<1x128x128xf32, #tpu.memory_space<vmem>> -> memref<128x128xf32, #tpu.memory_space<vmem>>
    %dma_start3A_95 = arith.constant 256 : i32
    %dma_start3A_96 = tpu.memref_slice %arg6[%dma_start3A_89, %dma_start3A_95] : memref<2x384xi32, #tpu.memory_space<vmem>> -> memref<1x128xi32, #tpu.memory_space<vmem>>
    %dma_start3A_97 = tpu.memref_squeeze %dma_start3A_96 : memref<1x128xi32, #tpu.memory_space<vmem>> -> memref<128xi32, #tpu.memory_space<vmem>>
    %dma_start3A_98 = arith.constant 0 : i32
    %dma_start3A_99 = arith.constant 0 : i32
    %dma_start3A_100 = tpu.memref_slice %arg2[%dma_start3A_98, %dma_start3A_99] : memref<2048x128xf32, #tpu.memory_space<hbm>> -> memref<2048x128xf32, #tpu.memory_space<hbm>>
    tpu.enqueue_indirect_dma source(%dma_start3A_100 : memref<2048x128xf32, #tpu.memory_space<hbm>>) target(%dma_start3A_94 : memref<128x128xf32, #tpu.memory_space<vmem>>) offsets(%dma_start3A_97 : memref<128xi32, #tpu.memory_space<vmem>>) semaphore(%arg12 : memref<!tpu.dma_semaphore, #tpu.memory_space<semaphore_mem>>)
    %dma_wait3A = arith.constant 0 : i32
    %dma_wait3A_101 = arith.constant 0 : i32
    %dma_wait3A_102 = arith.constant 0 : i32
    %dma_wait3A_103 = arith.constant 0 : i32
    %dma_wait3A_104 = tpu.memref_slice %arg9[%dma_wait3A_101, %dma_wait3A_102, %dma_wait3A_103] : memref<2x384x128xf32, #tpu.memory_space<vmem>> -> memref<1x128x128xf32, #tpu.memory_space<vmem>>
    %dma_wait3A_105 = tpu.memref_squeeze %dma_wait3A_104 : memref<1x128x128xf32, #tpu.memory_space<vmem>> -> memref<128x128xf32, #tpu.memory_space<vmem>>
    %dma_wait3A_106 = arith.constant 0 : i32
    %dma_wait3A_107 = tpu.memref_slice %arg6[%dma_wait3A, %dma_wait3A_106] : memref<2x384xi32, #tpu.memory_space<vmem>> -> memref<1x128xi32, #tpu.memory_space<vmem>>
    %dma_wait3A_108 = tpu.memref_squeeze %dma_wait3A_107 : memref<1x128xi32, #tpu.memory_space<vmem>> -> memref<128xi32, #tpu.memory_space<vmem>>
    %dma_wait3A_109 = arith.constant 0 : i32
    %dma_wait3A_110 = arith.constant 0 : i32
    %dma_wait3A_111 = tpu.memref_slice %arg2[%dma_wait3A_109, %dma_wait3A_110] : memref<2048x128xf32, #tpu.memory_space<hbm>> -> memref<2048x128xf32, #tpu.memory_space<hbm>>
    tpu.wait_indirect_dma semaphore(%arg11 : memref<!tpu.dma_semaphore, #tpu.memory_space<semaphore_mem>>) src(%dma_wait3A_111 : memref<2048x128xf32, #tpu.memory_space<hbm>>) dst(%dma_wait3A_105 : memref<128x128xf32, #tpu.memory_space<vmem>>)
    %dma_wait3A_112 = arith.constant 0 : i32
    %dma_wait3A_113 = arith.constant 0 : i32
    %dma_wait3A_114 = arith.constant 128 : i32
    %dma_wait3A_115 = arith.constant 0 : i32
    %dma_wait3A_116 = tpu.memref_slice %arg9[%dma_wait3A_113, %dma_wait3A_114, %dma_wait3A_115] : memref<2x384x128xf32, #tpu.memory_space<vmem>> -> memref<1x128x128xf32, #tpu.memory_space<vmem>>
    %dma_wait3A_117 = tpu.memref_squeeze %dma_wait3A_116 : memref<1x128x128xf32, #tpu.memory_space<vmem>> -> memref<128x128xf32, #tpu.memory_space<vmem>>
    %dma_wait3A_118 = arith.constant 128 : i32
    %dma_wait3A_119 = tpu.memref_slice %arg6[%dma_wait3A_112, %dma_wait3A_118] : memref<2x384xi32, #tpu.memory_space<vmem>> -> memref<1x128xi32, #tpu.memory_space<vmem>>
    %dma_wait3A_120 = tpu.memref_squeeze %dma_wait3A_119 : memref<1x128xi32, #tpu.memory_space<vmem>> -> memref<128xi32, #tpu.memory_space<vmem>>
    %dma_wait3A_121 = arith.constant 0 : i32
    %dma_wait3A_122 = arith.constant 0 : i32
    %dma_wait3A_123 = tpu.memref_slice %arg2[%dma_wait3A_121, %dma_wait3A_122] : memref<2048x128xf32, #tpu.memory_space<hbm>> -> memref<2048x128xf32, #tpu.memory_space<hbm>>
    tpu.wait_indirect_dma semaphore(%arg11 : memref<!tpu.dma_semaphore, #tpu.memory_space<semaphore_mem>>) src(%dma_wait3A_123 : memref<2048x128xf32, #tpu.memory_space<hbm>>) dst(%dma_wait3A_117 : memref<128x128xf32, #tpu.memory_space<vmem>>)
    %dma_wait3A_124 = arith.constant 0 : i32
    %dma_wait3A_125 = arith.constant 0 : i32
    %dma_wait3A_126 = arith.constant 256 : i32
    %dma_wait3A_127 = arith.constant 0 : i32
    %dma_wait3A_128 = tpu.memref_slice %arg9[%dma_wait3A_125, %dma_wait3A_126, %dma_wait3A_127] : memref<2x384x128xf32, #tpu.memory_space<vmem>> -> memref<1x128x128xf32, #tpu.memory_space<vmem>>
    %dma_wait3A_129 = tpu.memref_squeeze %dma_wait3A_128 : memref<1x128x128xf32, #tpu.memory_space<vmem>> -> memref<128x128xf32, #tpu.memory_space<vmem>>
    %dma_wait3A_130 = arith.constant 256 : i32
    %dma_wait3A_131 = tpu.memref_slice %arg6[%dma_wait3A_124, %dma_wait3A_130] : memref<2x384xi32, #tpu.memory_space<vmem>> -> memref<1x128xi32, #tpu.memory_space<vmem>>
    %dma_wait3A_132 = tpu.memref_squeeze %dma_wait3A_131 : memref<1x128xi32, #tpu.memory_space<vmem>> -> memref<128xi32, #tpu.memory_space<vmem>>
    %dma_wait3A_133 = arith.constant 0 : i32
    %dma_wait3A_134 = arith.constant 0 : i32
    %dma_wait3A_135 = tpu.memref_slice %arg2[%dma_wait3A_133, %dma_wait3A_134] : memref<2048x128xf32, #tpu.memory_space<hbm>> -> memref<2048x128xf32, #tpu.memory_space<hbm>>
    tpu.wait_indirect_dma semaphore(%arg11 : memref<!tpu.dma_semaphore, #tpu.memory_space<semaphore_mem>>) src(%dma_wait3A_135 : memref<2048x128xf32, #tpu.memory_space<hbm>>) dst(%dma_wait3A_129 : memref<128x128xf32, #tpu.memory_space<vmem>>)
    %mul3A_136 = arith.constant 256 : i32
    %mul3A_137 = arith.muli %add3A, %mul3A_136 : i32
    %add3A_138 = arith.constant 0 : i32
    %add3A_139 = arith.addi %mul3A_137, %add3A_138 : i32
    %scan3A = arith.constant 0 : i32
    %scan3A_140 = arith.constant 0 : i32
    %scan3A_141 = arith.constant 128 : i32
    %scan3A_142 = arith.addi %scan3A_140, %scan3A_141 : i32
    %scan3A_143 = arith.constant 1 : i32
    scf.for %scan3A_191 = %scan3A_140 to %scan3A_142 step %scan3A_143  : i32 {
      %mul3A_192 = arith.constant 3 : i32
      %mul3A_193 = arith.muli %mul3A_192, %scan3A_191 : i32
      %get3A = arith.index_cast %mul3A_193 : i32 to index
      %get3A_194 = tpu.vector_load %arg7[%get3A] {strides = array<i32>} : memref<400xf32, #tpu.memory_space<vmem>>, vector<16xf32>,
      %get3A_195 = vector.shape_cast %get3A_194 : vector<16xf32> to vector<16xf32>
      %slice3A = vector.extract_strided_slice %get3A_195 {offsets = [0], sizes = [1], strides = [1]} : vector<16xf32> to vector<1xf32>
      %squeeze3A = vector.extract %slice3A[0] : f32 from vector<1xf32>
      %slice3A_196 = vector.extract_strided_slice %get3A_195 {offsets = [1], sizes = [1], strides = [1]} : vector<16xf32> to vector<1xf32>
      %squeeze3A_197 = vector.extract %slice3A_196[0] : f32 from vector<1xf32>
      %slice3A_198 = vector.extract_strided_slice %get3A_195 {offsets = [2], sizes = [1], strides = [1]} : vector<16xf32> to vector<1xf32>
      %squeeze3A_199 = vector.extract %slice3A_198[0] : f32 from vector<1xf32>
      %get3A_200 = arith.constant 0 : i32
      %get3A_201 = arith.index_cast %get3A_200 : i32 to index
      %get3A_202 = arith.index_cast %scan3A_191 : i32 to index
      %get3A_203 = arith.constant 0 : index
      %get3A_204 = tpu.vector_load %arg9[%get3A_201, %get3A_202, %get3A_203] {strides = array<i32>} : memref<2x384x128xf32, #tpu.memory_space<vmem>>, vector<1x1x16xf32>,
      %get3A_205 = vector.shape_cast %get3A_204 : vector<1x1x16xf32> to vector<16xf32>
      %mul3A_206 = vector.broadcast %squeeze3A : f32 to vector<16xf32>
      %mul3A_207 = arith.mulf %get3A_205, %mul3A_206 : vector<16xf32>
      %add3A_208 = arith.constant 128 : i32
      %add3A_209 = arith.addi %add3A_208, %scan3A_191 : i32
      %get3A_210 = arith.constant 0 : i32
      %get3A_211 = arith.index_cast %get3A_210 : i32 to index
      %get3A_212 = arith.index_cast %add3A_209 : i32 to index
      %get3A_213 = arith.constant 0 : index
      %get3A_214 = tpu.vector_load %arg9[%get3A_211, %get3A_212, %get3A_213] {strides = array<i32>} : memref<2x384x128xf32, #tpu.memory_space<vmem>>, vector<1x1x16xf32>,
      %get3A_215 = vector.shape_cast %get3A_214 : vector<1x1x16xf32> to vector<16xf32>
      %mul3A_216 = vector.broadcast %squeeze3A_197 : f32 to vector<16xf32>
      %mul3A_217 = arith.mulf %get3A_215, %mul3A_216 : vector<16xf32>
      %add3A_218 = arith.addf %mul3A_207, %mul3A_217 : vector<16xf32>
      %add3A_219 = arith.constant 256 : i32
      %add3A_220 = arith.addi %add3A_219, %scan3A_191 : i32
      %get3A_221 = arith.constant 0 : i32
      %get3A_222 = arith.index_cast %get3A_221 : i32 to index
      %get3A_223 = arith.index_cast %add3A_220 : i32 to index
      %get3A_224 = arith.constant 0 : index
      %get3A_225 = tpu.vector_load %arg9[%get3A_222, %get3A_223, %get3A_224] {strides = array<i32>} : memref<2x384x128xf32, #tpu.memory_space<vmem>>, vector<1x1x16xf32>,
      %get3A_226 = vector.shape_cast %get3A_225 : vector<1x1x16xf32> to vector<16xf32>
      %mul3A_227 = vector.broadcast %squeeze3A_199 : f32 to vector<16xf32>
      %mul3A_228 = arith.mulf %get3A_226, %mul3A_227 : vector<16xf32>
      %add3A_229 = arith.addf %add3A_218, %mul3A_228 : vector<16xf32>
      %swap3A = arith.index_cast %scan3A_191 : i32 to index
      %swap3A_230 = arith.constant 0 : index
      %swap3A_231 = tpu.vector_load %arg10[%swap3A, %swap3A_230] {strides = array<i32>} : memref<128x128xf32, #tpu.memory_space<vmem>>, vector<1x16xf32>,
      %swap3A_232 = vector.shape_cast %swap3A_231 : vector<1x16xf32> to vector<16xf32>
      %swap3A_233 = vector.shape_cast %add3A_229 : vector<16xf32> to vector<1x16xf32>
      tpu.vector_store %arg10[%swap3A, %swap3A_230], %swap3A_233 {strides = array<i32>} : memref<128x128xf32, #tpu.memory_space<vmem>>, vector<1x16xf32>,
      %get3A_234 = arith.constant 0 : i32
      %get3A_235 = arith.index_cast %get3A_234 : i32 to index
      %get3A_236 = arith.index_cast %scan3A_191 : i32 to index
      %get3A_237 = arith.constant 16 : index
      %get3A_238 = tpu.vector_load %arg9[%get3A_235, %get3A_236, %get3A_237] {strides = array<i32>} : memref<2x384x128xf32, #tpu.memory_space<vmem>>, vector<1x1x16xf32>,
      %get3A_239 = vector.shape_cast %get3A_238 : vector<1x1x16xf32> to vector<16xf32>
      %mul3A_240 = vector.broadcast %squeeze3A : f32 to vector<16xf32>
      %mul3A_241 = arith.mulf %get3A_239, %mul3A_240 : vector<16xf32>
      %add3A_242 = arith.constant 128 : i32
      %add3A_243 = arith.addi %add3A_242, %scan3A_191 : i32
      %get3A_244 = arith.constant 0 : i32
      %get3A_245 = arith.index_cast %get3A_244 : i32 to index
      %get3A_246 = arith.index_cast %add3A_243 : i32 to index
      %get3A_247 = arith.constant 16 : index
      %get3A_248 = tpu.vector_load %arg9[%get3A_245, %get3A_246, %get3A_247] {strides = array<i32>} : memref<2x384x128xf32, #tpu.memory_space<vmem>>, vector<1x1x16xf32>,
      %get3A_249 = vector.shape_cast %get3A_248 : vector<1x1x16xf32> to vector<16xf32>
      %mul3A_250 = vector.broadcast %squeeze3A_197 : f32 to vector<16xf32>
      %mul3A_251 = arith.mulf %get3A_249, %mul3A_250 : vector<16xf32>
      %add3A_252 = arith.addf %mul3A_241, %mul3A_251 : vector<16xf32>
      %add3A_253 = arith.constant 256 : i32
      %add3A_254 = arith.addi %add3A_253, %scan3A_191 : i32
      %get3A_255 = arith.constant 0 : i32
      %get3A_256 = arith.index_cast %get3A_255 : i32 to index
      %get3A_257 = arith.index_cast %add3A_254 : i32 to index
      %get3A_258 = arith.constant 16 : index
      %get3A_259 = tpu.vector_load %arg9[%get3A_256, %get3A_257, %get3A_258] {strides = array<i32>} : memref<2x384x128xf32, #tpu.memory_space<vmem>>, vector<1x1x16xf32>,
      %get3A_260 = vector.shape_cast %get3A_259 : vector<1x1x16xf32> to vector<16xf32>
      %mul3A_261 = vector.broadcast %squeeze3A_199 : f32 to vector<16xf32>
      %mul3A_262 = arith.mulf %get3A_260, %mul3A_261 : vector<16xf32>
      %add3A_263 = arith.addf %add3A_252, %mul3A_262 : vector<16xf32>
      %swap3A_264 = arith.index_cast %scan3A_191 : i32 to index
      %swap3A_265 = arith.constant 16 : index
      %swap3A_266 = tpu.vector_load %arg10[%swap3A_264, %swap3A_265] {strides = array<i32>} : memref<128x128xf32, #tpu.memory_space<vmem>>, vector<1x16xf32>,
      %swap3A_267 = vector.shape_cast %swap3A_266 : vector<1x16xf32> to vector<16xf32>
      %swap3A_268 = vector.shape_cast %add3A_263 : vector<16xf32> to vector<1x16xf32>
      tpu.vector_store %arg10[%swap3A_264, %swap3A_265], %swap3A_268 {strides = array<i32>} : memref<128x128xf32, #tpu.memory_space<vmem>>, vector<1x16xf32>,
      %get3A_269 = arith.constant 0 : i32
      %get3A_270 = arith.index_cast %get3A_269 : i32 to index
      %get3A_271 = arith.index_cast %scan3A_191 : i32 to index
      %get3A_272 = arith.constant 32 : index
      %get3A_273 = tpu.vector_load %arg9[%get3A_270, %get3A_271, %get3A_272] {strides = array<i32>} : memref<2x384x128xf32, #tpu.memory_space<vmem>>, vector<1x1x16xf32>,
      %get3A_274 = vector.shape_cast %get3A_273 : vector<1x1x16xf32> to vector<16xf32>
      %mul3A_275 = vector.broadcast %squeeze3A : f32 to vector<16xf32>
      %mul3A_276 = arith.mulf %get3A_274, %mul3A_275 : vector<16xf32>
      %add3A_277 = arith.constant 128 : i32
      %add3A_278 = arith.addi %add3A_277, %scan3A_191 : i32
      %get3A_279 = arith.constant 0 : i32
      %get3A_280 = arith.index_cast %get3A_279 : i32 to index
      %get3A_281 = arith.index_cast %add3A_278 : i32 to index
      %get3A_282 = arith.constant 32 : index
      %get3A_283 = tpu.vector_load %arg9[%get3A_280, %get3A_281, %get3A_282] {strides = array<i32>} : memref<2x384x128xf32, #tpu.memory_space<vmem>>, vector<1x1x16xf32>,
      %get3A_284 = vector.shape_cast %get3A_283 : vector<1x1x16xf32> to vector<16xf32>
      %mul3A_285 = vector.broadcast %squeeze3A_197 : f32 to vector<16xf32>
      %mul3A_286 = arith.mulf %get3A_284, %mul3A_285 : vector<16xf32>
      %add3A_287 = arith.addf %mul3A_276, %mul3A_286 : vector<16xf32>
      %add3A_288 = arith.constant 256 : i32
      %add3A_289 = arith.addi %add3A_288, %scan3A_191 : i32
      %get3A_290 = arith.constant 0 : i32
      %get3A_291 = arith.index_cast %get3A_290 : i32 to index
      %get3A_292 = arith.index_cast %add3A_289 : i32 to index
      %get3A_293 = arith.constant 32 : index
      %get3A_294 = tpu.vector_load %arg9[%get3A_291, %get3A_292, %get3A_293] {strides = array<i32>} : memref<2x384x128xf32, #tpu.memory_space<vmem>>, vector<1x1x16xf32>,
      %get3A_295 = vector.shape_cast %get3A_294 : vector<1x1x16xf32> to vector<16xf32>
      %mul3A_296 = vector.broadcast %squeeze3A_199 : f32 to vector<16xf32>
      %mul3A_297 = arith.mulf %get3A_295, %mul3A_296 : vector<16xf32>
      %add3A_298 = arith.addf %add3A_287, %mul3A_297 : vector<16xf32>
      %swap3A_299 = arith.index_cast %scan3A_191 : i32 to index
      %swap3A_300 = arith.constant 32 : index
      %swap3A_301 = tpu.vector_load %arg10[%swap3A_299, %swap3A_300] {strides = array<i32>} : memref<128x128xf32, #tpu.memory_space<vmem>>, vector<1x16xf32>,
      %swap3A_302 = vector.shape_cast %swap3A_301 : vector<1x16xf32> to vector<16xf32>
      %swap3A_303 = vector.shape_cast %add3A_298 : vector<16xf32> to vector<1x16xf32>
      tpu.vector_store %arg10[%swap3A_299, %swap3A_300], %swap3A_303 {strides = array<i32>} : memref<128x128xf32, #tpu.memory_space<vmem>>, vector<1x16xf32>,
      %get3A_304 = arith.constant 0 : i32
      %get3A_305 = arith.index_cast %get3A_304 : i32 to index
      %get3A_306 = arith.index_cast %scan3A_191 : i32 to index
      %get3A_307 = arith.constant 48 : index
      %get3A_308 = tpu.vector_load %arg9[%get3A_305, %get3A_306, %get3A_307] {strides = array<i32>} : memref<2x384x128xf32, #tpu.memory_space<vmem>>, vector<1x1x16xf32>,
      %get3A_309 = vector.shape_cast %get3A_308 : vector<1x1x16xf32> to vector<16xf32>
      %mul3A_310 = vector.broadcast %squeeze3A : f32 to vector<16xf32>
      %mul3A_311 = arith.mulf %get3A_309, %mul3A_310 : vector<16xf32>
      %add3A_312 = arith.constant 128 : i32
      %add3A_313 = arith.addi %add3A_312, %scan3A_191 : i32
      %get3A_314 = arith.constant 0 : i32
      %get3A_315 = arith.index_cast %get3A_314 : i32 to index
      %get3A_316 = arith.index_cast %add3A_313 : i32 to index
      %get3A_317 = arith.constant 48 : index
      %get3A_318 = tpu.vector_load %arg9[%get3A_315, %get3A_316, %get3A_317] {strides = array<i32>} : memref<2x384x128xf32, #tpu.memory_space<vmem>>, vector<1x1x16xf32>,
      %get3A_319 = vector.shape_cast %get3A_318 : vector<1x1x16xf32> to vector<16xf32>
      %mul3A_320 = vector.broadcast %squeeze3A_197 : f32 to vector<16xf32>
      %mul3A_321 = arith.mulf %get3A_319, %mul3A_320 : vector<16xf32>
      %add3A_322 = arith.addf %mul3A_311, %mul3A_321 : vector<16xf32>
      %add3A_323 = arith.constant 256 : i32
      %add3A_324 = arith.addi %add3A_323, %scan3A_191 : i32
      %get3A_325 = arith.constant 0 : i32
      %get3A_326 = arith.index_cast %get3A_325 : i32 to index
      %get3A_327 = arith.index_cast %add3A_324 : i32 to index
      %get3A_328 = arith.constant 48 : index
      %get3A_329 = tpu.vector_load %arg9[%get3A_326, %get3A_327, %get3A_328] {strides = array<i32>} : memref<2x384x128xf32, #tpu.memory_space<vmem>>, vector<1x1x16xf32>,
      %get3A_330 = vector.shape_cast %get3A_329 : vector<1x1x16xf32> to vector<16xf32>
      %mul3A_331 = vector.broadcast %squeeze3A_199 : f32 to vector<16xf32>
      %mul3A_332 = arith.mulf %get3A_330, %mul3A_331 : vector<16xf32>
      %add3A_333 = arith.addf %add3A_322, %mul3A_332 : vector<16xf32>
      %swap3A_334 = arith.index_cast %scan3A_191 : i32 to index
      %swap3A_335 = arith.constant 48 : index
      %swap3A_336 = tpu.vector_load %arg10[%swap3A_334, %swap3A_335] {strides = array<i32>} : memref<128x128xf32, #tpu.memory_space<vmem>>, vector<1x16xf32>,
      %swap3A_337 = vector.shape_cast %swap3A_336 : vector<1x16xf32> to vector<16xf32>
      %swap3A_338 = vector.shape_cast %add3A_333 : vector<16xf32> to vector<1x16xf32>
      tpu.vector_store %arg10[%swap3A_334, %swap3A_335], %swap3A_338 {strides = array<i32>} : memref<128x128xf32, #tpu.memory_space<vmem>>, vector<1x16xf32>,
      %get3A_339 = arith.constant 0 : i32
      %get3A_340 = arith.index_cast %get3A_339 : i32 to index
      %get3A_341 = arith.index_cast %scan3A_191 : i32 to index
      %get3A_342 = arith.constant 64 : index
      %get3A_343 = tpu.vector_load %arg9[%get3A_340, %get3A_341, %get3A_342] {strides = array<i32>} : memref<2x384x128xf32, #tpu.memory_space<vmem>>, vector<1x1x16xf32>,
      %get3A_344 = vector.shape_cast %get3A_343 : vector<1x1x16xf32> to vector<16xf32>
      %mul3A_345 = vector.broadcast %squeeze3A : f32 to vector<16xf32>
      %mul3A_346 = arith.mulf %get3A_344, %mul3A_345 : vector<16xf32>
      %add3A_347 = arith.constant 128 : i32
      %add3A_348 = arith.addi %add3A_347, %scan3A_191 : i32
      %get3A_349 = arith.constant 0 : i32
      %get3A_350 = arith.index_cast %get3A_349 : i32 to index
      %get3A_351 = arith.index_cast %add3A_348 : i32 to index
      %get3A_352 = arith.constant 64 : index
      %get3A_353 = tpu.vector_load %arg9[%get3A_350, %get3A_351, %get3A_352] {strides = array<i32>} : memref<2x384x128xf32, #tpu.memory_space<vmem>>, vector<1x1x16xf32>,
      %get3A_354 = vector.shape_cast %get3A_353 : vector<1x1x16xf32> to vector<16xf32>
      %mul3A_355 = vector.broadcast %squeeze3A_197 : f32 to vector<16xf32>
      %mul3A_356 = arith.mulf %get3A_354, %mul3A_355 : vector<16xf32>
      %add3A_357 = arith.addf %mul3A_346, %mul3A_356 : vector<16xf32>
      %add3A_358 = arith.constant 256 : i32
      %add3A_359 = arith.addi %add3A_358, %scan3A_191 : i32
      %get3A_360 = arith.constant 0 : i32
      %get3A_361 = arith.index_cast %get3A_360 : i32 to index
      %get3A_362 = arith.index_cast %add3A_359 : i32 to index
      %get3A_363 = arith.constant 64 : index
      %get3A_364 = tpu.vector_load %arg9[%get3A_361, %get3A_362, %get3A_363] {strides = array<i32>} : memref<2x384x128xf32, #tpu.memory_space<vmem>>, vector<1x1x16xf32>,
      %get3A_365 = vector.shape_cast %get3A_364 : vector<1x1x16xf32> to vector<16xf32>
      %mul3A_366 = vector.broadcast %squeeze3A_199 : f32 to vector<16xf32>
      %mul3A_367 = arith.mulf %get3A_365, %mul3A_366 : vector<16xf32>
      %add3A_368 = arith.addf %add3A_357, %mul3A_367 : vector<16xf32>
      %swap3A_369 = arith.index_cast %scan3A_191 : i32 to index
      %swap3A_370 = arith.constant 64 : index
      %swap3A_371 = tpu.vector_load %arg10[%swap3A_369, %swap3A_370] {strides = array<i32>} : memref<128x128xf32, #tpu.memory_space<vmem>>, vector<1x16xf32>,
      %swap3A_372 = vector.shape_cast %swap3A_371 : vector<1x16xf32> to vector<16xf32>
      %swap3A_373 = vector.shape_cast %add3A_368 : vector<16xf32> to vector<1x16xf32>
      tpu.vector_store %arg10[%swap3A_369, %swap3A_370], %swap3A_373 {strides = array<i32>} : memref<128x128xf32, #tpu.memory_space<vmem>>, vector<1x16xf32>,
      %get3A_374 = arith.constant 0 : i32
      %get3A_375 = arith.index_cast %get3A_374 : i32 to index
      %get3A_376 = arith.index_cast %scan3A_191 : i32 to index
      %get3A_377 = arith.constant 80 : index
      %get3A_378 = tpu.vector_load %arg9[%get3A_375, %get3A_376, %get3A_377] {strides = array<i32>} : memref<2x384x128xf32, #tpu.memory_space<vmem>>, vector<1x1x16xf32>,
      %get3A_379 = vector.shape_cast %get3A_378 : vector<1x1x16xf32> to vector<16xf32>
      %mul3A_380 = vector.broadcast %squeeze3A : f32 to vector<16xf32>
      %mul3A_381 = arith.mulf %get3A_379, %mul3A_380 : vector<16xf32>
      %add3A_382 = arith.constant 128 : i32
      %add3A_383 = arith.addi %add3A_382, %scan3A_191 : i32
      %get3A_384 = arith.constant 0 : i32
      %get3A_385 = arith.index_cast %get3A_384 : i32 to index
      %get3A_386 = arith.index_cast %add3A_383 : i32 to index
      %get3A_387 = arith.constant 80 : index
      %get3A_388 = tpu.vector_load %arg9[%get3A_385, %get3A_386, %get3A_387] {strides = array<i32>} : memref<2x384x128xf32, #tpu.memory_space<vmem>>, vector<1x1x16xf32>,
      %get3A_389 = vector.shape_cast %get3A_388 : vector<1x1x16xf32> to vector<16xf32>
      %mul3A_390 = vector.broadcast %squeeze3A_197 : f32 to vector<16xf32>
      %mul3A_391 = arith.mulf %get3A_389, %mul3A_390 : vector<16xf32>
      %add3A_392 = arith.addf %mul3A_381, %mul3A_391 : vector<16xf32>
      %add3A_393 = arith.constant 256 : i32
      %add3A_394 = arith.addi %add3A_393, %scan3A_191 : i32
      %get3A_395 = arith.constant 0 : i32
      %get3A_396 = arith.index_cast %get3A_395 : i32 to index
      %get3A_397 = arith.index_cast %add3A_394 : i32 to index
      %get3A_398 = arith.constant 80 : index
      %get3A_399 = tpu.vector_load %arg9[%get3A_396, %get3A_397, %get3A_398] {strides = array<i32>} : memref<2x384x128xf32, #tpu.memory_space<vmem>>, vector<1x1x16xf32>,
      %get3A_400 = vector.shape_cast %get3A_399 : vector<1x1x16xf32> to vector<16xf32>
      %mul3A_401 = vector.broadcast %squeeze3A_199 : f32 to vector<16xf32>
      %mul3A_402 = arith.mulf %get3A_400, %mul3A_401 : vector<16xf32>
      %add3A_403 = arith.addf %add3A_392, %mul3A_402 : vector<16xf32>
      %swap3A_404 = arith.index_cast %scan3A_191 : i32 to index
      %swap3A_405 = arith.constant 80 : index
      %swap3A_406 = tpu.vector_load %arg10[%swap3A_404, %swap3A_405] {strides = array<i32>} : memref<128x128xf32, #tpu.memory_space<vmem>>, vector<1x16xf32>,
      %swap3A_407 = vector.shape_cast %swap3A_406 : vector<1x16xf32> to vector<16xf32>
      %swap3A_408 = vector.shape_cast %add3A_403 : vector<16xf32> to vector<1x16xf32>
      tpu.vector_store %arg10[%swap3A_404, %swap3A_405], %swap3A_408 {strides = array<i32>} : memref<128x128xf32, #tpu.memory_space<vmem>>, vector<1x16xf32>,
      %get3A_409 = arith.constant 0 : i32
      %get3A_410 = arith.index_cast %get3A_409 : i32 to index
      %get3A_411 = arith.index_cast %scan3A_191 : i32 to index
      %get3A_412 = arith.constant 96 : index
      %get3A_413 = tpu.vector_load %arg9[%get3A_410, %get3A_411, %get3A_412] {strides = array<i32>} : memref<2x384x128xf32, #tpu.memory_space<vmem>>, vector<1x1x16xf32>,
      %get3A_414 = vector.shape_cast %get3A_413 : vector<1x1x16xf32> to vector<16xf32>
      %mul3A_415 = vector.broadcast %squeeze3A : f32 to vector<16xf32>
      %mul3A_416 = arith.mulf %get3A_414, %mul3A_415 : vector<16xf32>
      %add3A_417 = arith.constant 128 : i32
      %add3A_418 = arith.addi %add3A_417, %scan3A_191 : i32
      %get3A_419 = arith.constant 0 : i32
      %get3A_420 = arith.index_cast %get3A_419 : i32 to index
      %get3A_421 = arith.index_cast %add3A_418 : i32 to index
      %get3A_422 = arith.constant 96 : index
      %get3A_423 = tpu.vector_load %arg9[%get3A_420, %get3A_421, %get3A_422] {strides = array<i32>} : memref<2x384x128xf32, #tpu.memory_space<vmem>>, vector<1x1x16xf32>,
      %get3A_424 = vector.shape_cast %get3A_423 : vector<1x1x16xf32> to vector<16xf32>
      %mul3A_425 = vector.broadcast %squeeze3A_197 : f32 to vector<16xf32>
      %mul3A_426 = arith.mulf %get3A_424, %mul3A_425 : vector<16xf32>
      %add3A_427 = arith.addf %mul3A_416, %mul3A_426 : vector<16xf32>
      %add3A_428 = arith.constant 256 : i32
      %add3A_429 = arith.addi %add3A_428, %scan3A_191 : i32
      %get3A_430 = arith.constant 0 : i32
      %get3A_431 = arith.index_cast %get3A_430 : i32 to index
      %get3A_432 = arith.index_cast %add3A_429 : i32 to index
      %get3A_433 = arith.constant 96 : index
      %get3A_434 = tpu.vector_load %arg9[%get3A_431, %get3A_432, %get3A_433] {strides = array<i32>} : memref<2x384x128xf32, #tpu.memory_space<vmem>>, vector<1x1x16xf32>,
      %get3A_435 = vector.shape_cast %get3A_434 : vector<1x1x16xf32> to vector<16xf32>
      %mul3A_436 = vector.broadcast %squeeze3A_199 : f32 to vector<16xf32>
      %mul3A_437 = arith.mulf %get3A_435, %mul3A_436 : vector<16xf32>
      %add3A_438 = arith.addf %add3A_427, %mul3A_437 : vector<16xf32>
      %swap3A_439 = arith.index_cast %scan3A_191 : i32 to index
      %swap3A_440 = arith.constant 96 : index
      %swap3A_441 = tpu.vector_load %arg10[%swap3A_439, %swap3A_440] {strides = array<i32>} : memref<128x128xf32, #tpu.memory_space<vmem>>, vector<1x16xf32>,
      %swap3A_442 = vector.shape_cast %swap3A_441 : vector<1x16xf32> to vector<16xf32>
      %swap3A_443 = vector.shape_cast %add3A_438 : vector<16xf32> to vector<1x16xf32>
      tpu.vector_store %arg10[%swap3A_439, %swap3A_440], %swap3A_443 {strides = array<i32>} : memref<128x128xf32, #tpu.memory_space<vmem>>, vector<1x16xf32>,
      %get3A_444 = arith.constant 0 : i32
      %get3A_445 = arith.index_cast %get3A_444 : i32 to index
      %get3A_446 = arith.index_cast %scan3A_191 : i32 to index
      %get3A_447 = arith.constant 112 : index
      %get3A_448 = tpu.vector_load %arg9[%get3A_445, %get3A_446, %get3A_447] {strides = array<i32>} : memref<2x384x128xf32, #tpu.memory_space<vmem>>, vector<1x1x16xf32>,
      %get3A_449 = vector.shape_cast %get3A_448 : vector<1x1x16xf32> to vector<16xf32>
      %mul3A_450 = vector.broadcast %squeeze3A : f32 to vector<16xf32>
      %mul3A_451 = arith.mulf %get3A_449, %mul3A_450 : vector<16xf32>
      %add3A_452 = arith.constant 128 : i32
      %add3A_453 = arith.addi %add3A_452, %scan3A_191 : i32
      %get3A_454 = arith.constant 0 : i32
      %get3A_455 = arith.index_cast %get3A_454 : i32 to index
      %get3A_456 = arith.index_cast %add3A_453 : i32 to index
      %get3A_457 = arith.constant 112 : index
      %get3A_458 = tpu.vector_load %arg9[%get3A_455, %get3A_456, %get3A_457] {strides = array<i32>} : memref<2x384x128xf32, #tpu.memory_space<vmem>>, vector<1x1x16xf32>,
      %get3A_459 = vector.shape_cast %get3A_458 : vector<1x1x16xf32> to vector<16xf32>
      %mul3A_460 = vector.broadcast %squeeze3A_197 : f32 to vector<16xf32>
      %mul3A_461 = arith.mulf %get3A_459, %mul3A_460 : vector<16xf32>
      %add3A_462 = arith.addf %mul3A_451, %mul3A_461 : vector<16xf32>
      %add3A_463 = arith.constant 256 : i32
      %add3A_464 = arith.addi %add3A_463, %scan3A_191 : i32
      %get3A_465 = arith.constant 0 : i32
      %get3A_466 = arith.index_cast %get3A_465 : i32 to index
      %get3A_467 = arith.index_cast %add3A_464 : i32 to index
      %get3A_468 = arith.constant 112 : index
      %get3A_469 = tpu.vector_load %arg9[%get3A_466, %get3A_467, %get3A_468] {strides = array<i32>} : memref<2x384x128xf32, #tpu.memory_space<vmem>>, vector<1x1x16xf32>,
      %get3A_470 = vector.shape_cast %get3A_469 : vector<1x1x16xf32> to vector<16xf32>
      %mul3A_471 = vector.broadcast %squeeze3A_199 : f32 to vector<16xf32>
      %mul3A_472 = arith.mulf %get3A_470, %mul3A_471 : vector<16xf32>
      %add3A_473 = arith.addf %add3A_462, %mul3A_472 : vector<16xf32>
      %swap3A_474 = arith.index_cast %scan3A_191 : i32 to index
      %swap3A_475 = arith.constant 112 : index
      %swap3A_476 = tpu.vector_load %arg10[%swap3A_474, %swap3A_475] {strides = array<i32>} : memref<128x128xf32, #tpu.memory_space<vmem>>, vector<1x16xf32>,
      %swap3A_477 = vector.shape_cast %swap3A_476 : vector<1x16xf32> to vector<16xf32>
      %swap3A_478 = vector.shape_cast %add3A_473 : vector<16xf32> to vector<1x16xf32>
      tpu.vector_store %arg10[%swap3A_474, %swap3A_475], %swap3A_478 {strides = array<i32>} : memref<128x128xf32, #tpu.memory_space<vmem>>, vector<1x16xf32>,
    }
    %scan3A_144 = arith.constant 128 : i32
    "tpu.region"() ({
      %run_scoped3A_191 = tpu.sem_alloc : memref<!tpu.dma_semaphore, #tpu.memory_space<semaphore_mem>>
      %dma_start3A_192 = arith.constant 0 : i32
      %dma_start3A_193 = tpu.memref_slice %arg5[%add3A_139, %dma_start3A_192] : memref<8192x128xf32, #tpu.memory_space<hbm>> -> memref<128x128xf32, #tpu.memory_space<hbm>>
      %dma_start3A_194 = arith.constant 0 : i32
      %dma_start3A_195 = tpu.memref_slice %arg5[%add3A_139, %dma_start3A_194] : memref<8192x128xf32, #tpu.memory_space<hbm>> -> memref<128x128xf32, #tpu.memory_space<hbm>>
      tpu.enqueue_dma source(%arg10 : memref<128x128xf32, #tpu.memory_space<vmem>>) target(%dma_start3A_195 : memref<128x128xf32, #tpu.memory_space<hbm>>) target_semaphore(%run_scoped3A_191 : memref<!tpu.dma_semaphore, #tpu.memory_space<semaphore_mem>>)
      %dma_wait3A_196 = arith.constant 0 : i32
      %dma_wait3A_197 = tpu.memref_slice %arg5[%add3A_139, %dma_wait3A_196] : memref<8192x128xf32, #tpu.memory_space<hbm>> -> memref<128x128xf32, #tpu.memory_space<hbm>>
      %dma_wait3A_198 = arith.constant 0 : i32
      %dma_wait3A_199 = tpu.memref_slice %arg5[%add3A_139, %dma_wait3A_198] : memref<8192x128xf32, #tpu.memory_space<hbm>> -> memref<128x128xf32, #tpu.memory_space<hbm>>
      tpu.wait_dma2 semaphore(%run_scoped3A_191 : memref<!tpu.dma_semaphore, #tpu.memory_space<semaphore_mem>>) src(%arg10 : memref<128x128xf32, #tpu.memory_space<vmem>>) dst(%dma_wait3A_199 : memref<128x128xf32, #tpu.memory_space<hbm>>)
      tpu.yield
    }) : () -> ()
    %dma_wait3A_145 = arith.constant 1 : i32
    %dma_wait3A_146 = arith.constant 1 : i32
    %dma_wait3A_147 = arith.constant 0 : i32
    %dma_wait3A_148 = arith.constant 0 : i32
    %dma_wait3A_149 = tpu.memref_slice %arg9[%dma_wait3A_146, %dma_wait3A_147, %dma_wait3A_148] : memref<2x384x128xf32, #tpu.memory_space<vmem>> -> memref<1x128x128xf32, #tpu.memory_space<vmem>>
    %dma_wait3A_150 = tpu.memref_squeeze %dma_wait3A_149 : memref<1x128x128xf32, #tpu.memory_space<vmem>> -> memref<128x128xf32, #tpu.memory_space<vmem>>
    %dma_wait3A_151 = arith.constant 0 : i32
    %dma_wait3A_152 = tpu.memref_slice %arg6[%dma_wait3A_145, %dma_wait3A_151] : memref<2x384xi32, #tpu.memory_space<vmem>> -> memref<1x128xi32, #tpu.memory_space<vmem>>
    %dma_wait3A_153 = tpu.memref_squeeze %dma_wait3A_152 : memref<1x128xi32, #tpu.memory_space<vmem>> -> memref<128xi32, #tpu.memory_space<vmem>>
    %dma_wait3A_154 = arith.constant 0 : i32
    %dma_wait3A_155 = arith.constant 0 : i32
    %dma_wait3A_156 = tpu.memref_slice %arg2[%dma_wait3A_154, %dma_wait3A_155] : memref<2048x128xf32, #tpu.memory_space<hbm>> -> memref<2048x128xf32, #tpu.memory_space<hbm>>
    tpu.wait_indirect_dma semaphore(%arg12 : memref<!tpu.dma_semaphore, #tpu.memory_space<semaphore_mem>>) src(%dma_wait3A_156 : memref<2048x128xf32, #tpu.memory_space<hbm>>) dst(%dma_wait3A_150 : memref<128x128xf32, #tpu.memory_space<vmem>>)
    %dma_wait3A_157 = arith.constant 1 : i32
    %dma_wait3A_158 = arith.constant 1 : i32
    %dma_wait3A_159 = arith.constant 128 : i32
    %dma_wait3A_160 = arith.constant 0 : i32
    %dma_wait3A_161 = tpu.memref_slice %arg9[%dma_wait3A_158, %dma_wait3A_159, %dma_wait3A_160] : memref<2x384x128xf32, #tpu.memory_space<vmem>> -> memref<1x128x128xf32, #tpu.memory_space<vmem>>
    %dma_wait3A_162 = tpu.memref_squeeze %dma_wait3A_161 : memref<1x128x128xf32, #tpu.memory_space<vmem>> -> memref<128x128xf32, #tpu.memory_space<vmem>>
    %dma_wait3A_163 = arith.constant 128 : i32
    %dma_wait3A_164 = tpu.memref_slice %arg6[%dma_wait3A_157, %dma_wait3A_163] : memref<2x384xi32, #tpu.memory_space<vmem>> -> memref<1x128xi32, #tpu.memory_space<vmem>>
    %dma_wait3A_165 = tpu.memref_squeeze %dma_wait3A_164 : memref<1x128xi32, #tpu.memory_space<vmem>> -> memref<128xi32, #tpu.memory_space<vmem>>
    %dma_wait3A_166 = arith.constant 0 : i32
    %dma_wait3A_167 = arith.constant 0 : i32
    %dma_wait3A_168 = tpu.memref_slice %arg2[%dma_wait3A_166, %dma_wait3A_167] : memref<2048x128xf32, #tpu.memory_space<hbm>> -> memref<2048x128xf32, #tpu.memory_space<hbm>>
    tpu.wait_indirect_dma semaphore(%arg12 : memref<!tpu.dma_semaphore, #tpu.memory_space<semaphore_mem>>) src(%dma_wait3A_168 : memref<2048x128xf32, #tpu.memory_space<hbm>>) dst(%dma_wait3A_162 : memref<128x128xf32, #tpu.memory_space<vmem>>)
    %dma_wait3A_169 = arith.constant 1 : i32
    %dma_wait3A_170 = arith.constant 1 : i32
    %dma_wait3A_171 = arith.constant 256 : i32
    %dma_wait3A_172 = arith.constant 0 : i32
    %dma_wait3A_173 = tpu.memref_slice %arg9[%dma_wait3A_170, %dma_wait3A_171, %dma_wait3A_172] : memref<2x384x128xf32, #tpu.memory_space<vmem>> -> memref<1x128x128xf32, #tpu.memory_space<vmem>>
    %dma_wait3A_174 = tpu.memref_squeeze %dma_wait3A_173 : memref<1x128x128xf32, #tpu.memory_space<vmem>> -> memref<128x128xf32, #tpu.memory_space<vmem>>
    %dma_wait3A_175 = arith.constant 256 : i32
    %dma_wait3A_176 = tpu.memref_slice %arg6[%dma_wait3A_169, %dma_wait3A_175] : memref<2x384xi32, #tpu.memory_space<vmem>> -> memref<1x128xi32, #tpu.memory_space<vmem>>
    %dma_wait3A_177 = tpu.memref_squeeze %dma_wait3A_176 : memref<1x128xi32, #tpu.memory_space<vmem>> -> memref<128xi32, #tpu.memory_space<vmem>>
    %dma_wait3A_178 = arith.constant 0 : i32
    %dma_wait3A_179 = arith.constant 0 : i32
    %dma_wait3A_180 = tpu.memref_slice %arg2[%dma_wait3A_178, %dma_wait3A_179] : memref<2048x128xf32, #tpu.memory_space<hbm>> -> memref<2048x128xf32, #tpu.memory_space<hbm>>
    tpu.wait_indirect_dma semaphore(%arg12 : memref<!tpu.dma_semaphore, #tpu.memory_space<semaphore_mem>>) src(%dma_wait3A_180 : memref<2048x128xf32, #tpu.memory_space<hbm>>) dst(%dma_wait3A_174 : memref<128x128xf32, #tpu.memory_space<vmem>>)
    %mul3A_181 = arith.constant 256 : i32
    %mul3A_182 = arith.muli %add3A, %mul3A_181 : i32
    %add3A_183 = arith.constant 128 : i32
    %add3A_184 = arith.addi %mul3A_182, %add3A_183 : i32
    %scan3A_185 = arith.constant 0 : i32
    %scan3A_186 = arith.constant 0 : i32
    %scan3A_187 = arith.constant 128 : i32
    %scan3A_188 = arith.addi %scan3A_186, %scan3A_187 : i32
    %scan3A_189 = arith.constant 1 : i32
    scf.for %scan3A_191 = %scan3A_186 to %scan3A_188 step %scan3A_189  : i32 {
      %mul3A_192 = arith.constant 3 : i32
      %mul3A_193 = arith.muli %mul3A_192, %scan3A_191 : i32
      %get3A = arith.index_cast %mul3A_193 : i32 to index
      %get3A_194 = tpu.vector_load %arg8[%get3A] {strides = array<i32>} : memref<400xf32, #tpu.memory_space<vmem>>, vector<16xf32>,
      %get3A_195 = vector.shape_cast %get3A_194 : vector<16xf32> to vector<16xf32>
      %slice3A = vector.extract_strided_slice %get3A_195 {offsets = [0], sizes = [1], strides = [1]} : vector<16xf32> to vector<1xf32>
      %squeeze3A = vector.extract %slice3A[0] : f32 from vector<1xf32>
      %slice3A_196 = vector.extract_strided_slice %get3A_195 {offsets = [1], sizes = [1], strides = [1]} : vector<16xf32> to vector<1xf32>
      %squeeze3A_197 = vector.extract %slice3A_196[0] : f32 from vector<1xf32>
      %slice3A_198 = vector.extract_strided_slice %get3A_195 {offsets = [2], sizes = [1], strides = [1]} : vector<16xf32> to vector<1xf32>
      %squeeze3A_199 = vector.extract %slice3A_198[0] : f32 from vector<1xf32>
      %get3A_200 = arith.constant 1 : i32
      %get3A_201 = arith.index_cast %get3A_200 : i32 to index
      %get3A_202 = arith.index_cast %scan3A_191 : i32 to index
      %get3A_203 = arith.constant 0 : index
      %get3A_204 = tpu.vector_load %arg9[%get3A_201, %get3A_202, %get3A_203] {strides = array<i32>} : memref<2x384x128xf32, #tpu.memory_space<vmem>>, vector<1x1x16xf32>,
      %get3A_205 = vector.shape_cast %get3A_204 : vector<1x1x16xf32> to vector<16xf32>
      %mul3A_206 = vector.broadcast %squeeze3A : f32 to vector<16xf32>
      %mul3A_207 = arith.mulf %get3A_205, %mul3A_206 : vector<16xf32>
      %add3A_208 = arith.constant 128 : i32
      %add3A_209 = arith.addi %add3A_208, %scan3A_191 : i32
      %get3A_210 = arith.constant 1 : i32
      %get3A_211 = arith.index_cast %get3A_210 : i32 to index
      %get3A_212 = arith.index_cast %add3A_209 : i32 to index
      %get3A_213 = arith.constant 0 : index
      %get3A_214 = tpu.vector_load %arg9[%get3A_211, %get3A_212, %get3A_213] {strides = array<i32>} : memref<2x384x128xf32, #tpu.memory_space<vmem>>, vector<1x1x16xf32>,
      %get3A_215 = vector.shape_cast %get3A_214 : vector<1x1x16xf32> to vector<16xf32>
      %mul3A_216 = vector.broadcast %squeeze3A_197 : f32 to vector<16xf32>
      %mul3A_217 = arith.mulf %get3A_215, %mul3A_216 : vector<16xf32>
      %add3A_218 = arith.addf %mul3A_207, %mul3A_217 : vector<16xf32>
      %add3A_219 = arith.constant 256 : i32
      %add3A_220 = arith.addi %add3A_219, %scan3A_191 : i32
      %get3A_221 = arith.constant 1 : i32
      %get3A_222 = arith.index_cast %get3A_221 : i32 to index
      %get3A_223 = arith.index_cast %add3A_220 : i32 to index
      %get3A_224 = arith.constant 0 : index
      %get3A_225 = tpu.vector_load %arg9[%get3A_222, %get3A_223, %get3A_224] {strides = array<i32>} : memref<2x384x128xf32, #tpu.memory_space<vmem>>, vector<1x1x16xf32>,
      %get3A_226 = vector.shape_cast %get3A_225 : vector<1x1x16xf32> to vector<16xf32>
      %mul3A_227 = vector.broadcast %squeeze3A_199 : f32 to vector<16xf32>
      %mul3A_228 = arith.mulf %get3A_226, %mul3A_227 : vector<16xf32>
      %add3A_229 = arith.addf %add3A_218, %mul3A_228 : vector<16xf32>
      %swap3A = arith.index_cast %scan3A_191 : i32 to index
      %swap3A_230 = arith.constant 0 : index
      %swap3A_231 = tpu.vector_load %arg10[%swap3A, %swap3A_230] {strides = array<i32>} : memref<128x128xf32, #tpu.memory_space<vmem>>, vector<1x16xf32>,
      %swap3A_232 = vector.shape_cast %swap3A_231 : vector<1x16xf32> to vector<16xf32>
      %swap3A_233 = vector.shape_cast %add3A_229 : vector<16xf32> to vector<1x16xf32>
      tpu.vector_store %arg10[%swap3A, %swap3A_230], %swap3A_233 {strides = array<i32>} : memref<128x128xf32, #tpu.memory_space<vmem>>, vector<1x16xf32>,
      %get3A_234 = arith.constant 1 : i32
      %get3A_235 = arith.index_cast %get3A_234 : i32 to index
      %get3A_236 = arith.index_cast %scan3A_191 : i32 to index
      %get3A_237 = arith.constant 16 : index
      %get3A_238 = tpu.vector_load %arg9[%get3A_235, %get3A_236, %get3A_237] {strides = array<i32>} : memref<2x384x128xf32, #tpu.memory_space<vmem>>, vector<1x1x16xf32>,
      %get3A_239 = vector.shape_cast %get3A_238 : vector<1x1x16xf32> to vector<16xf32>
      %mul3A_240 = vector.broadcast %squeeze3A : f32 to vector<16xf32>
      %mul3A_241 = arith.mulf %get3A_239, %mul3A_240 : vector<16xf32>
      %add3A_242 = arith.constant 128 : i32
      %add3A_243 = arith.addi %add3A_242, %scan3A_191 : i32
      %get3A_244 = arith.constant 1 : i32
      %get3A_245 = arith.index_cast %get3A_244 : i32 to index
      %get3A_246 = arith.index_cast %add3A_243 : i32 to index
      %get3A_247 = arith.constant 16 : index
      %get3A_248 = tpu.vector_load %arg9[%get3A_245, %get3A_246, %get3A_247] {strides = array<i32>} : memref<2x384x128xf32, #tpu.memory_space<vmem>>, vector<1x1x16xf32>,
      %get3A_249 = vector.shape_cast %get3A_248 : vector<1x1x16xf32> to vector<16xf32>
      %mul3A_250 = vector.broadcast %squeeze3A_197 : f32 to vector<16xf32>
      %mul3A_251 = arith.mulf %get3A_249, %mul3A_250 : vector<16xf32>
      %add3A_252 = arith.addf %mul3A_241, %mul3A_251 : vector<16xf32>
      %add3A_253 = arith.constant 256 : i32
      %add3A_254 = arith.addi %add3A_253, %scan3A_191 : i32
      %get3A_255 = arith.constant 1 : i32
      %get3A_256 = arith.index_cast %get3A_255 : i32 to index
      %get3A_257 = arith.index_cast %add3A_254 : i32 to index
      %get3A_258 = arith.constant 16 : index
      %get3A_259 = tpu.vector_load %arg9[%get3A_256, %get3A_257, %get3A_258] {strides = array<i32>} : memref<2x384x128xf32, #tpu.memory_space<vmem>>, vector<1x1x16xf32>,
      %get3A_260 = vector.shape_cast %get3A_259 : vector<1x1x16xf32> to vector<16xf32>
      %mul3A_261 = vector.broadcast %squeeze3A_199 : f32 to vector<16xf32>
      %mul3A_262 = arith.mulf %get3A_260, %mul3A_261 : vector<16xf32>
      %add3A_263 = arith.addf %add3A_252, %mul3A_262 : vector<16xf32>
      %swap3A_264 = arith.index_cast %scan3A_191 : i32 to index
      %swap3A_265 = arith.constant 16 : index
      %swap3A_266 = tpu.vector_load %arg10[%swap3A_264, %swap3A_265] {strides = array<i32>} : memref<128x128xf32, #tpu.memory_space<vmem>>, vector<1x16xf32>,
      %swap3A_267 = vector.shape_cast %swap3A_266 : vector<1x16xf32> to vector<16xf32>
      %swap3A_268 = vector.shape_cast %add3A_263 : vector<16xf32> to vector<1x16xf32>
      tpu.vector_store %arg10[%swap3A_264, %swap3A_265], %swap3A_268 {strides = array<i32>} : memref<128x128xf32, #tpu.memory_space<vmem>>, vector<1x16xf32>,
      %get3A_269 = arith.constant 1 : i32
      %get3A_270 = arith.index_cast %get3A_269 : i32 to index
      %get3A_271 = arith.index_cast %scan3A_191 : i32 to index
      %get3A_272 = arith.constant 32 : index
      %get3A_273 = tpu.vector_load %arg9[%get3A_270, %get3A_271, %get3A_272] {strides = array<i32>} : memref<2x384x128xf32, #tpu.memory_space<vmem>>, vector<1x1x16xf32>,
      %get3A_274 = vector.shape_cast %get3A_273 : vector<1x1x16xf32> to vector<16xf32>
      %mul3A_275 = vector.broadcast %squeeze3A : f32 to vector<16xf32>
      %mul3A_276 = arith.mulf %get3A_274, %mul3A_275 : vector<16xf32>
      %add3A_277 = arith.constant 128 : i32
      %add3A_278 = arith.addi %add3A_277, %scan3A_191 : i32
      %get3A_279 = arith.constant 1 : i32
      %get3A_280 = arith.index_cast %get3A_279 : i32 to index
      %get3A_281 = arith.index_cast %add3A_278 : i32 to index
      %get3A_282 = arith.constant 32 : index
      %get3A_283 = tpu.vector_load %arg9[%get3A_280, %get3A_281, %get3A_282] {strides = array<i32>} : memref<2x384x128xf32, #tpu.memory_space<vmem>>, vector<1x1x16xf32>,
      %get3A_284 = vector.shape_cast %get3A_283 : vector<1x1x16xf32> to vector<16xf32>
      %mul3A_285 = vector.broadcast %squeeze3A_197 : f32 to vector<16xf32>
      %mul3A_286 = arith.mulf %get3A_284, %mul3A_285 : vector<16xf32>
      %add3A_287 = arith.addf %mul3A_276, %mul3A_286 : vector<16xf32>
      %add3A_288 = arith.constant 256 : i32
      %add3A_289 = arith.addi %add3A_288, %scan3A_191 : i32
      %get3A_290 = arith.constant 1 : i32
      %get3A_291 = arith.index_cast %get3A_290 : i32 to index
      %get3A_292 = arith.index_cast %add3A_289 : i32 to index
      %get3A_293 = arith.constant 32 : index
      %get3A_294 = tpu.vector_load %arg9[%get3A_291, %get3A_292, %get3A_293] {strides = array<i32>} : memref<2x384x128xf32, #tpu.memory_space<vmem>>, vector<1x1x16xf32>,
      %get3A_295 = vector.shape_cast %get3A_294 : vector<1x1x16xf32> to vector<16xf32>
      %mul3A_296 = vector.broadcast %squeeze3A_199 : f32 to vector<16xf32>
      %mul3A_297 = arith.mulf %get3A_295, %mul3A_296 : vector<16xf32>
      %add3A_298 = arith.addf %add3A_287, %mul3A_297 : vector<16xf32>
      %swap3A_299 = arith.index_cast %scan3A_191 : i32 to index
      %swap3A_300 = arith.constant 32 : index
      %swap3A_301 = tpu.vector_load %arg10[%swap3A_299, %swap3A_300] {strides = array<i32>} : memref<128x128xf32, #tpu.memory_space<vmem>>, vector<1x16xf32>,
      %swap3A_302 = vector.shape_cast %swap3A_301 : vector<1x16xf32> to vector<16xf32>
      %swap3A_303 = vector.shape_cast %add3A_298 : vector<16xf32> to vector<1x16xf32>
      tpu.vector_store %arg10[%swap3A_299, %swap3A_300], %swap3A_303 {strides = array<i32>} : memref<128x128xf32, #tpu.memory_space<vmem>>, vector<1x16xf32>,
      %get3A_304 = arith.constant 1 : i32
      %get3A_305 = arith.index_cast %get3A_304 : i32 to index
      %get3A_306 = arith.index_cast %scan3A_191 : i32 to index
      %get3A_307 = arith.constant 48 : index
      %get3A_308 = tpu.vector_load %arg9[%get3A_305, %get3A_306, %get3A_307] {strides = array<i32>} : memref<2x384x128xf32, #tpu.memory_space<vmem>>, vector<1x1x16xf32>,
      %get3A_309 = vector.shape_cast %get3A_308 : vector<1x1x16xf32> to vector<16xf32>
      %mul3A_310 = vector.broadcast %squeeze3A : f32 to vector<16xf32>
      %mul3A_311 = arith.mulf %get3A_309, %mul3A_310 : vector<16xf32>
      %add3A_312 = arith.constant 128 : i32
      %add3A_313 = arith.addi %add3A_312, %scan3A_191 : i32
      %get3A_314 = arith.constant 1 : i32
      %get3A_315 = arith.index_cast %get3A_314 : i32 to index
      %get3A_316 = arith.index_cast %add3A_313 : i32 to index
      %get3A_317 = arith.constant 48 : index
      %get3A_318 = tpu.vector_load %arg9[%get3A_315, %get3A_316, %get3A_317] {strides = array<i32>} : memref<2x384x128xf32, #tpu.memory_space<vmem>>, vector<1x1x16xf32>,
      %get3A_319 = vector.shape_cast %get3A_318 : vector<1x1x16xf32> to vector<16xf32>
      %mul3A_320 = vector.broadcast %squeeze3A_197 : f32 to vector<16xf32>
      %mul3A_321 = arith.mulf %get3A_319, %mul3A_320 : vector<16xf32>
      %add3A_322 = arith.addf %mul3A_311, %mul3A_321 : vector<16xf32>
      %add3A_323 = arith.constant 256 : i32
      %add3A_324 = arith.addi %add3A_323, %scan3A_191 : i32
      %get3A_325 = arith.constant 1 : i32
      %get3A_326 = arith.index_cast %get3A_325 : i32 to index
      %get3A_327 = arith.index_cast %add3A_324 : i32 to index
      %get3A_328 = arith.constant 48 : index
      %get3A_329 = tpu.vector_load %arg9[%get3A_326, %get3A_327, %get3A_328] {strides = array<i32>} : memref<2x384x128xf32, #tpu.memory_space<vmem>>, vector<1x1x16xf32>,
      %get3A_330 = vector.shape_cast %get3A_329 : vector<1x1x16xf32> to vector<16xf32>
      %mul3A_331 = vector.broadcast %squeeze3A_199 : f32 to vector<16xf32>
      %mul3A_332 = arith.mulf %get3A_330, %mul3A_331 : vector<16xf32>
      %add3A_333 = arith.addf %add3A_322, %mul3A_332 : vector<16xf32>
      %swap3A_334 = arith.index_cast %scan3A_191 : i32 to index
      %swap3A_335 = arith.constant 48 : index
      %swap3A_336 = tpu.vector_load %arg10[%swap3A_334, %swap3A_335] {strides = array<i32>} : memref<128x128xf32, #tpu.memory_space<vmem>>, vector<1x16xf32>,
      %swap3A_337 = vector.shape_cast %swap3A_336 : vector<1x16xf32> to vector<16xf32>
      %swap3A_338 = vector.shape_cast %add3A_333 : vector<16xf32> to vector<1x16xf32>
      tpu.vector_store %arg10[%swap3A_334, %swap3A_335], %swap3A_338 {strides = array<i32>} : memref<128x128xf32, #tpu.memory_space<vmem>>, vector<1x16xf32>,
      %get3A_339 = arith.constant 1 : i32
      %get3A_340 = arith.index_cast %get3A_339 : i32 to index
      %get3A_341 = arith.index_cast %scan3A_191 : i32 to index
      %get3A_342 = arith.constant 64 : index
      %get3A_343 = tpu.vector_load %arg9[%get3A_340, %get3A_341, %get3A_342] {strides = array<i32>} : memref<2x384x128xf32, #tpu.memory_space<vmem>>, vector<1x1x16xf32>,
      %get3A_344 = vector.shape_cast %get3A_343 : vector<1x1x16xf32> to vector<16xf32>
      %mul3A_345 = vector.broadcast %squeeze3A : f32 to vector<16xf32>
      %mul3A_346 = arith.mulf %get3A_344, %mul3A_345 : vector<16xf32>
      %add3A_347 = arith.constant 128 : i32
      %add3A_348 = arith.addi %add3A_347, %scan3A_191 : i32
      %get3A_349 = arith.constant 1 : i32
      %get3A_350 = arith.index_cast %get3A_349 : i32 to index
      %get3A_351 = arith.index_cast %add3A_348 : i32 to index
      %get3A_352 = arith.constant 64 : index
      %get3A_353 = tpu.vector_load %arg9[%get3A_350, %get3A_351, %get3A_352] {strides = array<i32>} : memref<2x384x128xf32, #tpu.memory_space<vmem>>, vector<1x1x16xf32>,
      %get3A_354 = vector.shape_cast %get3A_353 : vector<1x1x16xf32> to vector<16xf32>
      %mul3A_355 = vector.broadcast %squeeze3A_197 : f32 to vector<16xf32>
      %mul3A_356 = arith.mulf %get3A_354, %mul3A_355 : vector<16xf32>
      %add3A_357 = arith.addf %mul3A_346, %mul3A_356 : vector<16xf32>
      %add3A_358 = arith.constant 256 : i32
      %add3A_359 = arith.addi %add3A_358, %scan3A_191 : i32
      %get3A_360 = arith.constant 1 : i32
      %get3A_361 = arith.index_cast %get3A_360 : i32 to index
      %get3A_362 = arith.index_cast %add3A_359 : i32 to index
      %get3A_363 = arith.constant 64 : index
      %get3A_364 = tpu.vector_load %arg9[%get3A_361, %get3A_362, %get3A_363] {strides = array<i32>} : memref<2x384x128xf32, #tpu.memory_space<vmem>>, vector<1x1x16xf32>,
      %get3A_365 = vector.shape_cast %get3A_364 : vector<1x1x16xf32> to vector<16xf32>
      %mul3A_366 = vector.broadcast %squeeze3A_199 : f32 to vector<16xf32>
      %mul3A_367 = arith.mulf %get3A_365, %mul3A_366 : vector<16xf32>
      %add3A_368 = arith.addf %add3A_357, %mul3A_367 : vector<16xf32>
      %swap3A_369 = arith.index_cast %scan3A_191 : i32 to index
      %swap3A_370 = arith.constant 64 : index
      %swap3A_371 = tpu.vector_load %arg10[%swap3A_369, %swap3A_370] {strides = array<i32>} : memref<128x128xf32, #tpu.memory_space<vmem>>, vector<1x16xf32>,
      %swap3A_372 = vector.shape_cast %swap3A_371 : vector<1x16xf32> to vector<16xf32>
      %swap3A_373 = vector.shape_cast %add3A_368 : vector<16xf32> to vector<1x16xf32>
      tpu.vector_store %arg10[%swap3A_369, %swap3A_370], %swap3A_373 {strides = array<i32>} : memref<128x128xf32, #tpu.memory_space<vmem>>, vector<1x16xf32>,
      %get3A_374 = arith.constant 1 : i32
      %get3A_375 = arith.index_cast %get3A_374 : i32 to index
      %get3A_376 = arith.index_cast %scan3A_191 : i32 to index
      %get3A_377 = arith.constant 80 : index
      %get3A_378 = tpu.vector_load %arg9[%get3A_375, %get3A_376, %get3A_377] {strides = array<i32>} : memref<2x384x128xf32, #tpu.memory_space<vmem>>, vector<1x1x16xf32>,
      %get3A_379 = vector.shape_cast %get3A_378 : vector<1x1x16xf32> to vector<16xf32>
      %mul3A_380 = vector.broadcast %squeeze3A : f32 to vector<16xf32>
      %mul3A_381 = arith.mulf %get3A_379, %mul3A_380 : vector<16xf32>
      %add3A_382 = arith.constant 128 : i32
      %add3A_383 = arith.addi %add3A_382, %scan3A_191 : i32
      %get3A_384 = arith.constant 1 : i32
      %get3A_385 = arith.index_cast %get3A_384 : i32 to index
      %get3A_386 = arith.index_cast %add3A_383 : i32 to index
      %get3A_387 = arith.constant 80 : index
      %get3A_388 = tpu.vector_load %arg9[%get3A_385, %get3A_386, %get3A_387] {strides = array<i32>} : memref<2x384x128xf32, #tpu.memory_space<vmem>>, vector<1x1x16xf32>,
      %get3A_389 = vector.shape_cast %get3A_388 : vector<1x1x16xf32> to vector<16xf32>
      %mul3A_390 = vector.broadcast %squeeze3A_197 : f32 to vector<16xf32>
      %mul3A_391 = arith.mulf %get3A_389, %mul3A_390 : vector<16xf32>
      %add3A_392 = arith.addf %mul3A_381, %mul3A_391 : vector<16xf32>
      %add3A_393 = arith.constant 256 : i32
      %add3A_394 = arith.addi %add3A_393, %scan3A_191 : i32
      %get3A_395 = arith.constant 1 : i32
      %get3A_396 = arith.index_cast %get3A_395 : i32 to index
      %get3A_397 = arith.index_cast %add3A_394 : i32 to index
      %get3A_398 = arith.constant 80 : index
      %get3A_399 = tpu.vector_load %arg9[%get3A_396, %get3A_397, %get3A_398] {strides = array<i32>} : memref<2x384x128xf32, #tpu.memory_space<vmem>>, vector<1x1x16xf32>,
      %get3A_400 = vector.shape_cast %get3A_399 : vector<1x1x16xf32> to vector<16xf32>
      %mul3A_401 = vector.broadcast %squeeze3A_199 : f32 to vector<16xf32>
      %mul3A_402 = arith.mulf %get3A_400, %mul3A_401 : vector<16xf32>
      %add3A_403 = arith.addf %add3A_392, %mul3A_402 : vector<16xf32>
      %swap3A_404 = arith.index_cast %scan3A_191 : i32 to index
      %swap3A_405 = arith.constant 80 : index
      %swap3A_406 = tpu.vector_load %arg10[%swap3A_404, %swap3A_405] {strides = array<i32>} : memref<128x128xf32, #tpu.memory_space<vmem>>, vector<1x16xf32>,
      %swap3A_407 = vector.shape_cast %swap3A_406 : vector<1x16xf32> to vector<16xf32>
      %swap3A_408 = vector.shape_cast %add3A_403 : vector<16xf32> to vector<1x16xf32>
      tpu.vector_store %arg10[%swap3A_404, %swap3A_405], %swap3A_408 {strides = array<i32>} : memref<128x128xf32, #tpu.memory_space<vmem>>, vector<1x16xf32>,
      %get3A_409 = arith.constant 1 : i32
      %get3A_410 = arith.index_cast %get3A_409 : i32 to index
      %get3A_411 = arith.index_cast %scan3A_191 : i32 to index
      %get3A_412 = arith.constant 96 : index
      %get3A_413 = tpu.vector_load %arg9[%get3A_410, %get3A_411, %get3A_412] {strides = array<i32>} : memref<2x384x128xf32, #tpu.memory_space<vmem>>, vector<1x1x16xf32>,
      %get3A_414 = vector.shape_cast %get3A_413 : vector<1x1x16xf32> to vector<16xf32>
      %mul3A_415 = vector.broadcast %squeeze3A : f32 to vector<16xf32>
      %mul3A_416 = arith.mulf %get3A_414, %mul3A_415 : vector<16xf32>
      %add3A_417 = arith.constant 128 : i32
      %add3A_418 = arith.addi %add3A_417, %scan3A_191 : i32
      %get3A_419 = arith.constant 1 : i32
      %get3A_420 = arith.index_cast %get3A_419 : i32 to index
      %get3A_421 = arith.index_cast %add3A_418 : i32 to index
      %get3A_422 = arith.constant 96 : index
      %get3A_423 = tpu.vector_load %arg9[%get3A_420, %get3A_421, %get3A_422] {strides = array<i32>} : memref<2x384x128xf32, #tpu.memory_space<vmem>>, vector<1x1x16xf32>,
      %get3A_424 = vector.shape_cast %get3A_423 : vector<1x1x16xf32> to vector<16xf32>
      %mul3A_425 = vector.broadcast %squeeze3A_197 : f32 to vector<16xf32>
      %mul3A_426 = arith.mulf %get3A_424, %mul3A_425 : vector<16xf32>
      %add3A_427 = arith.addf %mul3A_416, %mul3A_426 : vector<16xf32>
      %add3A_428 = arith.constant 256 : i32
      %add3A_429 = arith.addi %add3A_428, %scan3A_191 : i32
      %get3A_430 = arith.constant 1 : i32
      %get3A_431 = arith.index_cast %get3A_430 : i32 to index
      %get3A_432 = arith.index_cast %add3A_429 : i32 to index
      %get3A_433 = arith.constant 96 : index
      %get3A_434 = tpu.vector_load %arg9[%get3A_431, %get3A_432, %get3A_433] {strides = array<i32>} : memref<2x384x128xf32, #tpu.memory_space<vmem>>, vector<1x1x16xf32>,
      %get3A_435 = vector.shape_cast %get3A_434 : vector<1x1x16xf32> to vector<16xf32>
      %mul3A_436 = vector.broadcast %squeeze3A_199 : f32 to vector<16xf32>
      %mul3A_437 = arith.mulf %get3A_435, %mul3A_436 : vector<16xf32>
      %add3A_438 = arith.addf %add3A_427, %mul3A_437 : vector<16xf32>
      %swap3A_439 = arith.index_cast %scan3A_191 : i32 to index
      %swap3A_440 = arith.constant 96 : index
      %swap3A_441 = tpu.vector_load %arg10[%swap3A_439, %swap3A_440] {strides = array<i32>} : memref<128x128xf32, #tpu.memory_space<vmem>>, vector<1x16xf32>,
      %swap3A_442 = vector.shape_cast %swap3A_441 : vector<1x16xf32> to vector<16xf32>
      %swap3A_443 = vector.shape_cast %add3A_438 : vector<16xf32> to vector<1x16xf32>
      tpu.vector_store %arg10[%swap3A_439, %swap3A_440], %swap3A_443 {strides = array<i32>} : memref<128x128xf32, #tpu.memory_space<vmem>>, vector<1x16xf32>,
      %get3A_444 = arith.constant 1 : i32
      %get3A_445 = arith.index_cast %get3A_444 : i32 to index
      %get3A_446 = arith.index_cast %scan3A_191 : i32 to index
      %get3A_447 = arith.constant 112 : index
      %get3A_448 = tpu.vector_load %arg9[%get3A_445, %get3A_446, %get3A_447] {strides = array<i32>} : memref<2x384x128xf32, #tpu.memory_space<vmem>>, vector<1x1x16xf32>,
      %get3A_449 = vector.shape_cast %get3A_448 : vector<1x1x16xf32> to vector<16xf32>
      %mul3A_450 = vector.broadcast %squeeze3A : f32 to vector<16xf32>
      %mul3A_451 = arith.mulf %get3A_449, %mul3A_450 : vector<16xf32>
      %add3A_452 = arith.constant 128 : i32
      %add3A_453 = arith.addi %add3A_452, %scan3A_191 : i32
      %get3A_454 = arith.constant 1 : i32
      %get3A_455 = arith.index_cast %get3A_454 : i32 to index
      %get3A_456 = arith.index_cast %add3A_453 : i32 to index
      %get3A_457 = arith.constant 112 : index
      %get3A_458 = tpu.vector_load %arg9[%get3A_455, %get3A_456, %get3A_457] {strides = array<i32>} : memref<2x384x128xf32, #tpu.memory_space<vmem>>, vector<1x1x16xf32>,
      %get3A_459 = vector.shape_cast %get3A_458 : vector<1x1x16xf32> to vector<16xf32>
      %mul3A_460 = vector.broadcast %squeeze3A_197 : f32 to vector<16xf32>
      %mul3A_461 = arith.mulf %get3A_459, %mul3A_460 : vector<16xf32>
      %add3A_462 = arith.addf %mul3A_451, %mul3A_461 : vector<16xf32>
      %add3A_463 = arith.constant 256 : i32
      %add3A_464 = arith.addi %add3A_463, %scan3A_191 : i32
      %get3A_465 = arith.constant 1 : i32
      %get3A_466 = arith.index_cast %get3A_465 : i32 to index
      %get3A_467 = arith.index_cast %add3A_464 : i32 to index
      %get3A_468 = arith.constant 112 : index
      %get3A_469 = tpu.vector_load %arg9[%get3A_466, %get3A_467, %get3A_468] {strides = array<i32>} : memref<2x384x128xf32, #tpu.memory_space<vmem>>, vector<1x1x16xf32>,
      %get3A_470 = vector.shape_cast %get3A_469 : vector<1x1x16xf32> to vector<16xf32>
      %mul3A_471 = vector.broadcast %squeeze3A_199 : f32 to vector<16xf32>
      %mul3A_472 = arith.mulf %get3A_470, %mul3A_471 : vector<16xf32>
      %add3A_473 = arith.addf %add3A_462, %mul3A_472 : vector<16xf32>
      %swap3A_474 = arith.index_cast %scan3A_191 : i32 to index
      %swap3A_475 = arith.constant 112 : index
      %swap3A_476 = tpu.vector_load %arg10[%swap3A_474, %swap3A_475] {strides = array<i32>} : memref<128x128xf32, #tpu.memory_space<vmem>>, vector<1x16xf32>,
      %swap3A_477 = vector.shape_cast %swap3A_476 : vector<1x16xf32> to vector<16xf32>
      %swap3A_478 = vector.shape_cast %add3A_473 : vector<16xf32> to vector<1x16xf32>
      tpu.vector_store %arg10[%swap3A_474, %swap3A_475], %swap3A_478 {strides = array<i32>} : memref<128x128xf32, #tpu.memory_space<vmem>>, vector<1x16xf32>,
    }
    %scan3A_190 = arith.constant 128 : i32
    "tpu.region"() ({
      %run_scoped3A_191 = tpu.sem_alloc : memref<!tpu.dma_semaphore, #tpu.memory_space<semaphore_mem>>
      %dma_start3A_192 = arith.constant 0 : i32
      %dma_start3A_193 = tpu.memref_slice %arg5[%add3A_184, %dma_start3A_192] : memref<8192x128xf32, #tpu.memory_space<hbm>> -> memref<128x128xf32, #tpu.memory_space<hbm>>
      %dma_start3A_194 = arith.constant 0 : i32
      %dma_start3A_195 = tpu.memref_slice %arg5[%add3A_184, %dma_start3A_194] : memref<8192x128xf32, #tpu.memory_space<hbm>> -> memref<128x128xf32, #tpu.memory_space<hbm>>
      tpu.enqueue_dma source(%arg10 : memref<128x128xf32, #tpu.memory_space<vmem>>) target(%dma_start3A_195 : memref<128x128xf32, #tpu.memory_space<hbm>>) target_semaphore(%run_scoped3A_191 : memref<!tpu.dma_semaphore, #tpu.memory_space<semaphore_mem>>)
      %dma_wait3A_196 = arith.constant 0 : i32
      %dma_wait3A_197 = tpu.memref_slice %arg5[%add3A_184, %dma_wait3A_196] : memref<8192x128xf32, #tpu.memory_space<hbm>> -> memref<128x128xf32, #tpu.memory_space<hbm>>
      %dma_wait3A_198 = arith.constant 0 : i32
      %dma_wait3A_199 = tpu.memref_slice %arg5[%add3A_184, %dma_wait3A_198] : memref<8192x128xf32, #tpu.memory_space<hbm>> -> memref<128x128xf32, #tpu.memory_space<hbm>>
      tpu.wait_dma2 semaphore(%run_scoped3A_191 : memref<!tpu.dma_semaphore, #tpu.memory_space<semaphore_mem>>) src(%arg10 : memref<128x128xf32, #tpu.memory_space<vmem>>) dst(%dma_wait3A_199 : memref<128x128xf32, #tpu.memory_space<hbm>>)
      tpu.yield
    }) : () -> ()
    return
  }
}

#map = affine_map<(d0, d1) -> (0, 0)>
#map1 = affine_map<(d0, d1) -> (0)>
module attributes {stable_mosaic.version = 14 : i64} {
  func.func @_interp_sc(%arg0: i32, %arg1: i32, %arg2: memref<2048x128xf32, #tpu.memory_space<hbm>>, %arg3: memref<24576xi32, #tpu.memory_space<hbm>>, %arg4: memref<24576xf32, #tpu.memory_space<hbm>>, %arg5: memref<8192x128xf32, #tpu.memory_space<hbm>>, %arg6: memref<2x384xi32, #tpu.memory_space<vmem>>, %arg7: memref<400xf32, #tpu.memory_space<vmem>>, %arg8: memref<400xf32, #tpu.memory_space<vmem>>, %arg9: memref<2x384x128xf32, #tpu.memory_space<vmem>>, %arg10: memref<128x128xf32, #tpu.memory_space<vmem>>, %arg11: memref<!tpu.dma_semaphore, #tpu.memory_space<semaphore_mem>>, %arg12: memref<!tpu.dma_semaphore, #tpu.memory_space<semaphore_mem>>) attributes {dimension_semantics = [#tpu.dimension_semantics<core_parallel>, #tpu.dimension_semantics<subcore_parallel>], iteration_bounds = array<i64: 2, 16>, scalar_prefetch = 0 : i64, scratch_operands = 7 : i64, tpu.core_type = #tpu.core_type<sc_vector_subcore>, window_params = [{transform_indices = #map}, {transform_indices = #map1}, {transform_indices = #map1}, {transform_indices = #map}]} {
    %mul3A = arith.constant 2 : i32
    %mul3A_0 = arith.muli %arg1, %mul3A : i32
    %add3A = arith.addi %mul3A_0, %arg0 : i32
    %mul3A_1 = arith.constant 256 : i32
    %mul3A_2 = arith.muli %add3A, %mul3A_1 : i32
    %add3A_3 = arith.constant 0 : i32
    %add3A_4 = arith.addi %mul3A_2, %add3A_3 : i32
    %mul3A_5 = arith.constant 3 : i32
    %mul3A_6 = arith.muli %add3A_4, %mul3A_5 : i32
    "tpu.region"() ({
      %run_scoped3A_191 = tpu.sem_alloc : memref<!tpu.dma_semaphore, #tpu.memory_space<semaphore_mem>>
      %dma_start3A_192 = arith.constant 0 : i32
      %dma_start3A_193 = tpu.memref_slice %arg7[%dma_start3A_192] : memref<400xf32, #tpu.memory_space<vmem>> -> memref<384xf32, #tpu.memory_space<vmem>>
      %dma_start3A_194 = tpu.memref_slice %arg4[%mul3A_6] : memref<24576xf32, #tpu.memory_space<hbm>> -> memref<384xf32, #tpu.memory_space<hbm>>
      %dma_start3A_195 = arith.constant 0 : i32
      %dma_start3A_196 = tpu.memref_slice %arg7[%dma_start3A_195] : memref<400xf32, #tpu.memory_space<vmem>> -> memref<384xf32, #tpu.memory_space<vmem>>
      %dma_start3A_197 = tpu.memref_slice %arg4[%mul3A_6] : memref<24576xf32, #tpu.memory_space<hbm>> -> memref<384xf32, #tpu.memory_space<hbm>>
      tpu.enqueue_dma source(%dma_start3A_197 : memref<384xf32, #tpu.memory_space<hbm>>) target(%dma_start3A_196 : memref<384xf32, #tpu.memory_space<vmem>>) target_semaphore(%run_scoped3A_191 : memref<!tpu.dma_semaphore, #tpu.memory_space<semaphore_mem>>)
      %dma_wait3A_198 = arith.constant 0 : i32
      %dma_wait3A_199 = tpu.memref_slice %arg7[%dma_wait3A_198] : memref<400xf32, #tpu.memory_space<vmem>> -> memref<384xf32, #tpu.memory_space<vmem>>
      %dma_wait3A_200 = tpu.memref_slice %arg4[%mul3A_6] : memref<24576xf32, #tpu.memory_space<hbm>> -> memref<384xf32, #tpu.memory_space<hbm>>
      %dma_wait3A_201 = arith.constant 0 : i32
      %dma_wait3A_202 = tpu.memref_slice %arg7[%dma_wait3A_201] : memref<400xf32, #tpu.memory_space<vmem>> -> memref<384xf32, #tpu.memory_space<vmem>>
      %dma_wait3A_203 = tpu.memref_slice %arg4[%mul3A_6] : memref<24576xf32, #tpu.memory_space<hbm>> -> memref<384xf32, #tpu.memory_space<hbm>>
      tpu.wait_dma2 semaphore(%run_scoped3A_191 : memref<!tpu.dma_semaphore, #tpu.memory_space<semaphore_mem>>) src(%dma_wait3A_203 : memref<384xf32, #tpu.memory_space<hbm>>) dst(%dma_wait3A_202 : memref<384xf32, #tpu.memory_space<vmem>>)
      tpu.yield
    }) : () -> ()
    %add3A_7 = arith.constant 0 : i32
    %add3A_8 = arith.addi %add3A_7, %add3A_4 : i32
    %run_scoped3A = arith.constant 0 : i32
    "tpu.region"() ({
      %run_scoped3A_191 = tpu.sem_alloc : memref<!tpu.dma_semaphore, #tpu.memory_space<semaphore_mem>>
      %dma_start3A_192 = arith.constant 0 : i32
      %dma_start3A_193 = tpu.memref_slice %arg6[%run_scoped3A, %dma_start3A_192] : memref<2x384xi32, #tpu.memory_space<vmem>> -> memref<1x128xi32, #tpu.memory_space<vmem>>
      %dma_start3A_194 = tpu.memref_squeeze %dma_start3A_193 : memref<1x128xi32, #tpu.memory_space<vmem>> -> memref<128xi32, #tpu.memory_space<vmem>>
      %dma_start3A_195 = tpu.memref_slice %arg3[%add3A_8] : memref<24576xi32, #tpu.memory_space<hbm>> -> memref<128xi32, #tpu.memory_space<hbm>>
      %dma_start3A_196 = arith.constant 0 : i32
      %dma_start3A_197 = tpu.memref_slice %arg6[%run_scoped3A, %dma_start3A_196] : memref<2x384xi32, #tpu.memory_space<vmem>> -> memref<1x128xi32, #tpu.memory_space<vmem>>
      %dma_start3A_198 = tpu.memref_squeeze %dma_start3A_197 : memref<1x128xi32, #tpu.memory_space<vmem>> -> memref<128xi32, #tpu.memory_space<vmem>>
      %dma_start3A_199 = tpu.memref_slice %arg3[%add3A_8] : memref<24576xi32, #tpu.memory_space<hbm>> -> memref<128xi32, #tpu.memory_space<hbm>>
      tpu.enqueue_dma source(%dma_start3A_199 : memref<128xi32, #tpu.memory_space<hbm>>) target(%dma_start3A_198 : memref<128xi32, #tpu.memory_space<vmem>>) target_semaphore(%run_scoped3A_191 : memref<!tpu.dma_semaphore, #tpu.memory_space<semaphore_mem>>)
      %dma_wait3A_200 = arith.constant 0 : i32
      %dma_wait3A_201 = tpu.memref_slice %arg6[%run_scoped3A, %dma_wait3A_200] : memref<2x384xi32, #tpu.memory_space<vmem>> -> memref<1x128xi32, #tpu.memory_space<vmem>>
      %dma_wait3A_202 = tpu.memref_squeeze %dma_wait3A_201 : memref<1x128xi32, #tpu.memory_space<vmem>> -> memref<128xi32, #tpu.memory_space<vmem>>
      %dma_wait3A_203 = tpu.memref_slice %arg3[%add3A_8] : memref<24576xi32, #tpu.memory_space<hbm>> -> memref<128xi32, #tpu.memory_space<hbm>>
      %dma_wait3A_204 = arith.constant 0 : i32
      %dma_wait3A_205 = tpu.memref_slice %arg6[%run_scoped3A, %dma_wait3A_204] : memref<2x384xi32, #tpu.memory_space<vmem>> -> memref<1x128xi32, #tpu.memory_space<vmem>>
      %dma_wait3A_206 = tpu.memref_squeeze %dma_wait3A_205 : memref<1x128xi32, #tpu.memory_space<vmem>> -> memref<128xi32, #tpu.memory_space<vmem>>
      %dma_wait3A_207 = tpu.memref_slice %arg3[%add3A_8] : memref<24576xi32, #tpu.memory_space<hbm>> -> memref<128xi32, #tpu.memory_space<hbm>>
      tpu.wait_dma2 semaphore(%run_scoped3A_191 : memref<!tpu.dma_semaphore, #tpu.memory_space<semaphore_mem>>) src(%dma_wait3A_207 : memref<128xi32, #tpu.memory_space<hbm>>) dst(%dma_wait3A_206 : memref<128xi32, #tpu.memory_space<vmem>>)
      tpu.yield
    }) : () -> ()
    %dma_start3A = arith.constant 0 : i32
    %dma_start3A_9 = arith.constant 0 : i32
    %dma_start3A_10 = arith.constant 0 : i32
    %dma_start3A_11 = arith.constant 0 : i32
    %dma_start3A_12 = tpu.memref_slice %arg9[%dma_start3A_9, %dma_start3A_10, %dma_start3A_11] : memref<2x384x128xf32, #tpu.memory_space<vmem>> -> memref<1x128x128xf32, #tpu.memory_space<vmem>>
    %dma_start3A_13 = tpu.memref_squeeze %dma_start3A_12 : memref<1x128x128xf32, #tpu.memory_space<vmem>> -> memref<128x128xf32, #tpu.memory_space<vmem>>
    %dma_start3A_14 = arith.constant 0 : i32
    %dma_start3A_15 = tpu.memref_slice %arg6[%dma_start3A, %dma_start3A_14] : memref<2x384xi32, #tpu.memory_space<vmem>> -> memref<1x128xi32, #tpu.memory_space<vmem>>
    %dma_start3A_16 = tpu.memref_squeeze %dma_start3A_15 : memref<1x128xi32, #tpu.memory_space<vmem>> -> memref<128xi32, #tpu.memory_space<vmem>>
    %dma_start3A_17 = arith.constant 0 : i32
    %dma_start3A_18 = arith.constant 0 : i32
    %dma_start3A_19 = tpu.memref_slice %arg2[%dma_start3A_17, %dma_start3A_18] : memref<2048x128xf32, #tpu.memory_space<hbm>> -> memref<2048x128xf32, #tpu.memory_space<hbm>>
    tpu.enqueue_indirect_dma source(%dma_start3A_19 : memref<2048x128xf32, #tpu.memory_space<hbm>>) target(%dma_start3A_13 : memref<128x128xf32, #tpu.memory_space<vmem>>) offsets(%dma_start3A_16 : memref<128xi32, #tpu.memory_space<vmem>>) semaphore(%arg11 : memref<!tpu.dma_semaphore, #tpu.memory_space<semaphore_mem>>)
    %add3A_20 = arith.constant 8192 : i32
    %add3A_21 = arith.addi %add3A_20, %add3A_4 : i32
    %run_scoped3A_22 = arith.constant 0 : i32
    "tpu.region"() ({
      %run_scoped3A_191 = tpu.sem_alloc : memref<!tpu.dma_semaphore, #tpu.memory_space<semaphore_mem>>
      %dma_start3A_192 = arith.constant 128 : i32
      %dma_start3A_193 = tpu.memref_slice %arg6[%run_scoped3A_22, %dma_start3A_192] : memref<2x384xi32, #tpu.memory_space<vmem>> -> memref<1x128xi32, #tpu.memory_space<vmem>>
      %dma_start3A_194 = tpu.memref_squeeze %dma_start3A_193 : memref<1x128xi32, #tpu.memory_space<vmem>> -> memref<128xi32, #tpu.memory_space<vmem>>
      %dma_start3A_195 = tpu.memref_slice %arg3[%add3A_21] : memref<24576xi32, #tpu.memory_space<hbm>> -> memref<128xi32, #tpu.memory_space<hbm>>
      %dma_start3A_196 = arith.constant 128 : i32
      %dma_start3A_197 = tpu.memref_slice %arg6[%run_scoped3A_22, %dma_start3A_196] : memref<2x384xi32, #tpu.memory_space<vmem>> -> memref<1x128xi32, #tpu.memory_space<vmem>>
      %dma_start3A_198 = tpu.memref_squeeze %dma_start3A_197 : memref<1x128xi32, #tpu.memory_space<vmem>> -> memref<128xi32, #tpu.memory_space<vmem>>
      %dma_start3A_199 = tpu.memref_slice %arg3[%add3A_21] : memref<24576xi32, #tpu.memory_space<hbm>> -> memref<128xi32, #tpu.memory_space<hbm>>
      tpu.enqueue_dma source(%dma_start3A_199 : memref<128xi32, #tpu.memory_space<hbm>>) target(%dma_start3A_198 : memref<128xi32, #tpu.memory_space<vmem>>) target_semaphore(%run_scoped3A_191 : memref<!tpu.dma_semaphore, #tpu.memory_space<semaphore_mem>>)
      %dma_wait3A_200 = arith.constant 128 : i32
      %dma_wait3A_201 = tpu.memref_slice %arg6[%run_scoped3A_22, %dma_wait3A_200] : memref<2x384xi32, #tpu.memory_space<vmem>> -> memref<1x128xi32, #tpu.memory_space<vmem>>
      %dma_wait3A_202 = tpu.memref_squeeze %dma_wait3A_201 : memref<1x128xi32, #tpu.memory_space<vmem>> -> memref<128xi32, #tpu.memory_space<vmem>>
      %dma_wait3A_203 = tpu.memref_slice %arg3[%add3A_21] : memref<24576xi32, #tpu.memory_space<hbm>> -> memref<128xi32, #tpu.memory_space<hbm>>
      %dma_wait3A_204 = arith.constant 128 : i32
      %dma_wait3A_205 = tpu.memref_slice %arg6[%run_scoped3A_22, %dma_wait3A_204] : memref<2x384xi32, #tpu.memory_space<vmem>> -> memref<1x128xi32, #tpu.memory_space<vmem>>
      %dma_wait3A_206 = tpu.memref_squeeze %dma_wait3A_205 : memref<1x128xi32, #tpu.memory_space<vmem>> -> memref<128xi32, #tpu.memory_space<vmem>>
      %dma_wait3A_207 = tpu.memref_slice %arg3[%add3A_21] : memref<24576xi32, #tpu.memory_space<hbm>> -> memref<128xi32, #tpu.memory_space<hbm>>
      tpu.wait_dma2 semaphore(%run_scoped3A_191 : memref<!tpu.dma_semaphore, #tpu.memory_space<semaphore_mem>>) src(%dma_wait3A_207 : memref<128xi32, #tpu.memory_space<hbm>>) dst(%dma_wait3A_206 : memref<128xi32, #tpu.memory_space<vmem>>)
      tpu.yield
    }) : () -> ()
    %dma_start3A_23 = arith.constant 0 : i32
    %dma_start3A_24 = arith.constant 0 : i32
    %dma_start3A_25 = arith.constant 128 : i32
    %dma_start3A_26 = arith.constant 0 : i32
    %dma_start3A_27 = tpu.memref_slice %arg9[%dma_start3A_24, %dma_start3A_25, %dma_start3A_26] : memref<2x384x128xf32, #tpu.memory_space<vmem>> -> memref<1x128x128xf32, #tpu.memory_space<vmem>>
    %dma_start3A_28 = tpu.memref_squeeze %dma_start3A_27 : memref<1x128x128xf32, #tpu.memory_space<vmem>> -> memref<128x128xf32, #tpu.memory_space<vmem>>
    %dma_start3A_29 = arith.constant 128 : i32
    %dma_start3A_30 = tpu.memref_slice %arg6[%dma_start3A_23, %dma_start3A_29] : memref<2x384xi32, #tpu.memory_space<vmem>> -> memref<1x128xi32, #tpu.memory_space<vmem>>
    %dma_start3A_31 = tpu.memref_squeeze %dma_start3A_30 : memref<1x128xi32, #tpu.memory_space<vmem>> -> memref<128xi32, #tpu.memory_space<vmem>>
    %dma_start3A_32 = arith.constant 0 : i32
    %dma_start3A_33 = arith.constant 0 : i32
    %dma_start3A_34 = tpu.memref_slice %arg2[%dma_start3A_32, %dma_start3A_33] : memref<2048x128xf32, #tpu.memory_space<hbm>> -> memref<2048x128xf32, #tpu.memory_space<hbm>>
    tpu.enqueue_indirect_dma source(%dma_start3A_34 : memref<2048x128xf32, #tpu.memory_space<hbm>>) target(%dma_start3A_28 : memref<128x128xf32, #tpu.memory_space<vmem>>) offsets(%dma_start3A_31 : memref<128xi32, #tpu.memory_space<vmem>>) semaphore(%arg11 : memref<!tpu.dma_semaphore, #tpu.memory_space<semaphore_mem>>)
    %add3A_35 = arith.constant 16384 : i32
    %add3A_36 = arith.addi %add3A_35, %add3A_4 : i32
    %run_scoped3A_37 = arith.constant 0 : i32
    "tpu.region"() ({
      %run_scoped3A_191 = tpu.sem_alloc : memref<!tpu.dma_semaphore, #tpu.memory_space<semaphore_mem>>
      %dma_start3A_192 = arith.constant 256 : i32
      %dma_start3A_193 = tpu.memref_slice %arg6[%run_scoped3A_37, %dma_start3A_192] : memref<2x384xi32, #tpu.memory_space<vmem>> -> memref<1x128xi32, #tpu.memory_space<vmem>>
      %dma_start3A_194 = tpu.memref_squeeze %dma_start3A_193 : memref<1x128xi32, #tpu.memory_space<vmem>> -> memref<128xi32, #tpu.memory_space<vmem>>
      %dma_start3A_195 = tpu.memref_slice %arg3[%add3A_36] : memref<24576xi32, #tpu.memory_space<hbm>> -> memref<128xi32, #tpu.memory_space<hbm>>
      %dma_start3A_196 = arith.constant 256 : i32
      %dma_start3A_197 = tpu.memref_slice %arg6[%run_scoped3A_37, %dma_start3A_196] : memref<2x384xi32, #tpu.memory_space<vmem>> -> memref<1x128xi32, #tpu.memory_space<vmem>>
      %dma_start3A_198 = tpu.memref_squeeze %dma_start3A_197 : memref<1x128xi32, #tpu.memory_space<vmem>> -> memref<128xi32, #tpu.memory_space<vmem>>
      %dma_start3A_199 = tpu.memref_slice %arg3[%add3A_36] : memref<24576xi32, #tpu.memory_space<hbm>> -> memref<128xi32, #tpu.memory_space<hbm>>
      tpu.enqueue_dma source(%dma_start3A_199 : memref<128xi32, #tpu.memory_space<hbm>>) target(%dma_start3A_198 : memref<128xi32, #tpu.memory_space<vmem>>) target_semaphore(%run_scoped3A_191 : memref<!tpu.dma_semaphore, #tpu.memory_space<semaphore_mem>>)
      %dma_wait3A_200 = arith.constant 256 : i32
      %dma_wait3A_201 = tpu.memref_slice %arg6[%run_scoped3A_37, %dma_wait3A_200] : memref<2x384xi32, #tpu.memory_space<vmem>> -> memref<1x128xi32, #tpu.memory_space<vmem>>
      %dma_wait3A_202 = tpu.memref_squeeze %dma_wait3A_201 : memref<1x128xi32, #tpu.memory_space<vmem>> -> memref<128xi32, #tpu.memory_space<vmem>>
      %dma_wait3A_203 = tpu.memref_slice %arg3[%add3A_36] : memref<24576xi32, #tpu.memory_space<hbm>> -> memref<128xi32, #tpu.memory_space<hbm>>
      %dma_wait3A_204 = arith.constant 256 : i32
      %dma_wait3A_205 = tpu.memref_slice %arg6[%run_scoped3A_37, %dma_wait3A_204] : memref<2x384xi32, #tpu.memory_space<vmem>> -> memref<1x128xi32, #tpu.memory_space<vmem>>
      %dma_wait3A_206 = tpu.memref_squeeze %dma_wait3A_205 : memref<1x128xi32, #tpu.memory_space<vmem>> -> memref<128xi32, #tpu.memory_space<vmem>>
      %dma_wait3A_207 = tpu.memref_slice %arg3[%add3A_36] : memref<24576xi32, #tpu.memory_space<hbm>> -> memref<128xi32, #tpu.memory_space<hbm>>
      tpu.wait_dma2 semaphore(%run_scoped3A_191 : memref<!tpu.dma_semaphore, #tpu.memory_space<semaphore_mem>>) src(%dma_wait3A_207 : memref<128xi32, #tpu.memory_space<hbm>>) dst(%dma_wait3A_206 : memref<128xi32, #tpu.memory_space<vmem>>)
      tpu.yield
    }) : () -> ()
    %dma_start3A_38 = arith.constant 0 : i32
    %dma_start3A_39 = arith.constant 0 : i32
    %dma_start3A_40 = arith.constant 256 : i32
    %dma_start3A_41 = arith.constant 0 : i32
    %dma_start3A_42 = tpu.memref_slice %arg9[%dma_start3A_39, %dma_start3A_40, %dma_start3A_41] : memref<2x384x128xf32, #tpu.memory_space<vmem>> -> memref<1x128x128xf32, #tpu.memory_space<vmem>>
    %dma_start3A_43 = tpu.memref_squeeze %dma_start3A_42 : memref<1x128x128xf32, #tpu.memory_space<vmem>> -> memref<128x128xf32, #tpu.memory_space<vmem>>
    %dma_start3A_44 = arith.constant 256 : i32
    %dma_start3A_45 = tpu.memref_slice %arg6[%dma_start3A_38, %dma_start3A_44] : memref<2x384xi32, #tpu.memory_space<vmem>> -> memref<1x128xi32, #tpu.memory_space<vmem>>
    %dma_start3A_46 = tpu.memref_squeeze %dma_start3A_45 : memref<1x128xi32, #tpu.memory_space<vmem>> -> memref<128xi32, #tpu.memory_space<vmem>>
    %dma_start3A_47 = arith.constant 0 : i32
    %dma_start3A_48 = arith.constant 0 : i32
    %dma_start3A_49 = tpu.memref_slice %arg2[%dma_start3A_47, %dma_start3A_48] : memref<2048x128xf32, #tpu.memory_space<hbm>> -> memref<2048x128xf32, #tpu.memory_space<hbm>>
    tpu.enqueue_indirect_dma source(%dma_start3A_49 : memref<2048x128xf32, #tpu.memory_space<hbm>>) target(%dma_start3A_43 : memref<128x128xf32, #tpu.memory_space<vmem>>) offsets(%dma_start3A_46 : memref<128xi32, #tpu.memory_space<vmem>>) semaphore(%arg11 : memref<!tpu.dma_semaphore, #tpu.memory_space<semaphore_mem>>)
    %mul3A_50 = arith.constant 256 : i32
    %mul3A_51 = arith.muli %add3A, %mul3A_50 : i32
    %add3A_52 = arith.constant 128 : i32
    %add3A_53 = arith.addi %mul3A_51, %add3A_52 : i32
    %mul3A_54 = arith.constant 3 : i32
    %mul3A_55 = arith.muli %add3A_53, %mul3A_54 : i32
    "tpu.region"() ({
      %run_scoped3A_191 = tpu.sem_alloc : memref<!tpu.dma_semaphore, #tpu.memory_space<semaphore_mem>>
      %dma_start3A_192 = arith.constant 0 : i32
      %dma_start3A_193 = tpu.memref_slice %arg8[%dma_start3A_192] : memref<400xf32, #tpu.memory_space<vmem>> -> memref<384xf32, #tpu.memory_space<vmem>>
      %dma_start3A_194 = tpu.memref_slice %arg4[%mul3A_55] : memref<24576xf32, #tpu.memory_space<hbm>> -> memref<384xf32, #tpu.memory_space<hbm>>
      %dma_start3A_195 = arith.constant 0 : i32
      %dma_start3A_196 = tpu.memref_slice %arg8[%dma_start3A_195] : memref<400xf32, #tpu.memory_space<vmem>> -> memref<384xf32, #tpu.memory_space<vmem>>
      %dma_start3A_197 = tpu.memref_slice %arg4[%mul3A_55] : memref<24576xf32, #tpu.memory_space<hbm>> -> memref<384xf32, #tpu.memory_space<hbm>>
      tpu.enqueue_dma source(%dma_start3A_197 : memref<384xf32, #tpu.memory_space<hbm>>) target(%dma_start3A_196 : memref<384xf32, #tpu.memory_space<vmem>>) target_semaphore(%run_scoped3A_191 : memref<!tpu.dma_semaphore, #tpu.memory_space<semaphore_mem>>)
      %dma_wait3A_198 = arith.constant 0 : i32
      %dma_wait3A_199 = tpu.memref_slice %arg8[%dma_wait3A_198] : memref<400xf32, #tpu.memory_space<vmem>> -> memref<384xf32, #tpu.memory_space<vmem>>
      %dma_wait3A_200 = tpu.memref_slice %arg4[%mul3A_55] : memref<24576xf32, #tpu.memory_space<hbm>> -> memref<384xf32, #tpu.memory_space<hbm>>
      %dma_wait3A_201 = arith.constant 0 : i32
      %dma_wait3A_202 = tpu.memref_slice %arg8[%dma_wait3A_201] : memref<400xf32, #tpu.memory_space<vmem>> -> memref<384xf32, #tpu.memory_space<vmem>>
      %dma_wait3A_203 = tpu.memref_slice %arg4[%mul3A_55] : memref<24576xf32, #tpu.memory_space<hbm>> -> memref<384xf32, #tpu.memory_space<hbm>>
      tpu.wait_dma2 semaphore(%run_scoped3A_191 : memref<!tpu.dma_semaphore, #tpu.memory_space<semaphore_mem>>) src(%dma_wait3A_203 : memref<384xf32, #tpu.memory_space<hbm>>) dst(%dma_wait3A_202 : memref<384xf32, #tpu.memory_space<vmem>>)
      tpu.yield
    }) : () -> ()
    %add3A_56 = arith.constant 0 : i32
    %add3A_57 = arith.addi %add3A_56, %add3A_53 : i32
    %run_scoped3A_58 = arith.constant 1 : i32
    "tpu.region"() ({
      %run_scoped3A_191 = tpu.sem_alloc : memref<!tpu.dma_semaphore, #tpu.memory_space<semaphore_mem>>
      %dma_start3A_192 = arith.constant 0 : i32
      %dma_start3A_193 = tpu.memref_slice %arg6[%run_scoped3A_58, %dma_start3A_192] : memref<2x384xi32, #tpu.memory_space<vmem>> -> memref<1x128xi32, #tpu.memory_space<vmem>>
      %dma_start3A_194 = tpu.memref_squeeze %dma_start3A_193 : memref<1x128xi32, #tpu.memory_space<vmem>> -> memref<128xi32, #tpu.memory_space<vmem>>
      %dma_start3A_195 = tpu.memref_slice %arg3[%add3A_57] : memref<24576xi32, #tpu.memory_space<hbm>> -> memref<128xi32, #tpu.memory_space<hbm>>
      %dma_start3A_196 = arith.constant 0 : i32
      %dma_start3A_197 = tpu.memref_slice %arg6[%run_scoped3A_58, %dma_start3A_196] : memref<2x384xi32, #tpu.memory_space<vmem>> -> memref<1x128xi32, #tpu.memory_space<vmem>>
      %dma_start3A_198 = tpu.memref_squeeze %dma_start3A_197 : memref<1x128xi32, #tpu.memory_space<vmem>> -> memref<128xi32, #tpu.memory_space<vmem>>
      %dma_start3A_199 = tpu.memref_slice %arg3[%add3A_57] : memref<24576xi32, #tpu.memory_space<hbm>> -> memref<128xi32, #tpu.memory_space<hbm>>
      tpu.enqueue_dma source(%dma_start3A_199 : memref<128xi32, #tpu.memory_space<hbm>>) target(%dma_start3A_198 : memref<128xi32, #tpu.memory_space<vmem>>) target_semaphore(%run_scoped3A_191 : memref<!tpu.dma_semaphore, #tpu.memory_space<semaphore_mem>>)
      %dma_wait3A_200 = arith.constant 0 : i32
      %dma_wait3A_201 = tpu.memref_slice %arg6[%run_scoped3A_58, %dma_wait3A_200] : memref<2x384xi32, #tpu.memory_space<vmem>> -> memref<1x128xi32, #tpu.memory_space<vmem>>
      %dma_wait3A_202 = tpu.memref_squeeze %dma_wait3A_201 : memref<1x128xi32, #tpu.memory_space<vmem>> -> memref<128xi32, #tpu.memory_space<vmem>>
      %dma_wait3A_203 = tpu.memref_slice %arg3[%add3A_57] : memref<24576xi32, #tpu.memory_space<hbm>> -> memref<128xi32, #tpu.memory_space<hbm>>
      %dma_wait3A_204 = arith.constant 0 : i32
      %dma_wait3A_205 = tpu.memref_slice %arg6[%run_scoped3A_58, %dma_wait3A_204] : memref<2x384xi32, #tpu.memory_space<vmem>> -> memref<1x128xi32, #tpu.memory_space<vmem>>
      %dma_wait3A_206 = tpu.memref_squeeze %dma_wait3A_205 : memref<1x128xi32, #tpu.memory_space<vmem>> -> memref<128xi32, #tpu.memory_space<vmem>>
      %dma_wait3A_207 = tpu.memref_slice %arg3[%add3A_57] : memref<24576xi32, #tpu.memory_space<hbm>> -> memref<128xi32, #tpu.memory_space<hbm>>
      tpu.wait_dma2 semaphore(%run_scoped3A_191 : memref<!tpu.dma_semaphore, #tpu.memory_space<semaphore_mem>>) src(%dma_wait3A_207 : memref<128xi32, #tpu.memory_space<hbm>>) dst(%dma_wait3A_206 : memref<128xi32, #tpu.memory_space<vmem>>)
      tpu.yield
    }) : () -> ()
    %dma_start3A_59 = arith.constant 1 : i32
    %dma_start3A_60 = arith.constant 1 : i32
    %dma_start3A_61 = arith.constant 0 : i32
    %dma_start3A_62 = arith.constant 0 : i32
    %dma_start3A_63 = tpu.memref_slice %arg9[%dma_start3A_60, %dma_start3A_61, %dma_start3A_62] : memref<2x384x128xf32, #tpu.memory_space<vmem>> -> memref<1x128x128xf32, #tpu.memory_space<vmem>>
    %dma_start3A_64 = tpu.memref_squeeze %dma_start3A_63 : memref<1x128x128xf32, #tpu.memory_space<vmem>> -> memref<128x128xf32, #tpu.memory_space<vmem>>
    %dma_start3A_65 = arith.constant 0 : i32
    %dma_start3A_66 = tpu.memref_slice %arg6[%dma_start3A_59, %dma_start3A_65] : memref<2x384xi32, #tpu.memory_space<vmem>> -> memref<1x128xi32, #tpu.memory_space<vmem>>
    %dma_start3A_67 = tpu.memref_squeeze %dma_start3A_66 : memref<1x128xi32, #tpu.memory_space<vmem>> -> memref<128xi32, #tpu.memory_space<vmem>>
    %dma_start3A_68 = arith.constant 0 : i32
    %dma_start3A_69 = arith.constant 0 : i32
    %dma_start3A_70 = tpu.memref_slice %arg2[%dma_start3A_68, %dma_start3A_69] : memref<2048x128xf32, #tpu.memory_space<hbm>> -> memref<2048x128xf32, #tpu.memory_space<hbm>>
    tpu.enqueue_indirect_dma source(%dma_start3A_70 : memref<2048x128xf32, #tpu.memory_space<hbm>>) target(%dma_start3A_64 : memref<128x128xf32, #tpu.memory_space<vmem>>) offsets(%dma_start3A_67 : memref<128xi32, #tpu.memory_space<vmem>>) semaphore(%arg12 : memref<!tpu.dma_semaphore, #tpu.memory_space<semaphore_mem>>)
    %add3A_71 = arith.constant 8192 : i32
    %add3A_72 = arith.addi %add3A_71, %add3A_53 : i32
    %run_scoped3A_73 = arith.constant 1 : i32
    "tpu.region"() ({
      %run_scoped3A_191 = tpu.sem_alloc : memref<!tpu.dma_semaphore, #tpu.memory_space<semaphore_mem>>
      %dma_start3A_192 = arith.constant 128 : i32
      %dma_start3A_193 = tpu.memref_slice %arg6[%run_scoped3A_73, %dma_start3A_192] : memref<2x384xi32, #tpu.memory_space<vmem>> -> memref<1x128xi32, #tpu.memory_space<vmem>>
      %dma_start3A_194 = tpu.memref_squeeze %dma_start3A_193 : memref<1x128xi32, #tpu.memory_space<vmem>> -> memref<128xi32, #tpu.memory_space<vmem>>
      %dma_start3A_195 = tpu.memref_slice %arg3[%add3A_72] : memref<24576xi32, #tpu.memory_space<hbm>> -> memref<128xi32, #tpu.memory_space<hbm>>
      %dma_start3A_196 = arith.constant 128 : i32
      %dma_start3A_197 = tpu.memref_slice %arg6[%run_scoped3A_73, %dma_start3A_196] : memref<2x384xi32, #tpu.memory_space<vmem>> -> memref<1x128xi32, #tpu.memory_space<vmem>>
      %dma_start3A_198 = tpu.memref_squeeze %dma_start3A_197 : memref<1x128xi32, #tpu.memory_space<vmem>> -> memref<128xi32, #tpu.memory_space<vmem>>
      %dma_start3A_199 = tpu.memref_slice %arg3[%add3A_72] : memref<24576xi32, #tpu.memory_space<hbm>> -> memref<128xi32, #tpu.memory_space<hbm>>
      tpu.enqueue_dma source(%dma_start3A_199 : memref<128xi32, #tpu.memory_space<hbm>>) target(%dma_start3A_198 : memref<128xi32, #tpu.memory_space<vmem>>) target_semaphore(%run_scoped3A_191 : memref<!tpu.dma_semaphore, #tpu.memory_space<semaphore_mem>>)
      %dma_wait3A_200 = arith.constant 128 : i32
      %dma_wait3A_201 = tpu.memref_slice %arg6[%run_scoped3A_73, %dma_wait3A_200] : memref<2x384xi32, #tpu.memory_space<vmem>> -> memref<1x128xi32, #tpu.memory_space<vmem>>
      %dma_wait3A_202 = tpu.memref_squeeze %dma_wait3A_201 : memref<1x128xi32, #tpu.memory_space<vmem>> -> memref<128xi32, #tpu.memory_space<vmem>>
      %dma_wait3A_203 = tpu.memref_slice %arg3[%add3A_72] : memref<24576xi32, #tpu.memory_space<hbm>> -> memref<128xi32, #tpu.memory_space<hbm>>
      %dma_wait3A_204 = arith.constant 128 : i32
      %dma_wait3A_205 = tpu.memref_slice %arg6[%run_scoped3A_73, %dma_wait3A_204] : memref<2x384xi32, #tpu.memory_space<vmem>> -> memref<1x128xi32, #tpu.memory_space<vmem>>
      %dma_wait3A_206 = tpu.memref_squeeze %dma_wait3A_205 : memref<1x128xi32, #tpu.memory_space<vmem>> -> memref<128xi32, #tpu.memory_space<vmem>>
      %dma_wait3A_207 = tpu.memref_slice %arg3[%add3A_72] : memref<24576xi32, #tpu.memory_space<hbm>> -> memref<128xi32, #tpu.memory_space<hbm>>
      tpu.wait_dma2 semaphore(%run_scoped3A_191 : memref<!tpu.dma_semaphore, #tpu.memory_space<semaphore_mem>>) src(%dma_wait3A_207 : memref<128xi32, #tpu.memory_space<hbm>>) dst(%dma_wait3A_206 : memref<128xi32, #tpu.memory_space<vmem>>)
      tpu.yield
    }) : () -> ()
    %dma_start3A_74 = arith.constant 1 : i32
    %dma_start3A_75 = arith.constant 1 : i32
    %dma_start3A_76 = arith.constant 128 : i32
    %dma_start3A_77 = arith.constant 0 : i32
    %dma_start3A_78 = tpu.memref_slice %arg9[%dma_start3A_75, %dma_start3A_76, %dma_start3A_77] : memref<2x384x128xf32, #tpu.memory_space<vmem>> -> memref<1x128x128xf32, #tpu.memory_space<vmem>>
    %dma_start3A_79 = tpu.memref_squeeze %dma_start3A_78 : memref<1x128x128xf32, #tpu.memory_space<vmem>> -> memref<128x128xf32, #tpu.memory_space<vmem>>
    %dma_start3A_80 = arith.constant 128 : i32
    %dma_start3A_81 = tpu.memref_slice %arg6[%dma_start3A_74, %dma_start3A_80] : memref<2x384xi32, #tpu.memory_space<vmem>> -> memref<1x128xi32, #tpu.memory_space<vmem>>
    %dma_start3A_82 = tpu.memref_squeeze %dma_start3A_81 : memref<1x128xi32, #tpu.memory_space<vmem>> -> memref<128xi32, #tpu.memory_space<vmem>>
    %dma_start3A_83 = arith.constant 0 : i32
    %dma_start3A_84 = arith.constant 0 : i32
    %dma_start3A_85 = tpu.memref_slice %arg2[%dma_start3A_83, %dma_start3A_84] : memref<2048x128xf32, #tpu.memory_space<hbm>> -> memref<2048x128xf32, #tpu.memory_space<hbm>>
    tpu.enqueue_indirect_dma source(%dma_start3A_85 : memref<2048x128xf32, #tpu.memory_space<hbm>>) target(%dma_start3A_79 : memref<128x128xf32, #tpu.memory_space<vmem>>) offsets(%dma_start3A_82 : memref<128xi32, #tpu.memory_space<vmem>>) semaphore(%arg12 : memref<!tpu.dma_semaphore, #tpu.memory_space<semaphore_mem>>)
    %add3A_86 = arith.constant 16384 : i32
    %add3A_87 = arith.addi %add3A_86, %add3A_53 : i32
    %run_scoped3A_88 = arith.constant 1 : i32
    "tpu.region"() ({
      %run_scoped3A_191 = tpu.sem_alloc : memref<!tpu.dma_semaphore, #tpu.memory_space<semaphore_mem>>
      %dma_start3A_192 = arith.constant 256 : i32
      %dma_start3A_193 = tpu.memref_slice %arg6[%run_scoped3A_88, %dma_start3A_192] : memref<2x384xi32, #tpu.memory_space<vmem>> -> memref<1x128xi32, #tpu.memory_space<vmem>>
      %dma_start3A_194 = tpu.memref_squeeze %dma_start3A_193 : memref<1x128xi32, #tpu.memory_space<vmem>> -> memref<128xi32, #tpu.memory_space<vmem>>
      %dma_start3A_195 = tpu.memref_slice %arg3[%add3A_87] : memref<24576xi32, #tpu.memory_space<hbm>> -> memref<128xi32, #tpu.memory_space<hbm>>
      %dma_start3A_196 = arith.constant 256 : i32
      %dma_start3A_197 = tpu.memref_slice %arg6[%run_scoped3A_88, %dma_start3A_196] : memref<2x384xi32, #tpu.memory_space<vmem>> -> memref<1x128xi32, #tpu.memory_space<vmem>>
      %dma_start3A_198 = tpu.memref_squeeze %dma_start3A_197 : memref<1x128xi32, #tpu.memory_space<vmem>> -> memref<128xi32, #tpu.memory_space<vmem>>
      %dma_start3A_199 = tpu.memref_slice %arg3[%add3A_87] : memref<24576xi32, #tpu.memory_space<hbm>> -> memref<128xi32, #tpu.memory_space<hbm>>
      tpu.enqueue_dma source(%dma_start3A_199 : memref<128xi32, #tpu.memory_space<hbm>>) target(%dma_start3A_198 : memref<128xi32, #tpu.memory_space<vmem>>) target_semaphore(%run_scoped3A_191 : memref<!tpu.dma_semaphore, #tpu.memory_space<semaphore_mem>>)
      %dma_wait3A_200 = arith.constant 256 : i32
      %dma_wait3A_201 = tpu.memref_slice %arg6[%run_scoped3A_88, %dma_wait3A_200] : memref<2x384xi32, #tpu.memory_space<vmem>> -> memref<1x128xi32, #tpu.memory_space<vmem>>
      %dma_wait3A_202 = tpu.memref_squeeze %dma_wait3A_201 : memref<1x128xi32, #tpu.memory_space<vmem>> -> memref<128xi32, #tpu.memory_space<vmem>>
      %dma_wait3A_203 = tpu.memref_slice %arg3[%add3A_87] : memref<24576xi32, #tpu.memory_space<hbm>> -> memref<128xi32, #tpu.memory_space<hbm>>
      %dma_wait3A_204 = arith.constant 256 : i32
      %dma_wait3A_205 = tpu.memref_slice %arg6[%run_scoped3A_88, %dma_wait3A_204] : memref<2x384xi32, #tpu.memory_space<vmem>> -> memref<1x128xi32, #tpu.memory_space<vmem>>
      %dma_wait3A_206 = tpu.memref_squeeze %dma_wait3A_205 : memref<1x128xi32, #tpu.memory_space<vmem>> -> memref<128xi32, #tpu.memory_space<vmem>>
      %dma_wait3A_207 = tpu.memref_slice %arg3[%add3A_87] : memref<24576xi32, #tpu.memory_space<hbm>> -> memref<128xi32, #tpu.memory_space<hbm>>
      tpu.wait_dma2 semaphore(%run_scoped3A_191 : memref<!tpu.dma_semaphore, #tpu.memory_space<semaphore_mem>>) src(%dma_wait3A_207 : memref<128xi32, #tpu.memory_space<hbm>>) dst(%dma_wait3A_206 : memref<128xi32, #tpu.memory_space<vmem>>)
      tpu.yield
    }) : () -> ()
    %dma_start3A_89 = arith.constant 1 : i32
    %dma_start3A_90 = arith.constant 1 : i32
    %dma_start3A_91 = arith.constant 256 : i32
    %dma_start3A_92 = arith.constant 0 : i32
    %dma_start3A_93 = tpu.memref_slice %arg9[%dma_start3A_90, %dma_start3A_91, %dma_start3A_92] : memref<2x384x128xf32, #tpu.memory_space<vmem>> -> memref<1x128x128xf32, #tpu.memory_space<vmem>>
    %dma_start3A_94 = tpu.memref_squeeze %dma_start3A_93 : memref<1x128x128xf32, #tpu.memory_space<vmem>> -> memref<128x128xf32, #tpu.memory_space<vmem>>
    %dma_start3A_95 = arith.constant 256 : i32
    %dma_start3A_96 = tpu.memref_slice %arg6[%dma_start3A_89, %dma_start3A_95] : memref<2x384xi32, #tpu.memory_space<vmem>> -> memref<1x128xi32, #tpu.memory_space<vmem>>
    %dma_start3A_97 = tpu.memref_squeeze %dma_start3A_96 : memref<1x128xi32, #tpu.memory_space<vmem>> -> memref<128xi32, #tpu.memory_space<vmem>>
    %dma_start3A_98 = arith.constant 0 : i32
    %dma_start3A_99 = arith.constant 0 : i32
    %dma_start3A_100 = tpu.memref_slice %arg2[%dma_start3A_98, %dma_start3A_99] : memref<2048x128xf32, #tpu.memory_space<hbm>> -> memref<2048x128xf32, #tpu.memory_space<hbm>>
    tpu.enqueue_indirect_dma source(%dma_start3A_100 : memref<2048x128xf32, #tpu.memory_space<hbm>>) target(%dma_start3A_94 : memref<128x128xf32, #tpu.memory_space<vmem>>) offsets(%dma_start3A_97 : memref<128xi32, #tpu.memory_space<vmem>>) semaphore(%arg12 : memref<!tpu.dma_semaphore, #tpu.memory_space<semaphore_mem>>)
    %dma_wait3A = arith.constant 0 : i32
    %dma_wait3A_101 = arith.constant 0 : i32
    %dma_wait3A_102 = arith.constant 0 : i32
    %dma_wait3A_103 = arith.constant 0 : i32
    %dma_wait3A_104 = tpu.memref_slice %arg9[%dma_wait3A_101, %dma_wait3A_102, %dma_wait3A_103] : memref<2x384x128xf32, #tpu.memory_space<vmem>> -> memref<1x128x128xf32, #tpu.memory_space<vmem>>
    %dma_wait3A_105 = tpu.memref_squeeze %dma_wait3A_104 : memref<1x128x128xf32, #tpu.memory_space<vmem>> -> memref<128x128xf32, #tpu.memory_space<vmem>>
    %dma_wait3A_106 = arith.constant 0 : i32
    %dma_wait3A_107 = tpu.memref_slice %arg6[%dma_wait3A, %dma_wait3A_106] : memref<2x384xi32, #tpu.memory_space<vmem>> -> memref<1x128xi32, #tpu.memory_space<vmem>>
    %dma_wait3A_108 = tpu.memref_squeeze %dma_wait3A_107 : memref<1x128xi32, #tpu.memory_space<vmem>> -> memref<128xi32, #tpu.memory_space<vmem>>
    %dma_wait3A_109 = arith.constant 0 : i32
    %dma_wait3A_110 = arith.constant 0 : i32
    %dma_wait3A_111 = tpu.memref_slice %arg2[%dma_wait3A_109, %dma_wait3A_110] : memref<2048x128xf32, #tpu.memory_space<hbm>> -> memref<2048x128xf32, #tpu.memory_space<hbm>>
    tpu.wait_indirect_dma semaphore(%arg11 : memref<!tpu.dma_semaphore, #tpu.memory_space<semaphore_mem>>) src(%dma_wait3A_111 : memref<2048x128xf32, #tpu.memory_space<hbm>>) dst(%dma_wait3A_105 : memref<128x128xf32, #tpu.memory_space<vmem>>)
    %dma_wait3A_112 = arith.constant 0 : i32
    %dma_wait3A_113 = arith.constant 0 : i32
    %dma_wait3A_114 = arith.constant 128 : i32
    %dma_wait3A_115 = arith.constant 0 : i32
    %dma_wait3A_116 = tpu.memref_slice %arg9[%dma_wait3A_113, %dma_wait3A_114, %dma_wait3A_115] : memref<2x384x128xf32, #tpu.memory_space<vmem>> -> memref<1x128x128xf32, #tpu.memory_space<vmem>>
    %dma_wait3A_117 = tpu.memref_squeeze %dma_wait3A_116 : memref<1x128x128xf32, #tpu.memory_space<vmem>> -> memref<128x128xf32, #tpu.memory_space<vmem>>
    %dma_wait3A_118 = arith.constant 128 : i32
    %dma_wait3A_119 = tpu.memref_slice %arg6[%dma_wait3A_112, %dma_wait3A_118] : memref<2x384xi32, #tpu.memory_space<vmem>> -> memref<1x128xi32, #tpu.memory_space<vmem>>
    %dma_wait3A_120 = tpu.memref_squeeze %dma_wait3A_119 : memref<1x128xi32, #tpu.memory_space<vmem>> -> memref<128xi32, #tpu.memory_space<vmem>>
    %dma_wait3A_121 = arith.constant 0 : i32
    %dma_wait3A_122 = arith.constant 0 : i32
    %dma_wait3A_123 = tpu.memref_slice %arg2[%dma_wait3A_121, %dma_wait3A_122] : memref<2048x128xf32, #tpu.memory_space<hbm>> -> memref<2048x128xf32, #tpu.memory_space<hbm>>
    tpu.wait_indirect_dma semaphore(%arg11 : memref<!tpu.dma_semaphore, #tpu.memory_space<semaphore_mem>>) src(%dma_wait3A_123 : memref<2048x128xf32, #tpu.memory_space<hbm>>) dst(%dma_wait3A_117 : memref<128x128xf32, #tpu.memory_space<vmem>>)
    %dma_wait3A_124 = arith.constant 0 : i32
    %dma_wait3A_125 = arith.constant 0 : i32
    %dma_wait3A_126 = arith.constant 256 : i32
    %dma_wait3A_127 = arith.constant 0 : i32
    %dma_wait3A_128 = tpu.memref_slice %arg9[%dma_wait3A_125, %dma_wait3A_126, %dma_wait3A_127] : memref<2x384x128xf32, #tpu.memory_space<vmem>> -> memref<1x128x128xf32, #tpu.memory_space<vmem>>
    %dma_wait3A_129 = tpu.memref_squeeze %dma_wait3A_128 : memref<1x128x128xf32, #tpu.memory_space<vmem>> -> memref<128x128xf32, #tpu.memory_space<vmem>>
    %dma_wait3A_130 = arith.constant 256 : i32
    %dma_wait3A_131 = tpu.memref_slice %arg6[%dma_wait3A_124, %dma_wait3A_130] : memref<2x384xi32, #tpu.memory_space<vmem>> -> memref<1x128xi32, #tpu.memory_space<vmem>>
    %dma_wait3A_132 = tpu.memref_squeeze %dma_wait3A_131 : memref<1x128xi32, #tpu.memory_space<vmem>> -> memref<128xi32, #tpu.memory_space<vmem>>
    %dma_wait3A_133 = arith.constant 0 : i32
    %dma_wait3A_134 = arith.constant 0 : i32
    %dma_wait3A_135 = tpu.memref_slice %arg2[%dma_wait3A_133, %dma_wait3A_134] : memref<2048x128xf32, #tpu.memory_space<hbm>> -> memref<2048x128xf32, #tpu.memory_space<hbm>>
    tpu.wait_indirect_dma semaphore(%arg11 : memref<!tpu.dma_semaphore, #tpu.memory_space<semaphore_mem>>) src(%dma_wait3A_135 : memref<2048x128xf32, #tpu.memory_space<hbm>>) dst(%dma_wait3A_129 : memref<128x128xf32, #tpu.memory_space<vmem>>)
    %mul3A_136 = arith.constant 256 : i32
    %mul3A_137 = arith.muli %add3A, %mul3A_136 : i32
    %add3A_138 = arith.constant 0 : i32
    %add3A_139 = arith.addi %mul3A_137, %add3A_138 : i32
    %scan3A = arith.constant 0 : i32
    %scan3A_140 = arith.constant 0 : i32
    %scan3A_141 = arith.constant 128 : i32
    %scan3A_142 = arith.addi %scan3A_140, %scan3A_141 : i32
    %scan3A_143 = arith.constant 1 : i32
    scf.for %scan3A_191 = %scan3A_140 to %scan3A_142 step %scan3A_143  : i32 {
      %mul3A_192 = arith.constant 3 : i32
      %mul3A_193 = arith.muli %mul3A_192, %scan3A_191 : i32
      %get3A = arith.index_cast %mul3A_193 : i32 to index
      %get3A_194 = tpu.vector_load %arg7[%get3A] {strides = array<i32>} : memref<400xf32, #tpu.memory_space<vmem>>, vector<16xf32>,
      %get3A_195 = vector.shape_cast %get3A_194 : vector<16xf32> to vector<16xf32>
      %slice3A = vector.extract_strided_slice %get3A_195 {offsets = [0], sizes = [1], strides = [1]} : vector<16xf32> to vector<1xf32>
      %squeeze3A = vector.extract %slice3A[0] : f32 from vector<1xf32>
      %slice3A_196 = vector.extract_strided_slice %get3A_195 {offsets = [1], sizes = [1], strides = [1]} : vector<16xf32> to vector<1xf32>
      %squeeze3A_197 = vector.extract %slice3A_196[0] : f32 from vector<1xf32>
      %slice3A_198 = vector.extract_strided_slice %get3A_195 {offsets = [2], sizes = [1], strides = [1]} : vector<16xf32> to vector<1xf32>
      %squeeze3A_199 = vector.extract %slice3A_198[0] : f32 from vector<1xf32>
      %get3A_200 = arith.constant 0 : i32
      %get3A_201 = arith.index_cast %get3A_200 : i32 to index
      %get3A_202 = arith.index_cast %scan3A_191 : i32 to index
      %get3A_203 = arith.constant 0 : index
      %get3A_204 = tpu.vector_load %arg9[%get3A_201, %get3A_202, %get3A_203] {strides = array<i32>} : memref<2x384x128xf32, #tpu.memory_space<vmem>>, vector<1x1x16xf32>,
      %get3A_205 = vector.shape_cast %get3A_204 : vector<1x1x16xf32> to vector<16xf32>
      %mul3A_206 = vector.broadcast %squeeze3A : f32 to vector<16xf32>
      %mul3A_207 = arith.mulf %get3A_205, %mul3A_206 : vector<16xf32>
      %add3A_208 = arith.constant 128 : i32
      %add3A_209 = arith.addi %add3A_208, %scan3A_191 : i32
      %get3A_210 = arith.constant 0 : i32
      %get3A_211 = arith.index_cast %get3A_210 : i32 to index
      %get3A_212 = arith.index_cast %add3A_209 : i32 to index
      %get3A_213 = arith.constant 0 : index
      %get3A_214 = tpu.vector_load %arg9[%get3A_211, %get3A_212, %get3A_213] {strides = array<i32>} : memref<2x384x128xf32, #tpu.memory_space<vmem>>, vector<1x1x16xf32>,
      %get3A_215 = vector.shape_cast %get3A_214 : vector<1x1x16xf32> to vector<16xf32>
      %mul3A_216 = vector.broadcast %squeeze3A_197 : f32 to vector<16xf32>
      %mul3A_217 = arith.mulf %get3A_215, %mul3A_216 : vector<16xf32>
      %add3A_218 = arith.addf %mul3A_207, %mul3A_217 : vector<16xf32>
      %add3A_219 = arith.constant 256 : i32
      %add3A_220 = arith.addi %add3A_219, %scan3A_191 : i32
      %get3A_221 = arith.constant 0 : i32
      %get3A_222 = arith.index_cast %get3A_221 : i32 to index
      %get3A_223 = arith.index_cast %add3A_220 : i32 to index
      %get3A_224 = arith.constant 0 : index
      %get3A_225 = tpu.vector_load %arg9[%get3A_222, %get3A_223, %get3A_224] {strides = array<i32>} : memref<2x384x128xf32, #tpu.memory_space<vmem>>, vector<1x1x16xf32>,
      %get3A_226 = vector.shape_cast %get3A_225 : vector<1x1x16xf32> to vector<16xf32>
      %mul3A_227 = vector.broadcast %squeeze3A_199 : f32 to vector<16xf32>
      %mul3A_228 = arith.mulf %get3A_226, %mul3A_227 : vector<16xf32>
      %add3A_229 = arith.addf %add3A_218, %mul3A_228 : vector<16xf32>
      %swap3A = arith.index_cast %scan3A_191 : i32 to index
      %swap3A_230 = arith.constant 0 : index
      %swap3A_231 = tpu.vector_load %arg10[%swap3A, %swap3A_230] {strides = array<i32>} : memref<128x128xf32, #tpu.memory_space<vmem>>, vector<1x16xf32>,
      %swap3A_232 = vector.shape_cast %swap3A_231 : vector<1x16xf32> to vector<16xf32>
      %swap3A_233 = vector.shape_cast %add3A_229 : vector<16xf32> to vector<1x16xf32>
      tpu.vector_store %arg10[%swap3A, %swap3A_230], %swap3A_233 {strides = array<i32>} : memref<128x128xf32, #tpu.memory_space<vmem>>, vector<1x16xf32>,
      %get3A_234 = arith.constant 0 : i32
      %get3A_235 = arith.index_cast %get3A_234 : i32 to index
      %get3A_236 = arith.index_cast %scan3A_191 : i32 to index
      %get3A_237 = arith.constant 16 : index
      %get3A_238 = tpu.vector_load %arg9[%get3A_235, %get3A_236, %get3A_237] {strides = array<i32>} : memref<2x384x128xf32, #tpu.memory_space<vmem>>, vector<1x1x16xf32>,
      %get3A_239 = vector.shape_cast %get3A_238 : vector<1x1x16xf32> to vector<16xf32>
      %mul3A_240 = vector.broadcast %squeeze3A : f32 to vector<16xf32>
      %mul3A_241 = arith.mulf %get3A_239, %mul3A_240 : vector<16xf32>
      %add3A_242 = arith.constant 128 : i32
      %add3A_243 = arith.addi %add3A_242, %scan3A_191 : i32
      %get3A_244 = arith.constant 0 : i32
      %get3A_245 = arith.index_cast %get3A_244 : i32 to index
      %get3A_246 = arith.index_cast %add3A_243 : i32 to index
      %get3A_247 = arith.constant 16 : index
      %get3A_248 = tpu.vector_load %arg9[%get3A_245, %get3A_246, %get3A_247] {strides = array<i32>} : memref<2x384x128xf32, #tpu.memory_space<vmem>>, vector<1x1x16xf32>,
      %get3A_249 = vector.shape_cast %get3A_248 : vector<1x1x16xf32> to vector<16xf32>
      %mul3A_250 = vector.broadcast %squeeze3A_197 : f32 to vector<16xf32>
      %mul3A_251 = arith.mulf %get3A_249, %mul3A_250 : vector<16xf32>
      %add3A_252 = arith.addf %mul3A_241, %mul3A_251 : vector<16xf32>
      %add3A_253 = arith.constant 256 : i32
      %add3A_254 = arith.addi %add3A_253, %scan3A_191 : i32
      %get3A_255 = arith.constant 0 : i32
      %get3A_256 = arith.index_cast %get3A_255 : i32 to index
      %get3A_257 = arith.index_cast %add3A_254 : i32 to index
      %get3A_258 = arith.constant 16 : index
      %get3A_259 = tpu.vector_load %arg9[%get3A_256, %get3A_257, %get3A_258] {strides = array<i32>} : memref<2x384x128xf32, #tpu.memory_space<vmem>>, vector<1x1x16xf32>,
      %get3A_260 = vector.shape_cast %get3A_259 : vector<1x1x16xf32> to vector<16xf32>
      %mul3A_261 = vector.broadcast %squeeze3A_199 : f32 to vector<16xf32>
      %mul3A_262 = arith.mulf %get3A_260, %mul3A_261 : vector<16xf32>
      %add3A_263 = arith.addf %add3A_252, %mul3A_262 : vector<16xf32>
      %swap3A_264 = arith.index_cast %scan3A_191 : i32 to index
      %swap3A_265 = arith.constant 16 : index
      %swap3A_266 = tpu.vector_load %arg10[%swap3A_264, %swap3A_265] {strides = array<i32>} : memref<128x128xf32, #tpu.memory_space<vmem>>, vector<1x16xf32>,
      %swap3A_267 = vector.shape_cast %swap3A_266 : vector<1x16xf32> to vector<16xf32>
      %swap3A_268 = vector.shape_cast %add3A_263 : vector<16xf32> to vector<1x16xf32>
      tpu.vector_store %arg10[%swap3A_264, %swap3A_265], %swap3A_268 {strides = array<i32>} : memref<128x128xf32, #tpu.memory_space<vmem>>, vector<1x16xf32>,
      %get3A_269 = arith.constant 0 : i32
      %get3A_270 = arith.index_cast %get3A_269 : i32 to index
      %get3A_271 = arith.index_cast %scan3A_191 : i32 to index
      %get3A_272 = arith.constant 32 : index
      %get3A_273 = tpu.vector_load %arg9[%get3A_270, %get3A_271, %get3A_272] {strides = array<i32>} : memref<2x384x128xf32, #tpu.memory_space<vmem>>, vector<1x1x16xf32>,
      %get3A_274 = vector.shape_cast %get3A_273 : vector<1x1x16xf32> to vector<16xf32>
      %mul3A_275 = vector.broadcast %squeeze3A : f32 to vector<16xf32>
      %mul3A_276 = arith.mulf %get3A_274, %mul3A_275 : vector<16xf32>
      %add3A_277 = arith.constant 128 : i32
      %add3A_278 = arith.addi %add3A_277, %scan3A_191 : i32
      %get3A_279 = arith.constant 0 : i32
      %get3A_280 = arith.index_cast %get3A_279 : i32 to index
      %get3A_281 = arith.index_cast %add3A_278 : i32 to index
      %get3A_282 = arith.constant 32 : index
      %get3A_283 = tpu.vector_load %arg9[%get3A_280, %get3A_281, %get3A_282] {strides = array<i32>} : memref<2x384x128xf32, #tpu.memory_space<vmem>>, vector<1x1x16xf32>,
      %get3A_284 = vector.shape_cast %get3A_283 : vector<1x1x16xf32> to vector<16xf32>
      %mul3A_285 = vector.broadcast %squeeze3A_197 : f32 to vector<16xf32>
      %mul3A_286 = arith.mulf %get3A_284, %mul3A_285 : vector<16xf32>
      %add3A_287 = arith.addf %mul3A_276, %mul3A_286 : vector<16xf32>
      %add3A_288 = arith.constant 256 : i32
      %add3A_289 = arith.addi %add3A_288, %scan3A_191 : i32
      %get3A_290 = arith.constant 0 : i32
      %get3A_291 = arith.index_cast %get3A_290 : i32 to index
      %get3A_292 = arith.index_cast %add3A_289 : i32 to index
      %get3A_293 = arith.constant 32 : index
      %get3A_294 = tpu.vector_load %arg9[%get3A_291, %get3A_292, %get3A_293] {strides = array<i32>} : memref<2x384x128xf32, #tpu.memory_space<vmem>>, vector<1x1x16xf32>,
      %get3A_295 = vector.shape_cast %get3A_294 : vector<1x1x16xf32> to vector<16xf32>
      %mul3A_296 = vector.broadcast %squeeze3A_199 : f32 to vector<16xf32>
      %mul3A_297 = arith.mulf %get3A_295, %mul3A_296 : vector<16xf32>
      %add3A_298 = arith.addf %add3A_287, %mul3A_297 : vector<16xf32>
      %swap3A_299 = arith.index_cast %scan3A_191 : i32 to index
      %swap3A_300 = arith.constant 32 : index
      %swap3A_301 = tpu.vector_load %arg10[%swap3A_299, %swap3A_300] {strides = array<i32>} : memref<128x128xf32, #tpu.memory_space<vmem>>, vector<1x16xf32>,
      %swap3A_302 = vector.shape_cast %swap3A_301 : vector<1x16xf32> to vector<16xf32>
      %swap3A_303 = vector.shape_cast %add3A_298 : vector<16xf32> to vector<1x16xf32>
      tpu.vector_store %arg10[%swap3A_299, %swap3A_300], %swap3A_303 {strides = array<i32>} : memref<128x128xf32, #tpu.memory_space<vmem>>, vector<1x16xf32>,
      %get3A_304 = arith.constant 0 : i32
      %get3A_305 = arith.index_cast %get3A_304 : i32 to index
      %get3A_306 = arith.index_cast %scan3A_191 : i32 to index
      %get3A_307 = arith.constant 48 : index
      %get3A_308 = tpu.vector_load %arg9[%get3A_305, %get3A_306, %get3A_307] {strides = array<i32>} : memref<2x384x128xf32, #tpu.memory_space<vmem>>, vector<1x1x16xf32>,
      %get3A_309 = vector.shape_cast %get3A_308 : vector<1x1x16xf32> to vector<16xf32>
      %mul3A_310 = vector.broadcast %squeeze3A : f32 to vector<16xf32>
      %mul3A_311 = arith.mulf %get3A_309, %mul3A_310 : vector<16xf32>
      %add3A_312 = arith.constant 128 : i32
      %add3A_313 = arith.addi %add3A_312, %scan3A_191 : i32
      %get3A_314 = arith.constant 0 : i32
      %get3A_315 = arith.index_cast %get3A_314 : i32 to index
      %get3A_316 = arith.index_cast %add3A_313 : i32 to index
      %get3A_317 = arith.constant 48 : index
      %get3A_318 = tpu.vector_load %arg9[%get3A_315, %get3A_316, %get3A_317] {strides = array<i32>} : memref<2x384x128xf32, #tpu.memory_space<vmem>>, vector<1x1x16xf32>,
      %get3A_319 = vector.shape_cast %get3A_318 : vector<1x1x16xf32> to vector<16xf32>
      %mul3A_320 = vector.broadcast %squeeze3A_197 : f32 to vector<16xf32>
      %mul3A_321 = arith.mulf %get3A_319, %mul3A_320 : vector<16xf32>
      %add3A_322 = arith.addf %mul3A_311, %mul3A_321 : vector<16xf32>
      %add3A_323 = arith.constant 256 : i32
      %add3A_324 = arith.addi %add3A_323, %scan3A_191 : i32
      %get3A_325 = arith.constant 0 : i32
      %get3A_326 = arith.index_cast %get3A_325 : i32 to index
      %get3A_327 = arith.index_cast %add3A_324 : i32 to index
      %get3A_328 = arith.constant 48 : index
      %get3A_329 = tpu.vector_load %arg9[%get3A_326, %get3A_327, %get3A_328] {strides = array<i32>} : memref<2x384x128xf32, #tpu.memory_space<vmem>>, vector<1x1x16xf32>,
      %get3A_330 = vector.shape_cast %get3A_329 : vector<1x1x16xf32> to vector<16xf32>
      %mul3A_331 = vector.broadcast %squeeze3A_199 : f32 to vector<16xf32>
      %mul3A_332 = arith.mulf %get3A_330, %mul3A_331 : vector<16xf32>
      %add3A_333 = arith.addf %add3A_322, %mul3A_332 : vector<16xf32>
      %swap3A_334 = arith.index_cast %scan3A_191 : i32 to index
      %swap3A_335 = arith.constant 48 : index
      %swap3A_336 = tpu.vector_load %arg10[%swap3A_334, %swap3A_335] {strides = array<i32>} : memref<128x128xf32, #tpu.memory_space<vmem>>, vector<1x16xf32>,
      %swap3A_337 = vector.shape_cast %swap3A_336 : vector<1x16xf32> to vector<16xf32>
      %swap3A_338 = vector.shape_cast %add3A_333 : vector<16xf32> to vector<1x16xf32>
      tpu.vector_store %arg10[%swap3A_334, %swap3A_335], %swap3A_338 {strides = array<i32>} : memref<128x128xf32, #tpu.memory_space<vmem>>, vector<1x16xf32>,
      %get3A_339 = arith.constant 0 : i32
      %get3A_340 = arith.index_cast %get3A_339 : i32 to index
      %get3A_341 = arith.index_cast %scan3A_191 : i32 to index
      %get3A_342 = arith.constant 64 : index
      %get3A_343 = tpu.vector_load %arg9[%get3A_340, %get3A_341, %get3A_342] {strides = array<i32>} : memref<2x384x128xf32, #tpu.memory_space<vmem>>, vector<1x1x16xf32>,
      %get3A_344 = vector.shape_cast %get3A_343 : vector<1x1x16xf32> to vector<16xf32>
      %mul3A_345 = vector.broadcast %squeeze3A : f32 to vector<16xf32>
      %mul3A_346 = arith.mulf %get3A_344, %mul3A_345 : vector<16xf32>
      %add3A_347 = arith.constant 128 : i32
      %add3A_348 = arith.addi %add3A_347, %scan3A_191 : i32
      %get3A_349 = arith.constant 0 : i32
      %get3A_350 = arith.index_cast %get3A_349 : i32 to index
      %get3A_351 = arith.index_cast %add3A_348 : i32 to index
      %get3A_352 = arith.constant 64 : index
      %get3A_353 = tpu.vector_load %arg9[%get3A_350, %get3A_351, %get3A_352] {strides = array<i32>} : memref<2x384x128xf32, #tpu.memory_space<vmem>>, vector<1x1x16xf32>,
      %get3A_354 = vector.shape_cast %get3A_353 : vector<1x1x16xf32> to vector<16xf32>
      %mul3A_355 = vector.broadcast %squeeze3A_197 : f32 to vector<16xf32>
      %mul3A_356 = arith.mulf %get3A_354, %mul3A_355 : vector<16xf32>
      %add3A_357 = arith.addf %mul3A_346, %mul3A_356 : vector<16xf32>
      %add3A_358 = arith.constant 256 : i32
      %add3A_359 = arith.addi %add3A_358, %scan3A_191 : i32
      %get3A_360 = arith.constant 0 : i32
      %get3A_361 = arith.index_cast %get3A_360 : i32 to index
      %get3A_362 = arith.index_cast %add3A_359 : i32 to index
      %get3A_363 = arith.constant 64 : index
      %get3A_364 = tpu.vector_load %arg9[%get3A_361, %get3A_362, %get3A_363] {strides = array<i32>} : memref<2x384x128xf32, #tpu.memory_space<vmem>>, vector<1x1x16xf32>,
      %get3A_365 = vector.shape_cast %get3A_364 : vector<1x1x16xf32> to vector<16xf32>
      %mul3A_366 = vector.broadcast %squeeze3A_199 : f32 to vector<16xf32>
      %mul3A_367 = arith.mulf %get3A_365, %mul3A_366 : vector<16xf32>
      %add3A_368 = arith.addf %add3A_357, %mul3A_367 : vector<16xf32>
      %swap3A_369 = arith.index_cast %scan3A_191 : i32 to index
      %swap3A_370 = arith.constant 64 : index
      %swap3A_371 = tpu.vector_load %arg10[%swap3A_369, %swap3A_370] {strides = array<i32>} : memref<128x128xf32, #tpu.memory_space<vmem>>, vector<1x16xf32>,
      %swap3A_372 = vector.shape_cast %swap3A_371 : vector<1x16xf32> to vector<16xf32>
      %swap3A_373 = vector.shape_cast %add3A_368 : vector<16xf32> to vector<1x16xf32>
      tpu.vector_store %arg10[%swap3A_369, %swap3A_370], %swap3A_373 {strides = array<i32>} : memref<128x128xf32, #tpu.memory_space<vmem>>, vector<1x16xf32>,
      %get3A_374 = arith.constant 0 : i32
      %get3A_375 = arith.index_cast %get3A_374 : i32 to index
      %get3A_376 = arith.index_cast %scan3A_191 : i32 to index
      %get3A_377 = arith.constant 80 : index
      %get3A_378 = tpu.vector_load %arg9[%get3A_375, %get3A_376, %get3A_377] {strides = array<i32>} : memref<2x384x128xf32, #tpu.memory_space<vmem>>, vector<1x1x16xf32>,
      %get3A_379 = vector.shape_cast %get3A_378 : vector<1x1x16xf32> to vector<16xf32>
      %mul3A_380 = vector.broadcast %squeeze3A : f32 to vector<16xf32>
      %mul3A_381 = arith.mulf %get3A_379, %mul3A_380 : vector<16xf32>
      %add3A_382 = arith.constant 128 : i32
      %add3A_383 = arith.addi %add3A_382, %scan3A_191 : i32
      %get3A_384 = arith.constant 0 : i32
      %get3A_385 = arith.index_cast %get3A_384 : i32 to index
      %get3A_386 = arith.index_cast %add3A_383 : i32 to index
      %get3A_387 = arith.constant 80 : index
      %get3A_388 = tpu.vector_load %arg9[%get3A_385, %get3A_386, %get3A_387] {strides = array<i32>} : memref<2x384x128xf32, #tpu.memory_space<vmem>>, vector<1x1x16xf32>,
      %get3A_389 = vector.shape_cast %get3A_388 : vector<1x1x16xf32> to vector<16xf32>
      %mul3A_390 = vector.broadcast %squeeze3A_197 : f32 to vector<16xf32>
      %mul3A_391 = arith.mulf %get3A_389, %mul3A_390 : vector<16xf32>
      %add3A_392 = arith.addf %mul3A_381, %mul3A_391 : vector<16xf32>
      %add3A_393 = arith.constant 256 : i32
      %add3A_394 = arith.addi %add3A_393, %scan3A_191 : i32
      %get3A_395 = arith.constant 0 : i32
      %get3A_396 = arith.index_cast %get3A_395 : i32 to index
      %get3A_397 = arith.index_cast %add3A_394 : i32 to index
      %get3A_398 = arith.constant 80 : index
      %get3A_399 = tpu.vector_load %arg9[%get3A_396, %get3A_397, %get3A_398] {strides = array<i32>} : memref<2x384x128xf32, #tpu.memory_space<vmem>>, vector<1x1x16xf32>,
      %get3A_400 = vector.shape_cast %get3A_399 : vector<1x1x16xf32> to vector<16xf32>
      %mul3A_401 = vector.broadcast %squeeze3A_199 : f32 to vector<16xf32>
      %mul3A_402 = arith.mulf %get3A_400, %mul3A_401 : vector<16xf32>
      %add3A_403 = arith.addf %add3A_392, %mul3A_402 : vector<16xf32>
      %swap3A_404 = arith.index_cast %scan3A_191 : i32 to index
      %swap3A_405 = arith.constant 80 : index
      %swap3A_406 = tpu.vector_load %arg10[%swap3A_404, %swap3A_405] {strides = array<i32>} : memref<128x128xf32, #tpu.memory_space<vmem>>, vector<1x16xf32>,
      %swap3A_407 = vector.shape_cast %swap3A_406 : vector<1x16xf32> to vector<16xf32>
      %swap3A_408 = vector.shape_cast %add3A_403 : vector<16xf32> to vector<1x16xf32>
      tpu.vector_store %arg10[%swap3A_404, %swap3A_405], %swap3A_408 {strides = array<i32>} : memref<128x128xf32, #tpu.memory_space<vmem>>, vector<1x16xf32>,
      %get3A_409 = arith.constant 0 : i32
      %get3A_410 = arith.index_cast %get3A_409 : i32 to index
      %get3A_411 = arith.index_cast %scan3A_191 : i32 to index
      %get3A_412 = arith.constant 96 : index
      %get3A_413 = tpu.vector_load %arg9[%get3A_410, %get3A_411, %get3A_412] {strides = array<i32>} : memref<2x384x128xf32, #tpu.memory_space<vmem>>, vector<1x1x16xf32>,
      %get3A_414 = vector.shape_cast %get3A_413 : vector<1x1x16xf32> to vector<16xf32>
      %mul3A_415 = vector.broadcast %squeeze3A : f32 to vector<16xf32>
      %mul3A_416 = arith.mulf %get3A_414, %mul3A_415 : vector<16xf32>
      %add3A_417 = arith.constant 128 : i32
      %add3A_418 = arith.addi %add3A_417, %scan3A_191 : i32
      %get3A_419 = arith.constant 0 : i32
      %get3A_420 = arith.index_cast %get3A_419 : i32 to index
      %get3A_421 = arith.index_cast %add3A_418 : i32 to index
      %get3A_422 = arith.constant 96 : index
      %get3A_423 = tpu.vector_load %arg9[%get3A_420, %get3A_421, %get3A_422] {strides = array<i32>} : memref<2x384x128xf32, #tpu.memory_space<vmem>>, vector<1x1x16xf32>,
      %get3A_424 = vector.shape_cast %get3A_423 : vector<1x1x16xf32> to vector<16xf32>
      %mul3A_425 = vector.broadcast %squeeze3A_197 : f32 to vector<16xf32>
      %mul3A_426 = arith.mulf %get3A_424, %mul3A_425 : vector<16xf32>
      %add3A_427 = arith.addf %mul3A_416, %mul3A_426 : vector<16xf32>
      %add3A_428 = arith.constant 256 : i32
      %add3A_429 = arith.addi %add3A_428, %scan3A_191 : i32
      %get3A_430 = arith.constant 0 : i32
      %get3A_431 = arith.index_cast %get3A_430 : i32 to index
      %get3A_432 = arith.index_cast %add3A_429 : i32 to index
      %get3A_433 = arith.constant 96 : index
      %get3A_434 = tpu.vector_load %arg9[%get3A_431, %get3A_432, %get3A_433] {strides = array<i32>} : memref<2x384x128xf32, #tpu.memory_space<vmem>>, vector<1x1x16xf32>,
      %get3A_435 = vector.shape_cast %get3A_434 : vector<1x1x16xf32> to vector<16xf32>
      %mul3A_436 = vector.broadcast %squeeze3A_199 : f32 to vector<16xf32>
      %mul3A_437 = arith.mulf %get3A_435, %mul3A_436 : vector<16xf32>
      %add3A_438 = arith.addf %add3A_427, %mul3A_437 : vector<16xf32>
      %swap3A_439 = arith.index_cast %scan3A_191 : i32 to index
      %swap3A_440 = arith.constant 96 : index
      %swap3A_441 = tpu.vector_load %arg10[%swap3A_439, %swap3A_440] {strides = array<i32>} : memref<128x128xf32, #tpu.memory_space<vmem>>, vector<1x16xf32>,
      %swap3A_442 = vector.shape_cast %swap3A_441 : vector<1x16xf32> to vector<16xf32>
      %swap3A_443 = vector.shape_cast %add3A_438 : vector<16xf32> to vector<1x16xf32>
      tpu.vector_store %arg10[%swap3A_439, %swap3A_440], %swap3A_443 {strides = array<i32>} : memref<128x128xf32, #tpu.memory_space<vmem>>, vector<1x16xf32>,
      %get3A_444 = arith.constant 0 : i32
      %get3A_445 = arith.index_cast %get3A_444 : i32 to index
      %get3A_446 = arith.index_cast %scan3A_191 : i32 to index
      %get3A_447 = arith.constant 112 : index
      %get3A_448 = tpu.vector_load %arg9[%get3A_445, %get3A_446, %get3A_447] {strides = array<i32>} : memref<2x384x128xf32, #tpu.memory_space<vmem>>, vector<1x1x16xf32>,
      %get3A_449 = vector.shape_cast %get3A_448 : vector<1x1x16xf32> to vector<16xf32>
      %mul3A_450 = vector.broadcast %squeeze3A : f32 to vector<16xf32>
      %mul3A_451 = arith.mulf %get3A_449, %mul3A_450 : vector<16xf32>
      %add3A_452 = arith.constant 128 : i32
      %add3A_453 = arith.addi %add3A_452, %scan3A_191 : i32
      %get3A_454 = arith.constant 0 : i32
      %get3A_455 = arith.index_cast %get3A_454 : i32 to index
      %get3A_456 = arith.index_cast %add3A_453 : i32 to index
      %get3A_457 = arith.constant 112 : index
      %get3A_458 = tpu.vector_load %arg9[%get3A_455, %get3A_456, %get3A_457] {strides = array<i32>} : memref<2x384x128xf32, #tpu.memory_space<vmem>>, vector<1x1x16xf32>,
      %get3A_459 = vector.shape_cast %get3A_458 : vector<1x1x16xf32> to vector<16xf32>
      %mul3A_460 = vector.broadcast %squeeze3A_197 : f32 to vector<16xf32>
      %mul3A_461 = arith.mulf %get3A_459, %mul3A_460 : vector<16xf32>
      %add3A_462 = arith.addf %mul3A_451, %mul3A_461 : vector<16xf32>
      %add3A_463 = arith.constant 256 : i32
      %add3A_464 = arith.addi %add3A_463, %scan3A_191 : i32
      %get3A_465 = arith.constant 0 : i32
      %get3A_466 = arith.index_cast %get3A_465 : i32 to index
      %get3A_467 = arith.index_cast %add3A_464 : i32 to index
      %get3A_468 = arith.constant 112 : index
      %get3A_469 = tpu.vector_load %arg9[%get3A_466, %get3A_467, %get3A_468] {strides = array<i32>} : memref<2x384x128xf32, #tpu.memory_space<vmem>>, vector<1x1x16xf32>,
      %get3A_470 = vector.shape_cast %get3A_469 : vector<1x1x16xf32> to vector<16xf32>
      %mul3A_471 = vector.broadcast %squeeze3A_199 : f32 to vector<16xf32>
      %mul3A_472 = arith.mulf %get3A_470, %mul3A_471 : vector<16xf32>
      %add3A_473 = arith.addf %add3A_462, %mul3A_472 : vector<16xf32>
      %swap3A_474 = arith.index_cast %scan3A_191 : i32 to index
      %swap3A_475 = arith.constant 112 : index
      %swap3A_476 = tpu.vector_load %arg10[%swap3A_474, %swap3A_475] {strides = array<i32>} : memref<128x128xf32, #tpu.memory_space<vmem>>, vector<1x16xf32>,
      %swap3A_477 = vector.shape_cast %swap3A_476 : vector<1x16xf32> to vector<16xf32>
      %swap3A_478 = vector.shape_cast %add3A_473 : vector<16xf32> to vector<1x16xf32>
      tpu.vector_store %arg10[%swap3A_474, %swap3A_475], %swap3A_478 {strides = array<i32>} : memref<128x128xf32, #tpu.memory_space<vmem>>, vector<1x16xf32>,
    }
    %scan3A_144 = arith.constant 128 : i32
    "tpu.region"() ({
      %run_scoped3A_191 = tpu.sem_alloc : memref<!tpu.dma_semaphore, #tpu.memory_space<semaphore_mem>>
      %dma_start3A_192 = arith.constant 0 : i32
      %dma_start3A_193 = tpu.memref_slice %arg5[%add3A_139, %dma_start3A_192] : memref<8192x128xf32, #tpu.memory_space<hbm>> -> memref<128x128xf32, #tpu.memory_space<hbm>>
      %dma_start3A_194 = arith.constant 0 : i32
      %dma_start3A_195 = tpu.memref_slice %arg5[%add3A_139, %dma_start3A_194] : memref<8192x128xf32, #tpu.memory_space<hbm>> -> memref<128x128xf32, #tpu.memory_space<hbm>>
      tpu.enqueue_dma source(%arg10 : memref<128x128xf32, #tpu.memory_space<vmem>>) target(%dma_start3A_195 : memref<128x128xf32, #tpu.memory_space<hbm>>) target_semaphore(%run_scoped3A_191 : memref<!tpu.dma_semaphore, #tpu.memory_space<semaphore_mem>>)
      %dma_wait3A_196 = arith.constant 0 : i32
      %dma_wait3A_197 = tpu.memref_slice %arg5[%add3A_139, %dma_wait3A_196] : memref<8192x128xf32, #tpu.memory_space<hbm>> -> memref<128x128xf32, #tpu.memory_space<hbm>>
      %dma_wait3A_198 = arith.constant 0 : i32
      %dma_wait3A_199 = tpu.memref_slice %arg5[%add3A_139, %dma_wait3A_198] : memref<8192x128xf32, #tpu.memory_space<hbm>> -> memref<128x128xf32, #tpu.memory_space<hbm>>
      tpu.wait_dma2 semaphore(%run_scoped3A_191 : memref<!tpu.dma_semaphore, #tpu.memory_space<semaphore_mem>>) src(%arg10 : memref<128x128xf32, #tpu.memory_space<vmem>>) dst(%dma_wait3A_199 : memref<128x128xf32, #tpu.memory_space<hbm>>)
      tpu.yield
    }) : () -> ()
    %dma_wait3A_145 = arith.constant 1 : i32
    %dma_wait3A_146 = arith.constant 1 : i32
    %dma_wait3A_147 = arith.constant 0 : i32
    %dma_wait3A_148 = arith.constant 0 : i32
    %dma_wait3A_149 = tpu.memref_slice %arg9[%dma_wait3A_146, %dma_wait3A_147, %dma_wait3A_148] : memref<2x384x128xf32, #tpu.memory_space<vmem>> -> memref<1x128x128xf32, #tpu.memory_space<vmem>>
    %dma_wait3A_150 = tpu.memref_squeeze %dma_wait3A_149 : memref<1x128x128xf32, #tpu.memory_space<vmem>> -> memref<128x128xf32, #tpu.memory_space<vmem>>
    %dma_wait3A_151 = arith.constant 0 : i32
    %dma_wait3A_152 = tpu.memref_slice %arg6[%dma_wait3A_145, %dma_wait3A_151] : memref<2x384xi32, #tpu.memory_space<vmem>> -> memref<1x128xi32, #tpu.memory_space<vmem>>
    %dma_wait3A_153 = tpu.memref_squeeze %dma_wait3A_152 : memref<1x128xi32, #tpu.memory_space<vmem>> -> memref<128xi32, #tpu.memory_space<vmem>>
    %dma_wait3A_154 = arith.constant 0 : i32
    %dma_wait3A_155 = arith.constant 0 : i32
    %dma_wait3A_156 = tpu.memref_slice %arg2[%dma_wait3A_154, %dma_wait3A_155] : memref<2048x128xf32, #tpu.memory_space<hbm>> -> memref<2048x128xf32, #tpu.memory_space<hbm>>
    tpu.wait_indirect_dma semaphore(%arg12 : memref<!tpu.dma_semaphore, #tpu.memory_space<semaphore_mem>>) src(%dma_wait3A_156 : memref<2048x128xf32, #tpu.memory_space<hbm>>) dst(%dma_wait3A_150 : memref<128x128xf32, #tpu.memory_space<vmem>>)
    %dma_wait3A_157 = arith.constant 1 : i32
    %dma_wait3A_158 = arith.constant 1 : i32
    %dma_wait3A_159 = arith.constant 128 : i32
    %dma_wait3A_160 = arith.constant 0 : i32
    %dma_wait3A_161 = tpu.memref_slice %arg9[%dma_wait3A_158, %dma_wait3A_159, %dma_wait3A_160] : memref<2x384x128xf32, #tpu.memory_space<vmem>> -> memref<1x128x128xf32, #tpu.memory_space<vmem>>
    %dma_wait3A_162 = tpu.memref_squeeze %dma_wait3A_161 : memref<1x128x128xf32, #tpu.memory_space<vmem>> -> memref<128x128xf32, #tpu.memory_space<vmem>>
    %dma_wait3A_163 = arith.constant 128 : i32
    %dma_wait3A_164 = tpu.memref_slice %arg6[%dma_wait3A_157, %dma_wait3A_163] : memref<2x384xi32, #tpu.memory_space<vmem>> -> memref<1x128xi32, #tpu.memory_space<vmem>>
    %dma_wait3A_165 = tpu.memref_squeeze %dma_wait3A_164 : memref<1x128xi32, #tpu.memory_space<vmem>> -> memref<128xi32, #tpu.memory_space<vmem>>
    %dma_wait3A_166 = arith.constant 0 : i32
    %dma_wait3A_167 = arith.constant 0 : i32
    %dma_wait3A_168 = tpu.memref_slice %arg2[%dma_wait3A_166, %dma_wait3A_167] : memref<2048x128xf32, #tpu.memory_space<hbm>> -> memref<2048x128xf32, #tpu.memory_space<hbm>>
    tpu.wait_indirect_dma semaphore(%arg12 : memref<!tpu.dma_semaphore, #tpu.memory_space<semaphore_mem>>) src(%dma_wait3A_168 : memref<2048x128xf32, #tpu.memory_space<hbm>>) dst(%dma_wait3A_162 : memref<128x128xf32, #tpu.memory_space<vmem>>)
    %dma_wait3A_169 = arith.constant 1 : i32
    %dma_wait3A_170 = arith.constant 1 : i32
    %dma_wait3A_171 = arith.constant 256 : i32
    %dma_wait3A_172 = arith.constant 0 : i32
    %dma_wait3A_173 = tpu.memref_slice %arg9[%dma_wait3A_170, %dma_wait3A_171, %dma_wait3A_172] : memref<2x384x128xf32, #tpu.memory_space<vmem>> -> memref<1x128x128xf32, #tpu.memory_space<vmem>>
    %dma_wait3A_174 = tpu.memref_squeeze %dma_wait3A_173 : memref<1x128x128xf32, #tpu.memory_space<vmem>> -> memref<128x128xf32, #tpu.memory_space<vmem>>
    %dma_wait3A_175 = arith.constant 256 : i32
    %dma_wait3A_176 = tpu.memref_slice %arg6[%dma_wait3A_169, %dma_wait3A_175] : memref<2x384xi32, #tpu.memory_space<vmem>> -> memref<1x128xi32, #tpu.memory_space<vmem>>
    %dma_wait3A_177 = tpu.memref_squeeze %dma_wait3A_176 : memref<1x128xi32, #tpu.memory_space<vmem>> -> memref<128xi32, #tpu.memory_space<vmem>>
    %dma_wait3A_178 = arith.constant 0 : i32
    %dma_wait3A_179 = arith.constant 0 : i32
    %dma_wait3A_180 = tpu.memref_slice %arg2[%dma_wait3A_178, %dma_wait3A_179] : memref<2048x128xf32, #tpu.memory_space<hbm>> -> memref<2048x128xf32, #tpu.memory_space<hbm>>
    tpu.wait_indirect_dma semaphore(%arg12 : memref<!tpu.dma_semaphore, #tpu.memory_space<semaphore_mem>>) src(%dma_wait3A_180 : memref<2048x128xf32, #tpu.memory_space<hbm>>) dst(%dma_wait3A_174 : memref<128x128xf32, #tpu.memory_space<vmem>>)
    %mul3A_181 = arith.constant 256 : i32
    %mul3A_182 = arith.muli %add3A, %mul3A_181 : i32
    %add3A_183 = arith.constant 128 : i32
    %add3A_184 = arith.addi %mul3A_182, %add3A_183 : i32
    %scan3A_185 = arith.constant 0 : i32
    %scan3A_186 = arith.constant 0 : i32
    %scan3A_187 = arith.constant 128 : i32
    %scan3A_188 = arith.addi %scan3A_186, %scan3A_187 : i32
    %scan3A_189 = arith.constant 1 : i32
    scf.for %scan3A_191 = %scan3A_186 to %scan3A_188 step %scan3A_189  : i32 {
      %mul3A_192 = arith.constant 3 : i32
      %mul3A_193 = arith.muli %mul3A_192, %scan3A_191 : i32
      %get3A = arith.index_cast %mul3A_193 : i32 to index
      %get3A_194 = tpu.vector_load %arg8[%get3A] {strides = array<i32>} : memref<400xf32, #tpu.memory_space<vmem>>, vector<16xf32>,
      %get3A_195 = vector.shape_cast %get3A_194 : vector<16xf32> to vector<16xf32>
      %slice3A = vector.extract_strided_slice %get3A_195 {offsets = [0], sizes = [1], strides = [1]} : vector<16xf32> to vector<1xf32>
      %squeeze3A = vector.extract %slice3A[0] : f32 from vector<1xf32>
      %slice3A_196 = vector.extract_strided_slice %get3A_195 {offsets = [1], sizes = [1], strides = [1]} : vector<16xf32> to vector<1xf32>
      %squeeze3A_197 = vector.extract %slice3A_196[0] : f32 from vector<1xf32>
      %slice3A_198 = vector.extract_strided_slice %get3A_195 {offsets = [2], sizes = [1], strides = [1]} : vector<16xf32> to vector<1xf32>
      %squeeze3A_199 = vector.extract %slice3A_198[0] : f32 from vector<1xf32>
      %get3A_200 = arith.constant 1 : i32
      %get3A_201 = arith.index_cast %get3A_200 : i32 to index
      %get3A_202 = arith.index_cast %scan3A_191 : i32 to index
      %get3A_203 = arith.constant 0 : index
      %get3A_204 = tpu.vector_load %arg9[%get3A_201, %get3A_202, %get3A_203] {strides = array<i32>} : memref<2x384x128xf32, #tpu.memory_space<vmem>>, vector<1x1x16xf32>,
      %get3A_205 = vector.shape_cast %get3A_204 : vector<1x1x16xf32> to vector<16xf32>
      %mul3A_206 = vector.broadcast %squeeze3A : f32 to vector<16xf32>
      %mul3A_207 = arith.mulf %get3A_205, %mul3A_206 : vector<16xf32>
      %add3A_208 = arith.constant 128 : i32
      %add3A_209 = arith.addi %add3A_208, %scan3A_191 : i32
      %get3A_210 = arith.constant 1 : i32
      %get3A_211 = arith.index_cast %get3A_210 : i32 to index
      %get3A_212 = arith.index_cast %add3A_209 : i32 to index
      %get3A_213 = arith.constant 0 : index
      %get3A_214 = tpu.vector_load %arg9[%get3A_211, %get3A_212, %get3A_213] {strides = array<i32>} : memref<2x384x128xf32, #tpu.memory_space<vmem>>, vector<1x1x16xf32>,
      %get3A_215 = vector.shape_cast %get3A_214 : vector<1x1x16xf32> to vector<16xf32>
      %mul3A_216 = vector.broadcast %squeeze3A_197 : f32 to vector<16xf32>
      %mul3A_217 = arith.mulf %get3A_215, %mul3A_216 : vector<16xf32>
      %add3A_218 = arith.addf %mul3A_207, %mul3A_217 : vector<16xf32>
      %add3A_219 = arith.constant 256 : i32
      %add3A_220 = arith.addi %add3A_219, %scan3A_191 : i32
      %get3A_221 = arith.constant 1 : i32
      %get3A_222 = arith.index_cast %get3A_221 : i32 to index
      %get3A_223 = arith.index_cast %add3A_220 : i32 to index
      %get3A_224 = arith.constant 0 : index
      %get3A_225 = tpu.vector_load %arg9[%get3A_222, %get3A_223, %get3A_224] {strides = array<i32>} : memref<2x384x128xf32, #tpu.memory_space<vmem>>, vector<1x1x16xf32>,
      %get3A_226 = vector.shape_cast %get3A_225 : vector<1x1x16xf32> to vector<16xf32>
      %mul3A_227 = vector.broadcast %squeeze3A_199 : f32 to vector<16xf32>
      %mul3A_228 = arith.mulf %get3A_226, %mul3A_227 : vector<16xf32>
      %add3A_229 = arith.addf %add3A_218, %mul3A_228 : vector<16xf32>
      %swap3A = arith.index_cast %scan3A_191 : i32 to index
      %swap3A_230 = arith.constant 0 : index
      %swap3A_231 = tpu.vector_load %arg10[%swap3A, %swap3A_230] {strides = array<i32>} : memref<128x128xf32, #tpu.memory_space<vmem>>, vector<1x16xf32>,
      %swap3A_232 = vector.shape_cast %swap3A_231 : vector<1x16xf32> to vector<16xf32>
      %swap3A_233 = vector.shape_cast %add3A_229 : vector<16xf32> to vector<1x16xf32>
      tpu.vector_store %arg10[%swap3A, %swap3A_230], %swap3A_233 {strides = array<i32>} : memref<128x128xf32, #tpu.memory_space<vmem>>, vector<1x16xf32>,
      %get3A_234 = arith.constant 1 : i32
      %get3A_235 = arith.index_cast %get3A_234 : i32 to index
      %get3A_236 = arith.index_cast %scan3A_191 : i32 to index
      %get3A_237 = arith.constant 16 : index
      %get3A_238 = tpu.vector_load %arg9[%get3A_235, %get3A_236, %get3A_237] {strides = array<i32>} : memref<2x384x128xf32, #tpu.memory_space<vmem>>, vector<1x1x16xf32>,
      %get3A_239 = vector.shape_cast %get3A_238 : vector<1x1x16xf32> to vector<16xf32>
      %mul3A_240 = vector.broadcast %squeeze3A : f32 to vector<16xf32>
      %mul3A_241 = arith.mulf %get3A_239, %mul3A_240 : vector<16xf32>
      %add3A_242 = arith.constant 128 : i32
      %add3A_243 = arith.addi %add3A_242, %scan3A_191 : i32
      %get3A_244 = arith.constant 1 : i32
      %get3A_245 = arith.index_cast %get3A_244 : i32 to index
      %get3A_246 = arith.index_cast %add3A_243 : i32 to index
      %get3A_247 = arith.constant 16 : index
      %get3A_248 = tpu.vector_load %arg9[%get3A_245, %get3A_246, %get3A_247] {strides = array<i32>} : memref<2x384x128xf32, #tpu.memory_space<vmem>>, vector<1x1x16xf32>,
      %get3A_249 = vector.shape_cast %get3A_248 : vector<1x1x16xf32> to vector<16xf32>
      %mul3A_250 = vector.broadcast %squeeze3A_197 : f32 to vector<16xf32>
      %mul3A_251 = arith.mulf %get3A_249, %mul3A_250 : vector<16xf32>
      %add3A_252 = arith.addf %mul3A_241, %mul3A_251 : vector<16xf32>
      %add3A_253 = arith.constant 256 : i32
      %add3A_254 = arith.addi %add3A_253, %scan3A_191 : i32
      %get3A_255 = arith.constant 1 : i32
      %get3A_256 = arith.index_cast %get3A_255 : i32 to index
      %get3A_257 = arith.index_cast %add3A_254 : i32 to index
      %get3A_258 = arith.constant 16 : index
      %get3A_259 = tpu.vector_load %arg9[%get3A_256, %get3A_257, %get3A_258] {strides = array<i32>} : memref<2x384x128xf32, #tpu.memory_space<vmem>>, vector<1x1x16xf32>,
      %get3A_260 = vector.shape_cast %get3A_259 : vector<1x1x16xf32> to vector<16xf32>
      %mul3A_261 = vector.broadcast %squeeze3A_199 : f32 to vector<16xf32>
      %mul3A_262 = arith.mulf %get3A_260, %mul3A_261 : vector<16xf32>
      %add3A_263 = arith.addf %add3A_252, %mul3A_262 : vector<16xf32>
      %swap3A_264 = arith.index_cast %scan3A_191 : i32 to index
      %swap3A_265 = arith.constant 16 : index
      %swap3A_266 = tpu.vector_load %arg10[%swap3A_264, %swap3A_265] {strides = array<i32>} : memref<128x128xf32, #tpu.memory_space<vmem>>, vector<1x16xf32>,
      %swap3A_267 = vector.shape_cast %swap3A_266 : vector<1x16xf32> to vector<16xf32>
      %swap3A_268 = vector.shape_cast %add3A_263 : vector<16xf32> to vector<1x16xf32>
      tpu.vector_store %arg10[%swap3A_264, %swap3A_265], %swap3A_268 {strides = array<i32>} : memref<128x128xf32, #tpu.memory_space<vmem>>, vector<1x16xf32>,
      %get3A_269 = arith.constant 1 : i32
      %get3A_270 = arith.index_cast %get3A_269 : i32 to index
      %get3A_271 = arith.index_cast %scan3A_191 : i32 to index
      %get3A_272 = arith.constant 32 : index
      %get3A_273 = tpu.vector_load %arg9[%get3A_270, %get3A_271, %get3A_272] {strides = array<i32>} : memref<2x384x128xf32, #tpu.memory_space<vmem>>, vector<1x1x16xf32>,
      %get3A_274 = vector.shape_cast %get3A_273 : vector<1x1x16xf32> to vector<16xf32>
      %mul3A_275 = vector.broadcast %squeeze3A : f32 to vector<16xf32>
      %mul3A_276 = arith.mulf %get3A_274, %mul3A_275 : vector<16xf32>
      %add3A_277 = arith.constant 128 : i32
      %add3A_278 = arith.addi %add3A_277, %scan3A_191 : i32
      %get3A_279 = arith.constant 1 : i32
      %get3A_280 = arith.index_cast %get3A_279 : i32 to index
      %get3A_281 = arith.index_cast %add3A_278 : i32 to index
      %get3A_282 = arith.constant 32 : index
      %get3A_283 = tpu.vector_load %arg9[%get3A_280, %get3A_281, %get3A_282] {strides = array<i32>} : memref<2x384x128xf32, #tpu.memory_space<vmem>>, vector<1x1x16xf32>,
      %get3A_284 = vector.shape_cast %get3A_283 : vector<1x1x16xf32> to vector<16xf32>
      %mul3A_285 = vector.broadcast %squeeze3A_197 : f32 to vector<16xf32>
      %mul3A_286 = arith.mulf %get3A_284, %mul3A_285 : vector<16xf32>
      %add3A_287 = arith.addf %mul3A_276, %mul3A_286 : vector<16xf32>
      %add3A_288 = arith.constant 256 : i32
      %add3A_289 = arith.addi %add3A_288, %scan3A_191 : i32
      %get3A_290 = arith.constant 1 : i32
      %get3A_291 = arith.index_cast %get3A_290 : i32 to index
      %get3A_292 = arith.index_cast %add3A_289 : i32 to index
      %get3A_293 = arith.constant 32 : index
      %get3A_294 = tpu.vector_load %arg9[%get3A_291, %get3A_292, %get3A_293] {strides = array<i32>} : memref<2x384x128xf32, #tpu.memory_space<vmem>>, vector<1x1x16xf32>,
      %get3A_295 = vector.shape_cast %get3A_294 : vector<1x1x16xf32> to vector<16xf32>
      %mul3A_296 = vector.broadcast %squeeze3A_199 : f32 to vector<16xf32>
      %mul3A_297 = arith.mulf %get3A_295, %mul3A_296 : vector<16xf32>
      %add3A_298 = arith.addf %add3A_287, %mul3A_297 : vector<16xf32>
      %swap3A_299 = arith.index_cast %scan3A_191 : i32 to index
      %swap3A_300 = arith.constant 32 : index
      %swap3A_301 = tpu.vector_load %arg10[%swap3A_299, %swap3A_300] {strides = array<i32>} : memref<128x128xf32, #tpu.memory_space<vmem>>, vector<1x16xf32>,
      %swap3A_302 = vector.shape_cast %swap3A_301 : vector<1x16xf32> to vector<16xf32>
      %swap3A_303 = vector.shape_cast %add3A_298 : vector<16xf32> to vector<1x16xf32>
      tpu.vector_store %arg10[%swap3A_299, %swap3A_300], %swap3A_303 {strides = array<i32>} : memref<128x128xf32, #tpu.memory_space<vmem>>, vector<1x16xf32>,
      %get3A_304 = arith.constant 1 : i32
      %get3A_305 = arith.index_cast %get3A_304 : i32 to index
      %get3A_306 = arith.index_cast %scan3A_191 : i32 to index
      %get3A_307 = arith.constant 48 : index
      %get3A_308 = tpu.vector_load %arg9[%get3A_305, %get3A_306, %get3A_307] {strides = array<i32>} : memref<2x384x128xf32, #tpu.memory_space<vmem>>, vector<1x1x16xf32>,
      %get3A_309 = vector.shape_cast %get3A_308 : vector<1x1x16xf32> to vector<16xf32>
      %mul3A_310 = vector.broadcast %squeeze3A : f32 to vector<16xf32>
      %mul3A_311 = arith.mulf %get3A_309, %mul3A_310 : vector<16xf32>
      %add3A_312 = arith.constant 128 : i32
      %add3A_313 = arith.addi %add3A_312, %scan3A_191 : i32
      %get3A_314 = arith.constant 1 : i32
      %get3A_315 = arith.index_cast %get3A_314 : i32 to index
      %get3A_316 = arith.index_cast %add3A_313 : i32 to index
      %get3A_317 = arith.constant 48 : index
      %get3A_318 = tpu.vector_load %arg9[%get3A_315, %get3A_316, %get3A_317] {strides = array<i32>} : memref<2x384x128xf32, #tpu.memory_space<vmem>>, vector<1x1x16xf32>,
      %get3A_319 = vector.shape_cast %get3A_318 : vector<1x1x16xf32> to vector<16xf32>
      %mul3A_320 = vector.broadcast %squeeze3A_197 : f32 to vector<16xf32>
      %mul3A_321 = arith.mulf %get3A_319, %mul3A_320 : vector<16xf32>
      %add3A_322 = arith.addf %mul3A_311, %mul3A_321 : vector<16xf32>
      %add3A_323 = arith.constant 256 : i32
      %add3A_324 = arith.addi %add3A_323, %scan3A_191 : i32
      %get3A_325 = arith.constant 1 : i32
      %get3A_326 = arith.index_cast %get3A_325 : i32 to index
      %get3A_327 = arith.index_cast %add3A_324 : i32 to index
      %get3A_328 = arith.constant 48 : index
      %get3A_329 = tpu.vector_load %arg9[%get3A_326, %get3A_327, %get3A_328] {strides = array<i32>} : memref<2x384x128xf32, #tpu.memory_space<vmem>>, vector<1x1x16xf32>,
      %get3A_330 = vector.shape_cast %get3A_329 : vector<1x1x16xf32> to vector<16xf32>
      %mul3A_331 = vector.broadcast %squeeze3A_199 : f32 to vector<16xf32>
      %mul3A_332 = arith.mulf %get3A_330, %mul3A_331 : vector<16xf32>
      %add3A_333 = arith.addf %add3A_322, %mul3A_332 : vector<16xf32>
      %swap3A_334 = arith.index_cast %scan3A_191 : i32 to index
      %swap3A_335 = arith.constant 48 : index
      %swap3A_336 = tpu.vector_load %arg10[%swap3A_334, %swap3A_335] {strides = array<i32>} : memref<128x128xf32, #tpu.memory_space<vmem>>, vector<1x16xf32>,
      %swap3A_337 = vector.shape_cast %swap3A_336 : vector<1x16xf32> to vector<16xf32>
      %swap3A_338 = vector.shape_cast %add3A_333 : vector<16xf32> to vector<1x16xf32>
      tpu.vector_store %arg10[%swap3A_334, %swap3A_335], %swap3A_338 {strides = array<i32>} : memref<128x128xf32, #tpu.memory_space<vmem>>, vector<1x16xf32>,
      %get3A_339 = arith.constant 1 : i32
      %get3A_340 = arith.index_cast %get3A_339 : i32 to index
      %get3A_341 = arith.index_cast %scan3A_191 : i32 to index
      %get3A_342 = arith.constant 64 : index
      %get3A_343 = tpu.vector_load %arg9[%get3A_340, %get3A_341, %get3A_342] {strides = array<i32>} : memref<2x384x128xf32, #tpu.memory_space<vmem>>, vector<1x1x16xf32>,
      %get3A_344 = vector.shape_cast %get3A_343 : vector<1x1x16xf32> to vector<16xf32>
      %mul3A_345 = vector.broadcast %squeeze3A : f32 to vector<16xf32>
      %mul3A_346 = arith.mulf %get3A_344, %mul3A_345 : vector<16xf32>
      %add3A_347 = arith.constant 128 : i32
      %add3A_348 = arith.addi %add3A_347, %scan3A_191 : i32
      %get3A_349 = arith.constant 1 : i32
      %get3A_350 = arith.index_cast %get3A_349 : i32 to index
      %get3A_351 = arith.index_cast %add3A_348 : i32 to index
      %get3A_352 = arith.constant 64 : index
      %get3A_353 = tpu.vector_load %arg9[%get3A_350, %get3A_351, %get3A_352] {strides = array<i32>} : memref<2x384x128xf32, #tpu.memory_space<vmem>>, vector<1x1x16xf32>,
      %get3A_354 = vector.shape_cast %get3A_353 : vector<1x1x16xf32> to vector<16xf32>
      %mul3A_355 = vector.broadcast %squeeze3A_197 : f32 to vector<16xf32>
      %mul3A_356 = arith.mulf %get3A_354, %mul3A_355 : vector<16xf32>
      %add3A_357 = arith.addf %mul3A_346, %mul3A_356 : vector<16xf32>
      %add3A_358 = arith.constant 256 : i32
      %add3A_359 = arith.addi %add3A_358, %scan3A_191 : i32
      %get3A_360 = arith.constant 1 : i32
      %get3A_361 = arith.index_cast %get3A_360 : i32 to index
      %get3A_362 = arith.index_cast %add3A_359 : i32 to index
      %get3A_363 = arith.constant 64 : index
      %get3A_364 = tpu.vector_load %arg9[%get3A_361, %get3A_362, %get3A_363] {strides = array<i32>} : memref<2x384x128xf32, #tpu.memory_space<vmem>>, vector<1x1x16xf32>,
      %get3A_365 = vector.shape_cast %get3A_364 : vector<1x1x16xf32> to vector<16xf32>
      %mul3A_366 = vector.broadcast %squeeze3A_199 : f32 to vector<16xf32>
      %mul3A_367 = arith.mulf %get3A_365, %mul3A_366 : vector<16xf32>
      %add3A_368 = arith.addf %add3A_357, %mul3A_367 : vector<16xf32>
      %swap3A_369 = arith.index_cast %scan3A_191 : i32 to index
      %swap3A_370 = arith.constant 64 : index
      %swap3A_371 = tpu.vector_load %arg10[%swap3A_369, %swap3A_370] {strides = array<i32>} : memref<128x128xf32, #tpu.memory_space<vmem>>, vector<1x16xf32>,
      %swap3A_372 = vector.shape_cast %swap3A_371 : vector<1x16xf32> to vector<16xf32>
      %swap3A_373 = vector.shape_cast %add3A_368 : vector<16xf32> to vector<1x16xf32>
      tpu.vector_store %arg10[%swap3A_369, %swap3A_370], %swap3A_373 {strides = array<i32>} : memref<128x128xf32, #tpu.memory_space<vmem>>, vector<1x16xf32>,
      %get3A_374 = arith.constant 1 : i32
      %get3A_375 = arith.index_cast %get3A_374 : i32 to index
      %get3A_376 = arith.index_cast %scan3A_191 : i32 to index
      %get3A_377 = arith.constant 80 : index
      %get3A_378 = tpu.vector_load %arg9[%get3A_375, %get3A_376, %get3A_377] {strides = array<i32>} : memref<2x384x128xf32, #tpu.memory_space<vmem>>, vector<1x1x16xf32>,
      %get3A_379 = vector.shape_cast %get3A_378 : vector<1x1x16xf32> to vector<16xf32>
      %mul3A_380 = vector.broadcast %squeeze3A : f32 to vector<16xf32>
      %mul3A_381 = arith.mulf %get3A_379, %mul3A_380 : vector<16xf32>
      %add3A_382 = arith.constant 128 : i32
      %add3A_383 = arith.addi %add3A_382, %scan3A_191 : i32
      %get3A_384 = arith.constant 1 : i32
      %get3A_385 = arith.index_cast %get3A_384 : i32 to index
      %get3A_386 = arith.index_cast %add3A_383 : i32 to index
      %get3A_387 = arith.constant 80 : index
      %get3A_388 = tpu.vector_load %arg9[%get3A_385, %get3A_386, %get3A_387] {strides = array<i32>} : memref<2x384x128xf32, #tpu.memory_space<vmem>>, vector<1x1x16xf32>,
      %get3A_389 = vector.shape_cast %get3A_388 : vector<1x1x16xf32> to vector<16xf32>
      %mul3A_390 = vector.broadcast %squeeze3A_197 : f32 to vector<16xf32>
      %mul3A_391 = arith.mulf %get3A_389, %mul3A_390 : vector<16xf32>
      %add3A_392 = arith.addf %mul3A_381, %mul3A_391 : vector<16xf32>
      %add3A_393 = arith.constant 256 : i32
      %add3A_394 = arith.addi %add3A_393, %scan3A_191 : i32
      %get3A_395 = arith.constant 1 : i32
      %get3A_396 = arith.index_cast %get3A_395 : i32 to index
      %get3A_397 = arith.index_cast %add3A_394 : i32 to index
      %get3A_398 = arith.constant 80 : index
      %get3A_399 = tpu.vector_load %arg9[%get3A_396, %get3A_397, %get3A_398] {strides = array<i32>} : memref<2x384x128xf32, #tpu.memory_space<vmem>>, vector<1x1x16xf32>,
      %get3A_400 = vector.shape_cast %get3A_399 : vector<1x1x16xf32> to vector<16xf32>
      %mul3A_401 = vector.broadcast %squeeze3A_199 : f32 to vector<16xf32>
      %mul3A_402 = arith.mulf %get3A_400, %mul3A_401 : vector<16xf32>
      %add3A_403 = arith.addf %add3A_392, %mul3A_402 : vector<16xf32>
      %swap3A_404 = arith.index_cast %scan3A_191 : i32 to index
      %swap3A_405 = arith.constant 80 : index
      %swap3A_406 = tpu.vector_load %arg10[%swap3A_404, %swap3A_405] {strides = array<i32>} : memref<128x128xf32, #tpu.memory_space<vmem>>, vector<1x16xf32>,
      %swap3A_407 = vector.shape_cast %swap3A_406 : vector<1x16xf32> to vector<16xf32>
      %swap3A_408 = vector.shape_cast %add3A_403 : vector<16xf32> to vector<1x16xf32>
      tpu.vector_store %arg10[%swap3A_404, %swap3A_405], %swap3A_408 {strides = array<i32>} : memref<128x128xf32, #tpu.memory_space<vmem>>, vector<1x16xf32>,
      %get3A_409 = arith.constant 1 : i32
      %get3A_410 = arith.index_cast %get3A_409 : i32 to index
      %get3A_411 = arith.index_cast %scan3A_191 : i32 to index
      %get3A_412 = arith.constant 96 : index
      %get3A_413 = tpu.vector_load %arg9[%get3A_410, %get3A_411, %get3A_412] {strides = array<i32>} : memref<2x384x128xf32, #tpu.memory_space<vmem>>, vector<1x1x16xf32>,
      %get3A_414 = vector.shape_cast %get3A_413 : vector<1x1x16xf32> to vector<16xf32>
      %mul3A_415 = vector.broadcast %squeeze3A : f32 to vector<16xf32>
      %mul3A_416 = arith.mulf %get3A_414, %mul3A_415 : vector<16xf32>
      %add3A_417 = arith.constant 128 : i32
      %add3A_418 = arith.addi %add3A_417, %scan3A_191 : i32
      %get3A_419 = arith.constant 1 : i32
      %get3A_420 = arith.index_cast %get3A_419 : i32 to index
      %get3A_421 = arith.index_cast %add3A_418 : i32 to index
      %get3A_422 = arith.constant 96 : index
      %get3A_423 = tpu.vector_load %arg9[%get3A_420, %get3A_421, %get3A_422] {strides = array<i32>} : memref<2x384x128xf32, #tpu.memory_space<vmem>>, vector<1x1x16xf32>,
      %get3A_424 = vector.shape_cast %get3A_423 : vector<1x1x16xf32> to vector<16xf32>
      %mul3A_425 = vector.broadcast %squeeze3A_197 : f32 to vector<16xf32>
      %mul3A_426 = arith.mulf %get3A_424, %mul3A_425 : vector<16xf32>
      %add3A_427 = arith.addf %mul3A_416, %mul3A_426 : vector<16xf32>
      %add3A_428 = arith.constant 256 : i32
      %add3A_429 = arith.addi %add3A_428, %scan3A_191 : i32
      %get3A_430 = arith.constant 1 : i32
      %get3A_431 = arith.index_cast %get3A_430 : i32 to index
      %get3A_432 = arith.index_cast %add3A_429 : i32 to index
      %get3A_433 = arith.constant 96 : index
      %get3A_434 = tpu.vector_load %arg9[%get3A_431, %get3A_432, %get3A_433] {strides = array<i32>} : memref<2x384x128xf32, #tpu.memory_space<vmem>>, vector<1x1x16xf32>,
      %get3A_435 = vector.shape_cast %get3A_434 : vector<1x1x16xf32> to vector<16xf32>
      %mul3A_436 = vector.broadcast %squeeze3A_199 : f32 to vector<16xf32>
      %mul3A_437 = arith.mulf %get3A_435, %mul3A_436 : vector<16xf32>
      %add3A_438 = arith.addf %add3A_427, %mul3A_437 : vector<16xf32>
      %swap3A_439 = arith.index_cast %scan3A_191 : i32 to index
      %swap3A_440 = arith.constant 96 : index
      %swap3A_441 = tpu.vector_load %arg10[%swap3A_439, %swap3A_440] {strides = array<i32>} : memref<128x128xf32, #tpu.memory_space<vmem>>, vector<1x16xf32>,
      %swap3A_442 = vector.shape_cast %swap3A_441 : vector<1x16xf32> to vector<16xf32>
      %swap3A_443 = vector.shape_cast %add3A_438 : vector<16xf32> to vector<1x16xf32>
      tpu.vector_store %arg10[%swap3A_439, %swap3A_440], %swap3A_443 {strides = array<i32>} : memref<128x128xf32, #tpu.memory_space<vmem>>, vector<1x16xf32>,
      %get3A_444 = arith.constant 1 : i32
      %get3A_445 = arith.index_cast %get3A_444 : i32 to index
      %get3A_446 = arith.index_cast %scan3A_191 : i32 to index
      %get3A_447 = arith.constant 112 : index
      %get3A_448 = tpu.vector_load %arg9[%get3A_445, %get3A_446, %get3A_447] {strides = array<i32>} : memref<2x384x128xf32, #tpu.memory_space<vmem>>, vector<1x1x16xf32>,
      %get3A_449 = vector.shape_cast %get3A_448 : vector<1x1x16xf32> to vector<16xf32>
      %mul3A_450 = vector.broadcast %squeeze3A : f32 to vector<16xf32>
      %mul3A_451 = arith.mulf %get3A_449, %mul3A_450 : vector<16xf32>
      %add3A_452 = arith.constant 128 : i32
      %add3A_453 = arith.addi %add3A_452, %scan3A_191 : i32
      %get3A_454 = arith.constant 1 : i32
      %get3A_455 = arith.index_cast %get3A_454 : i32 to index
      %get3A_456 = arith.index_cast %add3A_453 : i32 to index
      %get3A_457 = arith.constant 112 : index
      %get3A_458 = tpu.vector_load %arg9[%get3A_455, %get3A_456, %get3A_457] {strides = array<i32>} : memref<2x384x128xf32, #tpu.memory_space<vmem>>, vector<1x1x16xf32>,
      %get3A_459 = vector.shape_cast %get3A_458 : vector<1x1x16xf32> to vector<16xf32>
      %mul3A_460 = vector.broadcast %squeeze3A_197 : f32 to vector<16xf32>
      %mul3A_461 = arith.mulf %get3A_459, %mul3A_460 : vector<16xf32>
      %add3A_462 = arith.addf %mul3A_451, %mul3A_461 : vector<16xf32>
      %add3A_463 = arith.constant 256 : i32
      %add3A_464 = arith.addi %add3A_463, %scan3A_191 : i32
      %get3A_465 = arith.constant 1 : i32
      %get3A_466 = arith.index_cast %get3A_465 : i32 to index
      %get3A_467 = arith.index_cast %add3A_464 : i32 to index
      %get3A_468 = arith.constant 112 : index
      %get3A_469 = tpu.vector_load %arg9[%get3A_466, %get3A_467, %get3A_468] {strides = array<i32>} : memref<2x384x128xf32, #tpu.memory_space<vmem>>, vector<1x1x16xf32>,
      %get3A_470 = vector.shape_cast %get3A_469 : vector<1x1x16xf32> to vector<16xf32>
      %mul3A_471 = vector.broadcast %squeeze3A_199 : f32 to vector<16xf32>
      %mul3A_472 = arith.mulf %get3A_470, %mul3A_471 : vector<16xf32>
      %add3A_473 = arith.addf %add3A_462, %mul3A_472 : vector<16xf32>
      %swap3A_474 = arith.index_cast %scan3A_191 : i32 to index
      %swap3A_475 = arith.constant 112 : index
      %swap3A_476 = tpu.vector_load %arg10[%swap3A_474, %swap3A_475] {strides = array<i32>} : memref<128x128xf32, #tpu.memory_space<vmem>>, vector<1x16xf32>,
      %swap3A_477 = vector.shape_cast %swap3A_476 : vector<1x16xf32> to vector<16xf32>
      %swap3A_478 = vector.shape_cast %add3A_473 : vector<16xf32> to vector<1x16xf32>
      tpu.vector_store %arg10[%swap3A_474, %swap3A_475], %swap3A_478 {strides = array<i32>} : memref<128x128xf32, #tpu.memory_space<vmem>>, vector<1x16xf32>,
    }
    %scan3A_190 = arith.constant 128 : i32
    "tpu.region"() ({
      %run_scoped3A_191 = tpu.sem_alloc : memref<!tpu.dma_semaphore, #tpu.memory_space<semaphore_mem>>
      %dma_start3A_192 = arith.constant 0 : i32
      %dma_start3A_193 = tpu.memref_slice %arg5[%add3A_184, %dma_start3A_192] : memref<8192x128xf32, #tpu.memory_space<hbm>> -> memref<128x128xf32, #tpu.memory_space<hbm>>
      %dma_start3A_194 = arith.constant 0 : i32
      %dma_start3A_195 = tpu.memref_slice %arg5[%add3A_184, %dma_start3A_194] : memref<8192x128xf32, #tpu.memory_space<hbm>> -> memref<128x128xf32, #tpu.memory_space<hbm>>
      tpu.enqueue_dma source(%arg10 : memref<128x128xf32, #tpu.memory_space<vmem>>) target(%dma_start3A_195 : memref<128x128xf32, #tpu.memory_space<hbm>>) target_semaphore(%run_scoped3A_191 : memref<!tpu.dma_semaphore, #tpu.memory_space<semaphore_mem>>)
      %dma_wait3A_196 = arith.constant 0 : i32
      %dma_wait3A_197 = tpu.memref_slice %arg5[%add3A_184, %dma_wait3A_196] : memref<8192x128xf32, #tpu.memory_space<hbm>> -> memref<128x128xf32, #tpu.memory_space<hbm>>
      %dma_wait3A_198 = arith.constant 0 : i32
      %dma_wait3A_199 = tpu.memref_slice %arg5[%add3A_184, %dma_wait3A_198] : memref<8192x128xf32, #tpu.memory_space<hbm>> -> memref<128x128xf32, #tpu.memory_space<hbm>>
      tpu.wait_dma2 semaphore(%run_scoped3A_191 : memref<!tpu.dma_semaphore, #tpu.memory_space<semaphore_mem>>) src(%arg10 : memref<128x128xf32, #tpu.memory_space<vmem>>) dst(%dma_wait3A_199 : memref<128x128xf32, #tpu.memory_space<hbm>>)
      tpu.yield
    }) : () -> ()
    return
  }
}

#map = affine_map<(d0, d1) -> (0, 0)>
#map1 = affine_map<(d0, d1) -> (0)>
module attributes {stable_mosaic.version = 14 : i64} {
  func.func @_interp_sc(%arg0: i32, %arg1: i32, %arg2: memref<2048x128xf32, #tpu.memory_space<hbm>>, %arg3: memref<24576xi32, #tpu.memory_space<hbm>>, %arg4: memref<24576xf32, #tpu.memory_space<hbm>>, %arg5: memref<8192x128xf32, #tpu.memory_space<hbm>>, %arg6: memref<2x384xi32, #tpu.memory_space<vmem>>, %arg7: memref<400xf32, #tpu.memory_space<vmem>>, %arg8: memref<400xf32, #tpu.memory_space<vmem>>, %arg9: memref<2x384x128xf32, #tpu.memory_space<vmem>>, %arg10: memref<128x128xf32, #tpu.memory_space<vmem>>, %arg11: memref<!tpu.dma_semaphore, #tpu.memory_space<semaphore_mem>>, %arg12: memref<!tpu.dma_semaphore, #tpu.memory_space<semaphore_mem>>) attributes {dimension_semantics = [#tpu.dimension_semantics<core_parallel>, #tpu.dimension_semantics<subcore_parallel>], iteration_bounds = array<i64: 2, 16>, scalar_prefetch = 0 : i64, scratch_operands = 7 : i64, tpu.core_type = #tpu.core_type<sc_vector_subcore>, window_params = [{transform_indices = #map}, {transform_indices = #map1}, {transform_indices = #map1}, {transform_indices = #map}]} {
    %mul3A = arith.constant 2 : i32
    %mul3A_0 = arith.muli %arg1, %mul3A : i32
    %add3A = arith.addi %mul3A_0, %arg0 : i32
    %mul3A_1 = arith.constant 256 : i32
    %mul3A_2 = arith.muli %add3A, %mul3A_1 : i32
    %add3A_3 = arith.constant 0 : i32
    %add3A_4 = arith.addi %mul3A_2, %add3A_3 : i32
    %mul3A_5 = arith.constant 3 : i32
    %mul3A_6 = arith.muli %add3A_4, %mul3A_5 : i32
    "tpu.region"() ({
      %run_scoped3A_191 = tpu.sem_alloc : memref<!tpu.dma_semaphore, #tpu.memory_space<semaphore_mem>>
      %dma_start3A_192 = arith.constant 0 : i32
      %dma_start3A_193 = tpu.memref_slice %arg7[%dma_start3A_192] : memref<400xf32, #tpu.memory_space<vmem>> -> memref<384xf32, #tpu.memory_space<vmem>>
      %dma_start3A_194 = tpu.memref_slice %arg4[%mul3A_6] : memref<24576xf32, #tpu.memory_space<hbm>> -> memref<384xf32, #tpu.memory_space<hbm>>
      %dma_start3A_195 = arith.constant 0 : i32
      %dma_start3A_196 = tpu.memref_slice %arg7[%dma_start3A_195] : memref<400xf32, #tpu.memory_space<vmem>> -> memref<384xf32, #tpu.memory_space<vmem>>
      %dma_start3A_197 = tpu.memref_slice %arg4[%mul3A_6] : memref<24576xf32, #tpu.memory_space<hbm>> -> memref<384xf32, #tpu.memory_space<hbm>>
      tpu.enqueue_dma source(%dma_start3A_197 : memref<384xf32, #tpu.memory_space<hbm>>) target(%dma_start3A_196 : memref<384xf32, #tpu.memory_space<vmem>>) target_semaphore(%run_scoped3A_191 : memref<!tpu.dma_semaphore, #tpu.memory_space<semaphore_mem>>)
      %dma_wait3A_198 = arith.constant 0 : i32
      %dma_wait3A_199 = tpu.memref_slice %arg7[%dma_wait3A_198] : memref<400xf32, #tpu.memory_space<vmem>> -> memref<384xf32, #tpu.memory_space<vmem>>
      %dma_wait3A_200 = tpu.memref_slice %arg4[%mul3A_6] : memref<24576xf32, #tpu.memory_space<hbm>> -> memref<384xf32, #tpu.memory_space<hbm>>
      %dma_wait3A_201 = arith.constant 0 : i32
      %dma_wait3A_202 = tpu.memref_slice %arg7[%dma_wait3A_201] : memref<400xf32, #tpu.memory_space<vmem>> -> memref<384xf32, #tpu.memory_space<vmem>>
      %dma_wait3A_203 = tpu.memref_slice %arg4[%mul3A_6] : memref<24576xf32, #tpu.memory_space<hbm>> -> memref<384xf32, #tpu.memory_space<hbm>>
      tpu.wait_dma2 semaphore(%run_scoped3A_191 : memref<!tpu.dma_semaphore, #tpu.memory_space<semaphore_mem>>) src(%dma_wait3A_203 : memref<384xf32, #tpu.memory_space<hbm>>) dst(%dma_wait3A_202 : memref<384xf32, #tpu.memory_space<vmem>>)
      tpu.yield
    }) : () -> ()
    %add3A_7 = arith.constant 0 : i32
    %add3A_8 = arith.addi %add3A_7, %add3A_4 : i32
    %run_scoped3A = arith.constant 0 : i32
    "tpu.region"() ({
      %run_scoped3A_191 = tpu.sem_alloc : memref<!tpu.dma_semaphore, #tpu.memory_space<semaphore_mem>>
      %dma_start3A_192 = arith.constant 0 : i32
      %dma_start3A_193 = tpu.memref_slice %arg6[%run_scoped3A, %dma_start3A_192] : memref<2x384xi32, #tpu.memory_space<vmem>> -> memref<1x128xi32, #tpu.memory_space<vmem>>
      %dma_start3A_194 = tpu.memref_squeeze %dma_start3A_193 : memref<1x128xi32, #tpu.memory_space<vmem>> -> memref<128xi32, #tpu.memory_space<vmem>>
      %dma_start3A_195 = tpu.memref_slice %arg3[%add3A_8] : memref<24576xi32, #tpu.memory_space<hbm>> -> memref<128xi32, #tpu.memory_space<hbm>>
      %dma_start3A_196 = arith.constant 0 : i32
      %dma_start3A_197 = tpu.memref_slice %arg6[%run_scoped3A, %dma_start3A_196] : memref<2x384xi32, #tpu.memory_space<vmem>> -> memref<1x128xi32, #tpu.memory_space<vmem>>
      %dma_start3A_198 = tpu.memref_squeeze %dma_start3A_197 : memref<1x128xi32, #tpu.memory_space<vmem>> -> memref<128xi32, #tpu.memory_space<vmem>>
      %dma_start3A_199 = tpu.memref_slice %arg3[%add3A_8] : memref<24576xi32, #tpu.memory_space<hbm>> -> memref<128xi32, #tpu.memory_space<hbm>>
      tpu.enqueue_dma source(%dma_start3A_199 : memref<128xi32, #tpu.memory_space<hbm>>) target(%dma_start3A_198 : memref<128xi32, #tpu.memory_space<vmem>>) target_semaphore(%run_scoped3A_191 : memref<!tpu.dma_semaphore, #tpu.memory_space<semaphore_mem>>)
      %dma_wait3A_200 = arith.constant 0 : i32
      %dma_wait3A_201 = tpu.memref_slice %arg6[%run_scoped3A, %dma_wait3A_200] : memref<2x384xi32, #tpu.memory_space<vmem>> -> memref<1x128xi32, #tpu.memory_space<vmem>>
      %dma_wait3A_202 = tpu.memref_squeeze %dma_wait3A_201 : memref<1x128xi32, #tpu.memory_space<vmem>> -> memref<128xi32, #tpu.memory_space<vmem>>
      %dma_wait3A_203 = tpu.memref_slice %arg3[%add3A_8] : memref<24576xi32, #tpu.memory_space<hbm>> -> memref<128xi32, #tpu.memory_space<hbm>>
      %dma_wait3A_204 = arith.constant 0 : i32
      %dma_wait3A_205 = tpu.memref_slice %arg6[%run_scoped3A, %dma_wait3A_204] : memref<2x384xi32, #tpu.memory_space<vmem>> -> memref<1x128xi32, #tpu.memory_space<vmem>>
      %dma_wait3A_206 = tpu.memref_squeeze %dma_wait3A_205 : memref<1x128xi32, #tpu.memory_space<vmem>> -> memref<128xi32, #tpu.memory_space<vmem>>
      %dma_wait3A_207 = tpu.memref_slice %arg3[%add3A_8] : memref<24576xi32, #tpu.memory_space<hbm>> -> memref<128xi32, #tpu.memory_space<hbm>>
      tpu.wait_dma2 semaphore(%run_scoped3A_191 : memref<!tpu.dma_semaphore, #tpu.memory_space<semaphore_mem>>) src(%dma_wait3A_207 : memref<128xi32, #tpu.memory_space<hbm>>) dst(%dma_wait3A_206 : memref<128xi32, #tpu.memory_space<vmem>>)
      tpu.yield
    }) : () -> ()
    %dma_start3A = arith.constant 0 : i32
    %dma_start3A_9 = arith.constant 0 : i32
    %dma_start3A_10 = arith.constant 0 : i32
    %dma_start3A_11 = arith.constant 0 : i32
    %dma_start3A_12 = tpu.memref_slice %arg9[%dma_start3A_9, %dma_start3A_10, %dma_start3A_11] : memref<2x384x128xf32, #tpu.memory_space<vmem>> -> memref<1x128x128xf32, #tpu.memory_space<vmem>>
    %dma_start3A_13 = tpu.memref_squeeze %dma_start3A_12 : memref<1x128x128xf32, #tpu.memory_space<vmem>> -> memref<128x128xf32, #tpu.memory_space<vmem>>
    %dma_start3A_14 = arith.constant 0 : i32
    %dma_start3A_15 = tpu.memref_slice %arg6[%dma_start3A, %dma_start3A_14] : memref<2x384xi32, #tpu.memory_space<vmem>> -> memref<1x128xi32, #tpu.memory_space<vmem>>
    %dma_start3A_16 = tpu.memref_squeeze %dma_start3A_15 : memref<1x128xi32, #tpu.memory_space<vmem>> -> memref<128xi32, #tpu.memory_space<vmem>>
    %dma_start3A_17 = arith.constant 0 : i32
    %dma_start3A_18 = arith.constant 0 : i32
    %dma_start3A_19 = tpu.memref_slice %arg2[%dma_start3A_17, %dma_start3A_18] : memref<2048x128xf32, #tpu.memory_space<hbm>> -> memref<2048x128xf32, #tpu.memory_space<hbm>>
    tpu.enqueue_indirect_dma source(%dma_start3A_19 : memref<2048x128xf32, #tpu.memory_space<hbm>>) target(%dma_start3A_13 : memref<128x128xf32, #tpu.memory_space<vmem>>) offsets(%dma_start3A_16 : memref<128xi32, #tpu.memory_space<vmem>>) semaphore(%arg11 : memref<!tpu.dma_semaphore, #tpu.memory_space<semaphore_mem>>)
    %add3A_20 = arith.constant 8192 : i32
    %add3A_21 = arith.addi %add3A_20, %add3A_4 : i32
    %run_scoped3A_22 = arith.constant 0 : i32
    "tpu.region"() ({
      %run_scoped3A_191 = tpu.sem_alloc : memref<!tpu.dma_semaphore, #tpu.memory_space<semaphore_mem>>
      %dma_start3A_192 = arith.constant 128 : i32
      %dma_start3A_193 = tpu.memref_slice %arg6[%run_scoped3A_22, %dma_start3A_192] : memref<2x384xi32, #tpu.memory_space<vmem>> -> memref<1x128xi32, #tpu.memory_space<vmem>>
      %dma_start3A_194 = tpu.memref_squeeze %dma_start3A_193 : memref<1x128xi32, #tpu.memory_space<vmem>> -> memref<128xi32, #tpu.memory_space<vmem>>
      %dma_start3A_195 = tpu.memref_slice %arg3[%add3A_21] : memref<24576xi32, #tpu.memory_space<hbm>> -> memref<128xi32, #tpu.memory_space<hbm>>
      %dma_start3A_196 = arith.constant 128 : i32
      %dma_start3A_197 = tpu.memref_slice %arg6[%run_scoped3A_22, %dma_start3A_196] : memref<2x384xi32, #tpu.memory_space<vmem>> -> memref<1x128xi32, #tpu.memory_space<vmem>>
      %dma_start3A_198 = tpu.memref_squeeze %dma_start3A_197 : memref<1x128xi32, #tpu.memory_space<vmem>> -> memref<128xi32, #tpu.memory_space<vmem>>
      %dma_start3A_199 = tpu.memref_slice %arg3[%add3A_21] : memref<24576xi32, #tpu.memory_space<hbm>> -> memref<128xi32, #tpu.memory_space<hbm>>
      tpu.enqueue_dma source(%dma_start3A_199 : memref<128xi32, #tpu.memory_space<hbm>>) target(%dma_start3A_198 : memref<128xi32, #tpu.memory_space<vmem>>) target_semaphore(%run_scoped3A_191 : memref<!tpu.dma_semaphore, #tpu.memory_space<semaphore_mem>>)
      %dma_wait3A_200 = arith.constant 128 : i32
      %dma_wait3A_201 = tpu.memref_slice %arg6[%run_scoped3A_22, %dma_wait3A_200] : memref<2x384xi32, #tpu.memory_space<vmem>> -> memref<1x128xi32, #tpu.memory_space<vmem>>
      %dma_wait3A_202 = tpu.memref_squeeze %dma_wait3A_201 : memref<1x128xi32, #tpu.memory_space<vmem>> -> memref<128xi32, #tpu.memory_space<vmem>>
      %dma_wait3A_203 = tpu.memref_slice %arg3[%add3A_21] : memref<24576xi32, #tpu.memory_space<hbm>> -> memref<128xi32, #tpu.memory_space<hbm>>
      %dma_wait3A_204 = arith.constant 128 : i32
      %dma_wait3A_205 = tpu.memref_slice %arg6[%run_scoped3A_22, %dma_wait3A_204] : memref<2x384xi32, #tpu.memory_space<vmem>> -> memref<1x128xi32, #tpu.memory_space<vmem>>
      %dma_wait3A_206 = tpu.memref_squeeze %dma_wait3A_205 : memref<1x128xi32, #tpu.memory_space<vmem>> -> memref<128xi32, #tpu.memory_space<vmem>>
      %dma_wait3A_207 = tpu.memref_slice %arg3[%add3A_21] : memref<24576xi32, #tpu.memory_space<hbm>> -> memref<128xi32, #tpu.memory_space<hbm>>
      tpu.wait_dma2 semaphore(%run_scoped3A_191 : memref<!tpu.dma_semaphore, #tpu.memory_space<semaphore_mem>>) src(%dma_wait3A_207 : memref<128xi32, #tpu.memory_space<hbm>>) dst(%dma_wait3A_206 : memref<128xi32, #tpu.memory_space<vmem>>)
      tpu.yield
    }) : () -> ()
    %dma_start3A_23 = arith.constant 0 : i32
    %dma_start3A_24 = arith.constant 0 : i32
    %dma_start3A_25 = arith.constant 128 : i32
    %dma_start3A_26 = arith.constant 0 : i32
    %dma_start3A_27 = tpu.memref_slice %arg9[%dma_start3A_24, %dma_start3A_25, %dma_start3A_26] : memref<2x384x128xf32, #tpu.memory_space<vmem>> -> memref<1x128x128xf32, #tpu.memory_space<vmem>>
    %dma_start3A_28 = tpu.memref_squeeze %dma_start3A_27 : memref<1x128x128xf32, #tpu.memory_space<vmem>> -> memref<128x128xf32, #tpu.memory_space<vmem>>
    %dma_start3A_29 = arith.constant 128 : i32
    %dma_start3A_30 = tpu.memref_slice %arg6[%dma_start3A_23, %dma_start3A_29] : memref<2x384xi32, #tpu.memory_space<vmem>> -> memref<1x128xi32, #tpu.memory_space<vmem>>
    %dma_start3A_31 = tpu.memref_squeeze %dma_start3A_30 : memref<1x128xi32, #tpu.memory_space<vmem>> -> memref<128xi32, #tpu.memory_space<vmem>>
    %dma_start3A_32 = arith.constant 0 : i32
    %dma_start3A_33 = arith.constant 0 : i32
    %dma_start3A_34 = tpu.memref_slice %arg2[%dma_start3A_32, %dma_start3A_33] : memref<2048x128xf32, #tpu.memory_space<hbm>> -> memref<2048x128xf32, #tpu.memory_space<hbm>>
    tpu.enqueue_indirect_dma source(%dma_start3A_34 : memref<2048x128xf32, #tpu.memory_space<hbm>>) target(%dma_start3A_28 : memref<128x128xf32, #tpu.memory_space<vmem>>) offsets(%dma_start3A_31 : memref<128xi32, #tpu.memory_space<vmem>>) semaphore(%arg11 : memref<!tpu.dma_semaphore, #tpu.memory_space<semaphore_mem>>)
    %add3A_35 = arith.constant 16384 : i32
    %add3A_36 = arith.addi %add3A_35, %add3A_4 : i32
    %run_scoped3A_37 = arith.constant 0 : i32
    "tpu.region"() ({
      %run_scoped3A_191 = tpu.sem_alloc : memref<!tpu.dma_semaphore, #tpu.memory_space<semaphore_mem>>
      %dma_start3A_192 = arith.constant 256 : i32
      %dma_start3A_193 = tpu.memref_slice %arg6[%run_scoped3A_37, %dma_start3A_192] : memref<2x384xi32, #tpu.memory_space<vmem>> -> memref<1x128xi32, #tpu.memory_space<vmem>>
      %dma_start3A_194 = tpu.memref_squeeze %dma_start3A_193 : memref<1x128xi32, #tpu.memory_space<vmem>> -> memref<128xi32, #tpu.memory_space<vmem>>
      %dma_start3A_195 = tpu.memref_slice %arg3[%add3A_36] : memref<24576xi32, #tpu.memory_space<hbm>> -> memref<128xi32, #tpu.memory_space<hbm>>
      %dma_start3A_196 = arith.constant 256 : i32
      %dma_start3A_197 = tpu.memref_slice %arg6[%run_scoped3A_37, %dma_start3A_196] : memref<2x384xi32, #tpu.memory_space<vmem>> -> memref<1x128xi32, #tpu.memory_space<vmem>>
      %dma_start3A_198 = tpu.memref_squeeze %dma_start3A_197 : memref<1x128xi32, #tpu.memory_space<vmem>> -> memref<128xi32, #tpu.memory_space<vmem>>
      %dma_start3A_199 = tpu.memref_slice %arg3[%add3A_36] : memref<24576xi32, #tpu.memory_space<hbm>> -> memref<128xi32, #tpu.memory_space<hbm>>
      tpu.enqueue_dma source(%dma_start3A_199 : memref<128xi32, #tpu.memory_space<hbm>>) target(%dma_start3A_198 : memref<128xi32, #tpu.memory_space<vmem>>) target_semaphore(%run_scoped3A_191 : memref<!tpu.dma_semaphore, #tpu.memory_space<semaphore_mem>>)
      %dma_wait3A_200 = arith.constant 256 : i32
      %dma_wait3A_201 = tpu.memref_slice %arg6[%run_scoped3A_37, %dma_wait3A_200] : memref<2x384xi32, #tpu.memory_space<vmem>> -> memref<1x128xi32, #tpu.memory_space<vmem>>
      %dma_wait3A_202 = tpu.memref_squeeze %dma_wait3A_201 : memref<1x128xi32, #tpu.memory_space<vmem>> -> memref<128xi32, #tpu.memory_space<vmem>>
      %dma_wait3A_203 = tpu.memref_slice %arg3[%add3A_36] : memref<24576xi32, #tpu.memory_space<hbm>> -> memref<128xi32, #tpu.memory_space<hbm>>
      %dma_wait3A_204 = arith.constant 256 : i32
      %dma_wait3A_205 = tpu.memref_slice %arg6[%run_scoped3A_37, %dma_wait3A_204] : memref<2x384xi32, #tpu.memory_space<vmem>> -> memref<1x128xi32, #tpu.memory_space<vmem>>
      %dma_wait3A_206 = tpu.memref_squeeze %dma_wait3A_205 : memref<1x128xi32, #tpu.memory_space<vmem>> -> memref<128xi32, #tpu.memory_space<vmem>>
      %dma_wait3A_207 = tpu.memref_slice %arg3[%add3A_36] : memref<24576xi32, #tpu.memory_space<hbm>> -> memref<128xi32, #tpu.memory_space<hbm>>
      tpu.wait_dma2 semaphore(%run_scoped3A_191 : memref<!tpu.dma_semaphore, #tpu.memory_space<semaphore_mem>>) src(%dma_wait3A_207 : memref<128xi32, #tpu.memory_space<hbm>>) dst(%dma_wait3A_206 : memref<128xi32, #tpu.memory_space<vmem>>)
      tpu.yield
    }) : () -> ()
    %dma_start3A_38 = arith.constant 0 : i32
    %dma_start3A_39 = arith.constant 0 : i32
    %dma_start3A_40 = arith.constant 256 : i32
    %dma_start3A_41 = arith.constant 0 : i32
    %dma_start3A_42 = tpu.memref_slice %arg9[%dma_start3A_39, %dma_start3A_40, %dma_start3A_41] : memref<2x384x128xf32, #tpu.memory_space<vmem>> -> memref<1x128x128xf32, #tpu.memory_space<vmem>>
    %dma_start3A_43 = tpu.memref_squeeze %dma_start3A_42 : memref<1x128x128xf32, #tpu.memory_space<vmem>> -> memref<128x128xf32, #tpu.memory_space<vmem>>
    %dma_start3A_44 = arith.constant 256 : i32
    %dma_start3A_45 = tpu.memref_slice %arg6[%dma_start3A_38, %dma_start3A_44] : memref<2x384xi32, #tpu.memory_space<vmem>> -> memref<1x128xi32, #tpu.memory_space<vmem>>
    %dma_start3A_46 = tpu.memref_squeeze %dma_start3A_45 : memref<1x128xi32, #tpu.memory_space<vmem>> -> memref<128xi32, #tpu.memory_space<vmem>>
    %dma_start3A_47 = arith.constant 0 : i32
    %dma_start3A_48 = arith.constant 0 : i32
    %dma_start3A_49 = tpu.memref_slice %arg2[%dma_start3A_47, %dma_start3A_48] : memref<2048x128xf32, #tpu.memory_space<hbm>> -> memref<2048x128xf32, #tpu.memory_space<hbm>>
    tpu.enqueue_indirect_dma source(%dma_start3A_49 : memref<2048x128xf32, #tpu.memory_space<hbm>>) target(%dma_start3A_43 : memref<128x128xf32, #tpu.memory_space<vmem>>) offsets(%dma_start3A_46 : memref<128xi32, #tpu.memory_space<vmem>>) semaphore(%arg11 : memref<!tpu.dma_semaphore, #tpu.memory_space<semaphore_mem>>)
    %mul3A_50 = arith.constant 256 : i32
    %mul3A_51 = arith.muli %add3A, %mul3A_50 : i32
    %add3A_52 = arith.constant 128 : i32
    %add3A_53 = arith.addi %mul3A_51, %add3A_52 : i32
    %mul3A_54 = arith.constant 3 : i32
    %mul3A_55 = arith.muli %add3A_53, %mul3A_54 : i32
    "tpu.region"() ({
      %run_scoped3A_191 = tpu.sem_alloc : memref<!tpu.dma_semaphore, #tpu.memory_space<semaphore_mem>>
      %dma_start3A_192 = arith.constant 0 : i32
      %dma_start3A_193 = tpu.memref_slice %arg8[%dma_start3A_192] : memref<400xf32, #tpu.memory_space<vmem>> -> memref<384xf32, #tpu.memory_space<vmem>>
      %dma_start3A_194 = tpu.memref_slice %arg4[%mul3A_55] : memref<24576xf32, #tpu.memory_space<hbm>> -> memref<384xf32, #tpu.memory_space<hbm>>
      %dma_start3A_195 = arith.constant 0 : i32
      %dma_start3A_196 = tpu.memref_slice %arg8[%dma_start3A_195] : memref<400xf32, #tpu.memory_space<vmem>> -> memref<384xf32, #tpu.memory_space<vmem>>
      %dma_start3A_197 = tpu.memref_slice %arg4[%mul3A_55] : memref<24576xf32, #tpu.memory_space<hbm>> -> memref<384xf32, #tpu.memory_space<hbm>>
      tpu.enqueue_dma source(%dma_start3A_197 : memref<384xf32, #tpu.memory_space<hbm>>) target(%dma_start3A_196 : memref<384xf32, #tpu.memory_space<vmem>>) target_semaphore(%run_scoped3A_191 : memref<!tpu.dma_semaphore, #tpu.memory_space<semaphore_mem>>)
      %dma_wait3A_198 = arith.constant 0 : i32
      %dma_wait3A_199 = tpu.memref_slice %arg8[%dma_wait3A_198] : memref<400xf32, #tpu.memory_space<vmem>> -> memref<384xf32, #tpu.memory_space<vmem>>
      %dma_wait3A_200 = tpu.memref_slice %arg4[%mul3A_55] : memref<24576xf32, #tpu.memory_space<hbm>> -> memref<384xf32, #tpu.memory_space<hbm>>
      %dma_wait3A_201 = arith.constant 0 : i32
      %dma_wait3A_202 = tpu.memref_slice %arg8[%dma_wait3A_201] : memref<400xf32, #tpu.memory_space<vmem>> -> memref<384xf32, #tpu.memory_space<vmem>>
      %dma_wait3A_203 = tpu.memref_slice %arg4[%mul3A_55] : memref<24576xf32, #tpu.memory_space<hbm>> -> memref<384xf32, #tpu.memory_space<hbm>>
      tpu.wait_dma2 semaphore(%run_scoped3A_191 : memref<!tpu.dma_semaphore, #tpu.memory_space<semaphore_mem>>) src(%dma_wait3A_203 : memref<384xf32, #tpu.memory_space<hbm>>) dst(%dma_wait3A_202 : memref<384xf32, #tpu.memory_space<vmem>>)
      tpu.yield
    }) : () -> ()
    %add3A_56 = arith.constant 0 : i32
    %add3A_57 = arith.addi %add3A_56, %add3A_53 : i32
    %run_scoped3A_58 = arith.constant 1 : i32
    "tpu.region"() ({
      %run_scoped3A_191 = tpu.sem_alloc : memref<!tpu.dma_semaphore, #tpu.memory_space<semaphore_mem>>
      %dma_start3A_192 = arith.constant 0 : i32
      %dma_start3A_193 = tpu.memref_slice %arg6[%run_scoped3A_58, %dma_start3A_192] : memref<2x384xi32, #tpu.memory_space<vmem>> -> memref<1x128xi32, #tpu.memory_space<vmem>>
      %dma_start3A_194 = tpu.memref_squeeze %dma_start3A_193 : memref<1x128xi32, #tpu.memory_space<vmem>> -> memref<128xi32, #tpu.memory_space<vmem>>
      %dma_start3A_195 = tpu.memref_slice %arg3[%add3A_57] : memref<24576xi32, #tpu.memory_space<hbm>> -> memref<128xi32, #tpu.memory_space<hbm>>
      %dma_start3A_196 = arith.constant 0 : i32
      %dma_start3A_197 = tpu.memref_slice %arg6[%run_scoped3A_58, %dma_start3A_196] : memref<2x384xi32, #tpu.memory_space<vmem>> -> memref<1x128xi32, #tpu.memory_space<vmem>>
      %dma_start3A_198 = tpu.memref_squeeze %dma_start3A_197 : memref<1x128xi32, #tpu.memory_space<vmem>> -> memref<128xi32, #tpu.memory_space<vmem>>
      %dma_start3A_199 = tpu.memref_slice %arg3[%add3A_57] : memref<24576xi32, #tpu.memory_space<hbm>> -> memref<128xi32, #tpu.memory_space<hbm>>
      tpu.enqueue_dma source(%dma_start3A_199 : memref<128xi32, #tpu.memory_space<hbm>>) target(%dma_start3A_198 : memref<128xi32, #tpu.memory_space<vmem>>) target_semaphore(%run_scoped3A_191 : memref<!tpu.dma_semaphore, #tpu.memory_space<semaphore_mem>>)
      %dma_wait3A_200 = arith.constant 0 : i32
      %dma_wait3A_201 = tpu.memref_slice %arg6[%run_scoped3A_58, %dma_wait3A_200] : memref<2x384xi32, #tpu.memory_space<vmem>> -> memref<1x128xi32, #tpu.memory_space<vmem>>
      %dma_wait3A_202 = tpu.memref_squeeze %dma_wait3A_201 : memref<1x128xi32, #tpu.memory_space<vmem>> -> memref<128xi32, #tpu.memory_space<vmem>>
      %dma_wait3A_203 = tpu.memref_slice %arg3[%add3A_57] : memref<24576xi32, #tpu.memory_space<hbm>> -> memref<128xi32, #tpu.memory_space<hbm>>
      %dma_wait3A_204 = arith.constant 0 : i32
      %dma_wait3A_205 = tpu.memref_slice %arg6[%run_scoped3A_58, %dma_wait3A_204] : memref<2x384xi32, #tpu.memory_space<vmem>> -> memref<1x128xi32, #tpu.memory_space<vmem>>
      %dma_wait3A_206 = tpu.memref_squeeze %dma_wait3A_205 : memref<1x128xi32, #tpu.memory_space<vmem>> -> memref<128xi32, #tpu.memory_space<vmem>>
      %dma_wait3A_207 = tpu.memref_slice %arg3[%add3A_57] : memref<24576xi32, #tpu.memory_space<hbm>> -> memref<128xi32, #tpu.memory_space<hbm>>
      tpu.wait_dma2 semaphore(%run_scoped3A_191 : memref<!tpu.dma_semaphore, #tpu.memory_space<semaphore_mem>>) src(%dma_wait3A_207 : memref<128xi32, #tpu.memory_space<hbm>>) dst(%dma_wait3A_206 : memref<128xi32, #tpu.memory_space<vmem>>)
      tpu.yield
    }) : () -> ()
    %dma_start3A_59 = arith.constant 1 : i32
    %dma_start3A_60 = arith.constant 1 : i32
    %dma_start3A_61 = arith.constant 0 : i32
    %dma_start3A_62 = arith.constant 0 : i32
    %dma_start3A_63 = tpu.memref_slice %arg9[%dma_start3A_60, %dma_start3A_61, %dma_start3A_62] : memref<2x384x128xf32, #tpu.memory_space<vmem>> -> memref<1x128x128xf32, #tpu.memory_space<vmem>>
    %dma_start3A_64 = tpu.memref_squeeze %dma_start3A_63 : memref<1x128x128xf32, #tpu.memory_space<vmem>> -> memref<128x128xf32, #tpu.memory_space<vmem>>
    %dma_start3A_65 = arith.constant 0 : i32
    %dma_start3A_66 = tpu.memref_slice %arg6[%dma_start3A_59, %dma_start3A_65] : memref<2x384xi32, #tpu.memory_space<vmem>> -> memref<1x128xi32, #tpu.memory_space<vmem>>
    %dma_start3A_67 = tpu.memref_squeeze %dma_start3A_66 : memref<1x128xi32, #tpu.memory_space<vmem>> -> memref<128xi32, #tpu.memory_space<vmem>>
    %dma_start3A_68 = arith.constant 0 : i32
    %dma_start3A_69 = arith.constant 0 : i32
    %dma_start3A_70 = tpu.memref_slice %arg2[%dma_start3A_68, %dma_start3A_69] : memref<2048x128xf32, #tpu.memory_space<hbm>> -> memref<2048x128xf32, #tpu.memory_space<hbm>>
    tpu.enqueue_indirect_dma source(%dma_start3A_70 : memref<2048x128xf32, #tpu.memory_space<hbm>>) target(%dma_start3A_64 : memref<128x128xf32, #tpu.memory_space<vmem>>) offsets(%dma_start3A_67 : memref<128xi32, #tpu.memory_space<vmem>>) semaphore(%arg12 : memref<!tpu.dma_semaphore, #tpu.memory_space<semaphore_mem>>)
    %add3A_71 = arith.constant 8192 : i32
    %add3A_72 = arith.addi %add3A_71, %add3A_53 : i32
    %run_scoped3A_73 = arith.constant 1 : i32
    "tpu.region"() ({
      %run_scoped3A_191 = tpu.sem_alloc : memref<!tpu.dma_semaphore, #tpu.memory_space<semaphore_mem>>
      %dma_start3A_192 = arith.constant 128 : i32
      %dma_start3A_193 = tpu.memref_slice %arg6[%run_scoped3A_73, %dma_start3A_192] : memref<2x384xi32, #tpu.memory_space<vmem>> -> memref<1x128xi32, #tpu.memory_space<vmem>>
      %dma_start3A_194 = tpu.memref_squeeze %dma_start3A_193 : memref<1x128xi32, #tpu.memory_space<vmem>> -> memref<128xi32, #tpu.memory_space<vmem>>
      %dma_start3A_195 = tpu.memref_slice %arg3[%add3A_72] : memref<24576xi32, #tpu.memory_space<hbm>> -> memref<128xi32, #tpu.memory_space<hbm>>
      %dma_start3A_196 = arith.constant 128 : i32
      %dma_start3A_197 = tpu.memref_slice %arg6[%run_scoped3A_73, %dma_start3A_196] : memref<2x384xi32, #tpu.memory_space<vmem>> -> memref<1x128xi32, #tpu.memory_space<vmem>>
      %dma_start3A_198 = tpu.memref_squeeze %dma_start3A_197 : memref<1x128xi32, #tpu.memory_space<vmem>> -> memref<128xi32, #tpu.memory_space<vmem>>
      %dma_start3A_199 = tpu.memref_slice %arg3[%add3A_72] : memref<24576xi32, #tpu.memory_space<hbm>> -> memref<128xi32, #tpu.memory_space<hbm>>
      tpu.enqueue_dma source(%dma_start3A_199 : memref<128xi32, #tpu.memory_space<hbm>>) target(%dma_start3A_198 : memref<128xi32, #tpu.memory_space<vmem>>) target_semaphore(%run_scoped3A_191 : memref<!tpu.dma_semaphore, #tpu.memory_space<semaphore_mem>>)
      %dma_wait3A_200 = arith.constant 128 : i32
      %dma_wait3A_201 = tpu.memref_slice %arg6[%run_scoped3A_73, %dma_wait3A_200] : memref<2x384xi32, #tpu.memory_space<vmem>> -> memref<1x128xi32, #tpu.memory_space<vmem>>
      %dma_wait3A_202 = tpu.memref_squeeze %dma_wait3A_201 : memref<1x128xi32, #tpu.memory_space<vmem>> -> memref<128xi32, #tpu.memory_space<vmem>>
      %dma_wait3A_203 = tpu.memref_slice %arg3[%add3A_72] : memref<24576xi32, #tpu.memory_space<hbm>> -> memref<128xi32, #tpu.memory_space<hbm>>
      %dma_wait3A_204 = arith.constant 128 : i32
      %dma_wait3A_205 = tpu.memref_slice %arg6[%run_scoped3A_73, %dma_wait3A_204] : memref<2x384xi32, #tpu.memory_space<vmem>> -> memref<1x128xi32, #tpu.memory_space<vmem>>
      %dma_wait3A_206 = tpu.memref_squeeze %dma_wait3A_205 : memref<1x128xi32, #tpu.memory_space<vmem>> -> memref<128xi32, #tpu.memory_space<vmem>>
      %dma_wait3A_207 = tpu.memref_slice %arg3[%add3A_72] : memref<24576xi32, #tpu.memory_space<hbm>> -> memref<128xi32, #tpu.memory_space<hbm>>
      tpu.wait_dma2 semaphore(%run_scoped3A_191 : memref<!tpu.dma_semaphore, #tpu.memory_space<semaphore_mem>>) src(%dma_wait3A_207 : memref<128xi32, #tpu.memory_space<hbm>>) dst(%dma_wait3A_206 : memref<128xi32, #tpu.memory_space<vmem>>)
      tpu.yield
    }) : () -> ()
    %dma_start3A_74 = arith.constant 1 : i32
    %dma_start3A_75 = arith.constant 1 : i32
    %dma_start3A_76 = arith.constant 128 : i32
    %dma_start3A_77 = arith.constant 0 : i32
    %dma_start3A_78 = tpu.memref_slice %arg9[%dma_start3A_75, %dma_start3A_76, %dma_start3A_77] : memref<2x384x128xf32, #tpu.memory_space<vmem>> -> memref<1x128x128xf32, #tpu.memory_space<vmem>>
    %dma_start3A_79 = tpu.memref_squeeze %dma_start3A_78 : memref<1x128x128xf32, #tpu.memory_space<vmem>> -> memref<128x128xf32, #tpu.memory_space<vmem>>
    %dma_start3A_80 = arith.constant 128 : i32
    %dma_start3A_81 = tpu.memref_slice %arg6[%dma_start3A_74, %dma_start3A_80] : memref<2x384xi32, #tpu.memory_space<vmem>> -> memref<1x128xi32, #tpu.memory_space<vmem>>
    %dma_start3A_82 = tpu.memref_squeeze %dma_start3A_81 : memref<1x128xi32, #tpu.memory_space<vmem>> -> memref<128xi32, #tpu.memory_space<vmem>>
    %dma_start3A_83 = arith.constant 0 : i32
    %dma_start3A_84 = arith.constant 0 : i32
    %dma_start3A_85 = tpu.memref_slice %arg2[%dma_start3A_83, %dma_start3A_84] : memref<2048x128xf32, #tpu.memory_space<hbm>> -> memref<2048x128xf32, #tpu.memory_space<hbm>>
    tpu.enqueue_indirect_dma source(%dma_start3A_85 : memref<2048x128xf32, #tpu.memory_space<hbm>>) target(%dma_start3A_79 : memref<128x128xf32, #tpu.memory_space<vmem>>) offsets(%dma_start3A_82 : memref<128xi32, #tpu.memory_space<vmem>>) semaphore(%arg12 : memref<!tpu.dma_semaphore, #tpu.memory_space<semaphore_mem>>)
    %add3A_86 = arith.constant 16384 : i32
    %add3A_87 = arith.addi %add3A_86, %add3A_53 : i32
    %run_scoped3A_88 = arith.constant 1 : i32
    "tpu.region"() ({
      %run_scoped3A_191 = tpu.sem_alloc : memref<!tpu.dma_semaphore, #tpu.memory_space<semaphore_mem>>
      %dma_start3A_192 = arith.constant 256 : i32
      %dma_start3A_193 = tpu.memref_slice %arg6[%run_scoped3A_88, %dma_start3A_192] : memref<2x384xi32, #tpu.memory_space<vmem>> -> memref<1x128xi32, #tpu.memory_space<vmem>>
      %dma_start3A_194 = tpu.memref_squeeze %dma_start3A_193 : memref<1x128xi32, #tpu.memory_space<vmem>> -> memref<128xi32, #tpu.memory_space<vmem>>
      %dma_start3A_195 = tpu.memref_slice %arg3[%add3A_87] : memref<24576xi32, #tpu.memory_space<hbm>> -> memref<128xi32, #tpu.memory_space<hbm>>
      %dma_start3A_196 = arith.constant 256 : i32
      %dma_start3A_197 = tpu.memref_slice %arg6[%run_scoped3A_88, %dma_start3A_196] : memref<2x384xi32, #tpu.memory_space<vmem>> -> memref<1x128xi32, #tpu.memory_space<vmem>>
      %dma_start3A_198 = tpu.memref_squeeze %dma_start3A_197 : memref<1x128xi32, #tpu.memory_space<vmem>> -> memref<128xi32, #tpu.memory_space<vmem>>
      %dma_start3A_199 = tpu.memref_slice %arg3[%add3A_87] : memref<24576xi32, #tpu.memory_space<hbm>> -> memref<128xi32, #tpu.memory_space<hbm>>
      tpu.enqueue_dma source(%dma_start3A_199 : memref<128xi32, #tpu.memory_space<hbm>>) target(%dma_start3A_198 : memref<128xi32, #tpu.memory_space<vmem>>) target_semaphore(%run_scoped3A_191 : memref<!tpu.dma_semaphore, #tpu.memory_space<semaphore_mem>>)
      %dma_wait3A_200 = arith.constant 256 : i32
      %dma_wait3A_201 = tpu.memref_slice %arg6[%run_scoped3A_88, %dma_wait3A_200] : memref<2x384xi32, #tpu.memory_space<vmem>> -> memref<1x128xi32, #tpu.memory_space<vmem>>
      %dma_wait3A_202 = tpu.memref_squeeze %dma_wait3A_201 : memref<1x128xi32, #tpu.memory_space<vmem>> -> memref<128xi32, #tpu.memory_space<vmem>>
      %dma_wait3A_203 = tpu.memref_slice %arg3[%add3A_87] : memref<24576xi32, #tpu.memory_space<hbm>> -> memref<128xi32, #tpu.memory_space<hbm>>
      %dma_wait3A_204 = arith.constant 256 : i32
      %dma_wait3A_205 = tpu.memref_slice %arg6[%run_scoped3A_88, %dma_wait3A_204] : memref<2x384xi32, #tpu.memory_space<vmem>> -> memref<1x128xi32, #tpu.memory_space<vmem>>
      %dma_wait3A_206 = tpu.memref_squeeze %dma_wait3A_205 : memref<1x128xi32, #tpu.memory_space<vmem>> -> memref<128xi32, #tpu.memory_space<vmem>>
      %dma_wait3A_207 = tpu.memref_slice %arg3[%add3A_87] : memref<24576xi32, #tpu.memory_space<hbm>> -> memref<128xi32, #tpu.memory_space<hbm>>
      tpu.wait_dma2 semaphore(%run_scoped3A_191 : memref<!tpu.dma_semaphore, #tpu.memory_space<semaphore_mem>>) src(%dma_wait3A_207 : memref<128xi32, #tpu.memory_space<hbm>>) dst(%dma_wait3A_206 : memref<128xi32, #tpu.memory_space<vmem>>)
      tpu.yield
    }) : () -> ()
    %dma_start3A_89 = arith.constant 1 : i32
    %dma_start3A_90 = arith.constant 1 : i32
    %dma_start3A_91 = arith.constant 256 : i32
    %dma_start3A_92 = arith.constant 0 : i32
    %dma_start3A_93 = tpu.memref_slice %arg9[%dma_start3A_90, %dma_start3A_91, %dma_start3A_92] : memref<2x384x128xf32, #tpu.memory_space<vmem>> -> memref<1x128x128xf32, #tpu.memory_space<vmem>>
    %dma_start3A_94 = tpu.memref_squeeze %dma_start3A_93 : memref<1x128x128xf32, #tpu.memory_space<vmem>> -> memref<128x128xf32, #tpu.memory_space<vmem>>
    %dma_start3A_95 = arith.constant 256 : i32
    %dma_start3A_96 = tpu.memref_slice %arg6[%dma_start3A_89, %dma_start3A_95] : memref<2x384xi32, #tpu.memory_space<vmem>> -> memref<1x128xi32, #tpu.memory_space<vmem>>
    %dma_start3A_97 = tpu.memref_squeeze %dma_start3A_96 : memref<1x128xi32, #tpu.memory_space<vmem>> -> memref<128xi32, #tpu.memory_space<vmem>>
    %dma_start3A_98 = arith.constant 0 : i32
    %dma_start3A_99 = arith.constant 0 : i32
    %dma_start3A_100 = tpu.memref_slice %arg2[%dma_start3A_98, %dma_start3A_99] : memref<2048x128xf32, #tpu.memory_space<hbm>> -> memref<2048x128xf32, #tpu.memory_space<hbm>>
    tpu.enqueue_indirect_dma source(%dma_start3A_100 : memref<2048x128xf32, #tpu.memory_space<hbm>>) target(%dma_start3A_94 : memref<128x128xf32, #tpu.memory_space<vmem>>) offsets(%dma_start3A_97 : memref<128xi32, #tpu.memory_space<vmem>>) semaphore(%arg12 : memref<!tpu.dma_semaphore, #tpu.memory_space<semaphore_mem>>)
    %dma_wait3A = arith.constant 0 : i32
    %dma_wait3A_101 = arith.constant 0 : i32
    %dma_wait3A_102 = arith.constant 0 : i32
    %dma_wait3A_103 = arith.constant 0 : i32
    %dma_wait3A_104 = tpu.memref_slice %arg9[%dma_wait3A_101, %dma_wait3A_102, %dma_wait3A_103] : memref<2x384x128xf32, #tpu.memory_space<vmem>> -> memref<1x128x128xf32, #tpu.memory_space<vmem>>
    %dma_wait3A_105 = tpu.memref_squeeze %dma_wait3A_104 : memref<1x128x128xf32, #tpu.memory_space<vmem>> -> memref<128x128xf32, #tpu.memory_space<vmem>>
    %dma_wait3A_106 = arith.constant 0 : i32
    %dma_wait3A_107 = tpu.memref_slice %arg6[%dma_wait3A, %dma_wait3A_106] : memref<2x384xi32, #tpu.memory_space<vmem>> -> memref<1x128xi32, #tpu.memory_space<vmem>>
    %dma_wait3A_108 = tpu.memref_squeeze %dma_wait3A_107 : memref<1x128xi32, #tpu.memory_space<vmem>> -> memref<128xi32, #tpu.memory_space<vmem>>
    %dma_wait3A_109 = arith.constant 0 : i32
    %dma_wait3A_110 = arith.constant 0 : i32
    %dma_wait3A_111 = tpu.memref_slice %arg2[%dma_wait3A_109, %dma_wait3A_110] : memref<2048x128xf32, #tpu.memory_space<hbm>> -> memref<2048x128xf32, #tpu.memory_space<hbm>>
    tpu.wait_indirect_dma semaphore(%arg11 : memref<!tpu.dma_semaphore, #tpu.memory_space<semaphore_mem>>) src(%dma_wait3A_111 : memref<2048x128xf32, #tpu.memory_space<hbm>>) dst(%dma_wait3A_105 : memref<128x128xf32, #tpu.memory_space<vmem>>)
    %dma_wait3A_112 = arith.constant 0 : i32
    %dma_wait3A_113 = arith.constant 0 : i32
    %dma_wait3A_114 = arith.constant 128 : i32
    %dma_wait3A_115 = arith.constant 0 : i32
    %dma_wait3A_116 = tpu.memref_slice %arg9[%dma_wait3A_113, %dma_wait3A_114, %dma_wait3A_115] : memref<2x384x128xf32, #tpu.memory_space<vmem>> -> memref<1x128x128xf32, #tpu.memory_space<vmem>>
    %dma_wait3A_117 = tpu.memref_squeeze %dma_wait3A_116 : memref<1x128x128xf32, #tpu.memory_space<vmem>> -> memref<128x128xf32, #tpu.memory_space<vmem>>
    %dma_wait3A_118 = arith.constant 128 : i32
    %dma_wait3A_119 = tpu.memref_slice %arg6[%dma_wait3A_112, %dma_wait3A_118] : memref<2x384xi32, #tpu.memory_space<vmem>> -> memref<1x128xi32, #tpu.memory_space<vmem>>
    %dma_wait3A_120 = tpu.memref_squeeze %dma_wait3A_119 : memref<1x128xi32, #tpu.memory_space<vmem>> -> memref<128xi32, #tpu.memory_space<vmem>>
    %dma_wait3A_121 = arith.constant 0 : i32
    %dma_wait3A_122 = arith.constant 0 : i32
    %dma_wait3A_123 = tpu.memref_slice %arg2[%dma_wait3A_121, %dma_wait3A_122] : memref<2048x128xf32, #tpu.memory_space<hbm>> -> memref<2048x128xf32, #tpu.memory_space<hbm>>
    tpu.wait_indirect_dma semaphore(%arg11 : memref<!tpu.dma_semaphore, #tpu.memory_space<semaphore_mem>>) src(%dma_wait3A_123 : memref<2048x128xf32, #tpu.memory_space<hbm>>) dst(%dma_wait3A_117 : memref<128x128xf32, #tpu.memory_space<vmem>>)
    %dma_wait3A_124 = arith.constant 0 : i32
    %dma_wait3A_125 = arith.constant 0 : i32
    %dma_wait3A_126 = arith.constant 256 : i32
    %dma_wait3A_127 = arith.constant 0 : i32
    %dma_wait3A_128 = tpu.memref_slice %arg9[%dma_wait3A_125, %dma_wait3A_126, %dma_wait3A_127] : memref<2x384x128xf32, #tpu.memory_space<vmem>> -> memref<1x128x128xf32, #tpu.memory_space<vmem>>
    %dma_wait3A_129 = tpu.memref_squeeze %dma_wait3A_128 : memref<1x128x128xf32, #tpu.memory_space<vmem>> -> memref<128x128xf32, #tpu.memory_space<vmem>>
    %dma_wait3A_130 = arith.constant 256 : i32
    %dma_wait3A_131 = tpu.memref_slice %arg6[%dma_wait3A_124, %dma_wait3A_130] : memref<2x384xi32, #tpu.memory_space<vmem>> -> memref<1x128xi32, #tpu.memory_space<vmem>>
    %dma_wait3A_132 = tpu.memref_squeeze %dma_wait3A_131 : memref<1x128xi32, #tpu.memory_space<vmem>> -> memref<128xi32, #tpu.memory_space<vmem>>
    %dma_wait3A_133 = arith.constant 0 : i32
    %dma_wait3A_134 = arith.constant 0 : i32
    %dma_wait3A_135 = tpu.memref_slice %arg2[%dma_wait3A_133, %dma_wait3A_134] : memref<2048x128xf32, #tpu.memory_space<hbm>> -> memref<2048x128xf32, #tpu.memory_space<hbm>>
    tpu.wait_indirect_dma semaphore(%arg11 : memref<!tpu.dma_semaphore, #tpu.memory_space<semaphore_mem>>) src(%dma_wait3A_135 : memref<2048x128xf32, #tpu.memory_space<hbm>>) dst(%dma_wait3A_129 : memref<128x128xf32, #tpu.memory_space<vmem>>)
    %mul3A_136 = arith.constant 256 : i32
    %mul3A_137 = arith.muli %add3A, %mul3A_136 : i32
    %add3A_138 = arith.constant 0 : i32
    %add3A_139 = arith.addi %mul3A_137, %add3A_138 : i32
    %scan3A = arith.constant 0 : i32
    %scan3A_140 = arith.constant 0 : i32
    %scan3A_141 = arith.constant 128 : i32
    %scan3A_142 = arith.addi %scan3A_140, %scan3A_141 : i32
    %scan3A_143 = arith.constant 1 : i32
    scf.for %scan3A_191 = %scan3A_140 to %scan3A_142 step %scan3A_143  : i32 {
      %mul3A_192 = arith.constant 3 : i32
      %mul3A_193 = arith.muli %mul3A_192, %scan3A_191 : i32
      %get3A = arith.index_cast %mul3A_193 : i32 to index
      %get3A_194 = tpu.vector_load %arg7[%get3A] {strides = array<i32>} : memref<400xf32, #tpu.memory_space<vmem>>, vector<16xf32>,
      %get3A_195 = vector.shape_cast %get3A_194 : vector<16xf32> to vector<16xf32>
      %slice3A = vector.extract_strided_slice %get3A_195 {offsets = [0], sizes = [1], strides = [1]} : vector<16xf32> to vector<1xf32>
      %squeeze3A = vector.extract %slice3A[0] : f32 from vector<1xf32>
      %slice3A_196 = vector.extract_strided_slice %get3A_195 {offsets = [1], sizes = [1], strides = [1]} : vector<16xf32> to vector<1xf32>
      %squeeze3A_197 = vector.extract %slice3A_196[0] : f32 from vector<1xf32>
      %slice3A_198 = vector.extract_strided_slice %get3A_195 {offsets = [2], sizes = [1], strides = [1]} : vector<16xf32> to vector<1xf32>
      %squeeze3A_199 = vector.extract %slice3A_198[0] : f32 from vector<1xf32>
      %get3A_200 = arith.constant 0 : i32
      %get3A_201 = arith.index_cast %get3A_200 : i32 to index
      %get3A_202 = arith.index_cast %scan3A_191 : i32 to index
      %get3A_203 = arith.constant 0 : index
      %get3A_204 = tpu.vector_load %arg9[%get3A_201, %get3A_202, %get3A_203] {strides = array<i32>} : memref<2x384x128xf32, #tpu.memory_space<vmem>>, vector<1x1x16xf32>,
      %get3A_205 = vector.shape_cast %get3A_204 : vector<1x1x16xf32> to vector<16xf32>
      %mul3A_206 = vector.broadcast %squeeze3A : f32 to vector<16xf32>
      %mul3A_207 = arith.mulf %get3A_205, %mul3A_206 : vector<16xf32>
      %add3A_208 = arith.constant 128 : i32
      %add3A_209 = arith.addi %add3A_208, %scan3A_191 : i32
      %get3A_210 = arith.constant 0 : i32
      %get3A_211 = arith.index_cast %get3A_210 : i32 to index
      %get3A_212 = arith.index_cast %add3A_209 : i32 to index
      %get3A_213 = arith.constant 0 : index
      %get3A_214 = tpu.vector_load %arg9[%get3A_211, %get3A_212, %get3A_213] {strides = array<i32>} : memref<2x384x128xf32, #tpu.memory_space<vmem>>, vector<1x1x16xf32>,
      %get3A_215 = vector.shape_cast %get3A_214 : vector<1x1x16xf32> to vector<16xf32>
      %mul3A_216 = vector.broadcast %squeeze3A_197 : f32 to vector<16xf32>
      %mul3A_217 = arith.mulf %get3A_215, %mul3A_216 : vector<16xf32>
      %add3A_218 = arith.addf %mul3A_207, %mul3A_217 : vector<16xf32>
      %add3A_219 = arith.constant 256 : i32
      %add3A_220 = arith.addi %add3A_219, %scan3A_191 : i32
      %get3A_221 = arith.constant 0 : i32
      %get3A_222 = arith.index_cast %get3A_221 : i32 to index
      %get3A_223 = arith.index_cast %add3A_220 : i32 to index
      %get3A_224 = arith.constant 0 : index
      %get3A_225 = tpu.vector_load %arg9[%get3A_222, %get3A_223, %get3A_224] {strides = array<i32>} : memref<2x384x128xf32, #tpu.memory_space<vmem>>, vector<1x1x16xf32>,
      %get3A_226 = vector.shape_cast %get3A_225 : vector<1x1x16xf32> to vector<16xf32>
      %mul3A_227 = vector.broadcast %squeeze3A_199 : f32 to vector<16xf32>
      %mul3A_228 = arith.mulf %get3A_226, %mul3A_227 : vector<16xf32>
      %add3A_229 = arith.addf %add3A_218, %mul3A_228 : vector<16xf32>
      %swap3A = arith.index_cast %scan3A_191 : i32 to index
      %swap3A_230 = arith.constant 0 : index
      %swap3A_231 = tpu.vector_load %arg10[%swap3A, %swap3A_230] {strides = array<i32>} : memref<128x128xf32, #tpu.memory_space<vmem>>, vector<1x16xf32>,
      %swap3A_232 = vector.shape_cast %swap3A_231 : vector<1x16xf32> to vector<16xf32>
      %swap3A_233 = vector.shape_cast %add3A_229 : vector<16xf32> to vector<1x16xf32>
      tpu.vector_store %arg10[%swap3A, %swap3A_230], %swap3A_233 {strides = array<i32>} : memref<128x128xf32, #tpu.memory_space<vmem>>, vector<1x16xf32>,
      %get3A_234 = arith.constant 0 : i32
      %get3A_235 = arith.index_cast %get3A_234 : i32 to index
      %get3A_236 = arith.index_cast %scan3A_191 : i32 to index
      %get3A_237 = arith.constant 16 : index
      %get3A_238 = tpu.vector_load %arg9[%get3A_235, %get3A_236, %get3A_237] {strides = array<i32>} : memref<2x384x128xf32, #tpu.memory_space<vmem>>, vector<1x1x16xf32>,
      %get3A_239 = vector.shape_cast %get3A_238 : vector<1x1x16xf32> to vector<16xf32>
      %mul3A_240 = vector.broadcast %squeeze3A : f32 to vector<16xf32>
      %mul3A_241 = arith.mulf %get3A_239, %mul3A_240 : vector<16xf32>
      %add3A_242 = arith.constant 128 : i32
      %add3A_243 = arith.addi %add3A_242, %scan3A_191 : i32
      %get3A_244 = arith.constant 0 : i32
      %get3A_245 = arith.index_cast %get3A_244 : i32 to index
      %get3A_246 = arith.index_cast %add3A_243 : i32 to index
      %get3A_247 = arith.constant 16 : index
      %get3A_248 = tpu.vector_load %arg9[%get3A_245, %get3A_246, %get3A_247] {strides = array<i32>} : memref<2x384x128xf32, #tpu.memory_space<vmem>>, vector<1x1x16xf32>,
      %get3A_249 = vector.shape_cast %get3A_248 : vector<1x1x16xf32> to vector<16xf32>
      %mul3A_250 = vector.broadcast %squeeze3A_197 : f32 to vector<16xf32>
      %mul3A_251 = arith.mulf %get3A_249, %mul3A_250 : vector<16xf32>
      %add3A_252 = arith.addf %mul3A_241, %mul3A_251 : vector<16xf32>
      %add3A_253 = arith.constant 256 : i32
      %add3A_254 = arith.addi %add3A_253, %scan3A_191 : i32
      %get3A_255 = arith.constant 0 : i32
      %get3A_256 = arith.index_cast %get3A_255 : i32 to index
      %get3A_257 = arith.index_cast %add3A_254 : i32 to index
      %get3A_258 = arith.constant 16 : index
      %get3A_259 = tpu.vector_load %arg9[%get3A_256, %get3A_257, %get3A_258] {strides = array<i32>} : memref<2x384x128xf32, #tpu.memory_space<vmem>>, vector<1x1x16xf32>,
      %get3A_260 = vector.shape_cast %get3A_259 : vector<1x1x16xf32> to vector<16xf32>
      %mul3A_261 = vector.broadcast %squeeze3A_199 : f32 to vector<16xf32>
      %mul3A_262 = arith.mulf %get3A_260, %mul3A_261 : vector<16xf32>
      %add3A_263 = arith.addf %add3A_252, %mul3A_262 : vector<16xf32>
      %swap3A_264 = arith.index_cast %scan3A_191 : i32 to index
      %swap3A_265 = arith.constant 16 : index
      %swap3A_266 = tpu.vector_load %arg10[%swap3A_264, %swap3A_265] {strides = array<i32>} : memref<128x128xf32, #tpu.memory_space<vmem>>, vector<1x16xf32>,
      %swap3A_267 = vector.shape_cast %swap3A_266 : vector<1x16xf32> to vector<16xf32>
      %swap3A_268 = vector.shape_cast %add3A_263 : vector<16xf32> to vector<1x16xf32>
      tpu.vector_store %arg10[%swap3A_264, %swap3A_265], %swap3A_268 {strides = array<i32>} : memref<128x128xf32, #tpu.memory_space<vmem>>, vector<1x16xf32>,
      %get3A_269 = arith.constant 0 : i32
      %get3A_270 = arith.index_cast %get3A_269 : i32 to index
      %get3A_271 = arith.index_cast %scan3A_191 : i32 to index
      %get3A_272 = arith.constant 32 : index
      %get3A_273 = tpu.vector_load %arg9[%get3A_270, %get3A_271, %get3A_272] {strides = array<i32>} : memref<2x384x128xf32, #tpu.memory_space<vmem>>, vector<1x1x16xf32>,
      %get3A_274 = vector.shape_cast %get3A_273 : vector<1x1x16xf32> to vector<16xf32>
      %mul3A_275 = vector.broadcast %squeeze3A : f32 to vector<16xf32>
      %mul3A_276 = arith.mulf %get3A_274, %mul3A_275 : vector<16xf32>
      %add3A_277 = arith.constant 128 : i32
      %add3A_278 = arith.addi %add3A_277, %scan3A_191 : i32
      %get3A_279 = arith.constant 0 : i32
      %get3A_280 = arith.index_cast %get3A_279 : i32 to index
      %get3A_281 = arith.index_cast %add3A_278 : i32 to index
      %get3A_282 = arith.constant 32 : index
      %get3A_283 = tpu.vector_load %arg9[%get3A_280, %get3A_281, %get3A_282] {strides = array<i32>} : memref<2x384x128xf32, #tpu.memory_space<vmem>>, vector<1x1x16xf32>,
      %get3A_284 = vector.shape_cast %get3A_283 : vector<1x1x16xf32> to vector<16xf32>
      %mul3A_285 = vector.broadcast %squeeze3A_197 : f32 to vector<16xf32>
      %mul3A_286 = arith.mulf %get3A_284, %mul3A_285 : vector<16xf32>
      %add3A_287 = arith.addf %mul3A_276, %mul3A_286 : vector<16xf32>
      %add3A_288 = arith.constant 256 : i32
      %add3A_289 = arith.addi %add3A_288, %scan3A_191 : i32
      %get3A_290 = arith.constant 0 : i32
      %get3A_291 = arith.index_cast %get3A_290 : i32 to index
      %get3A_292 = arith.index_cast %add3A_289 : i32 to index
      %get3A_293 = arith.constant 32 : index
      %get3A_294 = tpu.vector_load %arg9[%get3A_291, %get3A_292, %get3A_293] {strides = array<i32>} : memref<2x384x128xf32, #tpu.memory_space<vmem>>, vector<1x1x16xf32>,
      %get3A_295 = vector.shape_cast %get3A_294 : vector<1x1x16xf32> to vector<16xf32>
      %mul3A_296 = vector.broadcast %squeeze3A_199 : f32 to vector<16xf32>
      %mul3A_297 = arith.mulf %get3A_295, %mul3A_296 : vector<16xf32>
      %add3A_298 = arith.addf %add3A_287, %mul3A_297 : vector<16xf32>
      %swap3A_299 = arith.index_cast %scan3A_191 : i32 to index
      %swap3A_300 = arith.constant 32 : index
      %swap3A_301 = tpu.vector_load %arg10[%swap3A_299, %swap3A_300] {strides = array<i32>} : memref<128x128xf32, #tpu.memory_space<vmem>>, vector<1x16xf32>,
      %swap3A_302 = vector.shape_cast %swap3A_301 : vector<1x16xf32> to vector<16xf32>
      %swap3A_303 = vector.shape_cast %add3A_298 : vector<16xf32> to vector<1x16xf32>
      tpu.vector_store %arg10[%swap3A_299, %swap3A_300], %swap3A_303 {strides = array<i32>} : memref<128x128xf32, #tpu.memory_space<vmem>>, vector<1x16xf32>,
      %get3A_304 = arith.constant 0 : i32
      %get3A_305 = arith.index_cast %get3A_304 : i32 to index
      %get3A_306 = arith.index_cast %scan3A_191 : i32 to index
      %get3A_307 = arith.constant 48 : index
      %get3A_308 = tpu.vector_load %arg9[%get3A_305, %get3A_306, %get3A_307] {strides = array<i32>} : memref<2x384x128xf32, #tpu.memory_space<vmem>>, vector<1x1x16xf32>,
      %get3A_309 = vector.shape_cast %get3A_308 : vector<1x1x16xf32> to vector<16xf32>
      %mul3A_310 = vector.broadcast %squeeze3A : f32 to vector<16xf32>
      %mul3A_311 = arith.mulf %get3A_309, %mul3A_310 : vector<16xf32>
      %add3A_312 = arith.constant 128 : i32
      %add3A_313 = arith.addi %add3A_312, %scan3A_191 : i32
      %get3A_314 = arith.constant 0 : i32
      %get3A_315 = arith.index_cast %get3A_314 : i32 to index
      %get3A_316 = arith.index_cast %add3A_313 : i32 to index
      %get3A_317 = arith.constant 48 : index
      %get3A_318 = tpu.vector_load %arg9[%get3A_315, %get3A_316, %get3A_317] {strides = array<i32>} : memref<2x384x128xf32, #tpu.memory_space<vmem>>, vector<1x1x16xf32>,
      %get3A_319 = vector.shape_cast %get3A_318 : vector<1x1x16xf32> to vector<16xf32>
      %mul3A_320 = vector.broadcast %squeeze3A_197 : f32 to vector<16xf32>
      %mul3A_321 = arith.mulf %get3A_319, %mul3A_320 : vector<16xf32>
      %add3A_322 = arith.addf %mul3A_311, %mul3A_321 : vector<16xf32>
      %add3A_323 = arith.constant 256 : i32
      %add3A_324 = arith.addi %add3A_323, %scan3A_191 : i32
      %get3A_325 = arith.constant 0 : i32
      %get3A_326 = arith.index_cast %get3A_325 : i32 to index
      %get3A_327 = arith.index_cast %add3A_324 : i32 to index
      %get3A_328 = arith.constant 48 : index
      %get3A_329 = tpu.vector_load %arg9[%get3A_326, %get3A_327, %get3A_328] {strides = array<i32>} : memref<2x384x128xf32, #tpu.memory_space<vmem>>, vector<1x1x16xf32>,
      %get3A_330 = vector.shape_cast %get3A_329 : vector<1x1x16xf32> to vector<16xf32>
      %mul3A_331 = vector.broadcast %squeeze3A_199 : f32 to vector<16xf32>
      %mul3A_332 = arith.mulf %get3A_330, %mul3A_331 : vector<16xf32>
      %add3A_333 = arith.addf %add3A_322, %mul3A_332 : vector<16xf32>
      %swap3A_334 = arith.index_cast %scan3A_191 : i32 to index
      %swap3A_335 = arith.constant 48 : index
      %swap3A_336 = tpu.vector_load %arg10[%swap3A_334, %swap3A_335] {strides = array<i32>} : memref<128x128xf32, #tpu.memory_space<vmem>>, vector<1x16xf32>,
      %swap3A_337 = vector.shape_cast %swap3A_336 : vector<1x16xf32> to vector<16xf32>
      %swap3A_338 = vector.shape_cast %add3A_333 : vector<16xf32> to vector<1x16xf32>
      tpu.vector_store %arg10[%swap3A_334, %swap3A_335], %swap3A_338 {strides = array<i32>} : memref<128x128xf32, #tpu.memory_space<vmem>>, vector<1x16xf32>,
      %get3A_339 = arith.constant 0 : i32
      %get3A_340 = arith.index_cast %get3A_339 : i32 to index
      %get3A_341 = arith.index_cast %scan3A_191 : i32 to index
      %get3A_342 = arith.constant 64 : index
      %get3A_343 = tpu.vector_load %arg9[%get3A_340, %get3A_341, %get3A_342] {strides = array<i32>} : memref<2x384x128xf32, #tpu.memory_space<vmem>>, vector<1x1x16xf32>,
      %get3A_344 = vector.shape_cast %get3A_343 : vector<1x1x16xf32> to vector<16xf32>
      %mul3A_345 = vector.broadcast %squeeze3A : f32 to vector<16xf32>
      %mul3A_346 = arith.mulf %get3A_344, %mul3A_345 : vector<16xf32>
      %add3A_347 = arith.constant 128 : i32
      %add3A_348 = arith.addi %add3A_347, %scan3A_191 : i32
      %get3A_349 = arith.constant 0 : i32
      %get3A_350 = arith.index_cast %get3A_349 : i32 to index
      %get3A_351 = arith.index_cast %add3A_348 : i32 to index
      %get3A_352 = arith.constant 64 : index
      %get3A_353 = tpu.vector_load %arg9[%get3A_350, %get3A_351, %get3A_352] {strides = array<i32>} : memref<2x384x128xf32, #tpu.memory_space<vmem>>, vector<1x1x16xf32>,
      %get3A_354 = vector.shape_cast %get3A_353 : vector<1x1x16xf32> to vector<16xf32>
      %mul3A_355 = vector.broadcast %squeeze3A_197 : f32 to vector<16xf32>
      %mul3A_356 = arith.mulf %get3A_354, %mul3A_355 : vector<16xf32>
      %add3A_357 = arith.addf %mul3A_346, %mul3A_356 : vector<16xf32>
      %add3A_358 = arith.constant 256 : i32
      %add3A_359 = arith.addi %add3A_358, %scan3A_191 : i32
      %get3A_360 = arith.constant 0 : i32
      %get3A_361 = arith.index_cast %get3A_360 : i32 to index
      %get3A_362 = arith.index_cast %add3A_359 : i32 to index
      %get3A_363 = arith.constant 64 : index
      %get3A_364 = tpu.vector_load %arg9[%get3A_361, %get3A_362, %get3A_363] {strides = array<i32>} : memref<2x384x128xf32, #tpu.memory_space<vmem>>, vector<1x1x16xf32>,
      %get3A_365 = vector.shape_cast %get3A_364 : vector<1x1x16xf32> to vector<16xf32>
      %mul3A_366 = vector.broadcast %squeeze3A_199 : f32 to vector<16xf32>
      %mul3A_367 = arith.mulf %get3A_365, %mul3A_366 : vector<16xf32>
      %add3A_368 = arith.addf %add3A_357, %mul3A_367 : vector<16xf32>
      %swap3A_369 = arith.index_cast %scan3A_191 : i32 to index
      %swap3A_370 = arith.constant 64 : index
      %swap3A_371 = tpu.vector_load %arg10[%swap3A_369, %swap3A_370] {strides = array<i32>} : memref<128x128xf32, #tpu.memory_space<vmem>>, vector<1x16xf32>,
      %swap3A_372 = vector.shape_cast %swap3A_371 : vector<1x16xf32> to vector<16xf32>
      %swap3A_373 = vector.shape_cast %add3A_368 : vector<16xf32> to vector<1x16xf32>
      tpu.vector_store %arg10[%swap3A_369, %swap3A_370], %swap3A_373 {strides = array<i32>} : memref<128x128xf32, #tpu.memory_space<vmem>>, vector<1x16xf32>,
      %get3A_374 = arith.constant 0 : i32
      %get3A_375 = arith.index_cast %get3A_374 : i32 to index
      %get3A_376 = arith.index_cast %scan3A_191 : i32 to index
      %get3A_377 = arith.constant 80 : index
      %get3A_378 = tpu.vector_load %arg9[%get3A_375, %get3A_376, %get3A_377] {strides = array<i32>} : memref<2x384x128xf32, #tpu.memory_space<vmem>>, vector<1x1x16xf32>,
      %get3A_379 = vector.shape_cast %get3A_378 : vector<1x1x16xf32> to vector<16xf32>
      %mul3A_380 = vector.broadcast %squeeze3A : f32 to vector<16xf32>
      %mul3A_381 = arith.mulf %get3A_379, %mul3A_380 : vector<16xf32>
      %add3A_382 = arith.constant 128 : i32
      %add3A_383 = arith.addi %add3A_382, %scan3A_191 : i32
      %get3A_384 = arith.constant 0 : i32
      %get3A_385 = arith.index_cast %get3A_384 : i32 to index
      %get3A_386 = arith.index_cast %add3A_383 : i32 to index
      %get3A_387 = arith.constant 80 : index
      %get3A_388 = tpu.vector_load %arg9[%get3A_385, %get3A_386, %get3A_387] {strides = array<i32>} : memref<2x384x128xf32, #tpu.memory_space<vmem>>, vector<1x1x16xf32>,
      %get3A_389 = vector.shape_cast %get3A_388 : vector<1x1x16xf32> to vector<16xf32>
      %mul3A_390 = vector.broadcast %squeeze3A_197 : f32 to vector<16xf32>
      %mul3A_391 = arith.mulf %get3A_389, %mul3A_390 : vector<16xf32>
      %add3A_392 = arith.addf %mul3A_381, %mul3A_391 : vector<16xf32>
      %add3A_393 = arith.constant 256 : i32
      %add3A_394 = arith.addi %add3A_393, %scan3A_191 : i32
      %get3A_395 = arith.constant 0 : i32
      %get3A_396 = arith.index_cast %get3A_395 : i32 to index
      %get3A_397 = arith.index_cast %add3A_394 : i32 to index
      %get3A_398 = arith.constant 80 : index
      %get3A_399 = tpu.vector_load %arg9[%get3A_396, %get3A_397, %get3A_398] {strides = array<i32>} : memref<2x384x128xf32, #tpu.memory_space<vmem>>, vector<1x1x16xf32>,
      %get3A_400 = vector.shape_cast %get3A_399 : vector<1x1x16xf32> to vector<16xf32>
      %mul3A_401 = vector.broadcast %squeeze3A_199 : f32 to vector<16xf32>
      %mul3A_402 = arith.mulf %get3A_400, %mul3A_401 : vector<16xf32>
      %add3A_403 = arith.addf %add3A_392, %mul3A_402 : vector<16xf32>
      %swap3A_404 = arith.index_cast %scan3A_191 : i32 to index
      %swap3A_405 = arith.constant 80 : index
      %swap3A_406 = tpu.vector_load %arg10[%swap3A_404, %swap3A_405] {strides = array<i32>} : memref<128x128xf32, #tpu.memory_space<vmem>>, vector<1x16xf32>,
      %swap3A_407 = vector.shape_cast %swap3A_406 : vector<1x16xf32> to vector<16xf32>
      %swap3A_408 = vector.shape_cast %add3A_403 : vector<16xf32> to vector<1x16xf32>
      tpu.vector_store %arg10[%swap3A_404, %swap3A_405], %swap3A_408 {strides = array<i32>} : memref<128x128xf32, #tpu.memory_space<vmem>>, vector<1x16xf32>,
      %get3A_409 = arith.constant 0 : i32
      %get3A_410 = arith.index_cast %get3A_409 : i32 to index
      %get3A_411 = arith.index_cast %scan3A_191 : i32 to index
      %get3A_412 = arith.constant 96 : index
      %get3A_413 = tpu.vector_load %arg9[%get3A_410, %get3A_411, %get3A_412] {strides = array<i32>} : memref<2x384x128xf32, #tpu.memory_space<vmem>>, vector<1x1x16xf32>,
      %get3A_414 = vector.shape_cast %get3A_413 : vector<1x1x16xf32> to vector<16xf32>
      %mul3A_415 = vector.broadcast %squeeze3A : f32 to vector<16xf32>
      %mul3A_416 = arith.mulf %get3A_414, %mul3A_415 : vector<16xf32>
      %add3A_417 = arith.constant 128 : i32
      %add3A_418 = arith.addi %add3A_417, %scan3A_191 : i32
      %get3A_419 = arith.constant 0 : i32
      %get3A_420 = arith.index_cast %get3A_419 : i32 to index
      %get3A_421 = arith.index_cast %add3A_418 : i32 to index
      %get3A_422 = arith.constant 96 : index
      %get3A_423 = tpu.vector_load %arg9[%get3A_420, %get3A_421, %get3A_422] {strides = array<i32>} : memref<2x384x128xf32, #tpu.memory_space<vmem>>, vector<1x1x16xf32>,
      %get3A_424 = vector.shape_cast %get3A_423 : vector<1x1x16xf32> to vector<16xf32>
      %mul3A_425 = vector.broadcast %squeeze3A_197 : f32 to vector<16xf32>
      %mul3A_426 = arith.mulf %get3A_424, %mul3A_425 : vector<16xf32>
      %add3A_427 = arith.addf %mul3A_416, %mul3A_426 : vector<16xf32>
      %add3A_428 = arith.constant 256 : i32
      %add3A_429 = arith.addi %add3A_428, %scan3A_191 : i32
      %get3A_430 = arith.constant 0 : i32
      %get3A_431 = arith.index_cast %get3A_430 : i32 to index
      %get3A_432 = arith.index_cast %add3A_429 : i32 to index
      %get3A_433 = arith.constant 96 : index
      %get3A_434 = tpu.vector_load %arg9[%get3A_431, %get3A_432, %get3A_433] {strides = array<i32>} : memref<2x384x128xf32, #tpu.memory_space<vmem>>, vector<1x1x16xf32>,
      %get3A_435 = vector.shape_cast %get3A_434 : vector<1x1x16xf32> to vector<16xf32>
      %mul3A_436 = vector.broadcast %squeeze3A_199 : f32 to vector<16xf32>
      %mul3A_437 = arith.mulf %get3A_435, %mul3A_436 : vector<16xf32>
      %add3A_438 = arith.addf %add3A_427, %mul3A_437 : vector<16xf32>
      %swap3A_439 = arith.index_cast %scan3A_191 : i32 to index
      %swap3A_440 = arith.constant 96 : index
      %swap3A_441 = tpu.vector_load %arg10[%swap3A_439, %swap3A_440] {strides = array<i32>} : memref<128x128xf32, #tpu.memory_space<vmem>>, vector<1x16xf32>,
      %swap3A_442 = vector.shape_cast %swap3A_441 : vector<1x16xf32> to vector<16xf32>
      %swap3A_443 = vector.shape_cast %add3A_438 : vector<16xf32> to vector<1x16xf32>
      tpu.vector_store %arg10[%swap3A_439, %swap3A_440], %swap3A_443 {strides = array<i32>} : memref<128x128xf32, #tpu.memory_space<vmem>>, vector<1x16xf32>,
      %get3A_444 = arith.constant 0 : i32
      %get3A_445 = arith.index_cast %get3A_444 : i32 to index
      %get3A_446 = arith.index_cast %scan3A_191 : i32 to index
      %get3A_447 = arith.constant 112 : index
      %get3A_448 = tpu.vector_load %arg9[%get3A_445, %get3A_446, %get3A_447] {strides = array<i32>} : memref<2x384x128xf32, #tpu.memory_space<vmem>>, vector<1x1x16xf32>,
      %get3A_449 = vector.shape_cast %get3A_448 : vector<1x1x16xf32> to vector<16xf32>
      %mul3A_450 = vector.broadcast %squeeze3A : f32 to vector<16xf32>
      %mul3A_451 = arith.mulf %get3A_449, %mul3A_450 : vector<16xf32>
      %add3A_452 = arith.constant 128 : i32
      %add3A_453 = arith.addi %add3A_452, %scan3A_191 : i32
      %get3A_454 = arith.constant 0 : i32
      %get3A_455 = arith.index_cast %get3A_454 : i32 to index
      %get3A_456 = arith.index_cast %add3A_453 : i32 to index
      %get3A_457 = arith.constant 112 : index
      %get3A_458 = tpu.vector_load %arg9[%get3A_455, %get3A_456, %get3A_457] {strides = array<i32>} : memref<2x384x128xf32, #tpu.memory_space<vmem>>, vector<1x1x16xf32>,
      %get3A_459 = vector.shape_cast %get3A_458 : vector<1x1x16xf32> to vector<16xf32>
      %mul3A_460 = vector.broadcast %squeeze3A_197 : f32 to vector<16xf32>
      %mul3A_461 = arith.mulf %get3A_459, %mul3A_460 : vector<16xf32>
      %add3A_462 = arith.addf %mul3A_451, %mul3A_461 : vector<16xf32>
      %add3A_463 = arith.constant 256 : i32
      %add3A_464 = arith.addi %add3A_463, %scan3A_191 : i32
      %get3A_465 = arith.constant 0 : i32
      %get3A_466 = arith.index_cast %get3A_465 : i32 to index
      %get3A_467 = arith.index_cast %add3A_464 : i32 to index
      %get3A_468 = arith.constant 112 : index
      %get3A_469 = tpu.vector_load %arg9[%get3A_466, %get3A_467, %get3A_468] {strides = array<i32>} : memref<2x384x128xf32, #tpu.memory_space<vmem>>, vector<1x1x16xf32>,
      %get3A_470 = vector.shape_cast %get3A_469 : vector<1x1x16xf32> to vector<16xf32>
      %mul3A_471 = vector.broadcast %squeeze3A_199 : f32 to vector<16xf32>
      %mul3A_472 = arith.mulf %get3A_470, %mul3A_471 : vector<16xf32>
      %add3A_473 = arith.addf %add3A_462, %mul3A_472 : vector<16xf32>
      %swap3A_474 = arith.index_cast %scan3A_191 : i32 to index
      %swap3A_475 = arith.constant 112 : index
      %swap3A_476 = tpu.vector_load %arg10[%swap3A_474, %swap3A_475] {strides = array<i32>} : memref<128x128xf32, #tpu.memory_space<vmem>>, vector<1x16xf32>,
      %swap3A_477 = vector.shape_cast %swap3A_476 : vector<1x16xf32> to vector<16xf32>
      %swap3A_478 = vector.shape_cast %add3A_473 : vector<16xf32> to vector<1x16xf32>
      tpu.vector_store %arg10[%swap3A_474, %swap3A_475], %swap3A_478 {strides = array<i32>} : memref<128x128xf32, #tpu.memory_space<vmem>>, vector<1x16xf32>,
    }
    %scan3A_144 = arith.constant 128 : i32
    "tpu.region"() ({
      %run_scoped3A_191 = tpu.sem_alloc : memref<!tpu.dma_semaphore, #tpu.memory_space<semaphore_mem>>
      %dma_start3A_192 = arith.constant 0 : i32
      %dma_start3A_193 = tpu.memref_slice %arg5[%add3A_139, %dma_start3A_192] : memref<8192x128xf32, #tpu.memory_space<hbm>> -> memref<128x128xf32, #tpu.memory_space<hbm>>
      %dma_start3A_194 = arith.constant 0 : i32
      %dma_start3A_195 = tpu.memref_slice %arg5[%add3A_139, %dma_start3A_194] : memref<8192x128xf32, #tpu.memory_space<hbm>> -> memref<128x128xf32, #tpu.memory_space<hbm>>
      tpu.enqueue_dma source(%arg10 : memref<128x128xf32, #tpu.memory_space<vmem>>) target(%dma_start3A_195 : memref<128x128xf32, #tpu.memory_space<hbm>>) target_semaphore(%run_scoped3A_191 : memref<!tpu.dma_semaphore, #tpu.memory_space<semaphore_mem>>)
      %dma_wait3A_196 = arith.constant 0 : i32
      %dma_wait3A_197 = tpu.memref_slice %arg5[%add3A_139, %dma_wait3A_196] : memref<8192x128xf32, #tpu.memory_space<hbm>> -> memref<128x128xf32, #tpu.memory_space<hbm>>
      %dma_wait3A_198 = arith.constant 0 : i32
      %dma_wait3A_199 = tpu.memref_slice %arg5[%add3A_139, %dma_wait3A_198] : memref<8192x128xf32, #tpu.memory_space<hbm>> -> memref<128x128xf32, #tpu.memory_space<hbm>>
      tpu.wait_dma2 semaphore(%run_scoped3A_191 : memref<!tpu.dma_semaphore, #tpu.memory_space<semaphore_mem>>) src(%arg10 : memref<128x128xf32, #tpu.memory_space<vmem>>) dst(%dma_wait3A_199 : memref<128x128xf32, #tpu.memory_space<hbm>>)
      tpu.yield
    }) : () -> ()
    %dma_wait3A_145 = arith.constant 1 : i32
    %dma_wait3A_146 = arith.constant 1 : i32
    %dma_wait3A_147 = arith.constant 0 : i32
    %dma_wait3A_148 = arith.constant 0 : i32
    %dma_wait3A_149 = tpu.memref_slice %arg9[%dma_wait3A_146, %dma_wait3A_147, %dma_wait3A_148] : memref<2x384x128xf32, #tpu.memory_space<vmem>> -> memref<1x128x128xf32, #tpu.memory_space<vmem>>
    %dma_wait3A_150 = tpu.memref_squeeze %dma_wait3A_149 : memref<1x128x128xf32, #tpu.memory_space<vmem>> -> memref<128x128xf32, #tpu.memory_space<vmem>>
    %dma_wait3A_151 = arith.constant 0 : i32
    %dma_wait3A_152 = tpu.memref_slice %arg6[%dma_wait3A_145, %dma_wait3A_151] : memref<2x384xi32, #tpu.memory_space<vmem>> -> memref<1x128xi32, #tpu.memory_space<vmem>>
    %dma_wait3A_153 = tpu.memref_squeeze %dma_wait3A_152 : memref<1x128xi32, #tpu.memory_space<vmem>> -> memref<128xi32, #tpu.memory_space<vmem>>
    %dma_wait3A_154 = arith.constant 0 : i32
    %dma_wait3A_155 = arith.constant 0 : i32
    %dma_wait3A_156 = tpu.memref_slice %arg2[%dma_wait3A_154, %dma_wait3A_155] : memref<2048x128xf32, #tpu.memory_space<hbm>> -> memref<2048x128xf32, #tpu.memory_space<hbm>>
    tpu.wait_indirect_dma semaphore(%arg12 : memref<!tpu.dma_semaphore, #tpu.memory_space<semaphore_mem>>) src(%dma_wait3A_156 : memref<2048x128xf32, #tpu.memory_space<hbm>>) dst(%dma_wait3A_150 : memref<128x128xf32, #tpu.memory_space<vmem>>)
    %dma_wait3A_157 = arith.constant 1 : i32
    %dma_wait3A_158 = arith.constant 1 : i32
    %dma_wait3A_159 = arith.constant 128 : i32
    %dma_wait3A_160 = arith.constant 0 : i32
    %dma_wait3A_161 = tpu.memref_slice %arg9[%dma_wait3A_158, %dma_wait3A_159, %dma_wait3A_160] : memref<2x384x128xf32, #tpu.memory_space<vmem>> -> memref<1x128x128xf32, #tpu.memory_space<vmem>>
    %dma_wait3A_162 = tpu.memref_squeeze %dma_wait3A_161 : memref<1x128x128xf32, #tpu.memory_space<vmem>> -> memref<128x128xf32, #tpu.memory_space<vmem>>
    %dma_wait3A_163 = arith.constant 128 : i32
    %dma_wait3A_164 = tpu.memref_slice %arg6[%dma_wait3A_157, %dma_wait3A_163] : memref<2x384xi32, #tpu.memory_space<vmem>> -> memref<1x128xi32, #tpu.memory_space<vmem>>
    %dma_wait3A_165 = tpu.memref_squeeze %dma_wait3A_164 : memref<1x128xi32, #tpu.memory_space<vmem>> -> memref<128xi32, #tpu.memory_space<vmem>>
    %dma_wait3A_166 = arith.constant 0 : i32
    %dma_wait3A_167 = arith.constant 0 : i32
    %dma_wait3A_168 = tpu.memref_slice %arg2[%dma_wait3A_166, %dma_wait3A_167] : memref<2048x128xf32, #tpu.memory_space<hbm>> -> memref<2048x128xf32, #tpu.memory_space<hbm>>
    tpu.wait_indirect_dma semaphore(%arg12 : memref<!tpu.dma_semaphore, #tpu.memory_space<semaphore_mem>>) src(%dma_wait3A_168 : memref<2048x128xf32, #tpu.memory_space<hbm>>) dst(%dma_wait3A_162 : memref<128x128xf32, #tpu.memory_space<vmem>>)
    %dma_wait3A_169 = arith.constant 1 : i32
    %dma_wait3A_170 = arith.constant 1 : i32
    %dma_wait3A_171 = arith.constant 256 : i32
    %dma_wait3A_172 = arith.constant 0 : i32
    %dma_wait3A_173 = tpu.memref_slice %arg9[%dma_wait3A_170, %dma_wait3A_171, %dma_wait3A_172] : memref<2x384x128xf32, #tpu.memory_space<vmem>> -> memref<1x128x128xf32, #tpu.memory_space<vmem>>
    %dma_wait3A_174 = tpu.memref_squeeze %dma_wait3A_173 : memref<1x128x128xf32, #tpu.memory_space<vmem>> -> memref<128x128xf32, #tpu.memory_space<vmem>>
    %dma_wait3A_175 = arith.constant 256 : i32
    %dma_wait3A_176 = tpu.memref_slice %arg6[%dma_wait3A_169, %dma_wait3A_175] : memref<2x384xi32, #tpu.memory_space<vmem>> -> memref<1x128xi32, #tpu.memory_space<vmem>>
    %dma_wait3A_177 = tpu.memref_squeeze %dma_wait3A_176 : memref<1x128xi32, #tpu.memory_space<vmem>> -> memref<128xi32, #tpu.memory_space<vmem>>
    %dma_wait3A_178 = arith.constant 0 : i32
    %dma_wait3A_179 = arith.constant 0 : i32
    %dma_wait3A_180 = tpu.memref_slice %arg2[%dma_wait3A_178, %dma_wait3A_179] : memref<2048x128xf32, #tpu.memory_space<hbm>> -> memref<2048x128xf32, #tpu.memory_space<hbm>>
    tpu.wait_indirect_dma semaphore(%arg12 : memref<!tpu.dma_semaphore, #tpu.memory_space<semaphore_mem>>) src(%dma_wait3A_180 : memref<2048x128xf32, #tpu.memory_space<hbm>>) dst(%dma_wait3A_174 : memref<128x128xf32, #tpu.memory_space<vmem>>)
    %mul3A_181 = arith.constant 256 : i32
    %mul3A_182 = arith.muli %add3A, %mul3A_181 : i32
    %add3A_183 = arith.constant 128 : i32
    %add3A_184 = arith.addi %mul3A_182, %add3A_183 : i32
    %scan3A_185 = arith.constant 0 : i32
    %scan3A_186 = arith.constant 0 : i32
    %scan3A_187 = arith.constant 128 : i32
    %scan3A_188 = arith.addi %scan3A_186, %scan3A_187 : i32
    %scan3A_189 = arith.constant 1 : i32
    scf.for %scan3A_191 = %scan3A_186 to %scan3A_188 step %scan3A_189  : i32 {
      %mul3A_192 = arith.constant 3 : i32
      %mul3A_193 = arith.muli %mul3A_192, %scan3A_191 : i32
      %get3A = arith.index_cast %mul3A_193 : i32 to index
      %get3A_194 = tpu.vector_load %arg8[%get3A] {strides = array<i32>} : memref<400xf32, #tpu.memory_space<vmem>>, vector<16xf32>,
      %get3A_195 = vector.shape_cast %get3A_194 : vector<16xf32> to vector<16xf32>
      %slice3A = vector.extract_strided_slice %get3A_195 {offsets = [0], sizes = [1], strides = [1]} : vector<16xf32> to vector<1xf32>
      %squeeze3A = vector.extract %slice3A[0] : f32 from vector<1xf32>
      %slice3A_196 = vector.extract_strided_slice %get3A_195 {offsets = [1], sizes = [1], strides = [1]} : vector<16xf32> to vector<1xf32>
      %squeeze3A_197 = vector.extract %slice3A_196[0] : f32 from vector<1xf32>
      %slice3A_198 = vector.extract_strided_slice %get3A_195 {offsets = [2], sizes = [1], strides = [1]} : vector<16xf32> to vector<1xf32>
      %squeeze3A_199 = vector.extract %slice3A_198[0] : f32 from vector<1xf32>
      %get3A_200 = arith.constant 1 : i32
      %get3A_201 = arith.index_cast %get3A_200 : i32 to index
      %get3A_202 = arith.index_cast %scan3A_191 : i32 to index
      %get3A_203 = arith.constant 0 : index
      %get3A_204 = tpu.vector_load %arg9[%get3A_201, %get3A_202, %get3A_203] {strides = array<i32>} : memref<2x384x128xf32, #tpu.memory_space<vmem>>, vector<1x1x16xf32>,
      %get3A_205 = vector.shape_cast %get3A_204 : vector<1x1x16xf32> to vector<16xf32>
      %mul3A_206 = vector.broadcast %squeeze3A : f32 to vector<16xf32>
      %mul3A_207 = arith.mulf %get3A_205, %mul3A_206 : vector<16xf32>
      %add3A_208 = arith.constant 128 : i32
      %add3A_209 = arith.addi %add3A_208, %scan3A_191 : i32
      %get3A_210 = arith.constant 1 : i32
      %get3A_211 = arith.index_cast %get3A_210 : i32 to index
      %get3A_212 = arith.index_cast %add3A_209 : i32 to index
      %get3A_213 = arith.constant 0 : index
      %get3A_214 = tpu.vector_load %arg9[%get3A_211, %get3A_212, %get3A_213] {strides = array<i32>} : memref<2x384x128xf32, #tpu.memory_space<vmem>>, vector<1x1x16xf32>,
      %get3A_215 = vector.shape_cast %get3A_214 : vector<1x1x16xf32> to vector<16xf32>
      %mul3A_216 = vector.broadcast %squeeze3A_197 : f32 to vector<16xf32>
      %mul3A_217 = arith.mulf %get3A_215, %mul3A_216 : vector<16xf32>
      %add3A_218 = arith.addf %mul3A_207, %mul3A_217 : vector<16xf32>
      %add3A_219 = arith.constant 256 : i32
      %add3A_220 = arith.addi %add3A_219, %scan3A_191 : i32
      %get3A_221 = arith.constant 1 : i32
      %get3A_222 = arith.index_cast %get3A_221 : i32 to index
      %get3A_223 = arith.index_cast %add3A_220 : i32 to index
      %get3A_224 = arith.constant 0 : index
      %get3A_225 = tpu.vector_load %arg9[%get3A_222, %get3A_223, %get3A_224] {strides = array<i32>} : memref<2x384x128xf32, #tpu.memory_space<vmem>>, vector<1x1x16xf32>,
      %get3A_226 = vector.shape_cast %get3A_225 : vector<1x1x16xf32> to vector<16xf32>
      %mul3A_227 = vector.broadcast %squeeze3A_199 : f32 to vector<16xf32>
      %mul3A_228 = arith.mulf %get3A_226, %mul3A_227 : vector<16xf32>
      %add3A_229 = arith.addf %add3A_218, %mul3A_228 : vector<16xf32>
      %swap3A = arith.index_cast %scan3A_191 : i32 to index
      %swap3A_230 = arith.constant 0 : index
      %swap3A_231 = tpu.vector_load %arg10[%swap3A, %swap3A_230] {strides = array<i32>} : memref<128x128xf32, #tpu.memory_space<vmem>>, vector<1x16xf32>,
      %swap3A_232 = vector.shape_cast %swap3A_231 : vector<1x16xf32> to vector<16xf32>
      %swap3A_233 = vector.shape_cast %add3A_229 : vector<16xf32> to vector<1x16xf32>
      tpu.vector_store %arg10[%swap3A, %swap3A_230], %swap3A_233 {strides = array<i32>} : memref<128x128xf32, #tpu.memory_space<vmem>>, vector<1x16xf32>,
      %get3A_234 = arith.constant 1 : i32
      %get3A_235 = arith.index_cast %get3A_234 : i32 to index
      %get3A_236 = arith.index_cast %scan3A_191 : i32 to index
      %get3A_237 = arith.constant 16 : index
      %get3A_238 = tpu.vector_load %arg9[%get3A_235, %get3A_236, %get3A_237] {strides = array<i32>} : memref<2x384x128xf32, #tpu.memory_space<vmem>>, vector<1x1x16xf32>,
      %get3A_239 = vector.shape_cast %get3A_238 : vector<1x1x16xf32> to vector<16xf32>
      %mul3A_240 = vector.broadcast %squeeze3A : f32 to vector<16xf32>
      %mul3A_241 = arith.mulf %get3A_239, %mul3A_240 : vector<16xf32>
      %add3A_242 = arith.constant 128 : i32
      %add3A_243 = arith.addi %add3A_242, %scan3A_191 : i32
      %get3A_244 = arith.constant 1 : i32
      %get3A_245 = arith.index_cast %get3A_244 : i32 to index
      %get3A_246 = arith.index_cast %add3A_243 : i32 to index
      %get3A_247 = arith.constant 16 : index
      %get3A_248 = tpu.vector_load %arg9[%get3A_245, %get3A_246, %get3A_247] {strides = array<i32>} : memref<2x384x128xf32, #tpu.memory_space<vmem>>, vector<1x1x16xf32>,
      %get3A_249 = vector.shape_cast %get3A_248 : vector<1x1x16xf32> to vector<16xf32>
      %mul3A_250 = vector.broadcast %squeeze3A_197 : f32 to vector<16xf32>
      %mul3A_251 = arith.mulf %get3A_249, %mul3A_250 : vector<16xf32>
      %add3A_252 = arith.addf %mul3A_241, %mul3A_251 : vector<16xf32>
      %add3A_253 = arith.constant 256 : i32
      %add3A_254 = arith.addi %add3A_253, %scan3A_191 : i32
      %get3A_255 = arith.constant 1 : i32
      %get3A_256 = arith.index_cast %get3A_255 : i32 to index
      %get3A_257 = arith.index_cast %add3A_254 : i32 to index
      %get3A_258 = arith.constant 16 : index
      %get3A_259 = tpu.vector_load %arg9[%get3A_256, %get3A_257, %get3A_258] {strides = array<i32>} : memref<2x384x128xf32, #tpu.memory_space<vmem>>, vector<1x1x16xf32>,
      %get3A_260 = vector.shape_cast %get3A_259 : vector<1x1x16xf32> to vector<16xf32>
      %mul3A_261 = vector.broadcast %squeeze3A_199 : f32 to vector<16xf32>
      %mul3A_262 = arith.mulf %get3A_260, %mul3A_261 : vector<16xf32>
      %add3A_263 = arith.addf %add3A_252, %mul3A_262 : vector<16xf32>
      %swap3A_264 = arith.index_cast %scan3A_191 : i32 to index
      %swap3A_265 = arith.constant 16 : index
      %swap3A_266 = tpu.vector_load %arg10[%swap3A_264, %swap3A_265] {strides = array<i32>} : memref<128x128xf32, #tpu.memory_space<vmem>>, vector<1x16xf32>,
      %swap3A_267 = vector.shape_cast %swap3A_266 : vector<1x16xf32> to vector<16xf32>
      %swap3A_268 = vector.shape_cast %add3A_263 : vector<16xf32> to vector<1x16xf32>
      tpu.vector_store %arg10[%swap3A_264, %swap3A_265], %swap3A_268 {strides = array<i32>} : memref<128x128xf32, #tpu.memory_space<vmem>>, vector<1x16xf32>,
      %get3A_269 = arith.constant 1 : i32
      %get3A_270 = arith.index_cast %get3A_269 : i32 to index
      %get3A_271 = arith.index_cast %scan3A_191 : i32 to index
      %get3A_272 = arith.constant 32 : index
      %get3A_273 = tpu.vector_load %arg9[%get3A_270, %get3A_271, %get3A_272] {strides = array<i32>} : memref<2x384x128xf32, #tpu.memory_space<vmem>>, vector<1x1x16xf32>,
      %get3A_274 = vector.shape_cast %get3A_273 : vector<1x1x16xf32> to vector<16xf32>
      %mul3A_275 = vector.broadcast %squeeze3A : f32 to vector<16xf32>
      %mul3A_276 = arith.mulf %get3A_274, %mul3A_275 : vector<16xf32>
      %add3A_277 = arith.constant 128 : i32
      %add3A_278 = arith.addi %add3A_277, %scan3A_191 : i32
      %get3A_279 = arith.constant 1 : i32
      %get3A_280 = arith.index_cast %get3A_279 : i32 to index
      %get3A_281 = arith.index_cast %add3A_278 : i32 to index
      %get3A_282 = arith.constant 32 : index
      %get3A_283 = tpu.vector_load %arg9[%get3A_280, %get3A_281, %get3A_282] {strides = array<i32>} : memref<2x384x128xf32, #tpu.memory_space<vmem>>, vector<1x1x16xf32>,
      %get3A_284 = vector.shape_cast %get3A_283 : vector<1x1x16xf32> to vector<16xf32>
      %mul3A_285 = vector.broadcast %squeeze3A_197 : f32 to vector<16xf32>
      %mul3A_286 = arith.mulf %get3A_284, %mul3A_285 : vector<16xf32>
      %add3A_287 = arith.addf %mul3A_276, %mul3A_286 : vector<16xf32>
      %add3A_288 = arith.constant 256 : i32
      %add3A_289 = arith.addi %add3A_288, %scan3A_191 : i32
      %get3A_290 = arith.constant 1 : i32
      %get3A_291 = arith.index_cast %get3A_290 : i32 to index
      %get3A_292 = arith.index_cast %add3A_289 : i32 to index
      %get3A_293 = arith.constant 32 : index
      %get3A_294 = tpu.vector_load %arg9[%get3A_291, %get3A_292, %get3A_293] {strides = array<i32>} : memref<2x384x128xf32, #tpu.memory_space<vmem>>, vector<1x1x16xf32>,
      %get3A_295 = vector.shape_cast %get3A_294 : vector<1x1x16xf32> to vector<16xf32>
      %mul3A_296 = vector.broadcast %squeeze3A_199 : f32 to vector<16xf32>
      %mul3A_297 = arith.mulf %get3A_295, %mul3A_296 : vector<16xf32>
      %add3A_298 = arith.addf %add3A_287, %mul3A_297 : vector<16xf32>
      %swap3A_299 = arith.index_cast %scan3A_191 : i32 to index
      %swap3A_300 = arith.constant 32 : index
      %swap3A_301 = tpu.vector_load %arg10[%swap3A_299, %swap3A_300] {strides = array<i32>} : memref<128x128xf32, #tpu.memory_space<vmem>>, vector<1x16xf32>,
      %swap3A_302 = vector.shape_cast %swap3A_301 : vector<1x16xf32> to vector<16xf32>
      %swap3A_303 = vector.shape_cast %add3A_298 : vector<16xf32> to vector<1x16xf32>
      tpu.vector_store %arg10[%swap3A_299, %swap3A_300], %swap3A_303 {strides = array<i32>} : memref<128x128xf32, #tpu.memory_space<vmem>>, vector<1x16xf32>,
      %get3A_304 = arith.constant 1 : i32
      %get3A_305 = arith.index_cast %get3A_304 : i32 to index
      %get3A_306 = arith.index_cast %scan3A_191 : i32 to index
      %get3A_307 = arith.constant 48 : index
      %get3A_308 = tpu.vector_load %arg9[%get3A_305, %get3A_306, %get3A_307] {strides = array<i32>} : memref<2x384x128xf32, #tpu.memory_space<vmem>>, vector<1x1x16xf32>,
      %get3A_309 = vector.shape_cast %get3A_308 : vector<1x1x16xf32> to vector<16xf32>
      %mul3A_310 = vector.broadcast %squeeze3A : f32 to vector<16xf32>
      %mul3A_311 = arith.mulf %get3A_309, %mul3A_310 : vector<16xf32>
      %add3A_312 = arith.constant 128 : i32
      %add3A_313 = arith.addi %add3A_312, %scan3A_191 : i32
      %get3A_314 = arith.constant 1 : i32
      %get3A_315 = arith.index_cast %get3A_314 : i32 to index
      %get3A_316 = arith.index_cast %add3A_313 : i32 to index
      %get3A_317 = arith.constant 48 : index
      %get3A_318 = tpu.vector_load %arg9[%get3A_315, %get3A_316, %get3A_317] {strides = array<i32>} : memref<2x384x128xf32, #tpu.memory_space<vmem>>, vector<1x1x16xf32>,
      %get3A_319 = vector.shape_cast %get3A_318 : vector<1x1x16xf32> to vector<16xf32>
      %mul3A_320 = vector.broadcast %squeeze3A_197 : f32 to vector<16xf32>
      %mul3A_321 = arith.mulf %get3A_319, %mul3A_320 : vector<16xf32>
      %add3A_322 = arith.addf %mul3A_311, %mul3A_321 : vector<16xf32>
      %add3A_323 = arith.constant 256 : i32
      %add3A_324 = arith.addi %add3A_323, %scan3A_191 : i32
      %get3A_325 = arith.constant 1 : i32
      %get3A_326 = arith.index_cast %get3A_325 : i32 to index
      %get3A_327 = arith.index_cast %add3A_324 : i32 to index
      %get3A_328 = arith.constant 48 : index
      %get3A_329 = tpu.vector_load %arg9[%get3A_326, %get3A_327, %get3A_328] {strides = array<i32>} : memref<2x384x128xf32, #tpu.memory_space<vmem>>, vector<1x1x16xf32>,
      %get3A_330 = vector.shape_cast %get3A_329 : vector<1x1x16xf32> to vector<16xf32>
      %mul3A_331 = vector.broadcast %squeeze3A_199 : f32 to vector<16xf32>
      %mul3A_332 = arith.mulf %get3A_330, %mul3A_331 : vector<16xf32>
      %add3A_333 = arith.addf %add3A_322, %mul3A_332 : vector<16xf32>
      %swap3A_334 = arith.index_cast %scan3A_191 : i32 to index
      %swap3A_335 = arith.constant 48 : index
      %swap3A_336 = tpu.vector_load %arg10[%swap3A_334, %swap3A_335] {strides = array<i32>} : memref<128x128xf32, #tpu.memory_space<vmem>>, vector<1x16xf32>,
      %swap3A_337 = vector.shape_cast %swap3A_336 : vector<1x16xf32> to vector<16xf32>
      %swap3A_338 = vector.shape_cast %add3A_333 : vector<16xf32> to vector<1x16xf32>
      tpu.vector_store %arg10[%swap3A_334, %swap3A_335], %swap3A_338 {strides = array<i32>} : memref<128x128xf32, #tpu.memory_space<vmem>>, vector<1x16xf32>,
      %get3A_339 = arith.constant 1 : i32
      %get3A_340 = arith.index_cast %get3A_339 : i32 to index
      %get3A_341 = arith.index_cast %scan3A_191 : i32 to index
      %get3A_342 = arith.constant 64 : index
      %get3A_343 = tpu.vector_load %arg9[%get3A_340, %get3A_341, %get3A_342] {strides = array<i32>} : memref<2x384x128xf32, #tpu.memory_space<vmem>>, vector<1x1x16xf32>,
      %get3A_344 = vector.shape_cast %get3A_343 : vector<1x1x16xf32> to vector<16xf32>
      %mul3A_345 = vector.broadcast %squeeze3A : f32 to vector<16xf32>
      %mul3A_346 = arith.mulf %get3A_344, %mul3A_345 : vector<16xf32>
      %add3A_347 = arith.constant 128 : i32
      %add3A_348 = arith.addi %add3A_347, %scan3A_191 : i32
      %get3A_349 = arith.constant 1 : i32
      %get3A_350 = arith.index_cast %get3A_349 : i32 to index
      %get3A_351 = arith.index_cast %add3A_348 : i32 to index
      %get3A_352 = arith.constant 64 : index
      %get3A_353 = tpu.vector_load %arg9[%get3A_350, %get3A_351, %get3A_352] {strides = array<i32>} : memref<2x384x128xf32, #tpu.memory_space<vmem>>, vector<1x1x16xf32>,
      %get3A_354 = vector.shape_cast %get3A_353 : vector<1x1x16xf32> to vector<16xf32>
      %mul3A_355 = vector.broadcast %squeeze3A_197 : f32 to vector<16xf32>
      %mul3A_356 = arith.mulf %get3A_354, %mul3A_355 : vector<16xf32>
      %add3A_357 = arith.addf %mul3A_346, %mul3A_356 : vector<16xf32>
      %add3A_358 = arith.constant 256 : i32
      %add3A_359 = arith.addi %add3A_358, %scan3A_191 : i32
      %get3A_360 = arith.constant 1 : i32
      %get3A_361 = arith.index_cast %get3A_360 : i32 to index
      %get3A_362 = arith.index_cast %add3A_359 : i32 to index
      %get3A_363 = arith.constant 64 : index
      %get3A_364 = tpu.vector_load %arg9[%get3A_361, %get3A_362, %get3A_363] {strides = array<i32>} : memref<2x384x128xf32, #tpu.memory_space<vmem>>, vector<1x1x16xf32>,
      %get3A_365 = vector.shape_cast %get3A_364 : vector<1x1x16xf32> to vector<16xf32>
      %mul3A_366 = vector.broadcast %squeeze3A_199 : f32 to vector<16xf32>
      %mul3A_367 = arith.mulf %get3A_365, %mul3A_366 : vector<16xf32>
      %add3A_368 = arith.addf %add3A_357, %mul3A_367 : vector<16xf32>
      %swap3A_369 = arith.index_cast %scan3A_191 : i32 to index
      %swap3A_370 = arith.constant 64 : index
      %swap3A_371 = tpu.vector_load %arg10[%swap3A_369, %swap3A_370] {strides = array<i32>} : memref<128x128xf32, #tpu.memory_space<vmem>>, vector<1x16xf32>,
      %swap3A_372 = vector.shape_cast %swap3A_371 : vector<1x16xf32> to vector<16xf32>
      %swap3A_373 = vector.shape_cast %add3A_368 : vector<16xf32> to vector<1x16xf32>
      tpu.vector_store %arg10[%swap3A_369, %swap3A_370], %swap3A_373 {strides = array<i32>} : memref<128x128xf32, #tpu.memory_space<vmem>>, vector<1x16xf32>,
      %get3A_374 = arith.constant 1 : i32
      %get3A_375 = arith.index_cast %get3A_374 : i32 to index
      %get3A_376 = arith.index_cast %scan3A_191 : i32 to index
      %get3A_377 = arith.constant 80 : index
      %get3A_378 = tpu.vector_load %arg9[%get3A_375, %get3A_376, %get3A_377] {strides = array<i32>} : memref<2x384x128xf32, #tpu.memory_space<vmem>>, vector<1x1x16xf32>,
      %get3A_379 = vector.shape_cast %get3A_378 : vector<1x1x16xf32> to vector<16xf32>
      %mul3A_380 = vector.broadcast %squeeze3A : f32 to vector<16xf32>
      %mul3A_381 = arith.mulf %get3A_379, %mul3A_380 : vector<16xf32>
      %add3A_382 = arith.constant 128 : i32
      %add3A_383 = arith.addi %add3A_382, %scan3A_191 : i32
      %get3A_384 = arith.constant 1 : i32
      %get3A_385 = arith.index_cast %get3A_384 : i32 to index
      %get3A_386 = arith.index_cast %add3A_383 : i32 to index
      %get3A_387 = arith.constant 80 : index
      %get3A_388 = tpu.vector_load %arg9[%get3A_385, %get3A_386, %get3A_387] {strides = array<i32>} : memref<2x384x128xf32, #tpu.memory_space<vmem>>, vector<1x1x16xf32>,
      %get3A_389 = vector.shape_cast %get3A_388 : vector<1x1x16xf32> to vector<16xf32>
      %mul3A_390 = vector.broadcast %squeeze3A_197 : f32 to vector<16xf32>
      %mul3A_391 = arith.mulf %get3A_389, %mul3A_390 : vector<16xf32>
      %add3A_392 = arith.addf %mul3A_381, %mul3A_391 : vector<16xf32>
      %add3A_393 = arith.constant 256 : i32
      %add3A_394 = arith.addi %add3A_393, %scan3A_191 : i32
      %get3A_395 = arith.constant 1 : i32
      %get3A_396 = arith.index_cast %get3A_395 : i32 to index
      %get3A_397 = arith.index_cast %add3A_394 : i32 to index
      %get3A_398 = arith.constant 80 : index
      %get3A_399 = tpu.vector_load %arg9[%get3A_396, %get3A_397, %get3A_398] {strides = array<i32>} : memref<2x384x128xf32, #tpu.memory_space<vmem>>, vector<1x1x16xf32>,
      %get3A_400 = vector.shape_cast %get3A_399 : vector<1x1x16xf32> to vector<16xf32>
      %mul3A_401 = vector.broadcast %squeeze3A_199 : f32 to vector<16xf32>
      %mul3A_402 = arith.mulf %get3A_400, %mul3A_401 : vector<16xf32>
      %add3A_403 = arith.addf %add3A_392, %mul3A_402 : vector<16xf32>
      %swap3A_404 = arith.index_cast %scan3A_191 : i32 to index
      %swap3A_405 = arith.constant 80 : index
      %swap3A_406 = tpu.vector_load %arg10[%swap3A_404, %swap3A_405] {strides = array<i32>} : memref<128x128xf32, #tpu.memory_space<vmem>>, vector<1x16xf32>,
      %swap3A_407 = vector.shape_cast %swap3A_406 : vector<1x16xf32> to vector<16xf32>
      %swap3A_408 = vector.shape_cast %add3A_403 : vector<16xf32> to vector<1x16xf32>
      tpu.vector_store %arg10[%swap3A_404, %swap3A_405], %swap3A_408 {strides = array<i32>} : memref<128x128xf32, #tpu.memory_space<vmem>>, vector<1x16xf32>,
      %get3A_409 = arith.constant 1 : i32
      %get3A_410 = arith.index_cast %get3A_409 : i32 to index
      %get3A_411 = arith.index_cast %scan3A_191 : i32 to index
      %get3A_412 = arith.constant 96 : index
      %get3A_413 = tpu.vector_load %arg9[%get3A_410, %get3A_411, %get3A_412] {strides = array<i32>} : memref<2x384x128xf32, #tpu.memory_space<vmem>>, vector<1x1x16xf32>,
      %get3A_414 = vector.shape_cast %get3A_413 : vector<1x1x16xf32> to vector<16xf32>
      %mul3A_415 = vector.broadcast %squeeze3A : f32 to vector<16xf32>
      %mul3A_416 = arith.mulf %get3A_414, %mul3A_415 : vector<16xf32>
      %add3A_417 = arith.constant 128 : i32
      %add3A_418 = arith.addi %add3A_417, %scan3A_191 : i32
      %get3A_419 = arith.constant 1 : i32
      %get3A_420 = arith.index_cast %get3A_419 : i32 to index
      %get3A_421 = arith.index_cast %add3A_418 : i32 to index
      %get3A_422 = arith.constant 96 : index
      %get3A_423 = tpu.vector_load %arg9[%get3A_420, %get3A_421, %get3A_422] {strides = array<i32>} : memref<2x384x128xf32, #tpu.memory_space<vmem>>, vector<1x1x16xf32>,
      %get3A_424 = vector.shape_cast %get3A_423 : vector<1x1x16xf32> to vector<16xf32>
      %mul3A_425 = vector.broadcast %squeeze3A_197 : f32 to vector<16xf32>
      %mul3A_426 = arith.mulf %get3A_424, %mul3A_425 : vector<16xf32>
      %add3A_427 = arith.addf %mul3A_416, %mul3A_426 : vector<16xf32>
      %add3A_428 = arith.constant 256 : i32
      %add3A_429 = arith.addi %add3A_428, %scan3A_191 : i32
      %get3A_430 = arith.constant 1 : i32
      %get3A_431 = arith.index_cast %get3A_430 : i32 to index
      %get3A_432 = arith.index_cast %add3A_429 : i32 to index
      %get3A_433 = arith.constant 96 : index
      %get3A_434 = tpu.vector_load %arg9[%get3A_431, %get3A_432, %get3A_433] {strides = array<i32>} : memref<2x384x128xf32, #tpu.memory_space<vmem>>, vector<1x1x16xf32>,
      %get3A_435 = vector.shape_cast %get3A_434 : vector<1x1x16xf32> to vector<16xf32>
      %mul3A_436 = vector.broadcast %squeeze3A_199 : f32 to vector<16xf32>
      %mul3A_437 = arith.mulf %get3A_435, %mul3A_436 : vector<16xf32>
      %add3A_438 = arith.addf %add3A_427, %mul3A_437 : vector<16xf32>
      %swap3A_439 = arith.index_cast %scan3A_191 : i32 to index
      %swap3A_440 = arith.constant 96 : index
      %swap3A_441 = tpu.vector_load %arg10[%swap3A_439, %swap3A_440] {strides = array<i32>} : memref<128x128xf32, #tpu.memory_space<vmem>>, vector<1x16xf32>,
      %swap3A_442 = vector.shape_cast %swap3A_441 : vector<1x16xf32> to vector<16xf32>
      %swap3A_443 = vector.shape_cast %add3A_438 : vector<16xf32> to vector<1x16xf32>
      tpu.vector_store %arg10[%swap3A_439, %swap3A_440], %swap3A_443 {strides = array<i32>} : memref<128x128xf32, #tpu.memory_space<vmem>>, vector<1x16xf32>,
      %get3A_444 = arith.constant 1 : i32
      %get3A_445 = arith.index_cast %get3A_444 : i32 to index
      %get3A_446 = arith.index_cast %scan3A_191 : i32 to index
      %get3A_447 = arith.constant 112 : index
      %get3A_448 = tpu.vector_load %arg9[%get3A_445, %get3A_446, %get3A_447] {strides = array<i32>} : memref<2x384x128xf32, #tpu.memory_space<vmem>>, vector<1x1x16xf32>,
      %get3A_449 = vector.shape_cast %get3A_448 : vector<1x1x16xf32> to vector<16xf32>
      %mul3A_450 = vector.broadcast %squeeze3A : f32 to vector<16xf32>
      %mul3A_451 = arith.mulf %get3A_449, %mul3A_450 : vector<16xf32>
      %add3A_452 = arith.constant 128 : i32
      %add3A_453 = arith.addi %add3A_452, %scan3A_191 : i32
      %get3A_454 = arith.constant 1 : i32
      %get3A_455 = arith.index_cast %get3A_454 : i32 to index
      %get3A_456 = arith.index_cast %add3A_453 : i32 to index
      %get3A_457 = arith.constant 112 : index
      %get3A_458 = tpu.vector_load %arg9[%get3A_455, %get3A_456, %get3A_457] {strides = array<i32>} : memref<2x384x128xf32, #tpu.memory_space<vmem>>, vector<1x1x16xf32>,
      %get3A_459 = vector.shape_cast %get3A_458 : vector<1x1x16xf32> to vector<16xf32>
      %mul3A_460 = vector.broadcast %squeeze3A_197 : f32 to vector<16xf32>
      %mul3A_461 = arith.mulf %get3A_459, %mul3A_460 : vector<16xf32>
      %add3A_462 = arith.addf %mul3A_451, %mul3A_461 : vector<16xf32>
      %add3A_463 = arith.constant 256 : i32
      %add3A_464 = arith.addi %add3A_463, %scan3A_191 : i32
      %get3A_465 = arith.constant 1 : i32
      %get3A_466 = arith.index_cast %get3A_465 : i32 to index
      %get3A_467 = arith.index_cast %add3A_464 : i32 to index
      %get3A_468 = arith.constant 112 : index
      %get3A_469 = tpu.vector_load %arg9[%get3A_466, %get3A_467, %get3A_468] {strides = array<i32>} : memref<2x384x128xf32, #tpu.memory_space<vmem>>, vector<1x1x16xf32>,
      %get3A_470 = vector.shape_cast %get3A_469 : vector<1x1x16xf32> to vector<16xf32>
      %mul3A_471 = vector.broadcast %squeeze3A_199 : f32 to vector<16xf32>
      %mul3A_472 = arith.mulf %get3A_470, %mul3A_471 : vector<16xf32>
      %add3A_473 = arith.addf %add3A_462, %mul3A_472 : vector<16xf32>
      %swap3A_474 = arith.index_cast %scan3A_191 : i32 to index
      %swap3A_475 = arith.constant 112 : index
      %swap3A_476 = tpu.vector_load %arg10[%swap3A_474, %swap3A_475] {strides = array<i32>} : memref<128x128xf32, #tpu.memory_space<vmem>>, vector<1x16xf32>,
      %swap3A_477 = vector.shape_cast %swap3A_476 : vector<1x16xf32> to vector<16xf32>
      %swap3A_478 = vector.shape_cast %add3A_473 : vector<16xf32> to vector<1x16xf32>
      tpu.vector_store %arg10[%swap3A_474, %swap3A_475], %swap3A_478 {strides = array<i32>} : memref<128x128xf32, #tpu.memory_space<vmem>>, vector<1x16xf32>,
    }
    %scan3A_190 = arith.constant 128 : i32
    "tpu.region"() ({
      %run_scoped3A_191 = tpu.sem_alloc : memref<!tpu.dma_semaphore, #tpu.memory_space<semaphore_mem>>
      %dma_start3A_192 = arith.constant 0 : i32
      %dma_start3A_193 = tpu.memref_slice %arg5[%add3A_184, %dma_start3A_192] : memref<8192x128xf32, #tpu.memory_space<hbm>> -> memref<128x128xf32, #tpu.memory_space<hbm>>
      %dma_start3A_194 = arith.constant 0 : i32
      %dma_start3A_195 = tpu.memref_slice %arg5[%add3A_184, %dma_start3A_194] : memref<8192x128xf32, #tpu.memory_space<hbm>> -> memref<128x128xf32, #tpu.memory_space<hbm>>
      tpu.enqueue_dma source(%arg10 : memref<128x128xf32, #tpu.memory_space<vmem>>) target(%dma_start3A_195 : memref<128x128xf32, #tpu.memory_space<hbm>>) target_semaphore(%run_scoped3A_191 : memref<!tpu.dma_semaphore, #tpu.memory_space<semaphore_mem>>)
      %dma_wait3A_196 = arith.constant 0 : i32
      %dma_wait3A_197 = tpu.memref_slice %arg5[%add3A_184, %dma_wait3A_196] : memref<8192x128xf32, #tpu.memory_space<hbm>> -> memref<128x128xf32, #tpu.memory_space<hbm>>
      %dma_wait3A_198 = arith.constant 0 : i32
      %dma_wait3A_199 = tpu.memref_slice %arg5[%add3A_184, %dma_wait3A_198] : memref<8192x128xf32, #tpu.memory_space<hbm>> -> memref<128x128xf32, #tpu.memory_space<hbm>>
      tpu.wait_dma2 semaphore(%run_scoped3A_191 : memref<!tpu.dma_semaphore, #tpu.memory_space<semaphore_mem>>) src(%arg10 : memref<128x128xf32, #tpu.memory_space<vmem>>) dst(%dma_wait3A_199 : memref<128x128xf32, #tpu.memory_space<hbm>>)
      tpu.yield
    }) : () -> ()
    return
  }
}

module attributes {stable_mosaic.version = 14 : i64} {
  func.func @_nn3w(%arg0: i32, %arg1: memref<2048x8xf32, #tpu.memory_space<vmem>>, %arg2: memref<8x512xf32, #tpu.memory_space<vmem>>, %arg3: memref<128x2048xf32, #tpu.memory_space<vmem>>, %arg4: memref<128x192xf32, #tpu.memory_space<vmem>>, %arg5: memref<8x512xf32, #tpu.memory_space<vmem>>, %arg6: memref<8x512xi32, #tpu.memory_space<vmem>>, %arg7: memref<2048x128xf32, #tpu.memory_space<vmem>>) attributes {dimension_semantics = [#tpu.dimension_semantics<arbitrary>], iteration_bounds = array<i64: 16>, scalar_prefetch = 0 : i64, scratch_operands = 0 : i64, tpu.core_type = #tpu.core_type<tc>, window_params = [{pipeline_mode = #tpu.pipeline_mode<synchronous>, transform_indices = @transform_0, window_bounds = array<i64: 2048, 8>}, {transform_indices = @transform_1, window_bounds = array<i64: 8, 512>}, {pipeline_mode = #tpu.pipeline_mode<synchronous>, transform_indices = @transform_2, window_bounds = array<i64: 128, 2048>}, {pipeline_mode = #tpu.pipeline_mode<synchronous>, transform_indices = @transform_3, window_bounds = array<i64: 128, 192>}, {transform_indices = @transform_4, window_bounds = array<i64: 8, 512>}, {transform_indices = @transform_5, window_bounds = array<i64: 8, 512>}, {pipeline_mode = #tpu.pipeline_mode<synchronous>, transform_indices = @transform_6, window_bounds = array<i64: 2048, 128>}]} {
    %eq3A = arith.constant 0 : i32
    %eq3A_0 = arith.cmpi eq, %arg0, %eq3A : i32
    %convert_element_type3A = arith.extui %eq3A_0 : i1 to i32
    %cond3A = arith.constant 0 : i32
    %cond3A_1 = arith.cmpi ne, %convert_element_type3A, %cond3A : i32
    scf.if %cond3A_1 {
      %get3A_129 = arith.constant 0 : index
      %get3A_130 = arith.constant 0 : index
      %get3A_131 = vector.load %arg3[%get3A_129, %get3A_130] : memref<128x2048xf32, #tpu.memory_space<vmem>>, vector<128x2048xf32>
      %convert_element_type3A_132 = arith.truncf %get3A_131 : vector<128x2048xf32> to vector<128x2048xbf16>
      %get3A_133 = arith.constant 0 : index
      %get3A_134 = arith.constant 0 : index
      %get3A_135 = vector.load %arg4[%get3A_133, %get3A_134] : memref<128x192xf32, #tpu.memory_space<vmem>>, vector<128x128xf32>
      %convert_element_type3A_136 = arith.truncf %get3A_135 : vector<128x128xf32> to vector<128x128xbf16>
      %dot_general3A_137 = arith.constant dense<0.000000e+00> : vector<2048x128xf32>
      %dot_general3A_138 = tpu.matmul %convert_element_type3A_132, %convert_element_type3A_136, %dot_general3A_137 {dimension_numbers = #tpu.dot_dimension_numbers<[0], [1], [1], [0], [0, 1, 1, 0], [], []>, transpose_lhs_hint = false} : vector<128x2048xbf16>, vector<128x128xbf16>, vector<2048x128xf32> -> vector<2048x128xf32>
      %swap3A_139 = arith.constant 0 : index
      %swap3A_140 = arith.constant 0 : index
      %swap3A_141 = vector.load %arg7[%swap3A_139, %swap3A_140] : memref<2048x128xf32, #tpu.memory_space<vmem>>, vector<2048x128xf32>
      tpu.vector_store %arg7[%swap3A_139, %swap3A_140], %dot_general3A_138 {strides = array<i32>} : memref<2048x128xf32, #tpu.memory_space<vmem>>, vector<2048x128xf32>,
    } else {
    }
    %get3A = arith.constant 0 : index
    %get3A_2 = arith.constant 0 : index
    %get3A_3 = vector.load %arg1[%get3A, %get3A_2] : memref<2048x8xf32, #tpu.memory_space<vmem>>, vector<2048x8xf32>
    %get3A_4 = arith.constant 0 : index
    %get3A_5 = arith.constant 0 : index
    %get3A_6 = vector.load %arg2[%get3A_4, %get3A_5] : memref<8x512xf32, #tpu.memory_space<vmem>>, vector<8x512xf32>
    %convert_element_type3A_7 = arith.truncf %get3A_3 : vector<2048x8xf32> to vector<2048x8xbf16>
    %convert_element_type3A_8 = arith.truncf %get3A_6 : vector<8x512xf32> to vector<8x512xbf16>
    %dot_general3A = arith.constant dense<0.000000e+00> : vector<2048x512xf32>
    %dot_general3A_9 = tpu.matmul %convert_element_type3A_7, %convert_element_type3A_8, %dot_general3A {dimension_numbers = #tpu.dot_dimension_numbers<[1], [0], [0], [1], [0, 0, 1, 1], [], []>, transpose_lhs_hint = false} : vector<2048x8xbf16>, vector<8x512xbf16>, vector<2048x512xf32> -> vector<2048x512xf32>
    %slice3A = vector.extract_strided_slice %get3A_3 {offsets = [0, 0], sizes = [2048, 1], strides = [1, 1]} : vector<2048x8xf32> to vector<2048x1xf32>
    %slice3A_10 = vector.extract_strided_slice %get3A_3 {offsets = [0, 0], sizes = [2048, 1], strides = [1, 1]} : vector<2048x8xf32> to vector<2048x1xf32>
    %mul3A = arith.mulf %slice3A, %slice3A_10 : vector<2048x1xf32>
    %slice3A_11 = vector.extract_strided_slice %get3A_3 {offsets = [0, 1], sizes = [2048, 1], strides = [1, 1]} : vector<2048x8xf32> to vector<2048x1xf32>
    %slice3A_12 = vector.extract_strided_slice %get3A_3 {offsets = [0, 1], sizes = [2048, 1], strides = [1, 1]} : vector<2048x8xf32> to vector<2048x1xf32>
    %mul3A_13 = arith.mulf %slice3A_11, %slice3A_12 : vector<2048x1xf32>
    %add3A = arith.addf %mul3A, %mul3A_13 : vector<2048x1xf32>
    %slice3A_14 = vector.extract_strided_slice %get3A_3 {offsets = [0, 2], sizes = [2048, 1], strides = [1, 1]} : vector<2048x8xf32> to vector<2048x1xf32>
    %slice3A_15 = vector.extract_strided_slice %get3A_3 {offsets = [0, 2], sizes = [2048, 1], strides = [1, 1]} : vector<2048x8xf32> to vector<2048x1xf32>
    %mul3A_16 = arith.mulf %slice3A_14, %slice3A_15 : vector<2048x1xf32>
    %add3A_17 = arith.addf %add3A, %mul3A_16 : vector<2048x1xf32>
    %slice3A_18 = vector.extract_strided_slice %get3A_6 {offsets = [0, 0], sizes = [1, 512], strides = [1, 1]} : vector<8x512xf32> to vector<1x512xf32>
    %slice3A_19 = vector.extract_strided_slice %get3A_6 {offsets = [0, 0], sizes = [1, 512], strides = [1, 1]} : vector<8x512xf32> to vector<1x512xf32>
    %mul3A_20 = arith.mulf %slice3A_18, %slice3A_19 : vector<1x512xf32>
    %slice3A_21 = vector.extract_strided_slice %get3A_6 {offsets = [1, 0], sizes = [1, 512], strides = [1, 1]} : vector<8x512xf32> to vector<1x512xf32>
    %slice3A_22 = vector.extract_strided_slice %get3A_6 {offsets = [1, 0], sizes = [1, 512], strides = [1, 1]} : vector<8x512xf32> to vector<1x512xf32>
    %mul3A_23 = arith.mulf %slice3A_21, %slice3A_22 : vector<1x512xf32>
    %add3A_24 = arith.addf %mul3A_20, %mul3A_23 : vector<1x512xf32>
    %slice3A_25 = vector.extract_strided_slice %get3A_6 {offsets = [2, 0], sizes = [1, 512], strides = [1, 1]} : vector<8x512xf32> to vector<1x512xf32>
    %slice3A_26 = vector.extract_strided_slice %get3A_6 {offsets = [2, 0], sizes = [1, 512], strides = [1, 1]} : vector<8x512xf32> to vector<1x512xf32>
    %mul3A_27 = arith.mulf %slice3A_25, %slice3A_26 : vector<1x512xf32>
    %add3A_28 = arith.addf %add3A_24, %mul3A_27 : vector<1x512xf32>
    %add3A_29 = vector.broadcast %add3A_28 : vector<1x512xf32> to vector<2048x512xf32>
    %add3A_30 = vector.broadcast %add3A_17 : vector<2048x1xf32> to vector<2048x512xf32>
    %add3A_31 = arith.addf %add3A_29, %add3A_30 : vector<2048x512xf32>
    %mul3A_32 = arith.constant 2.000000e+00 : f32
    %mul3A_33 = vector.broadcast %mul3A_32 : f32 to vector<2048x512xf32>
    %mul3A_34 = arith.mulf %mul3A_33, %dot_general3A_9 : vector<2048x512xf32>
    %sub3A = arith.subf %add3A_31, %mul3A_34 : vector<2048x512xf32>
    %max3A = arith.constant 0.000000e+00 : f32
    %max3A_35 = vector.broadcast %max3A : f32 to vector<2048x512xf32>
    %max3A_36 = arith.maximumf %sub3A, %max3A_35 : vector<2048x512xf32>
    %iota3A = tpu.iota {dimensions = array<i32: 0>} : vector<2048x512xi32>
    %bitcast_convert_type3A = tpu.bitcast %max3A_36 : vector<2048x512xf32> -> vector<2048x512xi32>
    %and3A = arith.constant -2048 : i32
    %and3A_37 = vector.broadcast %and3A : i32 to vector<2048x512xi32>
    %and3A_38 = arith.andi %bitcast_convert_type3A, %and3A_37 : vector<2048x512xi32>
    %or3A = arith.ori %and3A_38, %iota3A : vector<2048x512xi32>
    %reduce_min3A = arith.constant dense<2147483647> : vector<512xi32>
    %reduce_min3A_39 = vector.multi_reduction <minsi>, %or3A, %reduce_min3A [0] : vector<2048x512xi32> to vector<512xi32>
    %broadcast_in_dim3A = vector.shape_cast %reduce_min3A_39 : vector<512xi32> to vector<1x512xi32>
    %eq3A_40 = vector.broadcast %broadcast_in_dim3A : vector<1x512xi32> to vector<2048x512xi32>
    %eq3A_41 = arith.cmpi eq, %or3A, %eq3A_40 : vector<2048x512xi32>
    %jit3A = arith.constant 2147483647 : i32
    %broadcast_in_dim3A_42 = vector.broadcast %jit3A : i32 to vector<2048x512xi32>
    %select_n3A = arith.select %eq3A_41, %broadcast_in_dim3A_42, %or3A : vector<2048x512xi1>, vector<2048x512xi32>
    %reduce_min3A_43 = arith.constant dense<2147483647> : vector<512xi32>
    %reduce_min3A_44 = vector.multi_reduction <minsi>, %select_n3A, %reduce_min3A_43 [0] : vector<2048x512xi32> to vector<512xi32>
    %broadcast_in_dim3A_45 = vector.shape_cast %reduce_min3A_44 : vector<512xi32> to vector<1x512xi32>
    %eq3A_46 = vector.broadcast %broadcast_in_dim3A_45 : vector<1x512xi32> to vector<2048x512xi32>
    %eq3A_47 = arith.cmpi eq, %select_n3A, %eq3A_46 : vector<2048x512xi32>
    %jit3A_48 = arith.constant 2147483647 : i32
    %broadcast_in_dim3A_49 = vector.broadcast %jit3A_48 : i32 to vector<2048x512xi32>
    %select_n3A_50 = arith.select %eq3A_47, %broadcast_in_dim3A_49, %select_n3A : vector<2048x512xi1>, vector<2048x512xi32>
    %reduce_min3A_51 = arith.constant dense<2147483647> : vector<512xi32>
    %reduce_min3A_52 = vector.multi_reduction <minsi>, %select_n3A_50, %reduce_min3A_51 [0] : vector<2048x512xi32> to vector<512xi32>
    %broadcast_in_dim3A_53 = vector.shape_cast %reduce_min3A_52 : vector<512xi32> to vector<1x512xi32>
    %and3A_54 = arith.constant 2047 : i32
    %and3A_55 = vector.broadcast %and3A_54 : i32 to vector<1x512xi32>
    %and3A_56 = arith.andi %broadcast_in_dim3A, %and3A_55 : vector<1x512xi32>
    %and3A_57 = arith.constant 2047 : i32
    %and3A_58 = vector.broadcast %and3A_57 : i32 to vector<1x512xi32>
    %and3A_59 = arith.andi %broadcast_in_dim3A_45, %and3A_58 : vector<1x512xi32>
    %and3A_60 = arith.constant 2047 : i32
    %and3A_61 = vector.broadcast %and3A_60 : i32 to vector<1x512xi32>
    %and3A_62 = arith.andi %broadcast_in_dim3A_53, %and3A_61 : vector<1x512xi32>
    %not3A = arith.constant 2047 : i32
    %not3A_63 = arith.constant -1 : i32
    %not3A_64 = arith.xori %not3A, %not3A_63 : i32
    %and3A_65 = vector.broadcast %not3A_64 : i32 to vector<1x512xi32>
    %and3A_66 = arith.andi %broadcast_in_dim3A, %and3A_65 : vector<1x512xi32>
    %bitcast_convert_type3A_67 = tpu.bitcast %and3A_66 : vector<1x512xi32> -> vector<1x512xf32>
    %not3A_68 = arith.constant 2047 : i32
    %not3A_69 = arith.constant -1 : i32
    %not3A_70 = arith.xori %not3A_68, %not3A_69 : i32
    %and3A_71 = vector.broadcast %not3A_70 : i32 to vector<1x512xi32>
    %and3A_72 = arith.andi %broadcast_in_dim3A_45, %and3A_71 : vector<1x512xi32>
    %bitcast_convert_type3A_73 = tpu.bitcast %and3A_72 : vector<1x512xi32> -> vector<1x512xf32>
    %not3A_74 = arith.constant 2047 : i32
    %not3A_75 = arith.constant -1 : i32
    %not3A_76 = arith.xori %not3A_74, %not3A_75 : i32
    %and3A_77 = vector.broadcast %not3A_76 : i32 to vector<1x512xi32>
    %and3A_78 = arith.andi %broadcast_in_dim3A_53, %and3A_77 : vector<1x512xi32>
    %bitcast_convert_type3A_79 = tpu.bitcast %and3A_78 : vector<1x512xi32> -> vector<1x512xf32>
    %add3A_80 = arith.constant 9.99999993E-9 : f32
    %add3A_81 = vector.broadcast %add3A_80 : f32 to vector<1x512xf32>
    %add3A_82 = arith.addf %bitcast_convert_type3A_67, %add3A_81 : vector<1x512xf32>
    %div3A = arith.constant 1.000000e+00 : f32
    %div3A_83 = vector.broadcast %div3A : f32 to vector<1x512xf32>
    %div3A_84 = arith.divf %div3A_83, %add3A_82 : vector<1x512xf32>
    %add3A_85 = arith.constant 9.99999993E-9 : f32
    %add3A_86 = vector.broadcast %add3A_85 : f32 to vector<1x512xf32>
    %add3A_87 = arith.addf %bitcast_convert_type3A_73, %add3A_86 : vector<1x512xf32>
    %div3A_88 = arith.constant 1.000000e+00 : f32
    %div3A_89 = vector.broadcast %div3A_88 : f32 to vector<1x512xf32>
    %div3A_90 = arith.divf %div3A_89, %add3A_87 : vector<1x512xf32>
    %add3A_91 = arith.constant 9.99999993E-9 : f32
    %add3A_92 = vector.broadcast %add3A_91 : f32 to vector<1x512xf32>
    %add3A_93 = arith.addf %bitcast_convert_type3A_79, %add3A_92 : vector<1x512xf32>
    %div3A_94 = arith.constant 1.000000e+00 : f32
    %div3A_95 = vector.broadcast %div3A_94 : f32 to vector<1x512xf32>
    %div3A_96 = arith.divf %div3A_95, %add3A_93 : vector<1x512xf32>
    %add3A_97 = arith.addf %div3A_84, %div3A_90 : vector<1x512xf32>
    %add3A_98 = arith.addf %add3A_97, %div3A_96 : vector<1x512xf32>
    %div3A_99 = arith.divf %div3A_84, %add3A_98 : vector<1x512xf32>
    %swap3A = arith.constant 0 : index
    %swap3A_100 = arith.constant 0 : index
    %swap3A_101 = vector.load %arg5[%swap3A, %swap3A_100] : memref<8x512xf32, #tpu.memory_space<vmem>>, vector<1x512xf32>
    tpu.vector_store %arg5[%swap3A, %swap3A_100], %div3A_99 {strides = array<i32>} : memref<8x512xf32, #tpu.memory_space<vmem>>, vector<1x512xf32>,
    %div3A_102 = arith.divf %div3A_90, %add3A_98 : vector<1x512xf32>
    %swap3A_103 = arith.constant 1 : index
    %swap3A_104 = arith.constant 0 : index
    %swap3A_105 = vector.load %arg5[%swap3A_103, %swap3A_104] : memref<8x512xf32, #tpu.memory_space<vmem>>, vector<1x512xf32>
    tpu.vector_store %arg5[%swap3A_103, %swap3A_104], %div3A_102 {strides = array<i32>} : memref<8x512xf32, #tpu.memory_space<vmem>>, vector<1x512xf32>,
    %div3A_106 = arith.divf %div3A_96, %add3A_98 : vector<1x512xf32>
    %swap3A_107 = arith.constant 2 : index
    %swap3A_108 = arith.constant 0 : index
    %swap3A_109 = vector.load %arg5[%swap3A_107, %swap3A_108] : memref<8x512xf32, #tpu.memory_space<vmem>>, vector<1x512xf32>
    tpu.vector_store %arg5[%swap3A_107, %swap3A_108], %div3A_106 {strides = array<i32>} : memref<8x512xf32, #tpu.memory_space<vmem>>, vector<1x512xf32>,
    %broadcast_in_dim3A_110 = arith.constant 0.000000e+00 : f32
    %broadcast_in_dim3A_111 = vector.broadcast %broadcast_in_dim3A_110 : f32 to vector<5x512xf32>
    %swap3A_112 = arith.constant 3 : index
    %swap3A_113 = arith.constant 0 : index
    %swap3A_114 = vector.load %arg5[%swap3A_112, %swap3A_113] : memref<8x512xf32, #tpu.memory_space<vmem>>, vector<5x512xf32>
    tpu.vector_store %arg5[%swap3A_112, %swap3A_113], %broadcast_in_dim3A_111 {strides = array<i32>} : memref<8x512xf32, #tpu.memory_space<vmem>>, vector<5x512xf32>,
    %swap3A_115 = arith.constant 0 : index
    %swap3A_116 = arith.constant 0 : index
    %swap3A_117 = vector.load %arg6[%swap3A_115, %swap3A_116] : memref<8x512xi32, #tpu.memory_space<vmem>>, vector<1x512xi32>
    tpu.vector_store %arg6[%swap3A_115, %swap3A_116], %and3A_56 {strides = array<i32>} : memref<8x512xi32, #tpu.memory_space<vmem>>, vector<1x512xi32>,
    %swap3A_118 = arith.constant 1 : index
    %swap3A_119 = arith.constant 0 : index
    %swap3A_120 = vector.load %arg6[%swap3A_118, %swap3A_119] : memref<8x512xi32, #tpu.memory_space<vmem>>, vector<1x512xi32>
    tpu.vector_store %arg6[%swap3A_118, %swap3A_119], %and3A_59 {strides = array<i32>} : memref<8x512xi32, #tpu.memory_space<vmem>>, vector<1x512xi32>,
    %swap3A_121 = arith.constant 2 : index
    %swap3A_122 = arith.constant 0 : index
    %swap3A_123 = vector.load %arg6[%swap3A_121, %swap3A_122] : memref<8x512xi32, #tpu.memory_space<vmem>>, vector<1x512xi32>
    tpu.vector_store %arg6[%swap3A_121, %swap3A_122], %and3A_62 {strides = array<i32>} : memref<8x512xi32, #tpu.memory_space<vmem>>, vector<1x512xi32>,
    %broadcast_in_dim3A_124 = arith.constant 0 : i32
    %broadcast_in_dim3A_125 = vector.broadcast %broadcast_in_dim3A_124 : i32 to vector<5x512xi32>
    %swap3A_126 = arith.constant 3 : index
    %swap3A_127 = arith.constant 0 : index
    %swap3A_128 = vector.load %arg6[%swap3A_126, %swap3A_127] : memref<8x512xi32, #tpu.memory_space<vmem>>, vector<5x512xi32>
    tpu.vector_store %arg6[%swap3A_126, %swap3A_127], %broadcast_in_dim3A_125 {strides = array<i32>} : memref<8x512xi32, #tpu.memory_space<vmem>>, vector<5x512xi32>,
    return
  }
  func.func @transform_0(%arg0: i32) -> (i32, i32) {
    %c0_i32 = arith.constant 0 : i32
    %c0_i32_0 = arith.constant 0 : i32
    %c0_i32_1 = arith.constant 0 : i32
    return %c0_i32, %c0_i32_0 : i32, i32
  }
  func.func @transform_1(%arg0: i32) -> (i32, i32) {
    %c0_i32 = arith.constant 0 : i32
    %c0_i32_0 = arith.constant 0 : i32
    return %c0_i32, %arg0 : i32, i32
  }
  func.func @transform_2(%arg0: i32) -> (i32, i32) {
    %c0_i32 = arith.constant 0 : i32
    %c0_i32_0 = arith.constant 0 : i32
    %c0_i32_1 = arith.constant 0 : i32
    return %c0_i32, %c0_i32_0 : i32, i32
  }
  func.func @transform_3(%arg0: i32) -> (i32, i32) {
    %c0_i32 = arith.constant 0 : i32
    %c0_i32_0 = arith.constant 0 : i32
    %c0_i32_1 = arith.constant 0 : i32
    return %c0_i32, %c0_i32_0 : i32, i32
  }
  func.func @transform_4(%arg0: i32) -> (i32, i32) {
    %c0_i32 = arith.constant 0 : i32
    %c0_i32_0 = arith.constant 0 : i32
    return %c0_i32, %arg0 : i32, i32
  }
  func.func @transform_5(%arg0: i32) -> (i32, i32) {
    %c0_i32 = arith.constant 0 : i32
    %c0_i32_0 = arith.constant 0 : i32
    return %c0_i32, %arg0 : i32, i32
  }
  func.func @transform_6(%arg0: i32) -> (i32, i32) {
    %c0_i32 = arith.constant 0 : i32
    %c0_i32_0 = arith.constant 0 : i32
    %c0_i32_1 = arith.constant 0 : i32
    return %c0_i32, %c0_i32_0 : i32, i32
  }
}

module attributes {stable_mosaic.version = 14 : i64} {
  func.func @_mlp_from_y(%arg0: i32, %arg1: i32, %arg2: memref<1x512x128xf32, #tpu.memory_space<vmem>>, %arg3: memref<1x64x512xf32, #tpu.memory_space<vmem>>, %arg4: memref<128x192xf32, #tpu.memory_space<vmem>>, %arg5: memref<1x128x512xf32, #tpu.memory_space<vmem>>, %arg6: memref<128x8xf32, #tpu.memory_space<vmem>>) attributes {dimension_semantics = [#tpu.dimension_semantics<arbitrary>, #tpu.dimension_semantics<arbitrary>], iteration_bounds = array<i64: 4, 16>, scalar_prefetch = 0 : i64, scratch_operands = 0 : i64, tpu.core_type = #tpu.core_type<tc>, window_params = [{transform_indices = @transform_0, window_bounds = array<i64: 1, 512, 128>}, {transform_indices = @transform_1, window_bounds = array<i64: 1, 64, 512>}, {pipeline_mode = #tpu.pipeline_mode<synchronous>, transform_indices = @transform_2, window_bounds = array<i64: 128, 192>}, {transform_indices = @transform_3, window_bounds = array<i64: 1, 128, 512>}, {pipeline_mode = #tpu.pipeline_mode<synchronous>, transform_indices = @transform_4, window_bounds = array<i64: 128, 8>}]} {
    %eq3A = arith.constant 0 : i32
    %eq3A_0 = arith.cmpi eq, %arg0, %eq3A : i32
    %eq3A_1 = arith.constant 0 : i32
    %eq3A_2 = arith.cmpi eq, %arg1, %eq3A_1 : i32
    %and3A = arith.andi %eq3A_0, %eq3A_2 : i1
    %convert_element_type3A = arith.extui %and3A : i1 to i32
    %cond3A = arith.constant 0 : i32
    %cond3A_3 = arith.cmpi ne, %convert_element_type3A, %cond3A : i32
    scf.if %cond3A_3 {
      %broadcast_in_dim3A_42 = arith.constant 0.000000e+00 : f32
      %broadcast_in_dim3A_43 = vector.broadcast %broadcast_in_dim3A_42 : f32 to vector<128x8xf32>
      %swap3A_44 = arith.constant 0 : index
      %swap3A_45 = arith.constant 0 : index
      %swap3A_46 = vector.load %arg6[%swap3A_44, %swap3A_45] : memref<128x8xf32, #tpu.memory_space<vmem>>, vector<128x8xf32>
      tpu.vector_store %arg6[%swap3A_44, %swap3A_45], %broadcast_in_dim3A_43 {strides = array<i32>} : memref<128x8xf32, #tpu.memory_space<vmem>>, vector<128x8xf32>,
    } else {
    }
    %get3A = arith.constant 0 : index
    %get3A_4 = arith.constant 0 : index
    %get3A_5 = arith.constant 0 : index
    %get3A_6 = vector.load %arg2[%get3A, %get3A_4, %get3A_5] : memref<1x512x128xf32, #tpu.memory_space<vmem>>, vector<1x512x128xf32>
    %get3A_7 = vector.shape_cast %get3A_6 : vector<1x512x128xf32> to vector<512x128xf32>
    %transpose3A = tpu.transpose %get3A_7, [1, 0] : vector<512x128xf32> -> vector<128x512xf32>
    %get3A_8 = arith.constant 0 : index
    %get3A_9 = arith.constant 128 : index
    %get3A_10 = vector.load %arg4[%get3A_8, %get3A_9] : memref<128x192xf32, #tpu.memory_space<vmem>>, vector<128x64xf32>
    %convert_element_type3A_11 = arith.truncf %get3A_10 : vector<128x64xf32> to vector<128x64xbf16>
    %get3A_12 = arith.constant 0 : index
    %get3A_13 = arith.constant 0 : index
    %get3A_14 = arith.constant 0 : index
    %get3A_15 = vector.load %arg3[%get3A_12, %get3A_13, %get3A_14] : memref<1x64x512xf32, #tpu.memory_space<vmem>>, vector<1x64x512xf32>
    %get3A_16 = vector.shape_cast %get3A_15 : vector<1x64x512xf32> to vector<64x512xf32>
    %convert_element_type3A_17 = arith.truncf %get3A_16 : vector<64x512xf32> to vector<64x512xbf16>
    %dot_general3A = arith.constant dense<0.000000e+00> : vector<128x512xf32>
    %dot_general3A_18 = tpu.matmul %convert_element_type3A_11, %convert_element_type3A_17, %dot_general3A {dimension_numbers = #tpu.dot_dimension_numbers<[1], [0], [0], [1], [0, 0, 1, 1], [], []>, transpose_lhs_hint = false} : vector<128x64xbf16>, vector<64x512xbf16>, vector<128x512xf32> -> vector<128x512xf32>
    %add3A = arith.addf %transpose3A, %dot_general3A_18 : vector<128x512xf32>
    %swap3A = arith.constant 0 : index
    %swap3A_19 = arith.constant 0 : index
    %swap3A_20 = arith.constant 0 : index
    %swap3A_21 = vector.load %arg5[%swap3A, %swap3A_19, %swap3A_20] : memref<1x128x512xf32, #tpu.memory_space<vmem>>, vector<1x128x512xf32>
    %swap3A_22 = vector.shape_cast %swap3A_21 : vector<1x128x512xf32> to vector<128x512xf32>
    %swap3A_23 = vector.shape_cast %add3A : vector<128x512xf32> to vector<1x128x512xf32>
    tpu.vector_store %arg5[%swap3A, %swap3A_19, %swap3A_20], %swap3A_23 {strides = array<i32>} : memref<1x128x512xf32, #tpu.memory_space<vmem>>, vector<1x128x512xf32>,
    %get3A_24 = arith.constant 0 : index
    %get3A_25 = arith.constant 0 : index
    %get3A_26 = vector.load %arg6[%get3A_24, %get3A_25] : memref<128x8xf32, #tpu.memory_space<vmem>>, vector<128x1xf32>
    %reduce_sum3A = arith.constant dense<0.000000e+00> : vector<128xf32>
    %reduce_sum3A_27 = vector.multi_reduction <add>, %add3A, %reduce_sum3A [1] : vector<128x512xf32> to vector<128xf32>
    %broadcast_in_dim3A = vector.shape_cast %reduce_sum3A_27 : vector<128xf32> to vector<128x1xf32>
    %add3A_28 = arith.addf %get3A_26, %broadcast_in_dim3A : vector<128x1xf32>
    %swap3A_29 = arith.constant 0 : index
    %swap3A_30 = arith.constant 0 : index
    %swap3A_31 = vector.load %arg6[%swap3A_29, %swap3A_30] : memref<128x8xf32, #tpu.memory_space<vmem>>, vector<128x1xf32>
    tpu.vector_store %arg6[%swap3A_29, %swap3A_30], %add3A_28 {strides = array<i32>} : memref<128x8xf32, #tpu.memory_space<vmem>>, vector<128x1xf32>,
    %get3A_32 = arith.constant 0 : index
    %get3A_33 = arith.constant 1 : index
    %get3A_34 = vector.load %arg6[%get3A_32, %get3A_33] : memref<128x8xf32, #tpu.memory_space<vmem>>, vector<128x1xf32>
    %mul3A = arith.mulf %add3A, %add3A : vector<128x512xf32>
    %reduce_sum3A_35 = arith.constant dense<0.000000e+00> : vector<128xf32>
    %reduce_sum3A_36 = vector.multi_reduction <add>, %mul3A, %reduce_sum3A_35 [1] : vector<128x512xf32> to vector<128xf32>
    %broadcast_in_dim3A_37 = vector.shape_cast %reduce_sum3A_36 : vector<128xf32> to vector<128x1xf32>
    %add3A_38 = arith.addf %get3A_34, %broadcast_in_dim3A_37 : vector<128x1xf32>
    %swap3A_39 = arith.constant 0 : index
    %swap3A_40 = arith.constant 1 : index
    %swap3A_41 = vector.load %arg6[%swap3A_39, %swap3A_40] : memref<128x8xf32, #tpu.memory_space<vmem>>, vector<128x1xf32>
    tpu.vector_store %arg6[%swap3A_39, %swap3A_40], %add3A_38 {strides = array<i32>} : memref<128x8xf32, #tpu.memory_space<vmem>>, vector<128x1xf32>,
    return
  }
  func.func @transform_0(%arg0: i32, %arg1: i32) -> (i32, i32, i32) {
    %c0_i32 = arith.constant 0 : i32
    %c0_i32_0 = arith.constant 0 : i32
    return %arg0, %arg1, %c0_i32 : i32, i32, i32
  }
  func.func @transform_1(%arg0: i32, %arg1: i32) -> (i32, i32, i32) {
    %c0_i32 = arith.constant 0 : i32
    %c0_i32_0 = arith.constant 0 : i32
    return %arg0, %c0_i32, %arg1 : i32, i32, i32
  }
  func.func @transform_2(%arg0: i32, %arg1: i32) -> (i32, i32) {
    %c0_i32 = arith.constant 0 : i32
    %c0_i32_0 = arith.constant 0 : i32
    %c0_i32_1 = arith.constant 0 : i32
    return %c0_i32, %c0_i32_0 : i32, i32
  }
  func.func @transform_3(%arg0: i32, %arg1: i32) -> (i32, i32, i32) {
    %c0_i32 = arith.constant 0 : i32
    %c0_i32_0 = arith.constant 0 : i32
    return %arg0, %c0_i32, %arg1 : i32, i32, i32
  }
  func.func @transform_4(%arg0: i32, %arg1: i32) -> (i32, i32) {
    %c0_i32 = arith.constant 0 : i32
    %c0_i32_0 = arith.constant 0 : i32
    %c0_i32_1 = arith.constant 0 : i32
    return %c0_i32, %c0_i32_0 : i32, i32
  }
}

module attributes {stable_mosaic.version = 14 : i64} {
  func.func @_fp_norm(%arg0: i32, %arg1: i32, %arg2: memref<1x128x1024xf32, #tpu.memory_space<vmem>>, %arg3: memref<128x8xf32, #tpu.memory_space<vmem>>, %arg4: memref<128x1xf32, #tpu.memory_space<vmem>>, %arg5: memref<128x1xf32, #tpu.memory_space<vmem>>, %arg6: memref<1x128x1024xf32, #tpu.memory_space<vmem>>) attributes {dimension_semantics = [#tpu.dimension_semantics<arbitrary>, #tpu.dimension_semantics<arbitrary>], iteration_bounds = array<i64: 4, 8>, scalar_prefetch = 0 : i64, scratch_operands = 0 : i64, tpu.core_type = #tpu.core_type<tc>, window_params = [{transform_indices = @transform_0, window_bounds = array<i64: 1, 128, 1024>}, {pipeline_mode = #tpu.pipeline_mode<synchronous>, transform_indices = @transform_1, window_bounds = array<i64: 128, 8>}, {pipeline_mode = #tpu.pipeline_mode<synchronous>, transform_indices = @transform_2, window_bounds = array<i64: 128, 1>}, {pipeline_mode = #tpu.pipeline_mode<synchronous>, transform_indices = @transform_3, window_bounds = array<i64: 128, 1>}, {transform_indices = @transform_4, window_bounds = array<i64: 1, 128, 1024>}]} {
    %get3A = arith.constant 0 : index
    %get3A_0 = arith.constant 0 : index
    %get3A_1 = vector.load %arg3[%get3A, %get3A_0] : memref<128x8xf32, #tpu.memory_space<vmem>>, vector<128x1xf32>
    %div3A = arith.constant 3.276800e+04 : f32
    %div3A_2 = vector.broadcast %div3A : f32 to vector<128x1xf32>
    %div3A_3 = arith.divf %get3A_1, %div3A_2 : vector<128x1xf32>
    %get3A_4 = arith.constant 0 : index
    %get3A_5 = arith.constant 1 : index
    %get3A_6 = vector.load %arg3[%get3A_4, %get3A_5] : memref<128x8xf32, #tpu.memory_space<vmem>>, vector<128x1xf32>
    %div3A_7 = arith.constant 3.276800e+04 : f32
    %div3A_8 = vector.broadcast %div3A_7 : f32 to vector<128x1xf32>
    %div3A_9 = arith.divf %get3A_6, %div3A_8 : vector<128x1xf32>
    %mul3A = arith.mulf %div3A_3, %div3A_3 : vector<128x1xf32>
    %sub3A = arith.subf %div3A_9, %mul3A : vector<128x1xf32>
    %add3A = arith.constant 9.99999974E-6 : f32
    %add3A_10 = vector.broadcast %add3A : f32 to vector<128x1xf32>
    %add3A_11 = arith.addf %sub3A, %add3A_10 : vector<128x1xf32>
    %rsqrt3A = math.rsqrt %add3A_11 : vector<128x1xf32>
    %get3A_12 = arith.constant 0 : index
    %get3A_13 = arith.constant 0 : index
    %get3A_14 = vector.load %arg4[%get3A_12, %get3A_13] : memref<128x1xf32, #tpu.memory_space<vmem>>, vector<128x1xf32>
    %mul3A_15 = arith.mulf %get3A_14, %rsqrt3A : vector<128x1xf32>
    %get3A_16 = arith.constant 0 : index
    %get3A_17 = arith.constant 0 : index
    %get3A_18 = vector.load %arg5[%get3A_16, %get3A_17] : memref<128x1xf32, #tpu.memory_space<vmem>>, vector<128x1xf32>
    %mul3A_19 = arith.mulf %div3A_3, %mul3A_15 : vector<128x1xf32>
    %sub3A_20 = arith.subf %get3A_18, %mul3A_19 : vector<128x1xf32>
    %get3A_21 = arith.constant 0 : index
    %get3A_22 = arith.constant 0 : index
    %get3A_23 = arith.constant 0 : index
    %get3A_24 = vector.load %arg2[%get3A_21, %get3A_22, %get3A_23] : memref<1x128x1024xf32, #tpu.memory_space<vmem>>, vector<1x128x1024xf32>
    %get3A_25 = vector.shape_cast %get3A_24 : vector<1x128x1024xf32> to vector<128x1024xf32>
    %mul3A_26 = vector.broadcast %mul3A_15 : vector<128x1xf32> to vector<128x1024xf32>
    %mul3A_27 = arith.mulf %get3A_25, %mul3A_26 : vector<128x1024xf32>
    %add3A_28 = vector.broadcast %sub3A_20 : vector<128x1xf32> to vector<128x1024xf32>
    %add3A_29 = arith.addf %mul3A_27, %add3A_28 : vector<128x1024xf32>
    %max3A = arith.constant 0.000000e+00 : f32
    %max3A_30 = vector.broadcast %max3A : f32 to vector<128x1024xf32>
    %max3A_31 = arith.maximumf %add3A_29, %max3A_30 : vector<128x1024xf32>
    %swap3A = arith.constant 0 : index
    %swap3A_32 = arith.constant 0 : index
    %swap3A_33 = arith.constant 0 : index
    %swap3A_34 = vector.load %arg6[%swap3A, %swap3A_32, %swap3A_33] : memref<1x128x1024xf32, #tpu.memory_space<vmem>>, vector<1x128x1024xf32>
    %swap3A_35 = vector.shape_cast %swap3A_34 : vector<1x128x1024xf32> to vector<128x1024xf32>
    %swap3A_36 = vector.shape_cast %max3A_31 : vector<128x1024xf32> to vector<1x128x1024xf32>
    tpu.vector_store %arg6[%swap3A, %swap3A_32, %swap3A_33], %swap3A_36 {strides = array<i32>} : memref<1x128x1024xf32, #tpu.memory_space<vmem>>, vector<1x128x1024xf32>,
    return
  }
  func.func @transform_0(%arg0: i32, %arg1: i32) -> (i32, i32, i32) {
    %c0_i32 = arith.constant 0 : i32
    %c0_i32_0 = arith.constant 0 : i32
    return %arg0, %c0_i32, %arg1 : i32, i32, i32
  }
  func.func @transform_1(%arg0: i32, %arg1: i32) -> (i32, i32) {
    %c0_i32 = arith.constant 0 : i32
    %c0_i32_0 = arith.constant 0 : i32
    %c0_i32_1 = arith.constant 0 : i32
    return %c0_i32, %c0_i32_0 : i32, i32
  }
  func.func @transform_2(%arg0: i32, %arg1: i32) -> (i32, i32) {
    %c0_i32 = arith.constant 0 : i32
    %c0_i32_0 = arith.constant 0 : i32
    %c0_i32_1 = arith.constant 0 : i32
    return %c0_i32, %c0_i32_0 : i32, i32
  }
  func.func @transform_3(%arg0: i32, %arg1: i32) -> (i32, i32) {
    %c0_i32 = arith.constant 0 : i32
    %c0_i32_0 = arith.constant 0 : i32
    %c0_i32_1 = arith.constant 0 : i32
    return %c0_i32, %c0_i32_0 : i32, i32
  }
  func.func @transform_4(%arg0: i32, %arg1: i32) -> (i32, i32, i32) {
    %c0_i32 = arith.constant 0 : i32
    %c0_i32_0 = arith.constant 0 : i32
    return %arg0, %c0_i32, %arg1 : i32, i32, i32
  }
}

</mosaic_0001>

<sc_bundles>
// kernel: kernel.12.cloned.1.call-start
scs
__scs_entry_jumppad:
0x0: {  	(pc) =	sbr.rel $0x88, $3  }
0x1: {  	(tag) =	ssettag $0x0;
	lr =	simm.s32 $0x1  }
0x2: {  	[smem:$0x3F9A] =	sst lr;
	_ =	strace $0xD0000000  }
0x3: {  	_ = 	snop  }
0x4: {  	_ = 	snop  }
0x5: {  	_ = 	snop  }
0x6: {  	_ = 	snop  }
0x7: {  	_ = 	snop  }
__scs_overlays_trampoline_lowered:
0x8: {  	[smem:$0x3FA9] =	sst s0  }
0x9: {  	[smem:$0x3FAA] =	sst s1  }
0xa: {  	[smem:$0x3FAB] =	sst s2  }
0xb: {  	[smem:$0x3FAC] =	sst s3  }
0xc: {  	[smem:$0x3FAD] =	sst s4  }
0xd: {  	[smem:$0x3FAE] =	sst s5  }
0xe: {  	[smem:$0x3FAF] =	sst s6  }
0xf: {  	[smem:$0x3FB0] =	sst s7  }
0x10: {  	[smem:$0x3FB1] =	sst s8  }
0x11: {  	[smem:$0x3FB2] =	sst s9;
	s0 =	simm.s32 @!p0 $0x0  }
0x12: {  	s1 =	sld [smem:$0x3F98];
	s0 =	simm.s32 @p0 $0x1  }
0x13: {  	[smem:$0x3FB3] =	sst s0;
	s0 =	simm.s32 @!p1 $0x0  }
0x14: {  	s2 =	sld [smem:$0x3F97];
	s0 =	simm.s32 @p1 $0x1  }
0x15: {  	[smem:$0x3FB4] =	sst s0;
	s0 =	simm.s32 @!p2 $0x0  }
0x16: {  	s3 =	sld [smem:$0x3FDB];
	s0 =	simm.s32 @p2 $0x1  }
0x17: {  	s4 =	simm.s32 $0x1BF5;
	[smem:$0x3FB6] =	sst s0  }
0x18: {  	s0 =	sld [smem:$0x3F99];
	_ =	swait.ge [sflag:s4], $0x0  }
0x19: {  	s7 =	sld [smem:$0x3F9A]  }
0x1a: {  	s8 =	sadd.s32 $0xFFFFE003, lr  }
0x1b: {  	s9 =	sadd.s32 $0xFFFFFEF7, lr;
	s5 =	simm.s32 $0xFFFFFFFF;
	p2 =	slt.u32 s8, $0xFFFFF086  }
0x1c: {  	p1 =	slt.u32 s9, $0xF7A;
	s5 =	simm.s32 @!p2 $0x0  }
0x1d: {  	s5 =	simm.s32 @p1 $0x1;
	p0 =	seq.s32 s7, s2  }
0x1e: {  	s7 =	smul.u32 @!p0 $0xF7A, s2;
	p2 =	seq.s32 @!p0 s5, $0x0  }
0x1f: {  	s9 =	smul.u32 $0xF7A, s1;
	s8 =	simm.s32 @!p0 $0x1BF5;
	p2 =	por !p2, p0  }
0x20: {  	[sflag:s8] =	ssyncset.s32 @!p0 $0xFFFFF086;
	s6 =	sadd.s32 @!p0 s3, s7;
	s7 =	simm.s32 @!p0 $0x108  }
0x21: {  	s3 =	sadd.s32 s3, s9;
	s6 =	sadd.s32 @!p0 $0x88, s6;
	s7 =	simm.s32 @p2 $0x1082  }
0x22: {  	[simem:s7], [sflag:s8] =	dma.local @!p0 [hbm:s6], $0xF7A  }
0x23: {  	s9 =	sor.u32 $0xD0000000, s2;
	s6 =	simm.s32 $0x108;
	_ =	swait.ge @!p0 [sflag:s8], $0x0  }
0x24: {  	s3 =	sadd.s32 $0x88, s3;
	s6 =	simm.s32 @!p1 $0x1082;
	[sflag:s4] =	ssyncset.s32 $0xFFFFF086  }
0x25: {  	[simem:s6], [sflag:s4] =	dma.local [hbm:s3], $0xF7A  }
0x26: {  	[smem:$0x3F9A] =	sst s1;
	(tag) =	ssettag s2;
	_ =	strace s9  }
0x27: {  	s1 =	sld [smem:$0x3FAA]  }
0x28: {  	s2 =	sld [smem:$0x3FAB]  }
0x29: {  	s4 =	sld [smem:$0x3FAD]  }
0x2a: {  	p0 =	seq.s32 s5, $0x0;
	s5 =	sld [smem:$0x3FAE]  }
0x2b: {  	s6 =	sld [smem:$0x3FAF]  }
0x2c: {  	s7 =	sld [smem:$0x3FB0]  }
0x2d: {  	s3 =	simm.s32 $0x108;
	s8 =	sld [smem:$0x3FB1]  }
0x2e: {  	s3 =	simm.s32 @!p0 $0x1082;
	s9 =	sld [smem:$0x3FB2]  }
0x2f: {  	lr =	sadd.s32 s0, s3;
	s0 =	sld [smem:$0x3FA9]  }
0x30: {  	s3 =	sld [smem:$0x3FAC]  }
0x31: {  	[smem:$0x3FB5] =	sst s10  }
0x32: {  	s10 =	sld [smem:$0x3FB3];
	_ =	sdelay $0x3  }
0x33: {  	p0 =	seq.s32 s10, $0x1;
	s10 =	sld [smem:$0x3FB5];
	_ =	sdelay $0x3  }
0x34: {  	[smem:$0x3FB5] =	sst s10  }
0x35: {  	s10 =	sld [smem:$0x3FB4];
	_ =	sdelay $0x3  }
0x36: {  	p1 =	seq.s32 s10, $0x1;
	s10 =	sld [smem:$0x3FB5];
	_ =	sdelay $0x3  }
0x37: {  	[smem:$0x3FB5] =	sst s10  }
0x38: {  	s10 =	sld [smem:$0x3FB6]  }
0x39: {  	_ = 	snop;
	(pc) =	sbr.ind lr, $3  }
0x3a: {  	_ = 	snop  }
0x3b: {  	_ = 	snop  }
0x3c: {  	p2 =	seq.s32 s10, $0x1;
	s10 =	sld [smem:$0x3FB5]  }
0x3d: {  	_ =	shalt  }
0x3e: {  	_ =	shalt  }
0x3f: {  	_ =	shalt  }
0x40: {  	_ =	shalt  }
0x41: {  	_ =	shalt  }
0x42: {  	_ =	shalt  }
0x43: {  	_ =	shalt  }
0x44: {  	_ =	shalt  }
0x45: {  	_ =	shalt  }
0x46: {  	_ =	shalt  }
0x47: {  	_ =	shalt  }
0x48: {  	_ =	shalt  }
0x49: {  	_ =	shalt  }
0x4a: {  	_ =	shalt  }
0x4b: {  	_ =	shalt  }
0x4c: {  	_ =	shalt  }
0x4d: {  	_ =	shalt  }
0x4e: {  	_ =	shalt  }
0x4f: {  	_ =	shalt  }
0x50: {  	_ =	shalt  }
0x51: {  	_ =	shalt  }
0x52: {  	_ =	shalt  }
0x53: {  	_ =	shalt  }
0x54: {  	_ =	shalt  }
0x55: {  	_ =	shalt  }
0x56: {  	_ =	shalt  }
0x57: {  	_ =	shalt  }
0x58: {  	_ =	shalt  }
0x59: {  	_ =	shalt  }
0x5a: {  	_ =	shalt  }
0x5b: {  	_ =	shalt  }
0x5c: {  	_ =	shalt  }
0x5d: {  	_ =	shalt  }
0x5e: {  	_ =	shalt  }
0x5f: {  	_ =	shalt  }
0x60: {  	_ =	shalt  }
0x61: {  	_ =	shalt  }
0x62: {  	_ =	shalt  }
0x63: {  	_ =	shalt  }
0x64: {  	_ =	shalt  }
0x65: {  	_ =	shalt  }
0x66: {  	_ =	shalt  }
0x67: {  	_ =	shalt  }
0x68: {  	_ =	shalt  }
0x69: {  	_ =	shalt  }
0x6a: {  	_ =	shalt  }
0x6b: {  	_ =	shalt  }
0x6c: {  	_ =	shalt  }
0x6d: {  	_ =	shalt  }
0x6e: {  	_ =	shalt  }
0x6f: {  	_ =	shalt  }
0x70: {  	_ =	shalt  }
0x71: {  	_ =	shalt  }
0x72: {  	_ =	shalt  }
0x73: {  	_ =	shalt  }
0x74: {  	_ =	shalt  }
0x75: {  	_ =	shalt  }
0x76: {  	_ =	shalt  }
0x77: {  	_ =	shalt  }
0x78: {  	_ =	shalt  }
0x79: {  	_ =	shalt  }
0x7a: {  	_ =	shalt  }
0x7b: {  	_ =	shalt  }
0x7c: {  	_ =	shalt  }
0x7d: {  	_ =	shalt  }
0x7e: {  	_ =	shalt  }
0x7f: {  	_ =	shalt  }
0x80: {  	_ =	shalt  }
0x81: {  	_ =	shalt  }
0x82: {  	_ =	shalt  }
0x83: {  	_ =	shalt  }
0x84: {  	_ =	shalt  }
0x85: {  	_ =	shalt  }
0x86: {  	_ =	shalt  }
0x87: {  	_ =	shalt  }
.Lfunc_end0:
.L_simem_size_0:
called_computation_lowered:
.L_overlay_start_0:
0x88: {  	s2 =	sld [smem:$0x3FD9]  }
0x89: {  	s3 =	sld [smem:$0x3FFE];
	_ =	sdelay $0x1  }
0x8a: {  	s1 =	srdreg.scid  }
0x8b: {  	s0 =	sand.u32 $0x1, s1  }
0x8c: {  	s16 =	sshll.u32 s0, $0xA;
	s2 =	sadd.s32 s3, s2  }
0x8d: {  	s2 =	sadd.s32 s2, s16  }
0x8e: {  	[smem:$0x3FC1] =	sst s2  }
0x8f: {  	_ = 	snop  }
0x90: {  	(tm) =	ssettm $0x1  }
0x91: {  	s17 =	sld [smem:$0x3FFB];
	_ =	sdelay $0x3  }
0x92: {  	_ =	strace s17  }
0x93: {  	s2 =	sld [smem:$0x3FFC];
	_ =	sdelay $0x3  }
0x94: {  	_ =	strace s2  }
0x95: {  	s2 =	sld [smem:$0x3FFD];
	_ =	sdelay $0x3  }
0x96: {  	_ =	strace s2  }
0x97: {  	_ =	strace $0x8FFFFFFF  }
0x98: {  	s18 =	sld [smem:$0x3FDB];
	_ =	sdelay $0x1  }
0x99: {  	s19 =	simm.s32 $_scs_section_size  }
0x9a: {  	s4 =	simm.s32 $_size__tile_overlayer_lowered;
	s5 =	simm.s32 $_tile_overlayer_lowered  }
0x9b: {  	s22 =	simm.s32 $0x1BFF;
	s21 =	sshll.u32 s5, $0x1;
	s2 =	sadd.s32 s19, s18  }
0x9c: {  	s6 =	simm.s32 $0x0;
	s20 =	sshll.u32 s4, $0x1;
	s4 =	sadd.s32 s21, s2  }
0x9d: {  	[timem:s6], [sflag:s22] =	dma.local [hbm:s4], s20  }
0x9e: {  	_ =	swait.ge [sflag:s22], s20  }
0x9f: {  	s3 =	ssub.s32 $0x0, s20;
	[sflag:s22] =	ssyncset.done $0x0  }
0xa0: {  	[sflag:s22] =	ssyncadd.s32 s3;
	_ =	sdelay $0x1  }
0xa1: {  	s23 =	simm.s32 $0x1B8B  }
0xa2: {  	_ =	swait.ge [sflag:s23], $0x1  }
0xa3: {  	[sflag:s23] =	ssyncset.done $0x0  }
0xa4: {  	s25 =	simm.s32 $0x1B8E;
	s24 =	sld [smem:$0x3FFE];
	[sflag:s23] =	ssyncadd.s32 $0xFFFFFFFF  }
0xa5: {  	s26 =	simm.s32 $execute0_lowered;
	[smem:$0x3FD2] =	sst s25  }
0xa6: {  	s4 =	sshll.u32 s26, $0x1;
	_ =	strace $0x80000046;
	[dreg:$0x1] =	wrdreg $0xFFFFFFFF  }
0xa7: {  	s28 =	simm.s32 $_size_execute0_lowered;
	s2 =	sadd.s32 s2, s4;
	[dreg:$0x0] =	wrdreg $0x0  }
0xa8: {  	s4 =	sshll.u32 s28, $0x1;
	[dreg:$0x2] =	wrdreg s2  }
0xa9: {  	[dreg:$0x3] =	wrdreg s4  }
0xaa: {  	[dreg:$0x4] =	wrdreg $0xC0  }
0xab: {  	_ =	task [dreg:s6], $0x5FFFF  }
0xac: {  	[dreg:$0x1] =	wrdreg $0xFFFFFFFF  }
0xad: {  	[dreg:$0x0] =	wrdreg $0x60  }
0xae: {  	[dreg:$0x2] =	wrdreg s24  }
0xaf: {  	[dreg:$0x3] =	wrdreg $0x9  }
0xb0: {  	_ =	task.clear_ibuf [dreg:s6], $0x4FFFF;
	_ =	strace $0x90000046  }
0xb1: {  	s29 =	simm.s32 $0x9;
	_ =	strace $0x80000048  }
0xb2: {  	_ =	swait.ge [sflag:s29], $0x1  }
0xb3: {  	[sflag:s29] =	ssyncadd.s32 $0xFFFFFFFF  }
0xb4: {  	_ =	strace $0x90000048  }
0xb5: {  	_ =	sfence  }
0xb6: {  	s30 =	sld [smem:$0x0];
	_ =	sdelay $0x2  }
0xb7: {  	s31 =	sshll.u32 s1, $0xD;
	s1 =	sshrl.u32 s1, $0x2  }
0xb8: {  	s3 =	sand.u32 $0x4000, s31;
	s1 =	sadd.s32 s1, s30  }
0xb9: {  	s0 =	sor.u32 s3, s0;
	s1 =	sshll.u32 s1, $0x11  }
0xba: {  	s0 =	sor.u32 s1, s0  }
0xbb: {  	s0 =	sadd.s32 $0x8F2B, s0  }
0xbc: {  	[sflag:s0] =	ssyncadd.remote.s32 $0x1  }
0xbd: {  	_ =	sfence.sel $0xFFFF  }
0xbe: {  	[dreg:$0x0] =	wrdreg $0xFFFFFFFF;
	(pc) =	sbr.abs _section_cstart, $3  }
0xbf: {  	[dreg:$0x1] =	wrdreg $0xFFFFFFFF  }
0xc0: {  	_ =	task.clear_ibuf [dreg:s6], $0x2FFFF;
	_ =	strace $0x9FFFFFFF  }
0xc1: {  	(tm) =	ssettm $0x7FFFFFFF  }
tec
execute0_lowered:
.L_overlay_start_1:
0x0: {  	(tag) =	ssettag $0x1  }
0x1: {  	s0 =	rddreg [dreg:$0x0]  }
0x2: {  	s2 =	simm.s32 $0x0;
	s1 =	srdreg.scid;
	s3 =	stileid.u32  }
0x3: {  	s15 =	simm.s32 $0x3;
	s16 =	simm.s32 $0x80;
	s18 =	simm.s32 $0x100  }
0x4: {  	s20 =	simm.s32 $0x200;
	s23 =	simm.s32 $0xC700;
	s24 =	simm.s32 $0x180  }
0x5: {  	s28 =	simm.s32 $0x14700;
	s29 =	simm.s32 $0x1;
	s30 =	simm.s32 $0x18700  }
0x6: {  	s31 =	simm.s32 $0x2;
	[smem:$0x7FF] =	sst s2;
	s1 =	sand.u32 $0x1, s1  }
0x7: {  	s4 =	sshll.u32 s3, $0x1;
	s3 =	sadd.s32 $0x3A00, s0;
	s9 =	sadd.s32 $0xC600, s0  }
0x8: {  	s8 =	sadd.s32 $0xBA00, s0;
	s0 =	sadd.s32 $0xD200, s0;
	s11 =	sor.u32 s1, s4  }
0x9: {  	_ =	strace $0x80000047;
	s1 =	ssub.s32 $0x2, s1;
	s4 =	sshll.u32 s11, $0x8  }
0xa: {  	s5 =	smul.u32 $0x60, s11;
	s25 =	sshrl.u32 s1, $0x1;
	s6 =	sshll.u32 s11, $0x5  }
0xb: {  	s26 =	sshll.u32 s11, $0xC;
	s12 =	sor.u32 $0x80, s4;
	s1 =	ssub.s32 s1, s25  }
0xc: {  	s25 =	simm.s32 $0x10700;
	s7 =	smul.u32 $0x3, s12;
	s4 =	sadd.s32 s8, s5  }
0xd: {  	s5 =	sadd.s32 s9, s6;
	s13 =	sshrl.u32 s12, $0x3;
	s14 =	sshll.u32 s12, $0x4  }
0xe: {  	s12 =	sadd.s32 s0, s26;
	s26 =	simm.s32 $0x280;
	s6 =	sadd.s32 $0x400, s5  }
0xf: {  	s9 =	sadd.s32 s9, s13;
	s11 =	sadd.s32 $0x810, s5;
	s13 =	sadd.s32 s0, s14  }
0x10: {  	s14 =	smax.u32 s1, $0x1;
	s0 =	simm.s32 $0x0;
	s10 =	sshrl.u32 s7, $0x3  }
0x11: {  	s7 =	sadd.s32 $0x800, s5;
	s8 =	sadd.s32 s8, s10;
	s10 =	sadd.s32 $0x410, s5  }
.LBB2_1:
0x12: {  	s17 =	simm.s32 $0x300  }
0x13: {  	[tilespmem:s17], [sflag:$0x3] =	stream.linear.gather [hbm4b:s4+s2], $0x180, $0x38;
	[tilespmem:$0x1C700] =	vst v63  }
0x14: {  	_ =	swait.ge [sflag:s15], $0x180  }
0x15: {  	[sflag:s15] =	ssyncset.done $0x0  }
0x16: {  	[sflag:s15] =	ssyncadd.s32 $0xFFFFFE80  }
0x17: {  	[tilespmem:s2], [sflag:$0x3] =	stream.linear.gather [hbm4b:s5+s2], $0x80, $0x38;
	[tilespmem:$0x1C700] =	vst v63  }
0x18: {  	_ =	swait.ge [sflag:s15], $0x80  }
0x19: {  	[sflag:s15] =	ssyncset.done $0x0  }
0x1a: {  	s1 =	simm.s32 $0x700;
	[sflag:s15] =	ssyncadd.s32 $0xFFFFFF80  }
0x1b: {  	[tilespmem:s1], [sflag:$0x1] =	stream.indirect.gather [hbm4b:s3+s16], $0x80, s2, s16, $0xb8;
	[tilespmem:$0x1C700] =	vst v63  }
0x1c: {  	_ = 	snop  }
0x1d: {  	[tilespmem:s18], [sflag:$0x3] =	stream.linear.gather [hbm4b:s6+s2], $0x80, $0x38;
	[tilespmem:$0x1C700] =	vst v63  }
0x1e: {  	_ =	swait.ge [sflag:s15], $0x80  }
0x1f: {  	[sflag:s15] =	ssyncset.done $0x0  }
0x20: {  	s19 =	simm.s32 $0x4700;
	[sflag:s15] =	ssyncadd.s32 $0xFFFFFF80  }
0x21: {  	[tilespmem:s19], [sflag:$0x1] =	stream.indirect.gather [hbm4b:s3+s16], $0x80, s18, s16, $0xb8;
	[tilespmem:$0x1C700] =	vst v63  }
0x22: {  	_ = 	snop  }
0x23: {  	[tilespmem:s20], [sflag:$0x3] =	stream.linear.gather [hbm4b:s7+s2], $0x80, $0x38;
	[tilespmem:$0x1C700] =	vst v63  }
0x24: {  	_ =	swait.ge [sflag:s15], $0x80  }
0x25: {  	[sflag:s15] =	ssyncset.done $0x0  }
0x26: {  	s21 =	simm.s32 $0x8700;
	[sflag:s15] =	ssyncadd.s32 $0xFFFFFF80  }
0x27: {  	[tilespmem:s21], [sflag:$0x1] =	stream.indirect.gather [hbm4b:s3+s16], $0x80, s20, s16, $0xb8;
	[tilespmem:$0x1C700] =	vst v63  }
0x28: {  	s22 =	simm.s32 $0x500  }
0x29: {  	[tilespmem:s22], [sflag:$0x3] =	stream.linear.gather [hbm4b:s8+s2], $0x180, $0x38;
	[tilespmem:$0x1C700] =	vst v63  }
0x2a: {  	_ =	swait.ge [sflag:s15], $0x180  }
0x2b: {  	[sflag:s15] =	ssyncset.done $0x0  }
0x2c: {  	[sflag:s15] =	ssyncadd.s32 $0xFFFFFE80  }
0x2d: {  	[tilespmem:s16], [sflag:$0x3] =	stream.linear.gather [hbm4b:s9+s2], $0x80, $0x38;
	[tilespmem:$0x1C700] =	vst v63  }
0x2e: {  	_ =	swait.ge [sflag:s15], $0x80  }
0x2f: {  	[sflag:s15] =	ssyncset.done $0x0  }
0x30: {  	[sflag:s15] =	ssyncadd.s32 $0xFFFFFF80  }
0x31: {  	[tilespmem:s23], [sflag:$0x2] =	stream.indirect.gather [hbm4b:s3+s16], $0x80, s16, s16, $0xb8;
	[tilespmem:$0x1C700] =	vst v63  }
0x32: {  	_ = 	snop  }
0x33: {  	[tilespmem:s24], [sflag:$0x3] =	stream.linear.gather [hbm4b:s10+s2], $0x80, $0x38;
	[tilespmem:$0x1C700] =	vst v63  }
0x34: {  	_ =	swait.ge [sflag:s15], $0x80  }
0x35: {  	[sflag:s15] =	ssyncset.done $0x0  }
0x36: {  	[sflag:s15] =	ssyncadd.s32 $0xFFFFFF80  }
0x37: {  	[tilespmem:s25], [sflag:$0x2] =	stream.indirect.gather [hbm4b:s3+s16], $0x80, s24, s16, $0xb8;
	[tilespmem:$0x1C700] =	vst v63  }
0x38: {  	_ = 	snop  }
0x39: {  	[tilespmem:s26], [sflag:$0x3] =	stream.linear.gather [hbm4b:s11+s2], $0x80, $0x38;
	[tilespmem:$0x1C700] =	vst v63  }
0x3a: {  	_ =	swait.ge [sflag:s15], $0x80  }
0x3b: {  	[sflag:s15] =	ssyncset.done $0x0  }
0x3c: {  	[sflag:s15] =	ssyncadd.s32 $0xFFFFFF80  }
0x3d: {  	[tilespmem:s28], [sflag:$0x2] =	stream.indirect.gather [hbm4b:s3+s16], $0x80, s26, s16, $0xb8;
	[tilespmem:$0x1C700] =	vst v63  }
0x3e: {  	_ =	swait.ge [sflag:s29], $0x4000  }
0x3f: {  	[sflag:s29] =	ssyncset.done $0x0  }
0x40: {  	[sflag:s29] =	ssyncadd.s32 $0xFFFFC000  }
0x41: {  	_ =	swait.ge [sflag:s29], $0x4000  }
0x42: {  	[sflag:s29] =	ssyncset.done $0x0  }
0x43: {  	[sflag:s29] =	ssyncadd.s32 $0xFFFFC000  }
0x44: {  	_ =	swait.ge [sflag:s29], $0x4000  }
0x45: {  	[sflag:s29] =	ssyncset.done $0x0  }
0x46: {  	s1 =	simm.s32 $0x0;
	[sflag:s29] =	ssyncadd.s32 $0xFFFFC000  }
0x47: {  	v4 =	vld [tilespmem:s1+$0x700]  }
0x48: {  	v5 =	vld [tilespmem:s1+$0x4700]  }
0x49: {  	v8 =	vld [tilespmem:s1+$0x710]  }
0x4a: {  	v10 =	vld [tilespmem:s1+$0x4710]  }
0x4b: {  	v12 =	vld [tilespmem:s1+$0x720]  }
0x4c: {  	v7 =	vld [tilespmem:s1+$0x8730]  }
0x4d: {  	v2 =	vld [tilespmem:s1+$0x8740]  }
0x4e: {  	v11 =	vld [tilespmem:s1+$0x8770]  }
0x4f: {  	v0 =	vld [tilespmem:s1+$0x8750]  }
0x50: {  	v3 =	vld [tilespmem:s1+$0x8760]  }
0x51: {  	v6 =	vld [tilespmem:s1+$0x4740]  }
0x52: {  	v1 =	vld [tilespmem:s1+$0x4750]  }
0x53: {  	v15 =	vld [tilespmem:s1+$0x4760]  }
0x54: {  	v14 =	vld [tilespmem:s1+$0x8710]  }
0x55: {  	v9 =	vld [tilespmem:s1+$0x8700]  }
0x56: {  	v19 =	vld [tilespmem:s1+$0x4770]  }
0x57: {  	v17 =	vld [tilespmem:s1+$0x740]  }
0x58: {  	v20 =	vld [tilespmem:s1+$0x760]  }
0x59: {  	v25 =	vld [tilespmem:s17+$0x0]  }
0x5a: {  	v23 =	vld [tilespmem:s1+$0x770]  }
0x5b: {  	v21 =	vld [tilespmem:s1+$0x730]  }
0x5c: {  	v16 =	vld [tilespmem:s1+$0x4720]  }
0x5d: {  	v22 =	vld [tilespmem:s1+$0x750]  }
0x5e: {  	s19 =	simm.s32 $0x200;
	v24 =	vld [tilespmem:s1+$0x4730];
	v18 =	vbroadcast v25, $0x0;
	v13 =	vbroadcast v25, $0x2  }
.LBB2_2:
0x5f: {  	s22 =	smov.u32 s19  }
0x60: {  	s21 =	sshra.s32 s19, $0x2;
	v25 =	vbroadcast v25, $0x1;
	v26 =	vld [tilespmem:s1+$0x8720];
	s17 =	sadd.s32 $0x3, s17;
	s22 =	sadd.s32 $0x200, s19  }
0x61: {  	p0 =	sne.s32 s19, $0xFE00;
	v28 =	vmul.f32 v12, v18;
	v23 =	vmul.f32 v23, v18;
	v27 =	vld [tilespmem:s21+$0x700]  }
0x62: {  	v21 =	vmul.f32 v21, v18;
	v20 =	vmul.f32 v20, v18;
	v29 =	vld [tilespmem:s21+$0x4700]  }
0x63: {  	v19 =	vmul.f32 v19, v25;
	v22 =	vmul.f32 v22, v18;
	v30 =	vld [tilespmem:s21+$0x710]  }
0x64: {  	v32 =	vmul.f32 v11, v13;
	v24 =	vmul.f32 v24, v25;
	v31 =	vld [tilespmem:s21+$0x4710]  }
0x65: {  	v33 =	vmul.f32 v7, v13;
	v17 =	vmul.f32 v17, v18;
	v19 =	vadd.f32 v19, v23;
	v12 =	vld [tilespmem:s21+$0x720]  }
0x66: {  	v35 =	vmul.f32 v8, v18;
	v23 =	vmul.f32 v26, v13;
	v7 =	vld [tilespmem:s21+$0x8730]  }
0x67: {  	v34 =	vmul.f32 v5, v25;
	v10 =	vmul.f32 v10, v25;
	v21 =	vadd.f32 v24, v21;
	v26 =	vld [tilespmem:s21+$0x8740];
	v5 =	vmovc v29  }
0x68: {  	v15 =	vmul.f32 v15, v25;
	v18 =	vmul.f32 v18, v4;
	v19 =	vadd.f32 v32, v19;
	v4 =	vmovc v27;
	v11 =	vld [tilespmem:s21+$0x8770]  }
0x69: {  	v14 =	vmul.f32 v14, v13;
	v27 =	vmul.f32 v6, v25;
	v29 =	vadd.f32 v10, v35;
	v8 =	vmovc v30;
	v24 =	vld [tilespmem:s21+$0x8750]  }
0x6a: {  	v15 =	vadd.f32 v15, v20;
	v20 =	vmul.f32 v3, v13;
	v21 =	vadd.f32 v33, v21;
	v3 =	vld [tilespmem:s21+$0x8760];
	[tilespmem:s1+$0x18770] =	vst v19  }
0x6b: {  	v9 =	vmul.f32 v9, v13;
	v16 =	vmul.f32 v16, v25;
	v14 =	vadd.f32 v14, v29;
	v10 =	vmovc v31;
	v6 =	vld [tilespmem:s21+$0x4740]  }
0x6c: {  	v18 =	vadd.f32 v34, v18;
	v20 =	vadd.f32 v20, v15;
	v19 =	vmul.f32 v1, v25;
	[tilespmem:s1+$0x18730] =	vst v21;
	v1 =	vld [tilespmem:s21+$0x4750]  }
0x6d: {  	v16 =	vadd.f32 v16, v28;
	v17 =	vadd.f32 v27, v17;
	v25 =	vmul.f32 v2, v13;
	v15 =	vld [tilespmem:s21+$0x4760];
	[tilespmem:s1+$0x18710] =	vst v14  }
0x6e: {  	v18 =	vadd.f32 v9, v18;
	v13 =	vmul.f32 v0, v13;
	v21 =	vadd.f32 v19, v22;
	v14 =	vld [tilespmem:s21+$0x8710];
	[tilespmem:s1+$0x18760] =	vst v20  }
0x6f: {  	v16 =	vadd.f32 v23, v16;
	v2 =	vmovc v26;
	v20 =	vadd.f32 v25, v17;
	v0 =	vmov v24;
	v9 =	vld [tilespmem:s21+$0x8700]  }
0x70: {  	v13 =	vadd.f32 v13, v21;
	v19 =	vld [tilespmem:s21+$0x4770];
	[tilespmem:s1+$0x18700] =	vst v18  }
0x71: {  	v17 =	vld [tilespmem:s21+$0x740];
	[tilespmem:s1+$0x18740] =	vst v20  }
0x72: {  	v20 =	vld [tilespmem:s21+$0x760];
	[tilespmem:s1+$0x18750] =	vst v13  }
0x73: {  	[tilespmem:s1+$0x18720] =	vst v16;
	s1 =	smov.u32 s21  }
0x74: {  	v25 =	vld [tilespmem:s17+$0x0]  }
.Ltmp0:
0x75: {  	v23 =	vld [tilespmem:s1+$0x770];
	(pc) =	sbr.rel @p0 .LBB2_2-.Ltmp0, $4  }
0x76: {  	v21 =	vld [tilespmem:s1+$0x730]  }
0x77: {  	v16 =	vld [tilespmem:s1+$0x4720]  }
0x78: {  	v22 =	vld [tilespmem:s1+$0x750]  }
0x79: {  	s19 =	smov.u32 s22;
	v18 =	vbroadcast v25, $0x0;
	v13 =	vbroadcast v25, $0x2;
	v24 =	vld [tilespmem:s1+$0x4730]  }
0x7a: {  	v25 =	vbroadcast v25, $0x1  }
0x7b: {  	v12 =	vmul.f32 v12, v18;
	v23 =	vmul.f32 v23, v18  }
0x7c: {  	v21 =	vmul.f32 v21, v18;
	v20 =	vmul.f32 v20, v18  }
0x7d: {  	v11 =	vmul.f32 v11, v13;
	v7 =	vmul.f32 v7, v13  }
0x7e: {  	v17 =	vmul.f32 v17, v18;
	v8 =	vmul.f32 v8, v18  }
0x7f: {  	v4 =	vmul.f32 v18, v4;
	v3 =	vmul.f32 v3, v13  }
0x80: {  	v9 =	vmul.f32 v9, v13;
	v19 =	vmul.f32 v19, v25  }
0x81: {  	v2 =	vmul.f32 v2, v13;
	v10 =	vmul.f32 v10, v25  }
0x82: {  	v5 =	vmul.f32 v5, v25;
	v15 =	vmul.f32 v15, v25;
	v19 =	vadd.f32 v19, v23  }
0x83: {  	v24 =	vmul.f32 v24, v25;
	v8 =	vadd.f32 v10, v8;
	v10 =	vmul.f32 v14, v13  }
0x84: {  	v6 =	vmul.f32 v6, v25;
	v14 =	vld [tilespmem:s1+$0x8720];
	v15 =	vadd.f32 v15, v20;
	v11 =	vadd.f32 v11, v19  }
0x85: {  	v1 =	vmul.f32 v1, v25;
	v21 =	vadd.f32 v24, v21;
	v8 =	vadd.f32 v10, v8  }
0x86: {  	v22 =	vmul.f32 v22, v18;
	v4 =	vadd.f32 v5, v4;
	v3 =	vadd.f32 v3, v15;
	[tilespmem:s1+$0x18770] =	vst v11  }
0x87: {  	v5 =	vadd.f32 v6, v17;
	v10 =	vmul.f32 v16, v25;
	v7 =	vadd.f32 v7, v21;
	[tilespmem:s1+$0x18710] =	vst v8  }
0x88: {  	v0 =	vmul.f32 v0, v13;
	v1 =	vadd.f32 v1, v22;
	v4 =	vadd.f32 v9, v4;
	[tilespmem:s1+$0x18760] =	vst v3  }
0x89: {  	v2 =	vadd.f32 v2, v5;
	v6 =	vmul.f32 v14, v13;
	[tilespmem:s1+$0x18730] =	vst v7;
	v7 =	vadd.f32 v10, v12  }
0x8a: {  	v0 =	vadd.f32 v0, v1;
	[tilespmem:s1+$0x18700] =	vst v4  }
0x8b: {  	[tilespmem:s1+$0x18740] =	vst v2;
	v1 =	vadd.f32 v6, v7  }
0x8c: {  	[tilespmem:s1+$0x18750] =	vst v0  }
0x8d: {  	s22 =	simm.s32 $0x0;
	[tilespmem:s1+$0x18720] =	vst v1  }
0x8e: {  	[hbm4b:s12+s22] =	stream.linear.scatter [tilespmem:s30], [sflag:$0x3], $0x4000, $0x38;
	[tilespmem:$0x1C700] =	vst v63  }
0x8f: {  	_ =	swait.ge [sflag:s15], $0x4000  }
0x90: {  	[sflag:s15] =	ssyncset.done $0x0  }
0x91: {  	[sflag:s15] =	ssyncadd.s32 $0xFFFFC000  }
0x92: {  	_ =	swait.ge [sflag:s31], $0x4000  }
0x93: {  	[sflag:s31] =	ssyncset.done $0x0  }
0x94: {  	[sflag:s31] =	ssyncadd.s32 $0xFFFFC000  }
0x95: {  	_ =	swait.ge [sflag:s31], $0x4000  }
0x96: {  	[sflag:s31] =	ssyncset.done $0x0  }
0x97: {  	[sflag:s31] =	ssyncadd.s32 $0xFFFFC000  }
0x98: {  	_ =	swait.ge [sflag:s31], $0x4000  }
0x99: {  	[sflag:s31] =	ssyncset.done $0x0  }
0x9a: {  	s1 =	simm.s32 $0x0;
	[sflag:s31] =	ssyncadd.s32 $0xFFFFC000  }
0x9b: {  	v4 =	vld [tilespmem:s1+$0xC700]  }
0x9c: {  	v5 =	vld [tilespmem:s1+$0x10700]  }
0x9d: {  	v8 =	vld [tilespmem:s1+$0xC710]  }
0x9e: {  	v10 =	vld [tilespmem:s1+$0x10710]  }
0x9f: {  	v12 =	vld [tilespmem:s1+$0xC720]  }
0xa0: {  	v7 =	vld [tilespmem:s1+$0x14730]  }
0xa1: {  	v2 =	vld [tilespmem:s1+$0x14740]  }
0xa2: {  	v11 =	vld [tilespmem:s1+$0x14770]  }
0xa3: {  	v0 =	vld [tilespmem:s1+$0x14750]  }
0xa4: {  	v3 =	vld [tilespmem:s1+$0x14760]  }
0xa5: {  	v6 =	vld [tilespmem:s1+$0x10740]  }
0xa6: {  	v1 =	vld [tilespmem:s1+$0x10750]  }
0xa7: {  	v15 =	vld [tilespmem:s1+$0x10760]  }
0xa8: {  	v14 =	vld [tilespmem:s1+$0x14710]  }
0xa9: {  	v9 =	vld [tilespmem:s1+$0x14700]  }
0xaa: {  	v18 =	vld [tilespmem:s1+$0x10770]  }
0xab: {  	v17 =	vld [tilespmem:s1+$0xC740]  }
0xac: {  	s17 =	simm.s32 $0x500;
	v20 =	vld [tilespmem:s1+$0xC760]  }
0xad: {  	v25 =	vld [tilespmem:s17+$0x0]  }
0xae: {  	v23 =	vld [tilespmem:s1+$0xC770]  }
0xaf: {  	v21 =	vld [tilespmem:s1+$0xC730]  }
0xb0: {  	v16 =	vld [tilespmem:s1+$0x10720]  }
0xb1: {  	v22 =	vld [tilespmem:s1+$0xC750]  }
0xb2: {  	s22 =	simm.s32 $0x200;
	v24 =	vld [tilespmem:s1+$0x10730];
	v19 =	vbroadcast v25, $0x0;
	v13 =	vbroadcast v25, $0x2  }
.LBB2_4:
0xb3: {  	s19 =	smov.u32 s22  }
0xb4: {  	s21 =	sshra.s32 s22, $0x2;
	v25 =	vbroadcast v25, $0x1;
	v26 =	vld [tilespmem:s1+$0x14720];
	s17 =	sadd.s32 $0x3, s17;
	s19 =	sadd.s32 $0x200, s22  }
0xb5: {  	p0 =	sne.s32 s22, $0xFE00;
	v28 =	vmul.f32 v12, v19;
	v23 =	vmul.f32 v23, v19;
	v27 =	vld [tilespmem:s21+$0xC700]  }
0xb6: {  	v21 =	vmul.f32 v21, v19;
	v20 =	vmul.f32 v20, v19;
	v29 =	vld [tilespmem:s21+$0x10700]  }
0xb7: {  	v18 =	vmul.f32 v18, v25;
	v22 =	vmul.f32 v22, v19;
	v30 =	vld [tilespmem:s21+$0xC710]  }
0xb8: {  	v32 =	vmul.f32 v11, v13;
	v24 =	vmul.f32 v24, v25;
	v31 =	vld [tilespmem:s21+$0x10710]  }
0xb9: {  	v33 =	vmul.f32 v7, v13;
	v17 =	vmul.f32 v17, v19;
	v18 =	vadd.f32 v18, v23;
	v12 =	vld [tilespmem:s21+$0xC720]  }
0xba: {  	v35 =	vmul.f32 v8, v19;
	v23 =	vmul.f32 v26, v13;
	v7 =	vld [tilespmem:s21+$0x14730]  }
0xbb: {  	v34 =	vmul.f32 v5, v25;
	v10 =	vmul.f32 v10, v25;
	v21 =	vadd.f32 v24, v21;
	v26 =	vld [tilespmem:s21+$0x14740];
	v5 =	vmovc v29  }
0xbc: {  	v15 =	vmul.f32 v15, v25;
	v19 =	vmul.f32 v19, v4;
	v18 =	vadd.f32 v32, v18;
	v4 =	vmovc v27;
	v11 =	vld [tilespmem:s21+$0x14770]  }
0xbd: {  	v14 =	vmul.f32 v14, v13;
	v27 =	vmul.f32 v6, v25;
	v29 =	vadd.f32 v10, v35;
	v8 =	vmovc v30;
	v24 =	vld [tilespmem:s21+$0x14750]  }
0xbe: {  	v15 =	vadd.f32 v15, v20;
	v20 =	vmul.f32 v3, v13;
	v21 =	vadd.f32 v33, v21;
	v3 =	vld [tilespmem:s21+$0x14760];
	[tilespmem:s1+$0x18770] =	vst v18  }
0xbf: {  	v9 =	vmul.f32 v9, v13;
	v16 =	vmul.f32 v16, v25;
	v14 =	vadd.f32 v14, v29;
	v10 =	vmovc v31;
	v6 =	vld [tilespmem:s21+$0x10740]  }
0xc0: {  	v20 =	vadd.f32 v20, v15;
	v18 =	vadd.f32 v34, v19;
	v19 =	vmul.f32 v1, v25;
	[tilespmem:s1+$0x18730] =	vst v21;
	v1 =	vld [tilespmem:s21+$0x10750]  }
0xc1: {  	v16 =	vadd.f32 v16, v28;
	v17 =	vadd.f32 v27, v17;
	v25 =	vmul.f32 v2, v13;
	v15 =	vld [tilespmem:s21+$0x10760];
	[tilespmem:s1+$0x18710] =	vst v14  }
0xc2: {  	v13 =	vmul.f32 v0, v13;
	v21 =	vadd.f32 v9, v18;
	v19 =	vadd.f32 v19, v22;
	v14 =	vld [tilespmem:s21+$0x14710];
	[tilespmem:s1+$0x18760] =	vst v20  }
0xc3: {  	v16 =	vadd.f32 v23, v16;
	v2 =	vmovc v26;
	v20 =	vadd.f32 v25, v17;
	v0 =	vmov v24;
	v9 =	vld [tilespmem:s21+$0x14700]  }
0xc4: {  	v13 =	vadd.f32 v13, v19;
	v18 =	vld [tilespmem:s21+$0x10770];
	[tilespmem:s1+$0x18700] =	vst v21  }
0xc5: {  	v17 =	vld [tilespmem:s21+$0xC740];
	[tilespmem:s1+$0x18740] =	vst v20  }
0xc6: {  	v20 =	vld [tilespmem:s21+$0xC760];
	[tilespmem:s1+$0x18750] =	vst v13  }
0xc7: {  	[tilespmem:s1+$0x18720] =	vst v16;
	s1 =	smov.u32 s21  }
0xc8: {  	v25 =	vld [tilespmem:s17+$0x0]  }
.Ltmp1:
0xc9: {  	v23 =	vld [tilespmem:s1+$0xC770];
	(pc) =	sbr.rel @p0 .LBB2_4-.Ltmp1, $4  }
0xca: {  	v21 =	vld [tilespmem:s1+$0xC730]  }
0xcb: {  	v16 =	vld [tilespmem:s1+$0x10720]  }
0xcc: {  	v22 =	vld [tilespmem:s1+$0xC750]  }
0xcd: {  	s22 =	smov.u32 s19;
	v19 =	vbroadcast v25, $0x0;
	v13 =	vbroadcast v25, $0x2;
	v24 =	vld [tilespmem:s1+$0x10730]  }
0xce: {  	v25 =	vbroadcast v25, $0x1  }
0xcf: {  	v12 =	vmul.f32 v12, v19;
	v23 =	vmul.f32 v23, v19  }
0xd0: {  	v21 =	vmul.f32 v21, v19;
	v20 =	vmul.f32 v20, v19  }
0xd1: {  	v11 =	vmul.f32 v11, v13;
	v17 =	vmul.f32 v17, v19  }
0xd2: {  	v8 =	vmul.f32 v8, v19;
	v4 =	vmul.f32 v19, v4  }
0xd3: {  	v57 =	vmul.f32 v14, v13;
	v3 =	vmul.f32 v3, v13  }
0xd4: {  	v9 =	vmul.f32 v9, v13;
	v18 =	vmul.f32 v18, v25  }
0xd5: {  	v2 =	vmul.f32 v2, v13;
	v10 =	vmul.f32 v10, v25  }
0xd6: {  	v0 =	vmul.f32 v0, v13;
	v15 =	vmul.f32 v15, v25;
	v18 =	vadd.f32 v18, v23  }
0xd7: {  	v58 =	vld [tilespmem:s1+$0x14720];
	v5 =	vmul.f32 v5, v25;
	v6 =	vmul.f32 v6, v25;
	v8 =	vadd.f32 v10, v8  }
0xd8: {  	v1 =	vmul.f32 v1, v25;
	v15 =	vadd.f32 v15, v20;
	v11 =	vadd.f32 v11, v18  }
0xd9: {  	v22 =	vmul.f32 v22, v19;
	v4 =	vadd.f32 v5, v4;
	v8 =	vadd.f32 v57, v8  }
0xda: {  	v59 =	vmul.f32 v16, v25;
	v60 =	vadd.f32 v6, v17;
	v3 =	vadd.f32 v3, v15;
	[tilespmem:s1+$0x18770] =	vst v11  }
0xdb: {  	v24 =	vmul.f32 v24, v25;
	v1 =	vadd.f32 v1, v22;
	v4 =	vadd.f32 v9, v4;
	[tilespmem:s1+$0x18710] =	vst v8  }
0xdc: {  	v62 =	vadd.f32 v59, v12;
	v61 =	vmul.f32 v58, v13;
	v2 =	vadd.f32 v2, v60;
	[tilespmem:s1+$0x18760] =	vst v3  }
0xdd: {  	v7 =	vmul.f32 v7, v13;
	v21 =	vadd.f32 v24, v21;
	v0 =	vadd.f32 v0, v1;
	[tilespmem:s1+$0x18700] =	vst v4  }
0xde: {  	v63 =	vadd.f32 v61, v62;
	[tilespmem:s1+$0x18740] =	vst v2  }
0xdf: {  	s0 =	sadd.s32 $0x1, s0;
	v7 =	vadd.f32 v7, v21;
	[tilespmem:s1+$0x18750] =	vst v0  }
0xe0: {  	p0 =	sne.s32 s0, s14;
	[tilespmem:s1+$0x18720] =	vst v63  }
.Ltmp2:
0xe1: {  	[tilespmem:s1+$0x18730] =	vst v7;
	(pc) =	sbr.rel @p0 .LBB2_1-.Ltmp2, $4  }
0xe2: {  	[hbm4b:s13+s2] =	stream.linear.scatter [tilespmem:s30], [sflag:$0x3], $0x4000, $0x38;
	[tilespmem:$0x1C700] =	vst v63  }
0xe3: {  	_ =	swait.ge [sflag:s15], $0x4000  }
0xe4: {  	[sflag:s15] =	ssyncset.done $0x0  }
0xe5: {  	[sflag:s15] =	ssyncadd.s32 $0xFFFFC000  }
0xe6: {  	_ =	sfence.sel $0x180000  }
0xe7: {  	[bflag:$0x0] =	sbarrier.arrive $0xFFFF  }
0xe8: {  	_ =	strace $0x90000047  }
0xe9: {  	s0 =	stileid.u32;
	[bflag:$0x2] =	sbarrier.arrive $0xFFFF  }
0xea: {  	p0 =	sne.s32 s0, $0x0;
	s0 =	rddreg [dreg:$0x1]  }
0xeb: {  	s0 =	sadd.s32 @!p0 $0x100000, s0  }
0xec: {  	[sflag:s0] =	ssyncadd.tile.s32 @!p0 $0x1;
	_ =	shalt  }
.Lfunc_end2:
_tile_overlayer_lowered:
.L_overlay_start_2:
0xed: {  	(tag) =	ssettag $0x2  }
0xee: {  	s0 =	rddreg [dreg:$0x0];
	s2 =	stileid.u32  }
0xef: {  	s1 =	rddreg [dreg:$0x1];
	p0 =	sne.s32 s2, $0x0  }
0xf0: {  	s3 =	rddreg [dreg:$0x2];
	[bflag:$0x3] =	sbarrier.arrive $0xFFFF;
	s2 =	simm.s32 @!p0 $0x1C03  }
0xf1: {  	[timem:s3], [sflag:s2] =	dma.local @!p0 [hbm:s0], s1  }
0xf2: {  	s0 =	simm.s32 @!p0 $0x3  }
0xf3: {  	_ =	swait.ge @!p0 [sflag:s0], s1  }
0xf4: {  	s1 =	ssub.s32 @!p0 $0x0, s1;
	[sflag:s0] =	ssyncset.done @!p0 $0x0  }
0xf5: {  	[sflag:s0] =	ssyncadd.s32 @!p0 s1  }
0xf6: {  	[bflag:$0x3] =	sbarrier.arrive $0xFFFF  }
0xf7: {  	_ =	shalt  }

// kernel: kernel.15.cloned.1.call-start
scs
__scs_entry_jumppad:
0x0: {  	(pc) =	sbr.rel $0x88, $3  }
0x1: {  	(tag) =	ssettag $0x0;
	lr =	simm.s32 $0x1  }
0x2: {  	[smem:$0x3F9A] =	sst lr;
	_ =	strace $0xD0000000  }
0x3: {  	_ = 	snop  }
0x4: {  	_ = 	snop  }
0x5: {  	_ = 	snop  }
0x6: {  	_ = 	snop  }
0x7: {  	_ = 	snop  }
__scs_overlays_trampoline_lowered:
0x8: {  	[smem:$0x3FA9] =	sst s0  }
0x9: {  	[smem:$0x3FAA] =	sst s1  }
0xa: {  	[smem:$0x3FAB] =	sst s2  }
0xb: {  	[smem:$0x3FAC] =	sst s3  }
0xc: {  	[smem:$0x3FAD] =	sst s4  }
0xd: {  	[smem:$0x3FAE] =	sst s5  }
0xe: {  	[smem:$0x3FAF] =	sst s6  }
0xf: {  	[smem:$0x3FB0] =	sst s7  }
0x10: {  	[smem:$0x3FB1] =	sst s8  }
0x11: {  	[smem:$0x3FB2] =	sst s9;
	s0 =	simm.s32 @!p0 $0x0  }
0x12: {  	s1 =	sld [smem:$0x3F98];
	s0 =	simm.s32 @p0 $0x1  }
0x13: {  	[smem:$0x3FB3] =	sst s0;
	s0 =	simm.s32 @!p1 $0x0  }
0x14: {  	s2 =	sld [smem:$0x3F97];
	s0 =	simm.s32 @p1 $0x1  }
0x15: {  	[smem:$0x3FB4] =	sst s0;
	s0 =	simm.s32 @!p2 $0x0  }
0x16: {  	s3 =	sld [smem:$0x3FDB];
	s0 =	simm.s32 @p2 $0x1  }
0x17: {  	s4 =	simm.s32 $0x1BF5;
	[smem:$0x3FB6] =	sst s0  }
0x18: {  	s0 =	sld [smem:$0x3F99];
	_ =	swait.ge [sflag:s4], $0x0  }
0x19: {  	s7 =	sld [smem:$0x3F9A]  }
0x1a: {  	s8 =	sadd.s32 $0xFFFFE003, lr  }
0x1b: {  	s9 =	sadd.s32 $0xFFFFFEF7, lr;
	s5 =	simm.s32 $0xFFFFFFFF;
	p2 =	slt.u32 s8, $0xFFFFF086  }
0x1c: {  	p1 =	slt.u32 s9, $0xF7A;
	s5 =	simm.s32 @!p2 $0x0  }
0x1d: {  	s5 =	simm.s32 @p1 $0x1;
	p0 =	seq.s32 s7, s2  }
0x1e: {  	s7 =	smul.u32 @!p0 $0xF7A, s2;
	p2 =	seq.s32 @!p0 s5, $0x0  }
0x1f: {  	s9 =	smul.u32 $0xF7A, s1;
	s8 =	simm.s32 @!p0 $0x1BF5;
	p2 =	por !p2, p0  }
0x20: {  	[sflag:s8] =	ssyncset.s32 @!p0 $0xFFFFF086;
	s6 =	sadd.s32 @!p0 s3, s7;
	s7 =	simm.s32 @!p0 $0x108  }
0x21: {  	s3 =	sadd.s32 s3, s9;
	s6 =	sadd.s32 @!p0 $0x88, s6;
	s7 =	simm.s32 @p2 $0x1082  }
0x22: {  	[simem:s7], [sflag:s8] =	dma.local @!p0 [hbm:s6], $0xF7A  }
0x23: {  	s9 =	sor.u32 $0xD0000000, s2;
	s6 =	simm.s32 $0x108;
	_ =	swait.ge @!p0 [sflag:s8], $0x0  }
0x24: {  	s3 =	sadd.s32 $0x88, s3;
	s6 =	simm.s32 @!p1 $0x1082;
	[sflag:s4] =	ssyncset.s32 $0xFFFFF086  }
0x25: {  	[simem:s6], [sflag:s4] =	dma.local [hbm:s3], $0xF7A  }
0x26: {  	[smem:$0x3F9A] =	sst s1;
	(tag) =	ssettag s2;
	_ =	strace s9  }
0x27: {  	s1 =	sld [smem:$0x3FAA]  }
0x28: {  	s2 =	sld [smem:$0x3FAB]  }
0x29: {  	s4 =	sld [smem:$0x3FAD]  }
0x2a: {  	p0 =	seq.s32 s5, $0x0;
	s5 =	sld [smem:$0x3FAE]  }
0x2b: {  	s6 =	sld [smem:$0x3FAF]  }
0x2c: {  	s7 =	sld [smem:$0x3FB0]  }
0x2d: {  	s3 =	simm.s32 $0x108;
	s8 =	sld [smem:$0x3FB1]  }
0x2e: {  	s3 =	simm.s32 @!p0 $0x1082;
	s9 =	sld [smem:$0x3FB2]  }
0x2f: {  	lr =	sadd.s32 s0, s3;
	s0 =	sld [smem:$0x3FA9]  }
0x30: {  	s3 =	sld [smem:$0x3FAC]  }
0x31: {  	[smem:$0x3FB5] =	sst s10  }
0x32: {  	s10 =	sld [smem:$0x3FB3];
	_ =	sdelay $0x3  }
0x33: {  	p0 =	seq.s32 s10, $0x1;
	s10 =	sld [smem:$0x3FB5];
	_ =	sdelay $0x3  }
0x34: {  	[smem:$0x3FB5] =	sst s10  }
0x35: {  	s10 =	sld [smem:$0x3FB4];
	_ =	sdelay $0x3  }
0x36: {  	p1 =	seq.s32 s10, $0x1;
	s10 =	sld [smem:$0x3FB5];
	_ =	sdelay $0x3  }
0x37: {  	[smem:$0x3FB5] =	sst s10  }
0x38: {  	s10 =	sld [smem:$0x3FB6]  }
0x39: {  	_ = 	snop;
	(pc) =	sbr.ind lr, $3  }
0x3a: {  	_ = 	snop  }
0x3b: {  	_ = 	snop  }
0x3c: {  	p2 =	seq.s32 s10, $0x1;
	s10 =	sld [smem:$0x3FB5]  }
0x3d: {  	_ =	shalt  }
0x3e: {  	_ =	shalt  }
0x3f: {  	_ =	shalt  }
0x40: {  	_ =	shalt  }
0x41: {  	_ =	shalt  }
0x42: {  	_ =	shalt  }
0x43: {  	_ =	shalt  }
0x44: {  	_ =	shalt  }
0x45: {  	_ =	shalt  }
0x46: {  	_ =	shalt  }
0x47: {  	_ =	shalt  }
0x48: {  	_ =	shalt  }
0x49: {  	_ =	shalt  }
0x4a: {  	_ =	shalt  }
0x4b: {  	_ =	shalt  }
0x4c: {  	_ =	shalt  }
0x4d: {  	_ =	shalt  }
0x4e: {  	_ =	shalt  }
0x4f: {  	_ =	shalt  }
0x50: {  	_ =	shalt  }
0x51: {  	_ =	shalt  }
0x52: {  	_ =	shalt  }
0x53: {  	_ =	shalt  }
0x54: {  	_ =	shalt  }
0x55: {  	_ =	shalt  }
0x56: {  	_ =	shalt  }
0x57: {  	_ =	shalt  }
0x58: {  	_ =	shalt  }
0x59: {  	_ =	shalt  }
0x5a: {  	_ =	shalt  }
0x5b: {  	_ =	shalt  }
0x5c: {  	_ =	shalt  }
0x5d: {  	_ =	shalt  }
0x5e: {  	_ =	shalt  }
0x5f: {  	_ =	shalt  }
0x60: {  	_ =	shalt  }
0x61: {  	_ =	shalt  }
0x62: {  	_ =	shalt  }
0x63: {  	_ =	shalt  }
0x64: {  	_ =	shalt  }
0x65: {  	_ =	shalt  }
0x66: {  	_ =	shalt  }
0x67: {  	_ =	shalt  }
0x68: {  	_ =	shalt  }
0x69: {  	_ =	shalt  }
0x6a: {  	_ =	shalt  }
0x6b: {  	_ =	shalt  }
0x6c: {  	_ =	shalt  }
0x6d: {  	_ =	shalt  }
0x6e: {  	_ =	shalt  }
0x6f: {  	_ =	shalt  }
0x70: {  	_ =	shalt  }
0x71: {  	_ =	shalt  }
0x72: {  	_ =	shalt  }
0x73: {  	_ =	shalt  }
0x74: {  	_ =	shalt  }
0x75: {  	_ =	shalt  }
0x76: {  	_ =	shalt  }
0x77: {  	_ =	shalt  }
0x78: {  	_ =	shalt  }
0x79: {  	_ =	shalt  }
0x7a: {  	_ =	shalt  }
0x7b: {  	_ =	shalt  }
0x7c: {  	_ =	shalt  }
0x7d: {  	_ =	shalt  }
0x7e: {  	_ =	shalt  }
0x7f: {  	_ =	shalt  }
0x80: {  	_ =	shalt  }
0x81: {  	_ =	shalt  }
0x82: {  	_ =	shalt  }
0x83: {  	_ =	shalt  }
0x84: {  	_ =	shalt  }
0x85: {  	_ =	shalt  }
0x86: {  	_ =	shalt  }
0x87: {  	_ =	shalt  }
.Lfunc_end0:
.L_simem_size_0:
called_computation.1_lowered:
.L_overlay_start_0:
0x88: {  	s2 =	sld [smem:$0x3FD9]  }
0x89: {  	s3 =	sld [smem:$0x3FFE];
	_ =	sdelay $0x1  }
0x8a: {  	s1 =	srdreg.scid  }
0x8b: {  	s0 =	sand.u32 $0x1, s1  }
0x8c: {  	s17 =	sshll.u32 s0, $0xA;
	s2 =	sadd.s32 s3, s2  }
0x8d: {  	s2 =	sadd.s32 s2, s17  }
0x8e: {  	[smem:$0x3FC1] =	sst s2  }
0x8f: {  	_ = 	snop  }
0x90: {  	(tm) =	ssettm $0x1  }
0x91: {  	s18 =	sld [smem:$0x3FFB];
	_ =	sdelay $0x3  }
0x92: {  	_ =	strace s18  }
0x93: {  	s2 =	sld [smem:$0x3FFC];
	_ =	sdelay $0x3  }
0x94: {  	_ =	strace s2  }
0x95: {  	s2 =	sld [smem:$0x3FFD];
	_ =	sdelay $0x3  }
0x96: {  	_ =	strace s2  }
0x97: {  	_ =	strace $0x8FFFFFFF  }
0x98: {  	s19 =	sld [smem:$0x3FDB];
	_ =	sdelay $0x1  }
0x99: {  	s20 =	simm.s32 $_scs_section_size  }
0x9a: {  	s4 =	simm.s32 $_size__tile_overlayer_lowered;
	s5 =	simm.s32 $_tile_overlayer_lowered  }
0x9b: {  	s6 =	simm.s32 $0x1BFF;
	s21 =	sshll.u32 s5, $0x1;
	s3 =	sadd.s32 s20, s19  }
0x9c: {  	s22 =	simm.s32 $0x0;
	s4 =	sshll.u32 s4, $0x1;
	s5 =	sadd.s32 s21, s3  }
0x9d: {  	[timem:s22], [sflag:s6] =	dma.local [hbm:s5], s4  }
0x9e: {  	_ =	swait.ge [sflag:s6], s4  }
0x9f: {  	s4 =	ssub.s32 $0x0, s4;
	[sflag:s6] =	ssyncset.done $0x0  }
0xa0: {  	[sflag:s6] =	ssyncadd.s32 s4;
	_ =	sdelay $0x1  }
0xa1: {  	s23 =	simm.s32 $0x1B8B  }
0xa2: {  	_ =	swait.ge [sflag:s23], $0x1  }
0xa3: {  	[sflag:s23] =	ssyncset.done $0x0  }
0xa4: {  	[sflag:s23] =	ssyncadd.s32 $0xFFFFFFFF  }
0xa5: {  	s4 =	sld [smem:$0x0]  }
0xa6: {  	s5 =	sand.u32 $0xFFFFFFFE, s1  }
0xa7: {  	p0 =	sne.s32 s1, s5  }
0xa8: {  	s5 =	sshll.u32 @p0 s5, $0xE  }
0xa9: {  	s5 =	sadd.s32 @p0 $0x11B8D, s5;
	s6 =	sshll.u32 @p0 s4, $0x11  }
0xaa: {  	s5 =	sor.u32 @p0 s6, s5  }
0xab: {  	[sflag:s5] =	ssyncadd.remote.s32 @p0 $0x1;
	_ =	sdelay $0x1  }
0xac: {  	s5 =	simm.s32 @p0 $0x1B8D  }
0xad: {  	_ =	swait.eq @p0 [sflag:s5], $0x1  }
0xae: {  	[sflag:s5] =	ssyncadd.s32 @p0 $0xFFFFFFFF  }
0xaf: {  	s6 =	sshll.u32 @!p0 s1, $0xE  }
0xb0: {  	s6 =	sor.u32 @!p0 $0x4000, s6;
	s5 =	simm.s32 @!p0 $0x1B8D  }
0xb1: {  	s4 =	sshll.u32 @!p0 s4, $0x11;
	s6 =	sadd.s32 @!p0 $0x11B8D, s6;
	_ =	swait.eq @!p0 [sflag:s5], $0x1  }
0xb2: {  	s4 =	sor.u32 @!p0 s4, s6;
	[sflag:s5] =	ssyncadd.s32 @!p0 $0xFFFFFFFF  }
0xb3: {  	s25 =	simm.s32 $0x1B8E;
	s24 =	sld [smem:$0x3FFE];
	[sflag:s4] =	ssyncadd.remote.s32 @!p0 $0x1  }
0xb4: {  	s26 =	simm.s32 $execute0_lowered;
	[smem:$0x3FD2] =	sst s25  }
0xb5: {  	s5 =	sshll.u32 s26, $0x1;
	_ =	strace $0x80000049;
	[dreg:$0x1] =	wrdreg $0xFFFFFFFF  }
0xb6: {  	s28 =	simm.s32 $_size_execute0_lowered;
	s3 =	sadd.s32 s3, s5;
	[dreg:$0x0] =	wrdreg $0x0  }
0xb7: {  	s5 =	sshll.u32 s28, $0x1;
	[dreg:$0x2] =	wrdreg s3  }
0xb8: {  	[dreg:$0x3] =	wrdreg s5  }
0xb9: {  	[dreg:$0x4] =	wrdreg $0xC0  }
0xba: {  	_ =	task [dreg:s22], $0x5FFFF  }
0xbb: {  	[dreg:$0x1] =	wrdreg $0xFFFFFFFF  }
0xbc: {  	[dreg:$0x0] =	wrdreg $0x60  }
0xbd: {  	[dreg:$0x2] =	wrdreg s24  }
0xbe: {  	[dreg:$0x3] =	wrdreg $0xA  }
0xbf: {  	_ =	task.clear_ibuf [dreg:s22], $0x4FFFF;
	_ =	strace $0x90000049  }
0xc0: {  	s29 =	simm.s32 $0xA;
	_ =	strace $0x8000004B  }
0xc1: {  	_ =	swait.ge [sflag:s29], $0x1  }
0xc2: {  	[sflag:s29] =	ssyncadd.s32 $0xFFFFFFFF  }
0xc3: {  	_ =	strace $0x9000004B  }
0xc4: {  	_ =	sfence  }
0xc5: {  	s30 =	sld [smem:$0x0];
	_ =	sdelay $0x2  }
0xc6: {  	s31 =	sshll.u32 s1, $0xD;
	s1 =	sshrl.u32 s1, $0x2  }
0xc7: {  	s4 =	sand.u32 $0x4000, s31;
	s1 =	sadd.s32 s1, s30  }
0xc8: {  	s0 =	sor.u32 s4, s0;
	s1 =	sshll.u32 s1, $0x11  }
0xc9: {  	s0 =	sor.u32 s1, s0  }
0xca: {  	s0 =	sadd.s32 $0x8F2B, s0  }
0xcb: {  	[sflag:s0] =	ssyncadd.remote.s32 $0x1  }
0xcc: {  	_ =	sfence.sel $0xFFFF  }
0xcd: {  	[dreg:$0x0] =	wrdreg $0xFFFFFFFF;
	(pc) =	sbr.abs _section_cstart, $3  }
0xce: {  	[dreg:$0x1] =	wrdreg $0xFFFFFFFF  }
0xcf: {  	_ =	task.clear_ibuf [dreg:s22], $0x2FFFF;
	_ =	strace $0x9FFFFFFF  }
0xd0: {  	(tm) =	ssettm $0x7FFFFFFF  }
0xd1: {  	_ =	shalt  }
tec
execute0_lowered:
.L_overlay_start_1:
0x0: {  	(tag) =	ssettag $0x1  }
0x1: {  	s0 =	rddreg [dreg:$0x0]  }
0x2: {  	s2 =	simm.s32 $0x0;
	s1 =	srdreg.scid;
	s3 =	stileid.u32  }
0x3: {  	s15 =	simm.s32 $0x3;
	s16 =	simm.s32 $0x80;
	s18 =	simm.s32 $0x100  }
0x4: {  	s20 =	simm.s32 $0x200;
	s23 =	simm.s32 $0xC700;
	s24 =	simm.s32 $0x180  }
0x5: {  	s28 =	simm.s32 $0x14700;
	s29 =	simm.s32 $0x1;
	s30 =	simm.s32 $0x18700  }
0x6: {  	s31 =	simm.s32 $0x2;
	[smem:$0x7FF] =	sst s2;
	s1 =	sand.u32 $0x1, s1  }
0x7: {  	s4 =	sshll.u32 s3, $0x1;
	s3 =	sadd.s32 $0x2D200, s0;
	s9 =	sadd.s32 $0x35E00, s0  }
0x8: {  	s8 =	sadd.s32 $0x35200, s0;
	s0 =	sadd.s32 $0x36A00, s0;
	s11 =	sor.u32 s1, s4  }
0x9: {  	_ =	strace $0x8000004A;
	s1 =	ssub.s32 $0x2, s1;
	s4 =	sshll.u32 s11, $0x8  }
0xa: {  	s5 =	smul.u32 $0x60, s11;
	s25 =	sshrl.u32 s1, $0x1;
	s6 =	sshll.u32 s11, $0x5  }
0xb: {  	s26 =	sshll.u32 s11, $0xC;
	s12 =	sor.u32 $0x80, s4;
	s1 =	ssub.s32 s1, s25  }
0xc: {  	s25 =	simm.s32 $0x10700;
	s7 =	smul.u32 $0x3, s12;
	s4 =	sadd.s32 s8, s5  }
0xd: {  	s5 =	sadd.s32 s9, s6;
	s13 =	sshrl.u32 s12, $0x3;
	s14 =	sshll.u32 s12, $0x4  }
0xe: {  	s12 =	sadd.s32 s0, s26;
	s26 =	simm.s32 $0x280;
	s6 =	sadd.s32 $0x400, s5  }
0xf: {  	s9 =	sadd.s32 s9, s13;
	s11 =	sadd.s32 $0x810, s5;
	s13 =	sadd.s32 s0, s14  }
0x10: {  	s14 =	smax.u32 s1, $0x1;
	s0 =	simm.s32 $0x0;
	s10 =	sshrl.u32 s7, $0x3  }
0x11: {  	s7 =	sadd.s32 $0x800, s5;
	s8 =	sadd.s32 s8, s10;
	s10 =	sadd.s32 $0x410, s5  }
.LBB2_1:
0x12: {  	s17 =	simm.s32 $0x300  }
0x13: {  	[tilespmem:s17], [sflag:$0x3] =	stream.linear.gather [hbm4b:s4+s2], $0x180, $0x38;
	[tilespmem:$0x1C700] =	vst v63  }
0x14: {  	_ =	swait.ge [sflag:s15], $0x180  }
0x15: {  	[sflag:s15] =	ssyncset.done $0x0  }
0x16: {  	[sflag:s15] =	ssyncadd.s32 $0xFFFFFE80  }
0x17: {  	[tilespmem:s2], [sflag:$0x3] =	stream.linear.gather [hbm4b:s5+s2], $0x80, $0x38;
	[tilespmem:$0x1C700] =	vst v63  }
0x18: {  	_ =	swait.ge [sflag:s15], $0x80  }
0x19: {  	[sflag:s15] =	ssyncset.done $0x0  }
0x1a: {  	s1 =	simm.s32 $0x700;
	[sflag:s15] =	ssyncadd.s32 $0xFFFFFF80  }
0x1b: {  	[tilespmem:s1], [sflag:$0x1] =	stream.indirect.gather [hbm4b:s3+s16], $0x80, s2, s16, $0xb8;
	[tilespmem:$0x1C700] =	vst v63  }
0x1c: {  	_ = 	snop  }
0x1d: {  	[tilespmem:s18], [sflag:$0x3] =	stream.linear.gather [hbm4b:s6+s2], $0x80, $0x38;
	[tilespmem:$0x1C700] =	vst v63  }
0x1e: {  	_ =	swait.ge [sflag:s15], $0x80  }
0x1f: {  	[sflag:s15] =	ssyncset.done $0x0  }
0x20: {  	s19 =	simm.s32 $0x4700;
	[sflag:s15] =	ssyncadd.s32 $0xFFFFFF80  }
0x21: {  	[tilespmem:s19], [sflag:$0x1] =	stream.indirect.gather [hbm4b:s3+s16], $0x80, s18, s16, $0xb8;
	[tilespmem:$0x1C700] =	vst v63  }
0x22: {  	_ = 	snop  }
0x23: {  	[tilespmem:s20], [sflag:$0x3] =	stream.linear.gather [hbm4b:s7+s2], $0x80, $0x38;
	[tilespmem:$0x1C700] =	vst v63  }
0x24: {  	_ =	swait.ge [sflag:s15], $0x80  }
0x25: {  	[sflag:s15] =	ssyncset.done $0x0  }
0x26: {  	s21 =	simm.s32 $0x8700;
	[sflag:s15] =	ssyncadd.s32 $0xFFFFFF80  }
0x27: {  	[tilespmem:s21], [sflag:$0x1] =	stream.indirect.gather [hbm4b:s3+s16], $0x80, s20, s16, $0xb8;
	[tilespmem:$0x1C700] =	vst v63  }
0x28: {  	s22 =	simm.s32 $0x500  }
0x29: {  	[tilespmem:s22], [sflag:$0x3] =	stream.linear.gather [hbm4b:s8+s2], $0x180, $0x38;
	[tilespmem:$0x1C700] =	vst v63  }
0x2a: {  	_ =	swait.ge [sflag:s15], $0x180  }
0x2b: {  	[sflag:s15] =	ssyncset.done $0x0  }
0x2c: {  	[sflag:s15] =	ssyncadd.s32 $0xFFFFFE80  }
0x2d: {  	[tilespmem:s16], [sflag:$0x3] =	stream.linear.gather [hbm4b:s9+s2], $0x80, $0x38;
	[tilespmem:$0x1C700] =	vst v63  }
0x2e: {  	_ =	swait.ge [sflag:s15], $0x80  }
0x2f: {  	[sflag:s15] =	ssyncset.done $0x0  }
0x30: {  	[sflag:s15] =	ssyncadd.s32 $0xFFFFFF80  }
0x31: {  	[tilespmem:s23], [sflag:$0x2] =	stream.indirect.gather [hbm4b:s3+s16], $0x80, s16, s16, $0xb8;
	[tilespmem:$0x1C700] =	vst v63  }
0x32: {  	_ = 	snop  }
0x33: {  	[tilespmem:s24], [sflag:$0x3] =	stream.linear.gather [hbm4b:s10+s2], $0x80, $0x38;
	[tilespmem:$0x1C700] =	vst v63  }
0x34: {  	_ =	swait.ge [sflag:s15], $0x80  }
0x35: {  	[sflag:s15] =	ssyncset.done $0x0  }
0x36: {  	[sflag:s15] =	ssyncadd.s32 $0xFFFFFF80  }
0x37: {  	[tilespmem:s25], [sflag:$0x2] =	stream.indirect.gather [hbm4b:s3+s16], $0x80, s24, s16, $0xb8;
	[tilespmem:$0x1C700] =	vst v63  }
0x38: {  	_ = 	snop  }
0x39: {  	[tilespmem:s26], [sflag:$0x3] =	stream.linear.gather [hbm4b:s11+s2], $0x80, $0x38;
	[tilespmem:$0x1C700] =	vst v63  }
0x3a: {  	_ =	swait.ge [sflag:s15], $0x80  }
0x3b: {  	[sflag:s15] =	ssyncset.done $0x0  }
0x3c: {  	[sflag:s15] =	ssyncadd.s32 $0xFFFFFF80  }
0x3d: {  	[tilespmem:s28], [sflag:$0x2] =	stream.indirect.gather [hbm4b:s3+s16], $0x80, s26, s16, $0xb8;
	[tilespmem:$0x1C700] =	vst v63  }
0x3e: {  	_ =	swait.ge [sflag:s29], $0x4000  }
0x3f: {  	[sflag:s29] =	ssyncset.done $0x0  }
0x40: {  	[sflag:s29] =	ssyncadd.s32 $0xFFFFC000  }
0x41: {  	_ =	swait.ge [sflag:s29], $0x4000  }
0x42: {  	[sflag:s29] =	ssyncset.done $0x0  }
0x43: {  	[sflag:s29] =	ssyncadd.s32 $0xFFFFC000  }
0x44: {  	_ =	swait.ge [sflag:s29], $0x4000  }
0x45: {  	[sflag:s29] =	ssyncset.done $0x0  }
0x46: {  	s1 =	simm.s32 $0x0;
	[sflag:s29] =	ssyncadd.s32 $0xFFFFC000  }
0x47: {  	v4 =	vld [tilespmem:s1+$0x700]  }
0x48: {  	v5 =	vld [tilespmem:s1+$0x4700]  }
0x49: {  	v8 =	vld [tilespmem:s1+$0x710]  }
0x4a: {  	v10 =	vld [tilespmem:s1+$0x4710]  }
0x4b: {  	v12 =	vld [tilespmem:s1+$0x720]  }
0x4c: {  	v7 =	vld [tilespmem:s1+$0x8730]  }
0x4d: {  	v2 =	vld [tilespmem:s1+$0x8740]  }
0x4e: {  	v11 =	vld [tilespmem:s1+$0x8770]  }
0x4f: {  	v0 =	vld [tilespmem:s1+$0x8750]  }
0x50: {  	v3 =	vld [tilespmem:s1+$0x8760]  }
0x51: {  	v6 =	vld [tilespmem:s1+$0x4740]  }
0x52: {  	v1 =	vld [tilespmem:s1+$0x4750]  }
0x53: {  	v15 =	vld [tilespmem:s1+$0x4760]  }
0x54: {  	v14 =	vld [tilespmem:s1+$0x8710]  }
0x55: {  	v9 =	vld [tilespmem:s1+$0x8700]  }
0x56: {  	v19 =	vld [tilespmem:s1+$0x4770]  }
0x57: {  	v17 =	vld [tilespmem:s1+$0x740]  }
0x58: {  	v20 =	vld [tilespmem:s1+$0x760]  }
0x59: {  	v25 =	vld [tilespmem:s17+$0x0]  }
0x5a: {  	v23 =	vld [tilespmem:s1+$0x770]  }
0x5b: {  	v21 =	vld [tilespmem:s1+$0x730]  }
0x5c: {  	v16 =	vld [tilespmem:s1+$0x4720]  }
0x5d: {  	v22 =	vld [tilespmem:s1+$0x750]  }
0x5e: {  	s19 =	simm.s32 $0x200;
	v24 =	vld [tilespmem:s1+$0x4730];
	v18 =	vbroadcast v25, $0x0;
	v13 =	vbroadcast v25, $0x2  }
.LBB2_2:
0x5f: {  	s22 =	smov.u32 s19  }
0x60: {  	s21 =	sshra.s32 s19, $0x2;
	v25 =	vbroadcast v25, $0x1;
	v26 =	vld [tilespmem:s1+$0x8720];
	s17 =	sadd.s32 $0x3, s17;
	s22 =	sadd.s32 $0x200, s19  }
0x61: {  	p0 =	sne.s32 s19, $0xFE00;
	v28 =	vmul.f32 v12, v18;
	v23 =	vmul.f32 v23, v18;
	v27 =	vld [tilespmem:s21+$0x700]  }
0x62: {  	v21 =	vmul.f32 v21, v18;
	v20 =	vmul.f32 v20, v18;
	v29 =	vld [tilespmem:s21+$0x4700]  }
0x63: {  	v19 =	vmul.f32 v19, v25;
	v22 =	vmul.f32 v22, v18;
	v30 =	vld [tilespmem:s21+$0x710]  }
0x64: {  	v32 =	vmul.f32 v11, v13;
	v24 =	vmul.f32 v24, v25;
	v31 =	vld [tilespmem:s21+$0x4710]  }
0x65: {  	v33 =	vmul.f32 v7, v13;
	v17 =	vmul.f32 v17, v18;
	v19 =	vadd.f32 v19, v23;
	v12 =	vld [tilespmem:s21+$0x720]  }
0x66: {  	v35 =	vmul.f32 v8, v18;
	v23 =	vmul.f32 v26, v13;
	v7 =	vld [tilespmem:s21+$0x8730]  }
0x67: {  	v34 =	vmul.f32 v5, v25;
	v10 =	vmul.f32 v10, v25;
	v21 =	vadd.f32 v24, v21;
	v26 =	vld [tilespmem:s21+$0x8740];
	v5 =	vmovc v29  }
0x68: {  	v15 =	vmul.f32 v15, v25;
	v18 =	vmul.f32 v18, v4;
	v19 =	vadd.f32 v32, v19;
	v4 =	vmovc v27;
	v11 =	vld [tilespmem:s21+$0x8770]  }
0x69: {  	v14 =	vmul.f32 v14, v13;
	v27 =	vmul.f32 v6, v25;
	v29 =	vadd.f32 v10, v35;
	v8 =	vmovc v30;
	v24 =	vld [tilespmem:s21+$0x8750]  }
0x6a: {  	v15 =	vadd.f32 v15, v20;
	v20 =	vmul.f32 v3, v13;
	v21 =	vadd.f32 v33, v21;
	v3 =	vld [tilespmem:s21+$0x8760];
	[tilespmem:s1+$0x18770] =	vst v19  }
0x6b: {  	v9 =	vmul.f32 v9, v13;
	v16 =	vmul.f32 v16, v25;
	v14 =	vadd.f32 v14, v29;
	v10 =	vmovc v31;
	v6 =	vld [tilespmem:s21+$0x4740]  }
0x6c: {  	v18 =	vadd.f32 v34, v18;
	v20 =	vadd.f32 v20, v15;
	v19 =	vmul.f32 v1, v25;
	[tilespmem:s1+$0x18730] =	vst v21;
	v1 =	vld [tilespmem:s21+$0x4750]  }
0x6d: {  	v16 =	vadd.f32 v16, v28;
	v17 =	vadd.f32 v27, v17;
	v25 =	vmul.f32 v2, v13;
	v15 =	vld [tilespmem:s21+$0x4760];
	[tilespmem:s1+$0x18710] =	vst v14  }
0x6e: {  	v18 =	vadd.f32 v9, v18;
	v13 =	vmul.f32 v0, v13;
	v21 =	vadd.f32 v19, v22;
	v14 =	vld [tilespmem:s21+$0x8710];
	[tilespmem:s1+$0x18760] =	vst v20  }
0x6f: {  	v16 =	vadd.f32 v23, v16;
	v2 =	vmovc v26;
	v20 =	vadd.f32 v25, v17;
	v0 =	vmov v24;
	v9 =	vld [tilespmem:s21+$0x8700]  }
0x70: {  	v13 =	vadd.f32 v13, v21;
	v19 =	vld [tilespmem:s21+$0x4770];
	[tilespmem:s1+$0x18700] =	vst v18  }
0x71: {  	v17 =	vld [tilespmem:s21+$0x740];
	[tilespmem:s1+$0x18740] =	vst v20  }
0x72: {  	v20 =	vld [tilespmem:s21+$0x760];
	[tilespmem:s1+$0x18750] =	vst v13  }
0x73: {  	[tilespmem:s1+$0x18720] =	vst v16;
	s1 =	smov.u32 s21  }
0x74: {  	v25 =	vld [tilespmem:s17+$0x0]  }
.Ltmp0:
0x75: {  	v23 =	vld [tilespmem:s1+$0x770];
	(pc) =	sbr.rel @p0 .LBB2_2-.Ltmp0, $4  }
0x76: {  	v21 =	vld [tilespmem:s1+$0x730]  }
0x77: {  	v16 =	vld [tilespmem:s1+$0x4720]  }
0x78: {  	v22 =	vld [tilespmem:s1+$0x750]  }
0x79: {  	s19 =	smov.u32 s22;
	v18 =	vbroadcast v25, $0x0;
	v13 =	vbroadcast v25, $0x2;
	v24 =	vld [tilespmem:s1+$0x4730]  }
0x7a: {  	v25 =	vbroadcast v25, $0x1  }
0x7b: {  	v12 =	vmul.f32 v12, v18;
	v23 =	vmul.f32 v23, v18  }
0x7c: {  	v21 =	vmul.f32 v21, v18;
	v20 =	vmul.f32 v20, v18  }
0x7d: {  	v11 =	vmul.f32 v11, v13;
	v7 =	vmul.f32 v7, v13  }
0x7e: {  	v17 =	vmul.f32 v17, v18;
	v8 =	vmul.f32 v8, v18  }
0x7f: {  	v4 =	vmul.f32 v18, v4;
	v3 =	vmul.f32 v3, v13  }
0x80: {  	v9 =	vmul.f32 v9, v13;
	v19 =	vmul.f32 v19, v25  }
0x81: {  	v2 =	vmul.f32 v2, v13;
	v10 =	vmul.f32 v10, v25  }
0x82: {  	v5 =	vmul.f32 v5, v25;
	v15 =	vmul.f32 v15, v25;
	v19 =	vadd.f32 v19, v23  }
0x83: {  	v24 =	vmul.f32 v24, v25;
	v8 =	vadd.f32 v10, v8;
	v10 =	vmul.f32 v14, v13  }
0x84: {  	v6 =	vmul.f32 v6, v25;
	v14 =	vld [tilespmem:s1+$0x8720];
	v15 =	vadd.f32 v15, v20;
	v11 =	vadd.f32 v11, v19  }
0x85: {  	v1 =	vmul.f32 v1, v25;
	v21 =	vadd.f32 v24, v21;
	v8 =	vadd.f32 v10, v8  }
0x86: {  	v22 =	vmul.f32 v22, v18;
	v4 =	vadd.f32 v5, v4;
	v3 =	vadd.f32 v3, v15;
	[tilespmem:s1+$0x18770] =	vst v11  }
0x87: {  	v5 =	vadd.f32 v6, v17;
	v10 =	vmul.f32 v16, v25;
	v7 =	vadd.f32 v7, v21;
	[tilespmem:s1+$0x18710] =	vst v8  }
0x88: {  	v0 =	vmul.f32 v0, v13;
	v1 =	vadd.f32 v1, v22;
	v4 =	vadd.f32 v9, v4;
	[tilespmem:s1+$0x18760] =	vst v3  }
0x89: {  	v2 =	vadd.f32 v2, v5;
	v6 =	vmul.f32 v14, v13;
	[tilespmem:s1+$0x18730] =	vst v7;
	v7 =	vadd.f32 v10, v12  }
0x8a: {  	v0 =	vadd.f32 v0, v1;
	[tilespmem:s1+$0x18700] =	vst v4  }
0x8b: {  	[tilespmem:s1+$0x18740] =	vst v2;
	v1 =	vadd.f32 v6, v7  }
0x8c: {  	[tilespmem:s1+$0x18750] =	vst v0  }
0x8d: {  	s22 =	simm.s32 $0x0;
	[tilespmem:s1+$0x18720] =	vst v1  }
0x8e: {  	[hbm4b:s12+s22] =	stream.linear.scatter [tilespmem:s30], [sflag:$0x3], $0x4000, $0x38;
	[tilespmem:$0x1C700] =	vst v63  }
0x8f: {  	_ =	swait.ge [sflag:s15], $0x4000  }
0x90: {  	[sflag:s15] =	ssyncset.done $0x0  }
0x91: {  	[sflag:s15] =	ssyncadd.s32 $0xFFFFC000  }
0x92: {  	_ =	swait.ge [sflag:s31], $0x4000  }
0x93: {  	[sflag:s31] =	ssyncset.done $0x0  }
0x94: {  	[sflag:s31] =	ssyncadd.s32 $0xFFFFC000  }
0x95: {  	_ =	swait.ge [sflag:s31], $0x4000  }
0x96: {  	[sflag:s31] =	ssyncset.done $0x0  }
0x97: {  	[sflag:s31] =	ssyncadd.s32 $0xFFFFC000  }
0x98: {  	_ =	swait.ge [sflag:s31], $0x4000  }
0x99: {  	[sflag:s31] =	ssyncset.done $0x0  }
0x9a: {  	s1 =	simm.s32 $0x0;
	[sflag:s31] =	ssyncadd.s32 $0xFFFFC000  }
0x9b: {  	v4 =	vld [tilespmem:s1+$0xC700]  }
0x9c: {  	v5 =	vld [tilespmem:s1+$0x10700]  }
0x9d: {  	v8 =	vld [tilespmem:s1+$0xC710]  }
0x9e: {  	v10 =	vld [tilespmem:s1+$0x10710]  }
0x9f: {  	v12 =	vld [tilespmem:s1+$0xC720]  }
0xa0: {  	v7 =	vld [tilespmem:s1+$0x14730]  }
0xa1: {  	v2 =	vld [tilespmem:s1+$0x14740]  }
0xa2: {  	v11 =	vld [tilespmem:s1+$0x14770]  }
0xa3: {  	v0 =	vld [tilespmem:s1+$0x14750]  }
0xa4: {  	v3 =	vld [tilespmem:s1+$0x14760]  }
0xa5: {  	v6 =	vld [tilespmem:s1+$0x10740]  }
0xa6: {  	v1 =	vld [tilespmem:s1+$0x10750]  }
0xa7: {  	v15 =	vld [tilespmem:s1+$0x10760]  }
0xa8: {  	v14 =	vld [tilespmem:s1+$0x14710]  }
0xa9: {  	v9 =	vld [tilespmem:s1+$0x14700]  }
0xaa: {  	v18 =	vld [tilespmem:s1+$0x10770]  }
0xab: {  	v17 =	vld [tilespmem:s1+$0xC740]  }
0xac: {  	s17 =	simm.s32 $0x500;
	v20 =	vld [tilespmem:s1+$0xC760]  }
0xad: {  	v25 =	vld [tilespmem:s17+$0x0]  }
0xae: {  	v23 =	vld [tilespmem:s1+$0xC770]  }
0xaf: {  	v21 =	vld [tilespmem:s1+$0xC730]  }
0xb0: {  	v16 =	vld [tilespmem:s1+$0x10720]  }
0xb1: {  	v22 =	vld [tilespmem:s1+$0xC750]  }
0xb2: {  	s22 =	simm.s32 $0x200;
	v24 =	vld [tilespmem:s1+$0x10730];
	v19 =	vbroadcast v25, $0x0;
	v13 =	vbroadcast v25, $0x2  }
.LBB2_4:
0xb3: {  	s19 =	smov.u32 s22  }
0xb4: {  	s21 =	sshra.s32 s22, $0x2;
	v25 =	vbroadcast v25, $0x1;
	v26 =	vld [tilespmem:s1+$0x14720];
	s17 =	sadd.s32 $0x3, s17;
	s19 =	sadd.s32 $0x200, s22  }
0xb5: {  	p0 =	sne.s32 s22, $0xFE00;
	v28 =	vmul.f32 v12, v19;
	v23 =	vmul.f32 v23, v19;
	v27 =	vld [tilespmem:s21+$0xC700]  }
0xb6: {  	v21 =	vmul.f32 v21, v19;
	v20 =	vmul.f32 v20, v19;
	v29 =	vld [tilespmem:s21+$0x10700]  }
0xb7: {  	v18 =	vmul.f32 v18, v25;
	v22 =	vmul.f32 v22, v19;
	v30 =	vld [tilespmem:s21+$0xC710]  }
0xb8: {  	v32 =	vmul.f32 v11, v13;
	v24 =	vmul.f32 v24, v25;
	v31 =	vld [tilespmem:s21+$0x10710]  }
0xb9: {  	v33 =	vmul.f32 v7, v13;
	v17 =	vmul.f32 v17, v19;
	v18 =	vadd.f32 v18, v23;
	v12 =	vld [tilespmem:s21+$0xC720]  }
0xba: {  	v35 =	vmul.f32 v8, v19;
	v23 =	vmul.f32 v26, v13;
	v7 =	vld [tilespmem:s21+$0x14730]  }
0xbb: {  	v34 =	vmul.f32 v5, v25;
	v10 =	vmul.f32 v10, v25;
	v21 =	vadd.f32 v24, v21;
	v26 =	vld [tilespmem:s21+$0x14740];
	v5 =	vmovc v29  }
0xbc: {  	v15 =	vmul.f32 v15, v25;
	v19 =	vmul.f32 v19, v4;
	v18 =	vadd.f32 v32, v18;
	v4 =	vmovc v27;
	v11 =	vld [tilespmem:s21+$0x14770]  }
0xbd: {  	v14 =	vmul.f32 v14, v13;
	v27 =	vmul.f32 v6, v25;
	v29 =	vadd.f32 v10, v35;
	v8 =	vmovc v30;
	v24 =	vld [tilespmem:s21+$0x14750]  }
0xbe: {  	v15 =	vadd.f32 v15, v20;
	v20 =	vmul.f32 v3, v13;
	v21 =	vadd.f32 v33, v21;
	v3 =	vld [tilespmem:s21+$0x14760];
	[tilespmem:s1+$0x18770] =	vst v18  }
0xbf: {  	v9 =	vmul.f32 v9, v13;
	v16 =	vmul.f32 v16, v25;
	v14 =	vadd.f32 v14, v29;
	v10 =	vmovc v31;
	v6 =	vld [tilespmem:s21+$0x10740]  }
0xc0: {  	v20 =	vadd.f32 v20, v15;
	v18 =	vadd.f32 v34, v19;
	v19 =	vmul.f32 v1, v25;
	[tilespmem:s1+$0x18730] =	vst v21;
	v1 =	vld [tilespmem:s21+$0x10750]  }
0xc1: {  	v16 =	vadd.f32 v16, v28;
	v17 =	vadd.f32 v27, v17;
	v25 =	vmul.f32 v2, v13;
	v15 =	vld [tilespmem:s21+$0x10760];
	[tilespmem:s1+$0x18710] =	vst v14  }
0xc2: {  	v13 =	vmul.f32 v0, v13;
	v21 =	vadd.f32 v9, v18;
	v19 =	vadd.f32 v19, v22;
	v14 =	vld [tilespmem:s21+$0x14710];
	[tilespmem:s1+$0x18760] =	vst v20  }
0xc3: {  	v16 =	vadd.f32 v23, v16;
	v2 =	vmovc v26;
	v20 =	vadd.f32 v25, v17;
	v0 =	vmov v24;
	v9 =	vld [tilespmem:s21+$0x14700]  }
0xc4: {  	v13 =	vadd.f32 v13, v19;
	v18 =	vld [tilespmem:s21+$0x10770];
	[tilespmem:s1+$0x18700] =	vst v21  }
0xc5: {  	v17 =	vld [tilespmem:s21+$0xC740];
	[tilespmem:s1+$0x18740] =	vst v20  }
0xc6: {  	v20 =	vld [tilespmem:s21+$0xC760];
	[tilespmem:s1+$0x18750] =	vst v13  }
0xc7: {  	[tilespmem:s1+$0x18720] =	vst v16;
	s1 =	smov.u32 s21  }
0xc8: {  	v25 =	vld [tilespmem:s17+$0x0]  }
.Ltmp1:
0xc9: {  	v23 =	vld [tilespmem:s1+$0xC770];
	(pc) =	sbr.rel @p0 .LBB2_4-.Ltmp1, $4  }
0xca: {  	v21 =	vld [tilespmem:s1+$0xC730]  }
0xcb: {  	v16 =	vld [tilespmem:s1+$0x10720]  }
0xcc: {  	v22 =	vld [tilespmem:s1+$0xC750]  }
0xcd: {  	s22 =	smov.u32 s19;
	v19 =	vbroadcast v25, $0x0;
	v13 =	vbroadcast v25, $0x2;
	v24 =	vld [tilespmem:s1+$0x10730]  }
0xce: {  	v25 =	vbroadcast v25, $0x1  }
0xcf: {  	v12 =	vmul.f32 v12, v19;
	v23 =	vmul.f32 v23, v19  }
0xd0: {  	v21 =	vmul.f32 v21, v19;
	v20 =	vmul.f32 v20, v19  }
0xd1: {  	v11 =	vmul.f32 v11, v13;
	v17 =	vmul.f32 v17, v19  }
0xd2: {  	v8 =	vmul.f32 v8, v19;
	v4 =	vmul.f32 v19, v4  }
0xd3: {  	v57 =	vmul.f32 v14, v13;
	v3 =	vmul.f32 v3, v13  }
0xd4: {  	v9 =	vmul.f32 v9, v13;
	v18 =	vmul.f32 v18, v25  }
0xd5: {  	v2 =	vmul.f32 v2, v13;
	v10 =	vmul.f32 v10, v25  }
0xd6: {  	v0 =	vmul.f32 v0, v13;
	v15 =	vmul.f32 v15, v25;
	v18 =	vadd.f32 v18, v23  }
0xd7: {  	v58 =	vld [tilespmem:s1+$0x14720];
	v5 =	vmul.f32 v5, v25;
	v6 =	vmul.f32 v6, v25;
	v8 =	vadd.f32 v10, v8  }
0xd8: {  	v1 =	vmul.f32 v1, v25;
	v15 =	vadd.f32 v15, v20;
	v11 =	vadd.f32 v11, v18  }
0xd9: {  	v22 =	vmul.f32 v22, v19;
	v4 =	vadd.f32 v5, v4;
	v8 =	vadd.f32 v57, v8  }
0xda: {  	v59 =	vmul.f32 v16, v25;
	v60 =	vadd.f32 v6, v17;
	v3 =	vadd.f32 v3, v15;
	[tilespmem:s1+$0x18770] =	vst v11  }
0xdb: {  	v24 =	vmul.f32 v24, v25;
	v1 =	vadd.f32 v1, v22;
	v4 =	vadd.f32 v9, v4;
	[tilespmem:s1+$0x18710] =	vst v8  }
0xdc: {  	v62 =	vadd.f32 v59, v12;
	v61 =	vmul.f32 v58, v13;
	v2 =	vadd.f32 v2, v60;
	[tilespmem:s1+$0x18760] =	vst v3  }
0xdd: {  	v7 =	vmul.f32 v7, v13;
	v21 =	vadd.f32 v24, v21;
	v0 =	vadd.f32 v0, v1;
	[tilespmem:s1+$0x18700] =	vst v4  }
0xde: {  	v63 =	vadd.f32 v61, v62;
	[tilespmem:s1+$0x18740] =	vst v2  }
0xdf: {  	s0 =	sadd.s32 $0x1, s0;
	v7 =	vadd.f32 v7, v21;
	[tilespmem:s1+$0x18750] =	vst v0  }
0xe0: {  	p0 =	sne.s32 s0, s14;
	[tilespmem:s1+$0x18720] =	vst v63  }
.Ltmp2:
0xe1: {  	[tilespmem:s1+$0x18730] =	vst v7;
	(pc) =	sbr.rel @p0 .LBB2_1-.Ltmp2, $4  }
0xe2: {  	[hbm4b:s13+s2] =	stream.linear.scatter [tilespmem:s30], [sflag:$0x3], $0x4000, $0x38;
	[tilespmem:$0x1C700] =	vst v63  }
0xe3: {  	_ =	swait.ge [sflag:s15], $0x4000  }
0xe4: {  	[sflag:s15] =	ssyncset.done $0x0  }
0xe5: {  	[sflag:s15] =	ssyncadd.s32 $0xFFFFC000  }
0xe6: {  	_ =	sfence.sel $0x180000  }
0xe7: {  	[bflag:$0x0] =	sbarrier.arrive $0xFFFF  }
0xe8: {  	_ =	strace $0x9000004A  }
0xe9: {  	s0 =	stileid.u32;
	[bflag:$0x2] =	sbarrier.arrive $0xFFFF  }
0xea: {  	p0 =	sne.s32 s0, $0x0;
	s0 =	rddreg [dreg:$0x1]  }
0xeb: {  	s0 =	sadd.s32 @!p0 $0x100000, s0  }
0xec: {  	[sflag:s0] =	ssyncadd.tile.s32 @!p0 $0x1;
	_ =	shalt  }
.Lfunc_end2:
_tile_overlayer_lowered:
.L_overlay_start_2:
0xed: {  	(tag) =	ssettag $0x2  }
0xee: {  	s0 =	rddreg [dreg:$0x0];
	s2 =	stileid.u32  }
0xef: {  	s1 =	rddreg [dreg:$0x1];
	p0 =	sne.s32 s2, $0x0  }
0xf0: {  	s3 =	rddreg [dreg:$0x2];
	[bflag:$0x3] =	sbarrier.arrive $0xFFFF;
	s2 =	simm.s32 @!p0 $0x1C03  }
0xf1: {  	[timem:s3], [sflag:s2] =	dma.local @!p0 [hbm:s0], s1  }
0xf2: {  	s0 =	simm.s32 @!p0 $0x3  }
0xf3: {  	_ =	swait.ge @!p0 [sflag:s0], s1  }
0xf4: {  	s1 =	ssub.s32 @!p0 $0x0, s1;
	[sflag:s0] =	ssyncset.done @!p0 $0x0  }
0xf5: {  	[sflag:s0] =	ssyncadd.s32 @!p0 s1  }
0xf6: {  	[bflag:$0x3] =	sbarrier.arrive $0xFFFF  }
0xf7: {  	_ =	shalt  }

// kernel: kernel.18.cloned.1.call-start
scs
__scs_entry_jumppad:
0x0: {  	(pc) =	sbr.rel $0x88, $3  }
0x1: {  	(tag) =	ssettag $0x0;
	lr =	simm.s32 $0x1  }
0x2: {  	[smem:$0x3F9A] =	sst lr;
	_ =	strace $0xD0000000  }
0x3: {  	_ = 	snop  }
0x4: {  	_ = 	snop  }
0x5: {  	_ = 	snop  }
0x6: {  	_ = 	snop  }
0x7: {  	_ = 	snop  }
__scs_overlays_trampoline_lowered:
0x8: {  	[smem:$0x3FA9] =	sst s0  }
0x9: {  	[smem:$0x3FAA] =	sst s1  }
0xa: {  	[smem:$0x3FAB] =	sst s2  }
0xb: {  	[smem:$0x3FAC] =	sst s3  }
0xc: {  	[smem:$0x3FAD] =	sst s4  }
0xd: {  	[smem:$0x3FAE] =	sst s5  }
0xe: {  	[smem:$0x3FAF] =	sst s6  }
0xf: {  	[smem:$0x3FB0] =	sst s7  }
0x10: {  	[smem:$0x3FB1] =	sst s8  }
0x11: {  	[smem:$0x3FB2] =	sst s9;
	s0 =	simm.s32 @!p0 $0x0  }
0x12: {  	s1 =	sld [smem:$0x3F98];
	s0 =	simm.s32 @p0 $0x1  }
0x13: {  	[smem:$0x3FB3] =	sst s0;
	s0 =	simm.s32 @!p1 $0x0  }
0x14: {  	s2 =	sld [smem:$0x3F97];
	s0 =	simm.s32 @p1 $0x1  }
0x15: {  	[smem:$0x3FB4] =	sst s0;
	s0 =	simm.s32 @!p2 $0x0  }
0x16: {  	s3 =	sld [smem:$0x3FDB];
	s0 =	simm.s32 @p2 $0x1  }
0x17: {  	s4 =	simm.s32 $0x1BF5;
	[smem:$0x3FB6] =	sst s0  }
0x18: {  	s0 =	sld [smem:$0x3F99];
	_ =	swait.ge [sflag:s4], $0x0  }
0x19: {  	s7 =	sld [smem:$0x3F9A]  }
0x1a: {  	s8 =	sadd.s32 $0xFFFFE003, lr  }
0x1b: {  	s9 =	sadd.s32 $0xFFFFFEF7, lr;
	s5 =	simm.s32 $0xFFFFFFFF;
	p2 =	slt.u32 s8, $0xFFFFF086  }
0x1c: {  	p1 =	slt.u32 s9, $0xF7A;
	s5 =	simm.s32 @!p2 $0x0  }
0x1d: {  	s5 =	simm.s32 @p1 $0x1;
	p0 =	seq.s32 s7, s2  }
0x1e: {  	s7 =	smul.u32 @!p0 $0xF7A, s2;
	p2 =	seq.s32 @!p0 s5, $0x0  }
0x1f: {  	s9 =	smul.u32 $0xF7A, s1;
	s8 =	simm.s32 @!p0 $0x1BF5;
	p2 =	por !p2, p0  }
0x20: {  	[sflag:s8] =	ssyncset.s32 @!p0 $0xFFFFF086;
	s6 =	sadd.s32 @!p0 s3, s7;
	s7 =	simm.s32 @!p0 $0x108  }
0x21: {  	s3 =	sadd.s32 s3, s9;
	s6 =	sadd.s32 @!p0 $0x88, s6;
	s7 =	simm.s32 @p2 $0x1082  }
0x22: {  	[simem:s7], [sflag:s8] =	dma.local @!p0 [hbm:s6], $0xF7A  }
0x23: {  	s9 =	sor.u32 $0xD0000000, s2;
	s6 =	simm.s32 $0x108;
	_ =	swait.ge @!p0 [sflag:s8], $0x0  }
0x24: {  	s3 =	sadd.s32 $0x88, s3;
	s6 =	simm.s32 @!p1 $0x1082;
	[sflag:s4] =	ssyncset.s32 $0xFFFFF086  }
0x25: {  	[simem:s6], [sflag:s4] =	dma.local [hbm:s3], $0xF7A  }
0x26: {  	[smem:$0x3F9A] =	sst s1;
	(tag) =	ssettag s2;
	_ =	strace s9  }
0x27: {  	s1 =	sld [smem:$0x3FAA]  }
0x28: {  	s2 =	sld [smem:$0x3FAB]  }
0x29: {  	s4 =	sld [smem:$0x3FAD]  }
0x2a: {  	p0 =	seq.s32 s5, $0x0;
	s5 =	sld [smem:$0x3FAE]  }
0x2b: {  	s6 =	sld [smem:$0x3FAF]  }
0x2c: {  	s7 =	sld [smem:$0x3FB0]  }
0x2d: {  	s3 =	simm.s32 $0x108;
	s8 =	sld [smem:$0x3FB1]  }
0x2e: {  	s3 =	simm.s32 @!p0 $0x1082;
	s9 =	sld [smem:$0x3FB2]  }
0x2f: {  	lr =	sadd.s32 s0, s3;
	s0 =	sld [smem:$0x3FA9]  }
0x30: {  	s3 =	sld [smem:$0x3FAC]  }
0x31: {  	[smem:$0x3FB5] =	sst s10  }
0x32: {  	s10 =	sld [smem:$0x3FB3];
	_ =	sdelay $0x3  }
0x33: {  	p0 =	seq.s32 s10, $0x1;
	s10 =	sld [smem:$0x3FB5];
	_ =	sdelay $0x3  }
0x34: {  	[smem:$0x3FB5] =	sst s10  }
0x35: {  	s10 =	sld [smem:$0x3FB4];
	_ =	sdelay $0x3  }
0x36: {  	p1 =	seq.s32 s10, $0x1;
	s10 =	sld [smem:$0x3FB5];
	_ =	sdelay $0x3  }
0x37: {  	[smem:$0x3FB5] =	sst s10  }
0x38: {  	s10 =	sld [smem:$0x3FB6]  }
0x39: {  	_ = 	snop;
	(pc) =	sbr.ind lr, $3  }
0x3a: {  	_ = 	snop  }
0x3b: {  	_ = 	snop  }
0x3c: {  	p2 =	seq.s32 s10, $0x1;
	s10 =	sld [smem:$0x3FB5]  }
0x3d: {  	_ =	shalt  }
0x3e: {  	_ =	shalt  }
0x3f: {  	_ =	shalt  }
0x40: {  	_ =	shalt  }
0x41: {  	_ =	shalt  }
0x42: {  	_ =	shalt  }
0x43: {  	_ =	shalt  }
0x44: {  	_ =	shalt  }
0x45: {  	_ =	shalt  }
0x46: {  	_ =	shalt  }
0x47: {  	_ =	shalt  }
0x48: {  	_ =	shalt  }
0x49: {  	_ =	shalt  }
0x4a: {  	_ =	shalt  }
0x4b: {  	_ =	shalt  }
0x4c: {  	_ =	shalt  }
0x4d: {  	_ =	shalt  }
0x4e: {  	_ =	shalt  }
0x4f: {  	_ =	shalt  }
0x50: {  	_ =	shalt  }
0x51: {  	_ =	shalt  }
0x52: {  	_ =	shalt  }
0x53: {  	_ =	shalt  }
0x54: {  	_ =	shalt  }
0x55: {  	_ =	shalt  }
0x56: {  	_ =	shalt  }
0x57: {  	_ =	shalt  }
0x58: {  	_ =	shalt  }
0x59: {  	_ =	shalt  }
0x5a: {  	_ =	shalt  }
0x5b: {  	_ =	shalt  }
0x5c: {  	_ =	shalt  }
0x5d: {  	_ =	shalt  }
0x5e: {  	_ =	shalt  }
0x5f: {  	_ =	shalt  }
0x60: {  	_ =	shalt  }
0x61: {  	_ =	shalt  }
0x62: {  	_ =	shalt  }
0x63: {  	_ =	shalt  }
0x64: {  	_ =	shalt  }
0x65: {  	_ =	shalt  }
0x66: {  	_ =	shalt  }
0x67: {  	_ =	shalt  }
0x68: {  	_ =	shalt  }
0x69: {  	_ =	shalt  }
0x6a: {  	_ =	shalt  }
0x6b: {  	_ =	shalt  }
0x6c: {  	_ =	shalt  }
0x6d: {  	_ =	shalt  }
0x6e: {  	_ =	shalt  }
0x6f: {  	_ =	shalt  }
0x70: {  	_ =	shalt  }
0x71: {  	_ =	shalt  }
0x72: {  	_ =	shalt  }
0x73: {  	_ =	shalt  }
0x74: {  	_ =	shalt  }
0x75: {  	_ =	shalt  }
0x76: {  	_ =	shalt  }
0x77: {  	_ =	shalt  }
0x78: {  	_ =	shalt  }
0x79: {  	_ =	shalt  }
0x7a: {  	_ =	shalt  }
0x7b: {  	_ =	shalt  }
0x7c: {  	_ =	shalt  }
0x7d: {  	_ =	shalt  }
0x7e: {  	_ =	shalt  }
0x7f: {  	_ =	shalt  }
0x80: {  	_ =	shalt  }
0x81: {  	_ =	shalt  }
0x82: {  	_ =	shalt  }
0x83: {  	_ =	shalt  }
0x84: {  	_ =	shalt  }
0x85: {  	_ =	shalt  }
0x86: {  	_ =	shalt  }
0x87: {  	_ =	shalt  }
.Lfunc_end0:
.L_simem_size_0:
called_computation.2_lowered:
.L_overlay_start_0:
0x88: {  	s2 =	sld [smem:$0x3FD9]  }
0x89: {  	s3 =	sld [smem:$0x3FFE];
	_ =	sdelay $0x1  }
0x8a: {  	s1 =	srdreg.scid  }
0x8b: {  	s0 =	sand.u32 $0x1, s1  }
0x8c: {  	s17 =	sshll.u32 s0, $0xA;
	s2 =	sadd.s32 s3, s2  }
0x8d: {  	s2 =	sadd.s32 s2, s17  }
0x8e: {  	[smem:$0x3FC1] =	sst s2  }
0x8f: {  	_ = 	snop  }
0x90: {  	(tm) =	ssettm $0x1  }
0x91: {  	s18 =	sld [smem:$0x3FFB];
	_ =	sdelay $0x3  }
0x92: {  	_ =	strace s18  }
0x93: {  	s2 =	sld [smem:$0x3FFC];
	_ =	sdelay $0x3  }
0x94: {  	_ =	strace s2  }
0x95: {  	s2 =	sld [smem:$0x3FFD];
	_ =	sdelay $0x3  }
0x96: {  	_ =	strace s2  }
0x97: {  	_ =	strace $0x8FFFFFFF  }
0x98: {  	s19 =	sld [smem:$0x3FDB];
	_ =	sdelay $0x1  }
0x99: {  	s20 =	simm.s32 $_scs_section_size  }
0x9a: {  	s4 =	simm.s32 $_size__tile_overlayer_lowered;
	s5 =	simm.s32 $_tile_overlayer_lowered  }
0x9b: {  	s6 =	simm.s32 $0x1BFF;
	s21 =	sshll.u32 s5, $0x1;
	s3 =	sadd.s32 s20, s19  }
0x9c: {  	s22 =	simm.s32 $0x0;
	s4 =	sshll.u32 s4, $0x1;
	s5 =	sadd.s32 s21, s3  }
0x9d: {  	[timem:s22], [sflag:s6] =	dma.local [hbm:s5], s4  }
0x9e: {  	_ =	swait.ge [sflag:s6], s4  }
0x9f: {  	s4 =	ssub.s32 $0x0, s4;
	[sflag:s6] =	ssyncset.done $0x0  }
0xa0: {  	[sflag:s6] =	ssyncadd.s32 s4;
	_ =	sdelay $0x1  }
0xa1: {  	s23 =	simm.s32 $0x1B8B  }
0xa2: {  	_ =	swait.ge [sflag:s23], $0x1  }
0xa3: {  	[sflag:s23] =	ssyncset.done $0x0  }
0xa4: {  	[sflag:s23] =	ssyncadd.s32 $0xFFFFFFFF  }
0xa5: {  	s4 =	sld [smem:$0x0]  }
0xa6: {  	s5 =	sand.u32 $0xFFFFFFFE, s1  }
0xa7: {  	p0 =	sne.s32 s1, s5  }
0xa8: {  	s5 =	sshll.u32 @p0 s5, $0xE  }
0xa9: {  	s5 =	sadd.s32 @p0 $0x11B8D, s5;
	s6 =	sshll.u32 @p0 s4, $0x11  }
0xaa: {  	s5 =	sor.u32 @p0 s6, s5  }
0xab: {  	[sflag:s5] =	ssyncadd.remote.s32 @p0 $0x1;
	_ =	sdelay $0x1  }
0xac: {  	s5 =	simm.s32 @p0 $0x1B8D  }
0xad: {  	_ =	swait.eq @p0 [sflag:s5], $0x1  }
0xae: {  	[sflag:s5] =	ssyncadd.s32 @p0 $0xFFFFFFFF  }
0xaf: {  	s6 =	sshll.u32 @!p0 s1, $0xE  }
0xb0: {  	s6 =	sor.u32 @!p0 $0x4000, s6;
	s5 =	simm.s32 @!p0 $0x1B8D  }
0xb1: {  	s4 =	sshll.u32 @!p0 s4, $0x11;
	s6 =	sadd.s32 @!p0 $0x11B8D, s6;
	_ =	swait.eq @!p0 [sflag:s5], $0x1  }
0xb2: {  	s4 =	sor.u32 @!p0 s4, s6;
	[sflag:s5] =	ssyncadd.s32 @!p0 $0xFFFFFFFF  }
0xb3: {  	s25 =	simm.s32 $0x1B8E;
	s24 =	sld [smem:$0x3FFE];
	[sflag:s4] =	ssyncadd.remote.s32 @!p0 $0x1  }
0xb4: {  	s26 =	simm.s32 $execute0_lowered;
	[smem:$0x3FD2] =	sst s25  }
0xb5: {  	s5 =	sshll.u32 s26, $0x1;
	_ =	strace $0x8000004C;
	[dreg:$0x1] =	wrdreg $0xFFFFFFFF  }
0xb6: {  	s28 =	simm.s32 $_size_execute0_lowered;
	s3 =	sadd.s32 s3, s5;
	[dreg:$0x0] =	wrdreg $0x0  }
0xb7: {  	s5 =	sshll.u32 s28, $0x1;
	[dreg:$0x2] =	wrdreg s3  }
0xb8: {  	[dreg:$0x3] =	wrdreg s5  }
0xb9: {  	[dreg:$0x4] =	wrdreg $0xC0  }
0xba: {  	_ =	task [dreg:s22], $0x5FFFF  }
0xbb: {  	[dreg:$0x1] =	wrdreg $0xFFFFFFFF  }
0xbc: {  	[dreg:$0x0] =	wrdreg $0x60  }
0xbd: {  	[dreg:$0x2] =	wrdreg s24  }
0xbe: {  	[dreg:$0x3] =	wrdreg $0xB  }
0xbf: {  	_ =	task.clear_ibuf [dreg:s22], $0x4FFFF;
	_ =	strace $0x9000004C  }
0xc0: {  	s29 =	simm.s32 $0xB;
	_ =	strace $0x8000004E  }
0xc1: {  	_ =	swait.ge [sflag:s29], $0x1  }
0xc2: {  	[sflag:s29] =	ssyncadd.s32 $0xFFFFFFFF  }
0xc3: {  	_ =	strace $0x9000004E  }
0xc4: {  	_ =	sfence  }
0xc5: {  	s30 =	sld [smem:$0x0];
	_ =	sdelay $0x2  }
0xc6: {  	s31 =	sshll.u32 s1, $0xD;
	s1 =	sshrl.u32 s1, $0x2  }
0xc7: {  	s4 =	sand.u32 $0x4000, s31;
	s1 =	sadd.s32 s1, s30  }
0xc8: {  	s0 =	sor.u32 s4, s0;
	s1 =	sshll.u32 s1, $0x11  }
0xc9: {  	s0 =	sor.u32 s1, s0  }
0xca: {  	s0 =	sadd.s32 $0x8F2B, s0  }
0xcb: {  	[sflag:s0] =	ssyncadd.remote.s32 $0x1  }
0xcc: {  	_ =	sfence.sel $0xFFFF  }
0xcd: {  	[dreg:$0x0] =	wrdreg $0xFFFFFFFF;
	(pc) =	sbr.abs _section_cstart, $3  }
0xce: {  	[dreg:$0x1] =	wrdreg $0xFFFFFFFF  }
0xcf: {  	_ =	task.clear_ibuf [dreg:s22], $0x2FFFF;
	_ =	strace $0x9FFFFFFF  }
0xd0: {  	(tm) =	ssettm $0x7FFFFFFF  }
0xd1: {  	_ =	shalt  }
tec
execute0_lowered:
.L_overlay_start_1:
0x0: {  	(tag) =	ssettag $0x1  }
0x1: {  	s0 =	rddreg [dreg:$0x0]  }
0x2: {  	s2 =	simm.s32 $0x0;
	s1 =	srdreg.scid;
	s3 =	stileid.u32  }
0x3: {  	s15 =	simm.s32 $0x3;
	s16 =	simm.s32 $0x80;
	s18 =	simm.s32 $0x100  }
0x4: {  	s20 =	simm.s32 $0x200;
	s23 =	simm.s32 $0xC700;
	s24 =	simm.s32 $0x180  }
0x5: {  	s28 =	simm.s32 $0x14700;
	s29 =	simm.s32 $0x1;
	s30 =	simm.s32 $0x18700  }
0x6: {  	s31 =	simm.s32 $0x2;
	[smem:$0x7FF] =	sst s2;
	s1 =	sand.u32 $0x1, s1  }
0x7: {  	s4 =	sshll.u32 s3, $0x1;
	s3 =	sadd.s32 $0x56A00, s0;
	s9 =	sadd.s32 $0x5F600, s0  }
0x8: {  	s8 =	sadd.s32 $0x5EA00, s0;
	s0 =	sadd.s32 $0x60200, s0;
	s11 =	sor.u32 s1, s4  }
0x9: {  	_ =	strace $0x8000004D;
	s1 =	ssub.s32 $0x2, s1;
	s4 =	sshll.u32 s11, $0x8  }
0xa: {  	s5 =	smul.u32 $0x60, s11;
	s25 =	sshrl.u32 s1, $0x1;
	s6 =	sshll.u32 s11, $0x5  }
0xb: {  	s26 =	sshll.u32 s11, $0xC;
	s12 =	sor.u32 $0x80, s4;
	s1 =	ssub.s32 s1, s25  }
0xc: {  	s25 =	simm.s32 $0x10700;
	s7 =	smul.u32 $0x3, s12;
	s4 =	sadd.s32 s8, s5  }
0xd: {  	s5 =	sadd.s32 s9, s6;
	s13 =	sshrl.u32 s12, $0x3;
	s14 =	sshll.u32 s12, $0x4  }
0xe: {  	s12 =	sadd.s32 s0, s26;
	s26 =	simm.s32 $0x280;
	s6 =	sadd.s32 $0x400, s5  }
0xf: {  	s9 =	sadd.s32 s9, s13;
	s11 =	sadd.s32 $0x810, s5;
	s13 =	sadd.s32 s0, s14  }
0x10: {  	s14 =	smax.u32 s1, $0x1;
	s0 =	simm.s32 $0x0;
	s10 =	sshrl.u32 s7, $0x3  }
0x11: {  	s7 =	sadd.s32 $0x800, s5;
	s8 =	sadd.s32 s8, s10;
	s10 =	sadd.s32 $0x410, s5  }
.LBB2_1:
0x12: {  	s17 =	simm.s32 $0x300  }
0x13: {  	[tilespmem:s17], [sflag:$0x3] =	stream.linear.gather [hbm4b:s4+s2], $0x180, $0x38;
	[tilespmem:$0x1C700] =	vst v63  }
0x14: {  	_ =	swait.ge [sflag:s15], $0x180  }
0x15: {  	[sflag:s15] =	ssyncset.done $0x0  }
0x16: {  	[sflag:s15] =	ssyncadd.s32 $0xFFFFFE80  }
0x17: {  	[tilespmem:s2], [sflag:$0x3] =	stream.linear.gather [hbm4b:s5+s2], $0x80, $0x38;
	[tilespmem:$0x1C700] =	vst v63  }
0x18: {  	_ =	swait.ge [sflag:s15], $0x80  }
0x19: {  	[sflag:s15] =	ssyncset.done $0x0  }
0x1a: {  	s1 =	simm.s32 $0x700;
	[sflag:s15] =	ssyncadd.s32 $0xFFFFFF80  }
0x1b: {  	[tilespmem:s1], [sflag:$0x1] =	stream.indirect.gather [hbm4b:s3+s16], $0x80, s2, s16, $0xb8;
	[tilespmem:$0x1C700] =	vst v63  }
0x1c: {  	_ = 	snop  }
0x1d: {  	[tilespmem:s18], [sflag:$0x3] =	stream.linear.gather [hbm4b:s6+s2], $0x80, $0x38;
	[tilespmem:$0x1C700] =	vst v63  }
0x1e: {  	_ =	swait.ge [sflag:s15], $0x80  }
0x1f: {  	[sflag:s15] =	ssyncset.done $0x0  }
0x20: {  	s19 =	simm.s32 $0x4700;
	[sflag:s15] =	ssyncadd.s32 $0xFFFFFF80  }
0x21: {  	[tilespmem:s19], [sflag:$0x1] =	stream.indirect.gather [hbm4b:s3+s16], $0x80, s18, s16, $0xb8;
	[tilespmem:$0x1C700] =	vst v63  }
0x22: {  	_ = 	snop  }
0x23: {  	[tilespmem:s20], [sflag:$0x3] =	stream.linear.gather [hbm4b:s7+s2], $0x80, $0x38;
	[tilespmem:$0x1C700] =	vst v63  }
0x24: {  	_ =	swait.ge [sflag:s15], $0x80  }
0x25: {  	[sflag:s15] =	ssyncset.done $0x0  }
0x26: {  	s21 =	simm.s32 $0x8700;
	[sflag:s15] =	ssyncadd.s32 $0xFFFFFF80  }
0x27: {  	[tilespmem:s21], [sflag:$0x1] =	stream.indirect.gather [hbm4b:s3+s16], $0x80, s20, s16, $0xb8;
	[tilespmem:$0x1C700] =	vst v63  }
0x28: {  	s22 =	simm.s32 $0x500  }
0x29: {  	[tilespmem:s22], [sflag:$0x3] =	stream.linear.gather [hbm4b:s8+s2], $0x180, $0x38;
	[tilespmem:$0x1C700] =	vst v63  }
0x2a: {  	_ =	swait.ge [sflag:s15], $0x180  }
0x2b: {  	[sflag:s15] =	ssyncset.done $0x0  }
0x2c: {  	[sflag:s15] =	ssyncadd.s32 $0xFFFFFE80  }
0x2d: {  	[tilespmem:s16], [sflag:$0x3] =	stream.linear.gather [hbm4b:s9+s2], $0x80, $0x38;
	[tilespmem:$0x1C700] =	vst v63  }
0x2e: {  	_ =	swait.ge [sflag:s15], $0x80  }
0x2f: {  	[sflag:s15] =	ssyncset.done $0x0  }
0x30: {  	[sflag:s15] =	ssyncadd.s32 $0xFFFFFF80  }
0x31: {  	[tilespmem:s23], [sflag:$0x2] =	stream.indirect.gather [hbm4b:s3+s16], $0x80, s16, s16, $0xb8;
	[tilespmem:$0x1C700] =	vst v63  }
0x32: {  	_ = 	snop  }
0x33: {  	[tilespmem:s24], [sflag:$0x3] =	stream.linear.gather [hbm4b:s10+s2], $0x80, $0x38;
	[tilespmem:$0x1C700] =	vst v63  }
0x34: {  	_ =	swait.ge [sflag:s15], $0x80  }
0x35: {  	[sflag:s15] =	ssyncset.done $0x0  }
0x36: {  	[sflag:s15] =	ssyncadd.s32 $0xFFFFFF80  }
0x37: {  	[tilespmem:s25], [sflag:$0x2] =	stream.indirect.gather [hbm4b:s3+s16], $0x80, s24, s16, $0xb8;
	[tilespmem:$0x1C700] =	vst v63  }
0x38: {  	_ = 	snop  }
0x39: {  	[tilespmem:s26], [sflag:$0x3] =	stream.linear.gather [hbm4b:s11+s2], $0x80, $0x38;
	[tilespmem:$0x1C700] =	vst v63  }
0x3a: {  	_ =	swait.ge [sflag:s15], $0x80  }
0x3b: {  	[sflag:s15] =	ssyncset.done $0x0  }
0x3c: {  	[sflag:s15] =	ssyncadd.s32 $0xFFFFFF80  }
0x3d: {  	[tilespmem:s28], [sflag:$0x2] =	stream.indirect.gather [hbm4b:s3+s16], $0x80, s26, s16, $0xb8;
	[tilespmem:$0x1C700] =	vst v63  }
0x3e: {  	_ =	swait.ge [sflag:s29], $0x4000  }
0x3f: {  	[sflag:s29] =	ssyncset.done $0x0  }
0x40: {  	[sflag:s29] =	ssyncadd.s32 $0xFFFFC000  }
0x41: {  	_ =	swait.ge [sflag:s29], $0x4000  }
0x42: {  	[sflag:s29] =	ssyncset.done $0x0  }
0x43: {  	[sflag:s29] =	ssyncadd.s32 $0xFFFFC000  }
0x44: {  	_ =	swait.ge [sflag:s29], $0x4000  }
0x45: {  	[sflag:s29] =	ssyncset.done $0x0  }
0x46: {  	s1 =	simm.s32 $0x0;
	[sflag:s29] =	ssyncadd.s32 $0xFFFFC000  }
0x47: {  	v4 =	vld [tilespmem:s1+$0x700]  }
0x48: {  	v5 =	vld [tilespmem:s1+$0x4700]  }
0x49: {  	v8 =	vld [tilespmem:s1+$0x710]  }
0x4a: {  	v10 =	vld [tilespmem:s1+$0x4710]  }
0x4b: {  	v12 =	vld [tilespmem:s1+$0x720]  }
0x4c: {  	v7 =	vld [tilespmem:s1+$0x8730]  }
0x4d: {  	v2 =	vld [tilespmem:s1+$0x8740]  }
0x4e: {  	v11 =	vld [tilespmem:s1+$0x8770]  }
0x4f: {  	v0 =	vld [tilespmem:s1+$0x8750]  }
0x50: {  	v3 =	vld [tilespmem:s1+$0x8760]  }
0x51: {  	v6 =	vld [tilespmem:s1+$0x4740]  }
0x52: {  	v1 =	vld [tilespmem:s1+$0x4750]  }
0x53: {  	v15 =	vld [tilespmem:s1+$0x4760]  }
0x54: {  	v14 =	vld [tilespmem:s1+$0x8710]  }
0x55: {  	v9 =	vld [tilespmem:s1+$0x8700]  }
0x56: {  	v19 =	vld [tilespmem:s1+$0x4770]  }
0x57: {  	v17 =	vld [tilespmem:s1+$0x740]  }
0x58: {  	v20 =	vld [tilespmem:s1+$0x760]  }
0x59: {  	v25 =	vld [tilespmem:s17+$0x0]  }
0x5a: {  	v23 =	vld [tilespmem:s1+$0x770]  }
0x5b: {  	v21 =	vld [tilespmem:s1+$0x730]  }
0x5c: {  	v16 =	vld [tilespmem:s1+$0x4720]  }
0x5d: {  	v22 =	vld [tilespmem:s1+$0x750]  }
0x5e: {  	s19 =	simm.s32 $0x200;
	v24 =	vld [tilespmem:s1+$0x4730];
	v18 =	vbroadcast v25, $0x0;
	v13 =	vbroadcast v25, $0x2  }
.LBB2_2:
0x5f: {  	s22 =	smov.u32 s19  }
0x60: {  	s21 =	sshra.s32 s19, $0x2;
	v25 =	vbroadcast v25, $0x1;
	v26 =	vld [tilespmem:s1+$0x8720];
	s17 =	sadd.s32 $0x3, s17;
	s22 =	sadd.s32 $0x200, s19  }
0x61: {  	p0 =	sne.s32 s19, $0xFE00;
	v28 =	vmul.f32 v12, v18;
	v23 =	vmul.f32 v23, v18;
	v27 =	vld [tilespmem:s21+$0x700]  }
0x62: {  	v21 =	vmul.f32 v21, v18;
	v20 =	vmul.f32 v20, v18;
	v29 =	vld [tilespmem:s21+$0x4700]  }
0x63: {  	v19 =	vmul.f32 v19, v25;
	v22 =	vmul.f32 v22, v18;
	v30 =	vld [tilespmem:s21+$0x710]  }
0x64: {  	v32 =	vmul.f32 v11, v13;
	v24 =	vmul.f32 v24, v25;
	v31 =	vld [tilespmem:s21+$0x4710]  }
0x65: {  	v33 =	vmul.f32 v7, v13;
	v17 =	vmul.f32 v17, v18;
	v19 =	vadd.f32 v19, v23;
	v12 =	vld [tilespmem:s21+$0x720]  }
0x66: {  	v35 =	vmul.f32 v8, v18;
	v23 =	vmul.f32 v26, v13;
	v7 =	vld [tilespmem:s21+$0x8730]  }
0x67: {  	v34 =	vmul.f32 v5, v25;
	v10 =	vmul.f32 v10, v25;
	v21 =	vadd.f32 v24, v21;
	v26 =	vld [tilespmem:s21+$0x8740];
	v5 =	vmovc v29  }
0x68: {  	v15 =	vmul.f32 v15, v25;
	v18 =	vmul.f32 v18, v4;
	v19 =	vadd.f32 v32, v19;
	v4 =	vmovc v27;
	v11 =	vld [tilespmem:s21+$0x8770]  }
0x69: {  	v14 =	vmul.f32 v14, v13;
	v27 =	vmul.f32 v6, v25;
	v29 =	vadd.f32 v10, v35;
	v8 =	vmovc v30;
	v24 =	vld [tilespmem:s21+$0x8750]  }
0x6a: {  	v15 =	vadd.f32 v15, v20;
	v20 =	vmul.f32 v3, v13;
	v21 =	vadd.f32 v33, v21;
	v3 =	vld [tilespmem:s21+$0x8760];
	[tilespmem:s1+$0x18770] =	vst v19  }
0x6b: {  	v9 =	vmul.f32 v9, v13;
	v16 =	vmul.f32 v16, v25;
	v14 =	vadd.f32 v14, v29;
	v10 =	vmovc v31;
	v6 =	vld [tilespmem:s21+$0x4740]  }
0x6c: {  	v18 =	vadd.f32 v34, v18;
	v20 =	vadd.f32 v20, v15;
	v19 =	vmul.f32 v1, v25;
	[tilespmem:s1+$0x18730] =	vst v21;
	v1 =	vld [tilespmem:s21+$0x4750]  }
0x6d: {  	v16 =	vadd.f32 v16, v28;
	v17 =	vadd.f32 v27, v17;
	v25 =	vmul.f32 v2, v13;
	v15 =	vld [tilespmem:s21+$0x4760];
	[tilespmem:s1+$0x18710] =	vst v14  }
0x6e: {  	v18 =	vadd.f32 v9, v18;
	v13 =	vmul.f32 v0, v13;
	v21 =	vadd.f32 v19, v22;
	v14 =	vld [tilespmem:s21+$0x8710];
	[tilespmem:s1+$0x18760] =	vst v20  }
0x6f: {  	v16 =	vadd.f32 v23, v16;
	v2 =	vmovc v26;
	v20 =	vadd.f32 v25, v17;
	v0 =	vmov v24;
	v9 =	vld [tilespmem:s21+$0x8700]  }
0x70: {  	v13 =	vadd.f32 v13, v21;
	v19 =	vld [tilespmem:s21+$0x4770];
	[tilespmem:s1+$0x18700] =	vst v18  }
0x71: {  	v17 =	vld [tilespmem:s21+$0x740];
	[tilespmem:s1+$0x18740] =	vst v20  }
0x72: {  	v20 =	vld [tilespmem:s21+$0x760];
	[tilespmem:s1+$0x18750] =	vst v13  }
0x73: {  	[tilespmem:s1+$0x18720] =	vst v16;
	s1 =	smov.u32 s21  }
0x74: {  	v25 =	vld [tilespmem:s17+$0x0]  }
.Ltmp0:
0x75: {  	v23 =	vld [tilespmem:s1+$0x770];
	(pc) =	sbr.rel @p0 .LBB2_2-.Ltmp0, $4  }
0x76: {  	v21 =	vld [tilespmem:s1+$0x730]  }
0x77: {  	v16 =	vld [tilespmem:s1+$0x4720]  }
0x78: {  	v22 =	vld [tilespmem:s1+$0x750]  }
0x79: {  	s19 =	smov.u32 s22;
	v18 =	vbroadcast v25, $0x0;
	v13 =	vbroadcast v25, $0x2;
	v24 =	vld [tilespmem:s1+$0x4730]  }
0x7a: {  	v25 =	vbroadcast v25, $0x1  }
0x7b: {  	v12 =	vmul.f32 v12, v18;
	v23 =	vmul.f32 v23, v18  }
0x7c: {  	v21 =	vmul.f32 v21, v18;
	v20 =	vmul.f32 v20, v18  }
0x7d: {  	v11 =	vmul.f32 v11, v13;
	v7 =	vmul.f32 v7, v13  }
0x7e: {  	v17 =	vmul.f32 v17, v18;
	v8 =	vmul.f32 v8, v18  }
0x7f: {  	v4 =	vmul.f32 v18, v4;
	v3 =	vmul.f32 v3, v13  }
0x80: {  	v9 =	vmul.f32 v9, v13;
	v19 =	vmul.f32 v19, v25  }
0x81: {  	v2 =	vmul.f32 v2, v13;
	v10 =	vmul.f32 v10, v25  }
0x82: {  	v5 =	vmul.f32 v5, v25;
	v15 =	vmul.f32 v15, v25;
	v19 =	vadd.f32 v19, v23  }
0x83: {  	v24 =	vmul.f32 v24, v25;
	v8 =	vadd.f32 v10, v8;
	v10 =	vmul.f32 v14, v13  }
0x84: {  	v6 =	vmul.f32 v6, v25;
	v14 =	vld [tilespmem:s1+$0x8720];
	v15 =	vadd.f32 v15, v20;
	v11 =	vadd.f32 v11, v19  }
0x85: {  	v1 =	vmul.f32 v1, v25;
	v21 =	vadd.f32 v24, v21;
	v8 =	vadd.f32 v10, v8  }
0x86: {  	v22 =	vmul.f32 v22, v18;
	v4 =	vadd.f32 v5, v4;
	v3 =	vadd.f32 v3, v15;
	[tilespmem:s1+$0x18770] =	vst v11  }
0x87: {  	v5 =	vadd.f32 v6, v17;
	v10 =	vmul.f32 v16, v25;
	v7 =	vadd.f32 v7, v21;
	[tilespmem:s1+$0x18710] =	vst v8  }
0x88: {  	v0 =	vmul.f32 v0, v13;
	v1 =	vadd.f32 v1, v22;
	v4 =	vadd.f32 v9, v4;
	[tilespmem:s1+$0x18760] =	vst v3  }
0x89: {  	v2 =	vadd.f32 v2, v5;
	v6 =	vmul.f32 v14, v13;
	[tilespmem:s1+$0x18730] =	vst v7;
	v7 =	vadd.f32 v10, v12  }
0x8a: {  	v0 =	vadd.f32 v0, v1;
	[tilespmem:s1+$0x18700] =	vst v4  }
0x8b: {  	[tilespmem:s1+$0x18740] =	vst v2;
	v1 =	vadd.f32 v6, v7  }
0x8c: {  	[tilespmem:s1+$0x18750] =	vst v0  }
0x8d: {  	s22 =	simm.s32 $0x0;
	[tilespmem:s1+$0x18720] =	vst v1  }
0x8e: {  	[hbm4b:s12+s22] =	stream.linear.scatter [tilespmem:s30], [sflag:$0x3], $0x4000, $0x38;
	[tilespmem:$0x1C700] =	vst v63  }
0x8f: {  	_ =	swait.ge [sflag:s15], $0x4000  }
0x90: {  	[sflag:s15] =	ssyncset.done $0x0  }
0x91: {  	[sflag:s15] =	ssyncadd.s32 $0xFFFFC000  }
0x92: {  	_ =	swait.ge [sflag:s31], $0x4000  }
0x93: {  	[sflag:s31] =	ssyncset.done $0x0  }
0x94: {  	[sflag:s31] =	ssyncadd.s32 $0xFFFFC000  }
0x95: {  	_ =	swait.ge [sflag:s31], $0x4000  }
0x96: {  	[sflag:s31] =	ssyncset.done $0x0  }
0x97: {  	[sflag:s31] =	ssyncadd.s32 $0xFFFFC000  }
0x98: {  	_ =	swait.ge [sflag:s31], $0x4000  }
0x99: {  	[sflag:s31] =	ssyncset.done $0x0  }
0x9a: {  	s1 =	simm.s32 $0x0;
	[sflag:s31] =	ssyncadd.s32 $0xFFFFC000  }
0x9b: {  	v4 =	vld [tilespmem:s1+$0xC700]  }
0x9c: {  	v5 =	vld [tilespmem:s1+$0x10700]  }
0x9d: {  	v8 =	vld [tilespmem:s1+$0xC710]  }
0x9e: {  	v10 =	vld [tilespmem:s1+$0x10710]  }
0x9f: {  	v12 =	vld [tilespmem:s1+$0xC720]  }
0xa0: {  	v7 =	vld [tilespmem:s1+$0x14730]  }
0xa1: {  	v2 =	vld [tilespmem:s1+$0x14740]  }
0xa2: {  	v11 =	vld [tilespmem:s1+$0x14770]  }
0xa3: {  	v0 =	vld [tilespmem:s1+$0x14750]  }
0xa4: {  	v3 =	vld [tilespmem:s1+$0x14760]  }
0xa5: {  	v6 =	vld [tilespmem:s1+$0x10740]  }
0xa6: {  	v1 =	vld [tilespmem:s1+$0x10750]  }
0xa7: {  	v15 =	vld [tilespmem:s1+$0x10760]  }
0xa8: {  	v14 =	vld [tilespmem:s1+$0x14710]  }
0xa9: {  	v9 =	vld [tilespmem:s1+$0x14700]  }
0xaa: {  	v18 =	vld [tilespmem:s1+$0x10770]  }
0xab: {  	v17 =	vld [tilespmem:s1+$0xC740]  }
0xac: {  	s17 =	simm.s32 $0x500;
	v20 =	vld [tilespmem:s1+$0xC760]  }
0xad: {  	v25 =	vld [tilespmem:s17+$0x0]  }
0xae: {  	v23 =	vld [tilespmem:s1+$0xC770]  }
0xaf: {  	v21 =	vld [tilespmem:s1+$0xC730]  }
0xb0: {  	v16 =	vld [tilespmem:s1+$0x10720]  }
0xb1: {  	v22 =	vld [tilespmem:s1+$0xC750]  }
0xb2: {  	s22 =	simm.s32 $0x200;
	v24 =	vld [tilespmem:s1+$0x10730];
	v19 =	vbroadcast v25, $0x0;
	v13 =	vbroadcast v25, $0x2  }
.LBB2_4:
0xb3: {  	s19 =	smov.u32 s22  }
0xb4: {  	s21 =	sshra.s32 s22, $0x2;
	v25 =	vbroadcast v25, $0x1;
	v26 =	vld [tilespmem:s1+$0x14720];
	s17 =	sadd.s32 $0x3, s17;
	s19 =	sadd.s32 $0x200, s22  }
0xb5: {  	p0 =	sne.s32 s22, $0xFE00;
	v28 =	vmul.f32 v12, v19;
	v23 =	vmul.f32 v23, v19;
	v27 =	vld [tilespmem:s21+$0xC700]  }
0xb6: {  	v21 =	vmul.f32 v21, v19;
	v20 =	vmul.f32 v20, v19;
	v29 =	vld [tilespmem:s21+$0x10700]  }
0xb7: {  	v18 =	vmul.f32 v18, v25;
	v22 =	vmul.f32 v22, v19;
	v30 =	vld [tilespmem:s21+$0xC710]  }
0xb8: {  	v32 =	vmul.f32 v11, v13;
	v24 =	vmul.f32 v24, v25;
	v31 =	vld [tilespmem:s21+$0x10710]  }
0xb9: {  	v33 =	vmul.f32 v7, v13;
	v17 =	vmul.f32 v17, v19;
	v18 =	vadd.f32 v18, v23;
	v12 =	vld [tilespmem:s21+$0xC720]  }
0xba: {  	v35 =	vmul.f32 v8, v19;
	v23 =	vmul.f32 v26, v13;
	v7 =	vld [tilespmem:s21+$0x14730]  }
0xbb: {  	v34 =	vmul.f32 v5, v25;
	v10 =	vmul.f32 v10, v25;
	v21 =	vadd.f32 v24, v21;
	v26 =	vld [tilespmem:s21+$0x14740];
	v5 =	vmovc v29  }
0xbc: {  	v15 =	vmul.f32 v15, v25;
	v19 =	vmul.f32 v19, v4;
	v18 =	vadd.f32 v32, v18;
	v4 =	vmovc v27;
	v11 =	vld [tilespmem:s21+$0x14770]  }
0xbd: {  	v14 =	vmul.f32 v14, v13;
	v27 =	vmul.f32 v6, v25;
	v29 =	vadd.f32 v10, v35;
	v8 =	vmovc v30;
	v24 =	vld [tilespmem:s21+$0x14750]  }
0xbe: {  	v15 =	vadd.f32 v15, v20;
	v20 =	vmul.f32 v3, v13;
	v21 =	vadd.f32 v33, v21;
	v3 =	vld [tilespmem:s21+$0x14760];
	[tilespmem:s1+$0x18770] =	vst v18  }
0xbf: {  	v9 =	vmul.f32 v9, v13;
	v16 =	vmul.f32 v16, v25;
	v14 =	vadd.f32 v14, v29;
	v10 =	vmovc v31;
	v6 =	vld [tilespmem:s21+$0x10740]  }
0xc0: {  	v20 =	vadd.f32 v20, v15;
	v18 =	vadd.f32 v34, v19;
	v19 =	vmul.f32 v1, v25;
	[tilespmem:s1+$0x18730] =	vst v21;
	v1 =	vld [tilespmem:s21+$0x10750]  }
0xc1: {  	v16 =	vadd.f32 v16, v28;
	v17 =	vadd.f32 v27, v17;
	v25 =	vmul.f32 v2, v13;
	v15 =	vld [tilespmem:s21+$0x10760];
	[tilespmem:s1+$0x18710] =	vst v14  }
0xc2: {  	v13 =	vmul.f32 v0, v13;
	v21 =	vadd.f32 v9, v18;
	v19 =	vadd.f32 v19, v22;
	v14 =	vld [tilespmem:s21+$0x14710];
	[tilespmem:s1+$0x18760] =	vst v20  }
0xc3: {  	v16 =	vadd.f32 v23, v16;
	v2 =	vmovc v26;
	v20 =	vadd.f32 v25, v17;
	v0 =	vmov v24;
	v9 =	vld [tilespmem:s21+$0x14700]  }
0xc4: {  	v13 =	vadd.f32 v13, v19;
	v18 =	vld [tilespmem:s21+$0x10770];
	[tilespmem:s1+$0x18700] =	vst v21  }
0xc5: {  	v17 =	vld [tilespmem:s21+$0xC740];
	[tilespmem:s1+$0x18740] =	vst v20  }
0xc6: {  	v20 =	vld [tilespmem:s21+$0xC760];
	[tilespmem:s1+$0x18750] =	vst v13  }
0xc7: {  	[tilespmem:s1+$0x18720] =	vst v16;
	s1 =	smov.u32 s21  }
0xc8: {  	v25 =	vld [tilespmem:s17+$0x0]  }
.Ltmp1:
0xc9: {  	v23 =	vld [tilespmem:s1+$0xC770];
	(pc) =	sbr.rel @p0 .LBB2_4-.Ltmp1, $4  }
0xca: {  	v21 =	vld [tilespmem:s1+$0xC730]  }
0xcb: {  	v16 =	vld [tilespmem:s1+$0x10720]  }
0xcc: {  	v22 =	vld [tilespmem:s1+$0xC750]  }
0xcd: {  	s22 =	smov.u32 s19;
	v19 =	vbroadcast v25, $0x0;
	v13 =	vbroadcast v25, $0x2;
	v24 =	vld [tilespmem:s1+$0x10730]  }
0xce: {  	v25 =	vbroadcast v25, $0x1  }
0xcf: {  	v12 =	vmul.f32 v12, v19;
	v23 =	vmul.f32 v23, v19  }
0xd0: {  	v21 =	vmul.f32 v21, v19;
	v20 =	vmul.f32 v20, v19  }
0xd1: {  	v11 =	vmul.f32 v11, v13;
	v17 =	vmul.f32 v17, v19  }
0xd2: {  	v8 =	vmul.f32 v8, v19;
	v4 =	vmul.f32 v19, v4  }
0xd3: {  	v57 =	vmul.f32 v14, v13;
	v3 =	vmul.f32 v3, v13  }
0xd4: {  	v9 =	vmul.f32 v9, v13;
	v18 =	vmul.f32 v18, v25  }
0xd5: {  	v2 =	vmul.f32 v2, v13;
	v10 =	vmul.f32 v10, v25  }
0xd6: {  	v0 =	vmul.f32 v0, v13;
	v15 =	vmul.f32 v15, v25;
	v18 =	vadd.f32 v18, v23  }
0xd7: {  	v58 =	vld [tilespmem:s1+$0x14720];
	v5 =	vmul.f32 v5, v25;
	v6 =	vmul.f32 v6, v25;
	v8 =	vadd.f32 v10, v8  }
0xd8: {  	v1 =	vmul.f32 v1, v25;
	v15 =	vadd.f32 v15, v20;
	v11 =	vadd.f32 v11, v18  }
0xd9: {  	v22 =	vmul.f32 v22, v19;
	v4 =	vadd.f32 v5, v4;
	v8 =	vadd.f32 v57, v8  }
0xda: {  	v59 =	vmul.f32 v16, v25;
	v60 =	vadd.f32 v6, v17;
	v3 =	vadd.f32 v3, v15;
	[tilespmem:s1+$0x18770] =	vst v11  }
0xdb: {  	v24 =	vmul.f32 v24, v25;
	v1 =	vadd.f32 v1, v22;
	v4 =	vadd.f32 v9, v4;
	[tilespmem:s1+$0x18710] =	vst v8  }
0xdc: {  	v62 =	vadd.f32 v59, v12;
	v61 =	vmul.f32 v58, v13;
	v2 =	vadd.f32 v2, v60;
	[tilespmem:s1+$0x18760] =	vst v3  }
0xdd: {  	v7 =	vmul.f32 v7, v13;
	v21 =	vadd.f32 v24, v21;
	v0 =	vadd.f32 v0, v1;
	[tilespmem:s1+$0x18700] =	vst v4  }
0xde: {  	v63 =	vadd.f32 v61, v62;
	[tilespmem:s1+$0x18740] =	vst v2  }
0xdf: {  	s0 =	sadd.s32 $0x1, s0;
	v7 =	vadd.f32 v7, v21;
	[tilespmem:s1+$0x18750] =	vst v0  }
0xe0: {  	p0 =	sne.s32 s0, s14;
	[tilespmem:s1+$0x18720] =	vst v63  }
.Ltmp2:
0xe1: {  	[tilespmem:s1+$0x18730] =	vst v7;
	(pc) =	sbr.rel @p0 .LBB2_1-.Ltmp2, $4  }
0xe2: {  	[hbm4b:s13+s2] =	stream.linear.scatter [tilespmem:s30], [sflag:$0x3], $0x4000, $0x38;
	[tilespmem:$0x1C700] =	vst v63  }
0xe3: {  	_ =	swait.ge [sflag:s15], $0x4000  }
0xe4: {  	[sflag:s15] =	ssyncset.done $0x0  }
0xe5: {  	[sflag:s15] =	ssyncadd.s32 $0xFFFFC000  }
0xe6: {  	_ =	sfence.sel $0x180000  }
0xe7: {  	[bflag:$0x0] =	sbarrier.arrive $0xFFFF  }
0xe8: {  	_ =	strace $0x9000004D  }
0xe9: {  	s0 =	stileid.u32;
	[bflag:$0x2] =	sbarrier.arrive $0xFFFF  }
0xea: {  	p0 =	sne.s32 s0, $0x0;
	s0 =	rddreg [dreg:$0x1]  }
0xeb: {  	s0 =	sadd.s32 @!p0 $0x100000, s0  }
0xec: {  	[sflag:s0] =	ssyncadd.tile.s32 @!p0 $0x1;
	_ =	shalt  }
.Lfunc_end2:
_tile_overlayer_lowered:
.L_overlay_start_2:
0xed: {  	(tag) =	ssettag $0x2  }
0xee: {  	s0 =	rddreg [dreg:$0x0];
	s2 =	stileid.u32  }
0xef: {  	s1 =	rddreg [dreg:$0x1];
	p0 =	sne.s32 s2, $0x0  }
0xf0: {  	s3 =	rddreg [dreg:$0x2];
	[bflag:$0x3] =	sbarrier.arrive $0xFFFF;
	s2 =	simm.s32 @!p0 $0x1C03  }
0xf1: {  	[timem:s3], [sflag:s2] =	dma.local @!p0 [hbm:s0], s1  }
0xf2: {  	s0 =	simm.s32 @!p0 $0x3  }
0xf3: {  	_ =	swait.ge @!p0 [sflag:s0], s1  }
0xf4: {  	s1 =	ssub.s32 @!p0 $0x0, s1;
	[sflag:s0] =	ssyncset.done @!p0 $0x0  }
0xf5: {  	[sflag:s0] =	ssyncadd.s32 @!p0 s1  }
0xf6: {  	[bflag:$0x3] =	sbarrier.arrive $0xFFFF  }
0xf7: {  	_ =	shalt  }

// kernel: kernel.21.cloned.1.call-start
scs
__scs_entry_jumppad:
0x0: {  	(pc) =	sbr.rel $0x88, $3  }
0x1: {  	(tag) =	ssettag $0x0;
	lr =	simm.s32 $0x1  }
0x2: {  	[smem:$0x3F9A] =	sst lr;
	_ =	strace $0xD0000000  }
0x3: {  	_ = 	snop  }
0x4: {  	_ = 	snop  }
0x5: {  	_ = 	snop  }
0x6: {  	_ = 	snop  }
0x7: {  	_ = 	snop  }
__scs_overlays_trampoline_lowered:
0x8: {  	[smem:$0x3FA9] =	sst s0  }
0x9: {  	[smem:$0x3FAA] =	sst s1  }
0xa: {  	[smem:$0x3FAB] =	sst s2  }
0xb: {  	[smem:$0x3FAC] =	sst s3  }
0xc: {  	[smem:$0x3FAD] =	sst s4  }
0xd: {  	[smem:$0x3FAE] =	sst s5  }
0xe: {  	[smem:$0x3FAF] =	sst s6  }
0xf: {  	[smem:$0x3FB0] =	sst s7  }
0x10: {  	[smem:$0x3FB1] =	sst s8  }
0x11: {  	[smem:$0x3FB2] =	sst s9;
	s0 =	simm.s32 @!p0 $0x0  }
0x12: {  	s1 =	sld [smem:$0x3F98];
	s0 =	simm.s32 @p0 $0x1  }
0x13: {  	[smem:$0x3FB3] =	sst s0;
	s0 =	simm.s32 @!p1 $0x0  }
0x14: {  	s2 =	sld [smem:$0x3F97];
	s0 =	simm.s32 @p1 $0x1  }
0x15: {  	[smem:$0x3FB4] =	sst s0;
	s0 =	simm.s32 @!p2 $0x0  }
0x16: {  	s3 =	sld [smem:$0x3FDB];
	s0 =	simm.s32 @p2 $0x1  }
0x17: {  	s4 =	simm.s32 $0x1BF5;
	[smem:$0x3FB6] =	sst s0  }
0x18: {  	s0 =	sld [smem:$0x3F99];
	_ =	swait.ge [sflag:s4], $0x0  }
0x19: {  	s7 =	sld [smem:$0x3F9A]  }
0x1a: {  	s8 =	sadd.s32 $0xFFFFE003, lr  }
0x1b: {  	s9 =	sadd.s32 $0xFFFFFEF7, lr;
	s5 =	simm.s32 $0xFFFFFFFF;
	p2 =	slt.u32 s8, $0xFFFFF086  }
0x1c: {  	p1 =	slt.u32 s9, $0xF7A;
	s5 =	simm.s32 @!p2 $0x0  }
0x1d: {  	s5 =	simm.s32 @p1 $0x1;
	p0 =	seq.s32 s7, s2  }
0x1e: {  	s7 =	smul.u32 @!p0 $0xF7A, s2;
	p2 =	seq.s32 @!p0 s5, $0x0  }
0x1f: {  	s9 =	smul.u32 $0xF7A, s1;
	s8 =	simm.s32 @!p0 $0x1BF5;
	p2 =	por !p2, p0  }
0x20: {  	[sflag:s8] =	ssyncset.s32 @!p0 $0xFFFFF086;
	s6 =	sadd.s32 @!p0 s3, s7;
	s7 =	simm.s32 @!p0 $0x108  }
0x21: {  	s3 =	sadd.s32 s3, s9;
	s6 =	sadd.s32 @!p0 $0x88, s6;
	s7 =	simm.s32 @p2 $0x1082  }
0x22: {  	[simem:s7], [sflag:s8] =	dma.local @!p0 [hbm:s6], $0xF7A  }
0x23: {  	s9 =	sor.u32 $0xD0000000, s2;
	s6 =	simm.s32 $0x108;
	_ =	swait.ge @!p0 [sflag:s8], $0x0  }
0x24: {  	s3 =	sadd.s32 $0x88, s3;
	s6 =	simm.s32 @!p1 $0x1082;
	[sflag:s4] =	ssyncset.s32 $0xFFFFF086  }
0x25: {  	[simem:s6], [sflag:s4] =	dma.local [hbm:s3], $0xF7A  }
0x26: {  	[smem:$0x3F9A] =	sst s1;
	(tag) =	ssettag s2;
	_ =	strace s9  }
0x27: {  	s1 =	sld [smem:$0x3FAA]  }
0x28: {  	s2 =	sld [smem:$0x3FAB]  }
0x29: {  	s4 =	sld [smem:$0x3FAD]  }
0x2a: {  	p0 =	seq.s32 s5, $0x0;
	s5 =	sld [smem:$0x3FAE]  }
0x2b: {  	s6 =	sld [smem:$0x3FAF]  }
0x2c: {  	s7 =	sld [smem:$0x3FB0]  }
0x2d: {  	s3 =	simm.s32 $0x108;
	s8 =	sld [smem:$0x3FB1]  }
0x2e: {  	s3 =	simm.s32 @!p0 $0x1082;
	s9 =	sld [smem:$0x3FB2]  }
0x2f: {  	lr =	sadd.s32 s0, s3;
	s0 =	sld [smem:$0x3FA9]  }
0x30: {  	s3 =	sld [smem:$0x3FAC]  }
0x31: {  	[smem:$0x3FB5] =	sst s10  }
0x32: {  	s10 =	sld [smem:$0x3FB3];
	_ =	sdelay $0x3  }
0x33: {  	p0 =	seq.s32 s10, $0x1;
	s10 =	sld [smem:$0x3FB5];
	_ =	sdelay $0x3  }
0x34: {  	[smem:$0x3FB5] =	sst s10  }
0x35: {  	s10 =	sld [smem:$0x3FB4];
	_ =	sdelay $0x3  }
0x36: {  	p1 =	seq.s32 s10, $0x1;
	s10 =	sld [smem:$0x3FB5];
	_ =	sdelay $0x3  }
0x37: {  	[smem:$0x3FB5] =	sst s10  }
0x38: {  	s10 =	sld [smem:$0x3FB6]  }
0x39: {  	_ = 	snop;
	(pc) =	sbr.ind lr, $3  }
0x3a: {  	_ = 	snop  }
0x3b: {  	_ = 	snop  }
0x3c: {  	p2 =	seq.s32 s10, $0x1;
	s10 =	sld [smem:$0x3FB5]  }
0x3d: {  	_ =	shalt  }
0x3e: {  	_ =	shalt  }
0x3f: {  	_ =	shalt  }
0x40: {  	_ =	shalt  }
0x41: {  	_ =	shalt  }
0x42: {  	_ =	shalt  }
0x43: {  	_ =	shalt  }
0x44: {  	_ =	shalt  }
0x45: {  	_ =	shalt  }
0x46: {  	_ =	shalt  }
0x47: {  	_ =	shalt  }
0x48: {  	_ =	shalt  }
0x49: {  	_ =	shalt  }
0x4a: {  	_ =	shalt  }
0x4b: {  	_ =	shalt  }
0x4c: {  	_ =	shalt  }
0x4d: {  	_ =	shalt  }
0x4e: {  	_ =	shalt  }
0x4f: {  	_ =	shalt  }
0x50: {  	_ =	shalt  }
0x51: {  	_ =	shalt  }
0x52: {  	_ =	shalt  }
0x53: {  	_ =	shalt  }
0x54: {  	_ =	shalt  }
0x55: {  	_ =	shalt  }
0x56: {  	_ =	shalt  }
0x57: {  	_ =	shalt  }
0x58: {  	_ =	shalt  }
0x59: {  	_ =	shalt  }
0x5a: {  	_ =	shalt  }
0x5b: {  	_ =	shalt  }
0x5c: {  	_ =	shalt  }
0x5d: {  	_ =	shalt  }
0x5e: {  	_ =	shalt  }
0x5f: {  	_ =	shalt  }
0x60: {  	_ =	shalt  }
0x61: {  	_ =	shalt  }
0x62: {  	_ =	shalt  }
0x63: {  	_ =	shalt  }
0x64: {  	_ =	shalt  }
0x65: {  	_ =	shalt  }
0x66: {  	_ =	shalt  }
0x67: {  	_ =	shalt  }
0x68: {  	_ =	shalt  }
0x69: {  	_ =	shalt  }
0x6a: {  	_ =	shalt  }
0x6b: {  	_ =	shalt  }
0x6c: {  	_ =	shalt  }
0x6d: {  	_ =	shalt  }
0x6e: {  	_ =	shalt  }
0x6f: {  	_ =	shalt  }
0x70: {  	_ =	shalt  }
0x71: {  	_ =	shalt  }
0x72: {  	_ =	shalt  }
0x73: {  	_ =	shalt  }
0x74: {  	_ =	shalt  }
0x75: {  	_ =	shalt  }
0x76: {  	_ =	shalt  }
0x77: {  	_ =	shalt  }
0x78: {  	_ =	shalt  }
0x79: {  	_ =	shalt  }
0x7a: {  	_ =	shalt  }
0x7b: {  	_ =	shalt  }
0x7c: {  	_ =	shalt  }
0x7d: {  	_ =	shalt  }
0x7e: {  	_ =	shalt  }
0x7f: {  	_ =	shalt  }
0x80: {  	_ =	shalt  }
0x81: {  	_ =	shalt  }
0x82: {  	_ =	shalt  }
0x83: {  	_ =	shalt  }
0x84: {  	_ =	shalt  }
0x85: {  	_ =	shalt  }
0x86: {  	_ =	shalt  }
0x87: {  	_ =	shalt  }
.Lfunc_end0:
.L_simem_size_0:
called_computation.3_lowered:
.L_overlay_start_0:
0x88: {  	s2 =	sld [smem:$0x3FD9]  }
0x89: {  	s3 =	sld [smem:$0x3FFE];
	_ =	sdelay $0x1  }
0x8a: {  	s1 =	srdreg.scid  }
0x8b: {  	s0 =	sand.u32 $0x1, s1  }
0x8c: {  	s17 =	sshll.u32 s0, $0xA;
	s2 =	sadd.s32 s3, s2  }
0x8d: {  	s2 =	sadd.s32 s2, s17  }
0x8e: {  	[smem:$0x3FC1] =	sst s2  }
0x8f: {  	_ = 	snop  }
0x90: {  	s18 =	sld [smem:$0x3FD0];
	(tm) =	ssettm $0x1  }
0x91: {  	s19 =	sld [smem:$0x3FFB];
	_ =	sdelay $0x3  }
0x92: {  	_ =	strace s19  }
0x93: {  	s2 =	sld [smem:$0x3FFC];
	_ =	sdelay $0x3  }
0x94: {  	_ =	strace s2  }
0x95: {  	s2 =	sld [smem:$0x3FFD];
	_ =	sdelay $0x3  }
0x96: {  	_ =	strace s2  }
0x97: {  	_ =	strace $0x8FFFFFFF  }
0x98: {  	s20 =	sld [smem:$0x3FDB];
	_ =	sdelay $0x1  }
0x99: {  	s4 =	simm.s32 $_scs_section_size  }
0x9a: {  	s5 =	simm.s32 $_size__tile_overlayer_lowered;
	s6 =	simm.s32 $_tile_overlayer_lowered  }
0x9b: {  	s7 =	simm.s32 $0x1BFF;
	s21 =	sshll.u32 s6, $0x1;
	s4 =	sadd.s32 s4, s20  }
0x9c: {  	s22 =	simm.s32 $0x0;
	s5 =	sshll.u32 s5, $0x1;
	s6 =	sadd.s32 s21, s4  }
0x9d: {  	[timem:s22], [sflag:s7] =	dma.local [hbm:s6], s5  }
0x9e: {  	_ =	swait.ge [sflag:s7], s5  }
0x9f: {  	s5 =	ssub.s32 $0x0, s5;
	[sflag:s7] =	ssyncset.done $0x0  }
0xa0: {  	[sflag:s7] =	ssyncadd.s32 s5;
	_ =	sdelay $0x1  }
0xa1: {  	s23 =	simm.s32 $0x1B8B  }
0xa2: {  	_ =	swait.ge [sflag:s23], $0x1  }
0xa3: {  	[sflag:s23] =	ssyncset.done $0x0  }
0xa4: {  	[sflag:s23] =	ssyncadd.s32 $0xFFFFFFFF  }
0xa5: {  	s5 =	sld [smem:$0x0]  }
0xa6: {  	s6 =	sand.u32 $0xFFFFFFFE, s1  }
0xa7: {  	p0 =	sne.s32 s1, s6  }
0xa8: {  	s6 =	sshll.u32 @p0 s6, $0xE  }
0xa9: {  	s6 =	sadd.s32 @p0 $0x11B8D, s6;
	s7 =	sshll.u32 @p0 s5, $0x11  }
0xaa: {  	s6 =	sor.u32 @p0 s7, s6  }
0xab: {  	[sflag:s6] =	ssyncadd.remote.s32 @p0 $0x1;
	_ =	sdelay $0x1  }
0xac: {  	s6 =	simm.s32 @p0 $0x1B8D  }
0xad: {  	_ =	swait.eq @p0 [sflag:s6], $0x1  }
0xae: {  	[sflag:s6] =	ssyncadd.s32 @p0 $0xFFFFFFFF  }
0xaf: {  	s7 =	sshll.u32 @!p0 s1, $0xE  }
0xb0: {  	s7 =	sor.u32 @!p0 $0x4000, s7;
	s6 =	simm.s32 @!p0 $0x1B8D  }
0xb1: {  	s5 =	sshll.u32 @!p0 s5, $0x11;
	s7 =	sadd.s32 @!p0 $0x11B8D, s7;
	_ =	swait.eq @!p0 [sflag:s6], $0x1  }
0xb2: {  	s5 =	sor.u32 @!p0 s5, s7;
	[sflag:s6] =	ssyncadd.s32 @!p0 $0xFFFFFFFF  }
0xb3: {  	s25 =	simm.s32 $0x1B8E;
	s24 =	sld [smem:$0x3FFE];
	[sflag:s5] =	ssyncadd.remote.s32 @!p0 $0x1  }
0xb4: {  	s26 =	simm.s32 $execute0_lowered;
	[smem:$0x3FD2] =	sst s25  }
0xb5: {  	s6 =	sshll.u32 s26, $0x1;
	_ =	strace $0x8000004F;
	[dreg:$0x1] =	wrdreg $0xFFFFFFFF  }
0xb6: {  	s28 =	simm.s32 $_size_execute0_lowered;
	s4 =	sadd.s32 s4, s6;
	[dreg:$0x0] =	wrdreg $0x0  }
0xb7: {  	s6 =	sshll.u32 s28, $0x1;
	[dreg:$0x2] =	wrdreg s4  }
0xb8: {  	[dreg:$0x3] =	wrdreg s6  }
0xb9: {  	[dreg:$0x4] =	wrdreg $0xC0  }
0xba: {  	_ =	task [dreg:s22], $0x5FFFF  }
0xbb: {  	[dreg:$0x1] =	wrdreg $0xFFFFFFFF  }
0xbc: {  	[dreg:$0x0] =	wrdreg $0x60  }
0xbd: {  	[dreg:$0x2] =	wrdreg s18  }
0xbe: {  	[dreg:$0x3] =	wrdreg s24  }
0xbf: {  	[dreg:$0x4] =	wrdreg $0xC  }
0xc0: {  	_ =	task.clear_ibuf [dreg:s22], $0x5FFFF;
	_ =	strace $0x9000004F  }
0xc1: {  	s29 =	simm.s32 $0xC;
	_ =	strace $0x80000051  }
0xc2: {  	_ =	swait.ge [sflag:s29], $0x1  }
0xc3: {  	[sflag:s29] =	ssyncadd.s32 $0xFFFFFFFF  }
0xc4: {  	_ =	strace $0x90000051  }
0xc5: {  	_ =	sfence  }
0xc6: {  	s30 =	sld [smem:$0x0];
	_ =	sdelay $0x2  }
0xc7: {  	s31 =	sshll.u32 s1, $0xD;
	s1 =	sshrl.u32 s1, $0x2  }
0xc8: {  	s4 =	sand.u32 $0x4000, s31;
	s1 =	sadd.s32 s1, s30  }
0xc9: {  	s0 =	sor.u32 s4, s0;
	s1 =	sshll.u32 s1, $0x11  }
0xca: {  	s0 =	sor.u32 s1, s0  }
0xcb: {  	s0 =	sadd.s32 $0x8F2B, s0  }
0xcc: {  	[sflag:s0] =	ssyncadd.remote.s32 $0x1  }
0xcd: {  	_ =	sfence.sel $0xFFFF  }
0xce: {  	[dreg:$0x0] =	wrdreg $0xFFFFFFFF;
	(pc) =	sbr.abs _section_cstart, $3  }
0xcf: {  	[dreg:$0x1] =	wrdreg $0xFFFFFFFF  }
0xd0: {  	_ =	task.clear_ibuf [dreg:s22], $0x2FFFF;
	_ =	strace $0x9FFFFFFF  }
0xd1: {  	(tm) =	ssettm $0x7FFFFFFF  }
tec
execute0_lowered:
.L_overlay_start_1:
0x0: {  	(tag) =	ssettag $0x1  }
0x1: {  	s1 =	rddreg [dreg:$0x0]  }
0x2: {  	s0 =	rddreg [dreg:$0x1];
	s3 =	simm.s32 $0x0;
	s2 =	srdreg.scid  }
0x3: {  	s4 =	stileid.u32;
	s15 =	simm.s32 $0x3;
	s16 =	simm.s32 $0x80  }
0x4: {  	s18 =	simm.s32 $0x100;
	s20 =	simm.s32 $0x200;
	s23 =	simm.s32 $0xC700  }
0x5: {  	s24 =	simm.s32 $0x180;
	s28 =	simm.s32 $0x14700;
	s29 =	simm.s32 $0x1  }
0x6: {  	s30 =	simm.s32 $0x18700;
	s31 =	simm.s32 $0x2;
	[smem:$0x7FF] =	sst s3  }
0x7: {  	s2 =	sand.u32 $0x1, s2;
	s4 =	sshll.u32 s4, $0x1;
	s9 =	sadd.s32 $0x80E00, s0  }
0x8: {  	s8 =	sadd.s32 $0x80200, s0;
	s0 =	sadd.s32 $0x81A00, s0;
	s11 =	sor.u32 s2, s4  }
0x9: {  	_ =	strace $0x80000050;
	s2 =	ssub.s32 $0x2, s2;
	s4 =	sshll.u32 s11, $0x8  }
0xa: {  	s5 =	smul.u32 $0x60, s11;
	s25 =	sshrl.u32 s2, $0x1;
	s6 =	sshll.u32 s11, $0x5  }
0xb: {  	s26 =	sshll.u32 s11, $0xC;
	s12 =	sor.u32 $0x80, s4;
	s2 =	ssub.s32 s2, s25  }
0xc: {  	s25 =	simm.s32 $0x10700;
	s7 =	smul.u32 $0x3, s12;
	s4 =	sadd.s32 s8, s5  }
0xd: {  	s5 =	sadd.s32 s9, s6;
	s13 =	sshrl.u32 s12, $0x3;
	s14 =	sshll.u32 s12, $0x4  }
0xe: {  	s12 =	sadd.s32 s0, s26;
	s26 =	simm.s32 $0x280;
	s6 =	sadd.s32 $0x400, s5  }
0xf: {  	s9 =	sadd.s32 s9, s13;
	s11 =	sadd.s32 $0x810, s5;
	s13 =	sadd.s32 s0, s14  }
0x10: {  	s14 =	smax.u32 s2, $0x1;
	s0 =	simm.s32 $0x0;
	s10 =	sshrl.u32 s7, $0x3  }
0x11: {  	s7 =	sadd.s32 $0x800, s5;
	s8 =	sadd.s32 s8, s10;
	s10 =	sadd.s32 $0x410, s5  }
.LBB2_1:
0x12: {  	s17 =	simm.s32 $0x300  }
0x13: {  	[tilespmem:s17], [sflag:$0x3] =	stream.linear.gather [hbm4b:s4+s3], $0x180, $0x38;
	[tilespmem:$0x1C700] =	vst v63  }
0x14: {  	_ =	swait.ge [sflag:s15], $0x180  }
0x15: {  	[sflag:s15] =	ssyncset.done $0x0  }
0x16: {  	[sflag:s15] =	ssyncadd.s32 $0xFFFFFE80  }
0x17: {  	[tilespmem:s3], [sflag:$0x3] =	stream.linear.gather [hbm4b:s5+s3], $0x80, $0x38;
	[tilespmem:$0x1C700] =	vst v63  }
0x18: {  	_ =	swait.ge [sflag:s15], $0x80  }
0x19: {  	[sflag:s15] =	ssyncset.done $0x0  }
0x1a: {  	s2 =	simm.s32 $0x700;
	[sflag:s15] =	ssyncadd.s32 $0xFFFFFF80  }
0x1b: {  	[tilespmem:s2], [sflag:$0x1] =	stream.indirect.gather [hbm4b:s1+s16], $0x80, s3, s16, $0xb8;
	[tilespmem:$0x1C700] =	vst v63  }
0x1c: {  	_ = 	snop  }
0x1d: {  	[tilespmem:s18], [sflag:$0x3] =	stream.linear.gather [hbm4b:s6+s3], $0x80, $0x38;
	[tilespmem:$0x1C700] =	vst v63  }
0x1e: {  	_ =	swait.ge [sflag:s15], $0x80  }
0x1f: {  	[sflag:s15] =	ssyncset.done $0x0  }
0x20: {  	s19 =	simm.s32 $0x4700;
	[sflag:s15] =	ssyncadd.s32 $0xFFFFFF80  }
0x21: {  	[tilespmem:s19], [sflag:$0x1] =	stream.indirect.gather [hbm4b:s1+s16], $0x80, s18, s16, $0xb8;
	[tilespmem:$0x1C700] =	vst v63  }
0x22: {  	_ = 	snop  }
0x23: {  	[tilespmem:s20], [sflag:$0x3] =	stream.linear.gather [hbm4b:s7+s3], $0x80, $0x38;
	[tilespmem:$0x1C700] =	vst v63  }
0x24: {  	_ =	swait.ge [sflag:s15], $0x80  }
0x25: {  	[sflag:s15] =	ssyncset.done $0x0  }
0x26: {  	s21 =	simm.s32 $0x8700;
	[sflag:s15] =	ssyncadd.s32 $0xFFFFFF80  }
0x27: {  	[tilespmem:s21], [sflag:$0x1] =	stream.indirect.gather [hbm4b:s1+s16], $0x80, s20, s16, $0xb8;
	[tilespmem:$0x1C700] =	vst v63  }
0x28: {  	s22 =	simm.s32 $0x500  }
0x29: {  	[tilespmem:s22], [sflag:$0x3] =	stream.linear.gather [hbm4b:s8+s3], $0x180, $0x38;
	[tilespmem:$0x1C700] =	vst v63  }
0x2a: {  	_ =	swait.ge [sflag:s15], $0x180  }
0x2b: {  	[sflag:s15] =	ssyncset.done $0x0  }
0x2c: {  	[sflag:s15] =	ssyncadd.s32 $0xFFFFFE80  }
0x2d: {  	[tilespmem:s16], [sflag:$0x3] =	stream.linear.gather [hbm4b:s9+s3], $0x80, $0x38;
	[tilespmem:$0x1C700] =	vst v63  }
0x2e: {  	_ =	swait.ge [sflag:s15], $0x80  }
0x2f: {  	[sflag:s15] =	ssyncset.done $0x0  }
0x30: {  	[sflag:s15] =	ssyncadd.s32 $0xFFFFFF80  }
0x31: {  	[tilespmem:s23], [sflag:$0x2] =	stream.indirect.gather [hbm4b:s1+s16], $0x80, s16, s16, $0xb8;
	[tilespmem:$0x1C700] =	vst v63  }
0x32: {  	_ = 	snop  }
0x33: {  	[tilespmem:s24], [sflag:$0x3] =	stream.linear.gather [hbm4b:s10+s3], $0x80, $0x38;
	[tilespmem:$0x1C700] =	vst v63  }
0x34: {  	_ =	swait.ge [sflag:s15], $0x80  }
0x35: {  	[sflag:s15] =	ssyncset.done $0x0  }
0x36: {  	[sflag:s15] =	ssyncadd.s32 $0xFFFFFF80  }
0x37: {  	[tilespmem:s25], [sflag:$0x2] =	stream.indirect.gather [hbm4b:s1+s16], $0x80, s24, s16, $0xb8;
	[tilespmem:$0x1C700] =	vst v63  }
0x38: {  	_ = 	snop  }
0x39: {  	[tilespmem:s26], [sflag:$0x3] =	stream.linear.gather [hbm4b:s11+s3], $0x80, $0x38;
	[tilespmem:$0x1C700] =	vst v63  }
0x3a: {  	_ =	swait.ge [sflag:s15], $0x80  }
0x3b: {  	[sflag:s15] =	ssyncset.done $0x0  }
0x3c: {  	[sflag:s15] =	ssyncadd.s32 $0xFFFFFF80  }
0x3d: {  	[tilespmem:s28], [sflag:$0x2] =	stream.indirect.gather [hbm4b:s1+s16], $0x80, s26, s16, $0xb8;
	[tilespmem:$0x1C700] =	vst v63  }
0x3e: {  	_ =	swait.ge [sflag:s29], $0x4000  }
0x3f: {  	[sflag:s29] =	ssyncset.done $0x0  }
0x40: {  	[sflag:s29] =	ssyncadd.s32 $0xFFFFC000  }
0x41: {  	_ =	swait.ge [sflag:s29], $0x4000  }
0x42: {  	[sflag:s29] =	ssyncset.done $0x0  }
0x43: {  	[sflag:s29] =	ssyncadd.s32 $0xFFFFC000  }
0x44: {  	_ =	swait.ge [sflag:s29], $0x4000  }
0x45: {  	[sflag:s29] =	ssyncset.done $0x0  }
0x46: {  	s2 =	simm.s32 $0x0;
	[sflag:s29] =	ssyncadd.s32 $0xFFFFC000  }
0x47: {  	v4 =	vld [tilespmem:s2+$0x700]  }
0x48: {  	v5 =	vld [tilespmem:s2+$0x4700]  }
0x49: {  	v8 =	vld [tilespmem:s2+$0x710]  }
0x4a: {  	v10 =	vld [tilespmem:s2+$0x4710]  }
0x4b: {  	v12 =	vld [tilespmem:s2+$0x720]  }
0x4c: {  	v7 =	vld [tilespmem:s2+$0x8730]  }
0x4d: {  	v2 =	vld [tilespmem:s2+$0x8740]  }
0x4e: {  	v11 =	vld [tilespmem:s2+$0x8770]  }
0x4f: {  	v0 =	vld [tilespmem:s2+$0x8750]  }
0x50: {  	v3 =	vld [tilespmem:s2+$0x8760]  }
0x51: {  	v6 =	vld [tilespmem:s2+$0x4740]  }
0x52: {  	v1 =	vld [tilespmem:s2+$0x4750]  }
0x53: {  	v15 =	vld [tilespmem:s2+$0x4760]  }
0x54: {  	v14 =	vld [tilespmem:s2+$0x8710]  }
0x55: {  	v9 =	vld [tilespmem:s2+$0x8700]  }
0x56: {  	v19 =	vld [tilespmem:s2+$0x4770]  }
0x57: {  	v17 =	vld [tilespmem:s2+$0x740]  }
0x58: {  	v20 =	vld [tilespmem:s2+$0x760]  }
0x59: {  	v25 =	vld [tilespmem:s17+$0x0]  }
0x5a: {  	v23 =	vld [tilespmem:s2+$0x770]  }
0x5b: {  	v21 =	vld [tilespmem:s2+$0x730]  }
0x5c: {  	v16 =	vld [tilespmem:s2+$0x4720]  }
0x5d: {  	v22 =	vld [tilespmem:s2+$0x750]  }
0x5e: {  	s19 =	simm.s32 $0x200;
	v24 =	vld [tilespmem:s2+$0x4730];
	v18 =	vbroadcast v25, $0x0;
	v13 =	vbroadcast v25, $0x2  }
.LBB2_2:
0x5f: {  	s22 =	smov.u32 s19  }
0x60: {  	s21 =	sshra.s32 s19, $0x2;
	v25 =	vbroadcast v25, $0x1;
	v26 =	vld [tilespmem:s2+$0x8720];
	s17 =	sadd.s32 $0x3, s17;
	s22 =	sadd.s32 $0x200, s19  }
0x61: {  	p0 =	sne.s32 s19, $0xFE00;
	v28 =	vmul.f32 v12, v18;
	v23 =	vmul.f32 v23, v18;
	v27 =	vld [tilespmem:s21+$0x700]  }
0x62: {  	v21 =	vmul.f32 v21, v18;
	v20 =	vmul.f32 v20, v18;
	v29 =	vld [tilespmem:s21+$0x4700]  }
0x63: {  	v19 =	vmul.f32 v19, v25;
	v22 =	vmul.f32 v22, v18;
	v30 =	vld [tilespmem:s21+$0x710]  }
0x64: {  	v32 =	vmul.f32 v11, v13;
	v24 =	vmul.f32 v24, v25;
	v31 =	vld [tilespmem:s21+$0x4710]  }
0x65: {  	v33 =	vmul.f32 v7, v13;
	v17 =	vmul.f32 v17, v18;
	v19 =	vadd.f32 v19, v23;
	v12 =	vld [tilespmem:s21+$0x720]  }
0x66: {  	v35 =	vmul.f32 v8, v18;
	v23 =	vmul.f32 v26, v13;
	v7 =	vld [tilespmem:s21+$0x8730]  }
0x67: {  	v34 =	vmul.f32 v5, v25;
	v10 =	vmul.f32 v10, v25;
	v21 =	vadd.f32 v24, v21;
	v26 =	vld [tilespmem:s21+$0x8740];
	v5 =	vmovc v29  }
0x68: {  	v15 =	vmul.f32 v15, v25;
	v18 =	vmul.f32 v18, v4;
	v19 =	vadd.f32 v32, v19;
	v4 =	vmovc v27;
	v11 =	vld [tilespmem:s21+$0x8770]  }
0x69: {  	v14 =	vmul.f32 v14, v13;
	v27 =	vmul.f32 v6, v25;
	v29 =	vadd.f32 v10, v35;
	v8 =	vmovc v30;
	v24 =	vld [tilespmem:s21+$0x8750]  }
0x6a: {  	v15 =	vadd.f32 v15, v20;
	v20 =	vmul.f32 v3, v13;
	v21 =	vadd.f32 v33, v21;
	v3 =	vld [tilespmem:s21+$0x8760];
	[tilespmem:s2+$0x18770] =	vst v19  }
0x6b: {  	v9 =	vmul.f32 v9, v13;
	v16 =	vmul.f32 v16, v25;
	v14 =	vadd.f32 v14, v29;
	v10 =	vmovc v31;
	v6 =	vld [tilespmem:s21+$0x4740]  }
0x6c: {  	v18 =	vadd.f32 v34, v18;
	v20 =	vadd.f32 v20, v15;
	v19 =	vmul.f32 v1, v25;
	[tilespmem:s2+$0x18730] =	vst v21;
	v1 =	vld [tilespmem:s21+$0x4750]  }
0x6d: {  	v16 =	vadd.f32 v16, v28;
	v17 =	vadd.f32 v27, v17;
	v25 =	vmul.f32 v2, v13;
	v15 =	vld [tilespmem:s21+$0x4760];
	[tilespmem:s2+$0x18710] =	vst v14  }
0x6e: {  	v18 =	vadd.f32 v9, v18;
	v13 =	vmul.f32 v0, v13;
	v21 =	vadd.f32 v19, v22;
	v14 =	vld [tilespmem:s21+$0x8710];
	[tilespmem:s2+$0x18760] =	vst v20  }
0x6f: {  	v16 =	vadd.f32 v23, v16;
	v2 =	vmovc v26;
	v20 =	vadd.f32 v25, v17;
	v0 =	vmov v24;
	v9 =	vld [tilespmem:s21+$0x8700]  }
0x70: {  	v13 =	vadd.f32 v13, v21;
	v19 =	vld [tilespmem:s21+$0x4770];
	[tilespmem:s2+$0x18700] =	vst v18  }
0x71: {  	v17 =	vld [tilespmem:s21+$0x740];
	[tilespmem:s2+$0x18740] =	vst v20  }
0x72: {  	v20 =	vld [tilespmem:s21+$0x760];
	[tilespmem:s2+$0x18750] =	vst v13  }
0x73: {  	[tilespmem:s2+$0x18720] =	vst v16;
	s2 =	smov.u32 s21  }
0x74: {  	v25 =	vld [tilespmem:s17+$0x0]  }
.Ltmp0:
0x75: {  	v23 =	vld [tilespmem:s2+$0x770];
	(pc) =	sbr.rel @p0 .LBB2_2-.Ltmp0, $4  }
0x76: {  	v21 =	vld [tilespmem:s2+$0x730]  }
0x77: {  	v16 =	vld [tilespmem:s2+$0x4720]  }
0x78: {  	v22 =	vld [tilespmem:s2+$0x750]  }
0x79: {  	s19 =	smov.u32 s22;
	v18 =	vbroadcast v25, $0x0;
	v13 =	vbroadcast v25, $0x2;
	v24 =	vld [tilespmem:s2+$0x4730]  }
0x7a: {  	v25 =	vbroadcast v25, $0x1  }
0x7b: {  	v12 =	vmul.f32 v12, v18;
	v23 =	vmul.f32 v23, v18  }
0x7c: {  	v21 =	vmul.f32 v21, v18;
	v20 =	vmul.f32 v20, v18  }
0x7d: {  	v11 =	vmul.f32 v11, v13;
	v7 =	vmul.f32 v7, v13  }
0x7e: {  	v17 =	vmul.f32 v17, v18;
	v8 =	vmul.f32 v8, v18  }
0x7f: {  	v4 =	vmul.f32 v18, v4;
	v3 =	vmul.f32 v3, v13  }
0x80: {  	v9 =	vmul.f32 v9, v13;
	v19 =	vmul.f32 v19, v25  }
0x81: {  	v2 =	vmul.f32 v2, v13;
	v10 =	vmul.f32 v10, v25  }
0x82: {  	v5 =	vmul.f32 v5, v25;
	v15 =	vmul.f32 v15, v25;
	v19 =	vadd.f32 v19, v23  }
0x83: {  	v24 =	vmul.f32 v24, v25;
	v8 =	vadd.f32 v10, v8;
	v10 =	vmul.f32 v14, v13  }
0x84: {  	v6 =	vmul.f32 v6, v25;
	v14 =	vld [tilespmem:s2+$0x8720];
	v15 =	vadd.f32 v15, v20;
	v11 =	vadd.f32 v11, v19  }
0x85: {  	v1 =	vmul.f32 v1, v25;
	v21 =	vadd.f32 v24, v21;
	v8 =	vadd.f32 v10, v8  }
0x86: {  	v22 =	vmul.f32 v22, v18;
	v4 =	vadd.f32 v5, v4;
	v3 =	vadd.f32 v3, v15;
	[tilespmem:s2+$0x18770] =	vst v11  }
0x87: {  	v5 =	vadd.f32 v6, v17;
	v10 =	vmul.f32 v16, v25;
	v7 =	vadd.f32 v7, v21;
	[tilespmem:s2+$0x18710] =	vst v8  }
0x88: {  	v0 =	vmul.f32 v0, v13;
	v1 =	vadd.f32 v1, v22;
	v4 =	vadd.f32 v9, v4;
	[tilespmem:s2+$0x18760] =	vst v3  }
0x89: {  	v2 =	vadd.f32 v2, v5;
	v6 =	vmul.f32 v14, v13;
	[tilespmem:s2+$0x18730] =	vst v7;
	v7 =	vadd.f32 v10, v12  }
0x8a: {  	v0 =	vadd.f32 v0, v1;
	[tilespmem:s2+$0x18700] =	vst v4  }
0x8b: {  	[tilespmem:s2+$0x18740] =	vst v2;
	v1 =	vadd.f32 v6, v7  }
0x8c: {  	[tilespmem:s2+$0x18750] =	vst v0  }
0x8d: {  	s22 =	simm.s32 $0x0;
	[tilespmem:s2+$0x18720] =	vst v1  }
0x8e: {  	[hbm4b:s12+s22] =	stream.linear.scatter [tilespmem:s30], [sflag:$0x3], $0x4000, $0x38;
	[tilespmem:$0x1C700] =	vst v63  }
0x8f: {  	_ =	swait.ge [sflag:s15], $0x4000  }
0x90: {  	[sflag:s15] =	ssyncset.done $0x0  }
0x91: {  	[sflag:s15] =	ssyncadd.s32 $0xFFFFC000  }
0x92: {  	_ =	swait.ge [sflag:s31], $0x4000  }
0x93: {  	[sflag:s31] =	ssyncset.done $0x0  }
0x94: {  	[sflag:s31] =	ssyncadd.s32 $0xFFFFC000  }
0x95: {  	_ =	swait.ge [sflag:s31], $0x4000  }
0x96: {  	[sflag:s31] =	ssyncset.done $0x0  }
0x97: {  	[sflag:s31] =	ssyncadd.s32 $0xFFFFC000  }
0x98: {  	_ =	swait.ge [sflag:s31], $0x4000  }
0x99: {  	[sflag:s31] =	ssyncset.done $0x0  }
0x9a: {  	s2 =	simm.s32 $0x0;
	[sflag:s31] =	ssyncadd.s32 $0xFFFFC000  }
0x9b: {  	v4 =	vld [tilespmem:s2+$0xC700]  }
0x9c: {  	v5 =	vld [tilespmem:s2+$0x10700]  }
0x9d: {  	v8 =	vld [tilespmem:s2+$0xC710]  }
0x9e: {  	v10 =	vld [tilespmem:s2+$0x10710]  }
0x9f: {  	v12 =	vld [tilespmem:s2+$0xC720]  }
0xa0: {  	v7 =	vld [tilespmem:s2+$0x14730]  }
0xa1: {  	v2 =	vld [tilespmem:s2+$0x14740]  }
0xa2: {  	v11 =	vld [tilespmem:s2+$0x14770]  }
0xa3: {  	v0 =	vld [tilespmem:s2+$0x14750]  }
0xa4: {  	v3 =	vld [tilespmem:s2+$0x14760]  }
0xa5: {  	v6 =	vld [tilespmem:s2+$0x10740]  }
0xa6: {  	v1 =	vld [tilespmem:s2+$0x10750]  }
0xa7: {  	v15 =	vld [tilespmem:s2+$0x10760]  }
0xa8: {  	v14 =	vld [tilespmem:s2+$0x14710]  }
0xa9: {  	v9 =	vld [tilespmem:s2+$0x14700]  }
0xaa: {  	v18 =	vld [tilespmem:s2+$0x10770]  }
0xab: {  	v17 =	vld [tilespmem:s2+$0xC740]  }
0xac: {  	s17 =	simm.s32 $0x500;
	v20 =	vld [tilespmem:s2+$0xC760]  }
0xad: {  	v25 =	vld [tilespmem:s17+$0x0]  }
0xae: {  	v23 =	vld [tilespmem:s2+$0xC770]  }
0xaf: {  	v21 =	vld [tilespmem:s2+$0xC730]  }
0xb0: {  	v16 =	vld [tilespmem:s2+$0x10720]  }
0xb1: {  	v22 =	vld [tilespmem:s2+$0xC750]  }
0xb2: {  	s22 =	simm.s32 $0x200;
	v24 =	vld [tilespmem:s2+$0x10730];
	v19 =	vbroadcast v25, $0x0;
	v13 =	vbroadcast v25, $0x2  }
.LBB2_4:
0xb3: {  	s19 =	smov.u32 s22  }
0xb4: {  	s21 =	sshra.s32 s22, $0x2;
	v25 =	vbroadcast v25, $0x1;
	v26 =	vld [tilespmem:s2+$0x14720];
	s17 =	sadd.s32 $0x3, s17;
	s19 =	sadd.s32 $0x200, s22  }
0xb5: {  	p0 =	sne.s32 s22, $0xFE00;
	v28 =	vmul.f32 v12, v19;
	v23 =	vmul.f32 v23, v19;
	v27 =	vld [tilespmem:s21+$0xC700]  }
0xb6: {  	v21 =	vmul.f32 v21, v19;
	v20 =	vmul.f32 v20, v19;
	v29 =	vld [tilespmem:s21+$0x10700]  }
0xb7: {  	v18 =	vmul.f32 v18, v25;
	v22 =	vmul.f32 v22, v19;
	v30 =	vld [tilespmem:s21+$0xC710]  }
0xb8: {  	v32 =	vmul.f32 v11, v13;
	v24 =	vmul.f32 v24, v25;
	v31 =	vld [tilespmem:s21+$0x10710]  }
0xb9: {  	v33 =	vmul.f32 v7, v13;
	v17 =	vmul.f32 v17, v19;
	v18 =	vadd.f32 v18, v23;
	v12 =	vld [tilespmem:s21+$0xC720]  }
0xba: {  	v35 =	vmul.f32 v8, v19;
	v23 =	vmul.f32 v26, v13;
	v7 =	vld [tilespmem:s21+$0x14730]  }
0xbb: {  	v34 =	vmul.f32 v5, v25;
	v10 =	vmul.f32 v10, v25;
	v21 =	vadd.f32 v24, v21;
	v26 =	vld [tilespmem:s21+$0x14740];
	v5 =	vmovc v29  }
0xbc: {  	v15 =	vmul.f32 v15, v25;
	v19 =	vmul.f32 v19, v4;
	v18 =	vadd.f32 v32, v18;
	v4 =	vmovc v27;
	v11 =	vld [tilespmem:s21+$0x14770]  }
0xbd: {  	v14 =	vmul.f32 v14, v13;
	v27 =	vmul.f32 v6, v25;
	v29 =	vadd.f32 v10, v35;
	v8 =	vmovc v30;
	v24 =	vld [tilespmem:s21+$0x14750]  }
0xbe: {  	v15 =	vadd.f32 v15, v20;
	v20 =	vmul.f32 v3, v13;
	v21 =	vadd.f32 v33, v21;
	v3 =	vld [tilespmem:s21+$0x14760];
	[tilespmem:s2+$0x18770] =	vst v18  }
0xbf: {  	v9 =	vmul.f32 v9, v13;
	v16 =	vmul.f32 v16, v25;
	v14 =	vadd.f32 v14, v29;
	v10 =	vmovc v31;
	v6 =	vld [tilespmem:s21+$0x10740]  }
0xc0: {  	v20 =	vadd.f32 v20, v15;
	v18 =	vadd.f32 v34, v19;
	v19 =	vmul.f32 v1, v25;
	[tilespmem:s2+$0x18730] =	vst v21;
	v1 =	vld [tilespmem:s21+$0x10750]  }
0xc1: {  	v16 =	vadd.f32 v16, v28;
	v17 =	vadd.f32 v27, v17;
	v25 =	vmul.f32 v2, v13;
	v15 =	vld [tilespmem:s21+$0x10760];
	[tilespmem:s2+$0x18710] =	vst v14  }
0xc2: {  	v13 =	vmul.f32 v0, v13;
	v21 =	vadd.f32 v9, v18;
	v19 =	vadd.f32 v19, v22;
	v14 =	vld [tilespmem:s21+$0x14710];
	[tilespmem:s2+$0x18760] =	vst v20  }
0xc3: {  	v16 =	vadd.f32 v23, v16;
	v2 =	vmovc v26;
	v20 =	vadd.f32 v25, v17;
	v0 =	vmov v24;
	v9 =	vld [tilespmem:s21+$0x14700]  }
0xc4: {  	v13 =	vadd.f32 v13, v19;
	v18 =	vld [tilespmem:s21+$0x10770];
	[tilespmem:s2+$0x18700] =	vst v21  }
0xc5: {  	v17 =	vld [tilespmem:s21+$0xC740];
	[tilespmem:s2+$0x18740] =	vst v20  }
0xc6: {  	v20 =	vld [tilespmem:s21+$0xC760];
	[tilespmem:s2+$0x18750] =	vst v13  }
0xc7: {  	[tilespmem:s2+$0x18720] =	vst v16;
	s2 =	smov.u32 s21  }
0xc8: {  	v25 =	vld [tilespmem:s17+$0x0]  }
.Ltmp1:
0xc9: {  	v23 =	vld [tilespmem:s2+$0xC770];
	(pc) =	sbr.rel @p0 .LBB2_4-.Ltmp1, $4  }
0xca: {  	v21 =	vld [tilespmem:s2+$0xC730]  }
0xcb: {  	v16 =	vld [tilespmem:s2+$0x10720]  }
0xcc: {  	v22 =	vld [tilespmem:s2+$0xC750]  }
0xcd: {  	s22 =	smov.u32 s19;
	v19 =	vbroadcast v25, $0x0;
	v13 =	vbroadcast v25, $0x2;
	v24 =	vld [tilespmem:s2+$0x10730]  }
0xce: {  	v25 =	vbroadcast v25, $0x1  }
0xcf: {  	v12 =	vmul.f32 v12, v19;
	v23 =	vmul.f32 v23, v19  }
0xd0: {  	v21 =	vmul.f32 v21, v19;
	v20 =	vmul.f32 v20, v19  }
0xd1: {  	v11 =	vmul.f32 v11, v13;
	v17 =	vmul.f32 v17, v19  }
0xd2: {  	v8 =	vmul.f32 v8, v19;
	v4 =	vmul.f32 v19, v4  }
0xd3: {  	v57 =	vmul.f32 v14, v13;
	v3 =	vmul.f32 v3, v13  }
0xd4: {  	v9 =	vmul.f32 v9, v13;
	v18 =	vmul.f32 v18, v25  }
0xd5: {  	v2 =	vmul.f32 v2, v13;
	v10 =	vmul.f32 v10, v25  }
0xd6: {  	v0 =	vmul.f32 v0, v13;
	v15 =	vmul.f32 v15, v25;
	v18 =	vadd.f32 v18, v23  }
0xd7: {  	v58 =	vld [tilespmem:s2+$0x14720];
	v5 =	vmul.f32 v5, v25;
	v6 =	vmul.f32 v6, v25;
	v8 =	vadd.f32 v10, v8  }
0xd8: {  	v1 =	vmul.f32 v1, v25;
	v15 =	vadd.f32 v15, v20;
	v11 =	vadd.f32 v11, v18  }
0xd9: {  	v22 =	vmul.f32 v22, v19;
	v4 =	vadd.f32 v5, v4;
	v8 =	vadd.f32 v57, v8  }
0xda: {  	v59 =	vmul.f32 v16, v25;
	v60 =	vadd.f32 v6, v17;
	v3 =	vadd.f32 v3, v15;
	[tilespmem:s2+$0x18770] =	vst v11  }
0xdb: {  	v24 =	vmul.f32 v24, v25;
	v1 =	vadd.f32 v1, v22;
	v4 =	vadd.f32 v9, v4;
	[tilespmem:s2+$0x18710] =	vst v8  }
0xdc: {  	v62 =	vadd.f32 v59, v12;
	v61 =	vmul.f32 v58, v13;
	v2 =	vadd.f32 v2, v60;
	[tilespmem:s2+$0x18760] =	vst v3  }
0xdd: {  	v7 =	vmul.f32 v7, v13;
	v21 =	vadd.f32 v24, v21;
	v0 =	vadd.f32 v0, v1;
	[tilespmem:s2+$0x18700] =	vst v4  }
0xde: {  	v63 =	vadd.f32 v61, v62;
	[tilespmem:s2+$0x18740] =	vst v2  }
0xdf: {  	s0 =	sadd.s32 $0x1, s0;
	v7 =	vadd.f32 v7, v21;
	[tilespmem:s2+$0x18750] =	vst v0  }
0xe0: {  	p0 =	sne.s32 s0, s14;
	[tilespmem:s2+$0x18720] =	vst v63  }
.Ltmp2:
0xe1: {  	[tilespmem:s2+$0x18730] =	vst v7;
	(pc) =	sbr.rel @p0 .LBB2_1-.Ltmp2, $4  }
0xe2: {  	[hbm4b:s13+s3] =	stream.linear.scatter [tilespmem:s30], [sflag:$0x3], $0x4000, $0x38;
	[tilespmem:$0x1C700] =	vst v63  }
0xe3: {  	_ =	swait.ge [sflag:s15], $0x4000  }
0xe4: {  	[sflag:s15] =	ssyncset.done $0x0  }
0xe5: {  	[sflag:s15] =	ssyncadd.s32 $0xFFFFC000  }
0xe6: {  	_ =	sfence.sel $0x180000  }
0xe7: {  	[bflag:$0x0] =	sbarrier.arrive $0xFFFF  }
0xe8: {  	_ =	strace $0x90000050  }
0xe9: {  	s0 =	stileid.u32;
	[bflag:$0x2] =	sbarrier.arrive $0xFFFF  }
0xea: {  	p0 =	sne.s32 s0, $0x0;
	s0 =	rddreg [dreg:$0x2]  }
0xeb: {  	s0 =	sadd.s32 @!p0 $0x100000, s0  }
0xec: {  	[sflag:s0] =	ssyncadd.tile.s32 @!p0 $0x1;
	_ =	shalt  }
.Lfunc_end2:
_tile_overlayer_lowered:
.L_overlay_start_2:
0xed: {  	(tag) =	ssettag $0x2  }
0xee: {  	s0 =	rddreg [dreg:$0x0];
	s2 =	stileid.u32  }
0xef: {  	s1 =	rddreg [dreg:$0x1];
	p0 =	sne.s32 s2, $0x0  }
0xf0: {  	s3 =	rddreg [dreg:$0x2];
	[bflag:$0x3] =	sbarrier.arrive $0xFFFF;
	s2 =	simm.s32 @!p0 $0x1C03  }
0xf1: {  	[timem:s3], [sflag:s2] =	dma.local @!p0 [hbm:s0], s1  }
0xf2: {  	s0 =	simm.s32 @!p0 $0x3  }
0xf3: {  	_ =	swait.ge @!p0 [sflag:s0], s1  }
0xf4: {  	s1 =	ssub.s32 @!p0 $0x0, s1;
	[sflag:s0] =	ssyncset.done @!p0 $0x0  }
0xf5: {  	[sflag:s0] =	ssyncadd.s32 @!p0 s1  }
0xf6: {  	[bflag:$0x3] =	sbarrier.arrive $0xFFFF  }
0xf7: {  	_ =	shalt  }

</sc_bundles>
